<compile_context>
chip_gen: v7x
topology: tpu7x:2x2x1
jax: 0.10.2.dev20260603
libtpu: 0.0.44.dev20260713+nightly
codegen_flags: <defaults>
</compile_context>

<pallas_src>
import jax
import jax.numpy as jnp
from jax import lax
from jax.experimental import pallas as pl
from jax.experimental.pallas import tpu as pltpu
from jax.experimental.pallas import tpu_sc as plsc

N = 10000
E = 320000
D = 32
NC = 2
NS = 16
NW = NC * NS
C = 128
NCH = 80
NB = 8
EPW = NCH * C
EPAD = EPW * NW
RPT = (-(-(N + 1) // NS) + 7) // 8 * 8
NA = RPT * NS
CW = 16


def _sc_scatter(with_cnt):
    mesh = plsc.VectorSubcoreMesh(core_axis_name="c", subcore_axis_name="s")
    out_type = [jax.ShapeDtypeStruct((NC * NA, D), jnp.float32)]
    scratch = [
        pltpu.VMEM((NCH, C), jnp.int32),
        pltpu.VMEM((NCH, C), jnp.int32),
        pltpu.VMEM((NB, C, D), jnp.float32),
        pltpu.VMEM_SHARED((NA, D), jnp.float32),
        pltpu.SemaphoreType.DMA,
    ]
    if with_cnt:
        out_type.append(jax.ShapeDtypeStruct((NC * NA, CW), jnp.float32))
        scratch += [
            pltpu.VMEM((C, CW), jnp.float32),
            pltpu.VMEM_SHARED((NA, CW), jnp.float32),
        ]

    def body(xl_hbm, src_hbm, dst_hbm, z_hbm, *rest):
        if with_cnt:
            (zc_hbm, ones_hbm, s_out, cnt_out,
             src_v, dst_v, rows_v, acc_sh, sem, ones_v, cnt_sh) = rest
        else:
            (s_out, src_v, dst_v, rows_v, acc_sh, sem) = rest
        c = lax.axis_index("c")
        s = lax.axis_index("s")
        wid = s * NC + c
        row0 = s * RPT
        pltpu.sync_copy(src_hbm.at[pl.ds(wid * NCH, NCH)], src_v)
        pltpu.sync_copy(dst_hbm.at[pl.ds(wid * NCH, NCH)], dst_v)
        pltpu.sync_copy(z_hbm, acc_sh.at[pl.ds(row0, RPT)])
        if with_cnt:
            pltpu.sync_copy(zc_hbm, cnt_sh.at[pl.ds(row0, RPT)])
            pltpu.sync_copy(ones_hbm, ones_v)
        plsc.subcore_barrier()

        for b in range(NB):
            pltpu.async_copy(xl_hbm.at[src_v.at[b]], rows_v.at[b], sem)

        @pl.loop(0, NCH, step=NB)
        def _edge_chunk(j):
            for b in range(NB):
                pltpu.make_async_copy(xl_hbm.at[pl.ds(0, C)],
                                      rows_v.at[b], sem).wait()
                pltpu.sync_copy(rows_v.at[b], acc_sh.at[dst_v.at[j + b]],
                                add=True)

                @pl.when(j + b + NB < NCH)
                def _():
                    pltpu.async_copy(xl_hbm.at[src_v.at[j + b + NB]],
                                     rows_v.at[b], sem)

                if with_cnt:
                    pltpu.sync_copy(ones_v, cnt_sh.at[dst_v.at[j + b]],
                                    add=True)

        plsc.subcore_barrier()
        pltpu.sync_copy(acc_sh.at[pl.ds(row0, RPT)],
                        s_out.at[pl.ds(c * NA + row0, RPT)])
        if with_cnt:
            pltpu.sync_copy(cnt_sh.at[pl.ds(row0, RPT)],
                            cnt_out.at[pl.ds(c * NA + row0, RPT)])

    return pl.kernel(body, out_type=tuple(out_type), mesh=mesh,
                     scratch_types=scratch,
                     compiler_params=pltpu.CompilerParams(
                         use_tc_tiling_on_sc=False))


def _tc_proj(x_ref, wl_ref, wr_ref, b_ref, xl_ref, r_ref):
    x = x_ref[...]
    xl_ref[:N, :] = jnp.dot(x, wl_ref[...], preferred_element_type=jnp.float32)
    xl_ref[N:, :] = jnp.zeros((NA - N, D), jnp.float32)
    r_ref[...] = (jnp.dot(x, wr_ref[...], preferred_element_type=jnp.float32)
                  + b_ref[...])


def _tc_first(s_ref, cnt_ref, r_ref, wl_ref, wr_ref, b_ref,
              h_ref, xl_ref, rn_ref, inv_ref):
    cnt = cnt_ref[:N, 0:1] + cnt_ref[NA:NA + N, 0:1]
    inv = 1.0 / jnp.maximum(cnt, 1.0)
    inv_ref[...] = inv
    ssum = s_ref[:N, :] + s_ref[NA:NA + N, :]
    h = jnp.maximum(ssum * inv + r_ref[...], 0.0)
    h_ref[...] = h
    xl_ref[:N, :] = jnp.dot(h, wl_ref[...], preferred_element_type=jnp.float32)
    xl_ref[N:, :] = jnp.zeros((NA - N, D), jnp.float32)
    rn_ref[...] = (jnp.dot(h, wr_ref[...], preferred_element_type=jnp.float32)
                   + b_ref[...])


def _tc_mid(s_ref, inv_ref, r_ref, res_ref, wl_ref, wr_ref, b_ref,
            h_ref, xl_ref, rn_ref):
    ssum = s_ref[:N, :] + s_ref[NA:NA + N, :]
    h = jnp.maximum(ssum * inv_ref[...] + r_ref[...] + res_ref[...], 0.0)
    h_ref[...] = h
    xl_ref[:N, :] = jnp.dot(h, wl_ref[...], preferred_element_type=jnp.float32)
    xl_ref[N:, :] = jnp.zeros((NA - N, D), jnp.float32)
    rn_ref[...] = (jnp.dot(h, wr_ref[...], preferred_element_type=jnp.float32)
                   + b_ref[...])


def _tc_final(s_ref, inv_ref, r_ref, out_ref):
    ssum = s_ref[:N, :] + s_ref[NA:NA + N, :]
    out_ref[...] = ssum * inv_ref[...] + r_ref[...]


def _call(body, out_shapes, *args):
    return pl.pallas_call(body, out_shape=out_shapes)(*args)


def kernel(x, edge_index, Wl0, bl0, Wr0, Wl1, bl1, Wr1, Wl2, bl2, Wr2,
           Wl3, bl3, Wr3):
    f32 = jnp.float32
    src = edge_index[0]
    dst = edge_index[1]
    pad = EPAD - E
    src_p = jnp.concatenate([src, jnp.zeros((pad,), jnp.int32)])
    dst_p = jnp.concatenate([dst, jnp.full((pad,), N, jnp.int32)])
    src_p = src_p.reshape(NW * NCH, C)
    dst_p = dst_p.reshape(NW * NCH, C)
    z32 = jnp.zeros((RPT, D), f32)
    z16 = jnp.zeros((RPT, CW), f32)
    ones = jnp.ones((C, CW), f32)
    mk = jax.ShapeDtypeStruct

    sc_cnt = _sc_scatter(True)
    sc = _sc_scatter(False)

    xl0, r0 = _call(_tc_proj, (mk((NA, D), f32), mk((N, D), f32)),
                    x, Wl0.T, Wr0.T, bl0.reshape(1, D))
    s0, cnt = sc_cnt(xl0, src_p, dst_p, z32, z16, ones)
    h0, xl1, r1, inv = _call(
        _tc_first, (mk((N, D), f32), mk((NA, D), f32), mk((N, D), f32),
                    mk((N, 1), f32)),
        s0, cnt, r0, Wl1.T, Wr1.T, bl1.reshape(1, D))
    (s1,) = sc(xl1, src_p, dst_p, z32)
    h1, xl2, r2 = _call(
        _tc_mid, (mk((N, D), f32), mk((NA, D), f32), mk((N, D), f32)),
        s1, inv, r1, h0, Wl2.T, Wr2.T, bl2.reshape(1, D))
    (s2,) = sc(xl2, src_p, dst_p, z32)
    h2, xl3, r3 = _call(
        _tc_mid, (mk((N, D), f32), mk((NA, D), f32), mk((N, D), f32)),
        s2, inv, r2, h1, Wl3.T, Wr3.T, bl3.reshape(1, D))
    (s3,) = sc(xl3, src_p, dst_p, z32)
    out = _call(_tc_final, mk((N, D), f32), s3, inv, r3)
    return out

# --- scband reference (transcript-rebuilt; emitter-appended) ---
"""Pipeline reference for scband-gnnencoder-15298673509107 (READ-ONLY COPY).

The authoritative reference and input builder live on the scoring server;
editing this copy changes nothing except your own understanding.
"""

import jax, jax.numpy as jnp
import numpy as np

N = 10000
E = 320000


def _sage(x, src, dst, Wl, bl, Wr):
    # PyG SAGEConv (aggr='mean', root_weight=True): out = lin_l(mean_j x_j) + lin_r(x_i)
    msg = jnp.take(x, src, axis=0)
    s = jax.ops.segment_sum(msg, dst, num_segments=N)
    cnt = jax.ops.segment_sum(jnp.ones((src.shape[0],), dtype=x.dtype), dst, num_segments=N)
    mean = s / jnp.maximum(cnt, 1.0)[:, None]
    return mean @ Wl.T + bl + x @ Wr.T


def setup_inputs(seed: int = 0):
    key = jax.random.key(seed)
    ks = jax.random.split(key, 16)
    inp = {}
    inp["x"] = jax.random.normal(ks[0], (N, 128), dtype=jnp.float32)
    inp["edge_index"] = jax.random.randint(ks[1], (2, E), 0, N, dtype=jnp.int32)
    dims = [(128, 32), (32, 32), (32, 32), (32, 32)]
    for i, (di, do) in enumerate(dims):
        inp["Wl%d" % i] = jax.random.normal(ks[2 + 3 * i], (do, di), dtype=jnp.float32) / np.sqrt(di)
        inp["bl%d" % i] = jnp.zeros((do,), dtype=jnp.float32)
        inp["Wr%d" % i] = jax.random.normal(ks[3 + 3 * i], (do, di), dtype=jnp.float32) / np.sqrt(di)
    return inp


def reference(x, edge_index, Wl0, bl0, Wr0, Wl1, bl1, Wr1, Wl2, bl2, Wr2, Wl3, bl3, Wr3):
    src = edge_index[0]
    dst = edge_index[1]
    Ws = [(Wl0, bl0, Wr0), (Wl1, bl1, Wr1), (Wl2, bl2, Wr2), (Wl3, bl3, Wr3)]
    h = x
    for i in range(3):
        prev = h
        h = _sage(h, src, dst, Ws[i][0], Ws[i][1], Ws[i][2])
        if i > 0:
            h = h + prev
        h = jax.nn.relu(h)
        # dropout is identity in eval mode
    h = _sage(h, src, dst, Ws[3][0], Ws[3][1], Ws[3][2])
    return h

if __name__ == "__main__":
    import jax
    _d = setup_inputs()
    print(jax.jit(kernel)(*tuple(_d.values())))

</pallas_src>

<mosaic_0001>
#map = affine_map<(d0, d1) -> (0, 0)>
module attributes {stable_mosaic.version = 14 : i64} {
  func.func @body(%arg0: i32, %arg1: i32, %arg2: memref<10112x32xf32, #tpu.memory_space<hbm>>, %arg3: memref<2560x128xi32, #tpu.memory_space<hbm>>, %arg4: memref<2560x128xi32, #tpu.memory_space<hbm>>, %arg5: memref<632x32xf32, #tpu.memory_space<hbm>>, %arg6: memref<20224x32xf32, #tpu.memory_space<hbm>>, %arg7: memref<80x128xi32, #tpu.memory_space<vmem>>, %arg8: memref<80x128xi32, #tpu.memory_space<vmem>>, %arg9: memref<8x128x32xf32, #tpu.memory_space<vmem>>, %arg10: memref<10112x32xf32, #tpu.memory_space<vmem_shared>>, %arg11: memref<!tpu.dma_semaphore, #tpu.memory_space<semaphore_mem>>) attributes {dimension_semantics = [#tpu.dimension_semantics<core_parallel>, #tpu.dimension_semantics<subcore_parallel>], iteration_bounds = array<i64: 2, 16>, scalar_prefetch = 0 : i64, scratch_operands = 5 : i64, tpu.core_type = #tpu.core_type<sc_vector_subcore>, window_params = [{transform_indices = #map}, {transform_indices = #map}, {transform_indices = #map}, {transform_indices = #map}, {transform_indices = #map}]} {
    %mul3A = arith.constant 2 : i32
    %mul3A_0 = arith.muli %arg1, %mul3A : i32
    %add3A = arith.addi %mul3A_0, %arg0 : i32
    %mul3A_1 = arith.constant 632 : i32
    %mul3A_2 = arith.muli %arg1, %mul3A_1 : i32
    %mul3A_3 = arith.constant 80 : i32
    %mul3A_4 = arith.muli %add3A, %mul3A_3 : i32
    "tpu.region"() ({
      %run_scoped3A = tpu.sem_alloc : memref<!tpu.dma_semaphore, #tpu.memory_space<semaphore_mem>>
      %dma_start3A_110 = arith.constant 0 : i32
      %dma_start3A_111 = tpu.memref_slice %arg3[%mul3A_4, %dma_start3A_110] : memref<2560x128xi32, #tpu.memory_space<hbm>> -> memref<80x128xi32, #tpu.memory_space<hbm>>
      %dma_start3A_112 = arith.constant 0 : i32
      %dma_start3A_113 = tpu.memref_slice %arg3[%mul3A_4, %dma_start3A_112] : memref<2560x128xi32, #tpu.memory_space<hbm>> -> memref<80x128xi32, #tpu.memory_space<hbm>>
      tpu.enqueue_dma source(%dma_start3A_113 : memref<80x128xi32, #tpu.memory_space<hbm>>) target(%arg7 : memref<80x128xi32, #tpu.memory_space<vmem>>) target_semaphore(%run_scoped3A : memref<!tpu.dma_semaphore, #tpu.memory_space<semaphore_mem>>)
      %dma_wait3A = arith.constant 0 : i32
      %dma_wait3A_114 = tpu.memref_slice %arg3[%mul3A_4, %dma_wait3A] : memref<2560x128xi32, #tpu.memory_space<hbm>> -> memref<80x128xi32, #tpu.memory_space<hbm>>
      %dma_wait3A_115 = arith.constant 0 : i32
      %dma_wait3A_116 = tpu.memref_slice %arg3[%mul3A_4, %dma_wait3A_115] : memref<2560x128xi32, #tpu.memory_space<hbm>> -> memref<80x128xi32, #tpu.memory_space<hbm>>
      tpu.wait_dma2 semaphore(%run_scoped3A : memref<!tpu.dma_semaphore, #tpu.memory_space<semaphore_mem>>) src(%dma_wait3A_116 : memref<80x128xi32, #tpu.memory_space<hbm>>) dst(%arg7 : memref<80x128xi32, #tpu.memory_space<vmem>>)
      tpu.yield
    }) : () -> ()
    %mul3A_5 = arith.constant 80 : i32
    %mul3A_6 = arith.muli %add3A, %mul3A_5 : i32
    "tpu.region"() ({
      %run_scoped3A = tpu.sem_alloc : memref<!tpu.dma_semaphore, #tpu.memory_space<semaphore_mem>>
      %dma_start3A_110 = arith.constant 0 : i32
      %dma_start3A_111 = tpu.memref_slice %arg4[%mul3A_6, %dma_start3A_110] : memref<2560x128xi32, #tpu.memory_space<hbm>> -> memref<80x128xi32, #tpu.memory_space<hbm>>
      %dma_start3A_112 = arith.constant 0 : i32
      %dma_start3A_113 = tpu.memref_slice %arg4[%mul3A_6, %dma_start3A_112] : memref<2560x128xi32, #tpu.memory_space<hbm>> -> memref<80x128xi32, #tpu.memory_space<hbm>>
      tpu.enqueue_dma source(%dma_start3A_113 : memref<80x128xi32, #tpu.memory_space<hbm>>) target(%arg8 : memref<80x128xi32, #tpu.memory_space<vmem>>) target_semaphore(%run_scoped3A : memref<!tpu.dma_semaphore, #tpu.memory_space<semaphore_mem>>)
      %dma_wait3A = arith.constant 0 : i32
      %dma_wait3A_114 = tpu.memref_slice %arg4[%mul3A_6, %dma_wait3A] : memref<2560x128xi32, #tpu.memory_space<hbm>> -> memref<80x128xi32, #tpu.memory_space<hbm>>
      %dma_wait3A_115 = arith.constant 0 : i32
      %dma_wait3A_116 = tpu.memref_slice %arg4[%mul3A_6, %dma_wait3A_115] : memref<2560x128xi32, #tpu.memory_space<hbm>> -> memref<80x128xi32, #tpu.memory_space<hbm>>
      tpu.wait_dma2 semaphore(%run_scoped3A : memref<!tpu.dma_semaphore, #tpu.memory_space<semaphore_mem>>) src(%dma_wait3A_116 : memref<80x128xi32, #tpu.memory_space<hbm>>) dst(%arg8 : memref<80x128xi32, #tpu.memory_space<vmem>>)
      tpu.yield
    }) : () -> ()
    "tpu.region"() ({
      %run_scoped3A = tpu.sem_alloc : memref<!tpu.dma_semaphore, #tpu.memory_space<semaphore_mem>>
      %dma_start3A_110 = arith.constant 0 : i32
      %dma_start3A_111 = tpu.memref_slice %arg10[%mul3A_2, %dma_start3A_110] : memref<10112x32xf32, #tpu.memory_space<vmem_shared>> -> memref<632x32xf32, #tpu.memory_space<vmem_shared>>
      tpu.enqueue_dma source(%arg5 : memref<632x32xf32, #tpu.memory_space<hbm>>) target(%dma_start3A_111 : memref<632x32xf32, #tpu.memory_space<vmem_shared>>) target_semaphore(%run_scoped3A : memref<!tpu.dma_semaphore, #tpu.memory_space<semaphore_mem>>)
      %dma_wait3A = arith.constant 0 : i32
      %dma_wait3A_112 = tpu.memref_slice %arg10[%mul3A_2, %dma_wait3A] : memref<10112x32xf32, #tpu.memory_space<vmem_shared>> -> memref<632x32xf32, #tpu.memory_space<vmem_shared>>
      tpu.wait_dma2 semaphore(%run_scoped3A : memref<!tpu.dma_semaphore, #tpu.memory_space<semaphore_mem>>) src(%arg5 : memref<632x32xf32, #tpu.memory_space<hbm>>) dst(%dma_wait3A_112 : memref<632x32xf32, #tpu.memory_space<vmem_shared>>)
      tpu.yield
    }) : () -> ()
    %barrier3A = arith.constant 0 : index
    tpu.barrier barrier_id(%barrier3A)
    %dma_start3A = arith.constant 0 : i32
    %dma_start3A_7 = arith.constant 0 : i32
    %dma_start3A_8 = arith.constant 0 : i32
    %dma_start3A_9 = arith.constant 0 : i32
    %dma_start3A_10 = tpu.memref_slice %arg9[%dma_start3A_7, %dma_start3A_8, %dma_start3A_9] : memref<8x128x32xf32, #tpu.memory_space<vmem>> -> memref<1x128x32xf32, #tpu.memory_space<vmem>>
    %dma_start3A_11 = tpu.memref_squeeze %dma_start3A_10 : memref<1x128x32xf32, #tpu.memory_space<vmem>> -> memref<128x32xf32, #tpu.memory_space<vmem>>
    %dma_start3A_12 = arith.constant 0 : i32
    %dma_start3A_13 = tpu.memref_slice %arg7[%dma_start3A, %dma_start3A_12] : memref<80x128xi32, #tpu.memory_space<vmem>> -> memref<1x128xi32, #tpu.memory_space<vmem>>
    %dma_start3A_14 = tpu.memref_squeeze %dma_start3A_13 : memref<1x128xi32, #tpu.memory_space<vmem>> -> memref<128xi32, #tpu.memory_space<vmem>>
    %dma_start3A_15 = arith.constant 0 : i32
    %dma_start3A_16 = arith.constant 0 : i32
    %dma_start3A_17 = tpu.memref_slice %arg2[%dma_start3A_15, %dma_start3A_16] : memref<10112x32xf32, #tpu.memory_space<hbm>> -> memref<10112x32xf32, #tpu.memory_space<hbm>>
    tpu.enqueue_indirect_dma source(%dma_start3A_17 : memref<10112x32xf32, #tpu.memory_space<hbm>>) target(%dma_start3A_11 : memref<128x32xf32, #tpu.memory_space<vmem>>) offsets(%dma_start3A_14 : memref<128xi32, #tpu.memory_space<vmem>>) semaphore(%arg11 : memref<!tpu.dma_semaphore, #tpu.memory_space<semaphore_mem>>)
    %dma_start3A_18 = arith.constant 1 : i32
    %dma_start3A_19 = arith.constant 1 : i32
    %dma_start3A_20 = arith.constant 0 : i32
    %dma_start3A_21 = arith.constant 0 : i32
    %dma_start3A_22 = tpu.memref_slice %arg9[%dma_start3A_19, %dma_start3A_20, %dma_start3A_21] : memref<8x128x32xf32, #tpu.memory_space<vmem>> -> memref<1x128x32xf32, #tpu.memory_space<vmem>>
    %dma_start3A_23 = tpu.memref_squeeze %dma_start3A_22 : memref<1x128x32xf32, #tpu.memory_space<vmem>> -> memref<128x32xf32, #tpu.memory_space<vmem>>
    %dma_start3A_24 = arith.constant 0 : i32
    %dma_start3A_25 = tpu.memref_slice %arg7[%dma_start3A_18, %dma_start3A_24] : memref<80x128xi32, #tpu.memory_space<vmem>> -> memref<1x128xi32, #tpu.memory_space<vmem>>
    %dma_start3A_26 = tpu.memref_squeeze %dma_start3A_25 : memref<1x128xi32, #tpu.memory_space<vmem>> -> memref<128xi32, #tpu.memory_space<vmem>>
    %dma_start3A_27 = arith.constant 0 : i32
    %dma_start3A_28 = arith.constant 0 : i32
    %dma_start3A_29 = tpu.memref_slice %arg2[%dma_start3A_27, %dma_start3A_28] : memref<10112x32xf32, #tpu.memory_space<hbm>> -> memref<10112x32xf32, #tpu.memory_space<hbm>>
    tpu.enqueue_indirect_dma source(%dma_start3A_29 : memref<10112x32xf32, #tpu.memory_space<hbm>>) target(%dma_start3A_23 : memref<128x32xf32, #tpu.memory_space<vmem>>) offsets(%dma_start3A_26 : memref<128xi32, #tpu.memory_space<vmem>>) semaphore(%arg11 : memref<!tpu.dma_semaphore, #tpu.memory_space<semaphore_mem>>)
    %dma_start3A_30 = arith.constant 2 : i32
    %dma_start3A_31 = arith.constant 2 : i32
    %dma_start3A_32 = arith.constant 0 : i32
    %dma_start3A_33 = arith.constant 0 : i32
    %dma_start3A_34 = tpu.memref_slice %arg9[%dma_start3A_31, %dma_start3A_32, %dma_start3A_33] : memref<8x128x32xf32, #tpu.memory_space<vmem>> -> memref<1x128x32xf32, #tpu.memory_space<vmem>>
    %dma_start3A_35 = tpu.memref_squeeze %dma_start3A_34 : memref<1x128x32xf32, #tpu.memory_space<vmem>> -> memref<128x32xf32, #tpu.memory_space<vmem>>
    %dma_start3A_36 = arith.constant 0 : i32
    %dma_start3A_37 = tpu.memref_slice %arg7[%dma_start3A_30, %dma_start3A_36] : memref<80x128xi32, #tpu.memory_space<vmem>> -> memref<1x128xi32, #tpu.memory_space<vmem>>
    %dma_start3A_38 = tpu.memref_squeeze %dma_start3A_37 : memref<1x128xi32, #tpu.memory_space<vmem>> -> memref<128xi32, #tpu.memory_space<vmem>>
    %dma_start3A_39 = arith.constant 0 : i32
    %dma_start3A_40 = arith.constant 0 : i32
    %dma_start3A_41 = tpu.memref_slice %arg2[%dma_start3A_39, %dma_start3A_40] : memref<10112x32xf32, #tpu.memory_space<hbm>> -> memref<10112x32xf32, #tpu.memory_space<hbm>>
    tpu.enqueue_indirect_dma source(%dma_start3A_41 : memref<10112x32xf32, #tpu.memory_space<hbm>>) target(%dma_start3A_35 : memref<128x32xf32, #tpu.memory_space<vmem>>) offsets(%dma_start3A_38 : memref<128xi32, #tpu.memory_space<vmem>>) semaphore(%arg11 : memref<!tpu.dma_semaphore, #tpu.memory_space<semaphore_mem>>)
    %dma_start3A_42 = arith.constant 3 : i32
    %dma_start3A_43 = arith.constant 3 : i32
    %dma_start3A_44 = arith.constant 0 : i32
    %dma_start3A_45 = arith.constant 0 : i32
    %dma_start3A_46 = tpu.memref_slice %arg9[%dma_start3A_43, %dma_start3A_44, %dma_start3A_45] : memref<8x128x32xf32, #tpu.memory_space<vmem>> -> memref<1x128x32xf32, #tpu.memory_space<vmem>>
    %dma_start3A_47 = tpu.memref_squeeze %dma_start3A_46 : memref<1x128x32xf32, #tpu.memory_space<vmem>> -> memref<128x32xf32, #tpu.memory_space<vmem>>
    %dma_start3A_48 = arith.constant 0 : i32
    %dma_start3A_49 = tpu.memref_slice %arg7[%dma_start3A_42, %dma_start3A_48] : memref<80x128xi32, #tpu.memory_space<vmem>> -> memref<1x128xi32, #tpu.memory_space<vmem>>
    %dma_start3A_50 = tpu.memref_squeeze %dma_start3A_49 : memref<1x128xi32, #tpu.memory_space<vmem>> -> memref<128xi32, #tpu.memory_space<vmem>>
    %dma_start3A_51 = arith.constant 0 : i32
    %dma_start3A_52 = arith.constant 0 : i32
    %dma_start3A_53 = tpu.memref_slice %arg2[%dma_start3A_51, %dma_start3A_52] : memref<10112x32xf32, #tpu.memory_space<hbm>> -> memref<10112x32xf32, #tpu.memory_space<hbm>>
    tpu.enqueue_indirect_dma source(%dma_start3A_53 : memref<10112x32xf32, #tpu.memory_space<hbm>>) target(%dma_start3A_47 : memref<128x32xf32, #tpu.memory_space<vmem>>) offsets(%dma_start3A_50 : memref<128xi32, #tpu.memory_space<vmem>>) semaphore(%arg11 : memref<!tpu.dma_semaphore, #tpu.memory_space<semaphore_mem>>)
    %dma_start3A_54 = arith.constant 4 : i32
    %dma_start3A_55 = arith.constant 4 : i32
    %dma_start3A_56 = arith.constant 0 : i32
    %dma_start3A_57 = arith.constant 0 : i32
    %dma_start3A_58 = tpu.memref_slice %arg9[%dma_start3A_55, %dma_start3A_56, %dma_start3A_57] : memref<8x128x32xf32, #tpu.memory_space<vmem>> -> memref<1x128x32xf32, #tpu.memory_space<vmem>>
    %dma_start3A_59 = tpu.memref_squeeze %dma_start3A_58 : memref<1x128x32xf32, #tpu.memory_space<vmem>> -> memref<128x32xf32, #tpu.memory_space<vmem>>
    %dma_start3A_60 = arith.constant 0 : i32
    %dma_start3A_61 = tpu.memref_slice %arg7[%dma_start3A_54, %dma_start3A_60] : memref<80x128xi32, #tpu.memory_space<vmem>> -> memref<1x128xi32, #tpu.memory_space<vmem>>
    %dma_start3A_62 = tpu.memref_squeeze %dma_start3A_61 : memref<1x128xi32, #tpu.memory_space<vmem>> -> memref<128xi32, #tpu.memory_space<vmem>>
    %dma_start3A_63 = arith.constant 0 : i32
    %dma_start3A_64 = arith.constant 0 : i32
    %dma_start3A_65 = tpu.memref_slice %arg2[%dma_start3A_63, %dma_start3A_64] : memref<10112x32xf32, #tpu.memory_space<hbm>> -> memref<10112x32xf32, #tpu.memory_space<hbm>>
    tpu.enqueue_indirect_dma source(%dma_start3A_65 : memref<10112x32xf32, #tpu.memory_space<hbm>>) target(%dma_start3A_59 : memref<128x32xf32, #tpu.memory_space<vmem>>) offsets(%dma_start3A_62 : memref<128xi32, #tpu.memory_space<vmem>>) semaphore(%arg11 : memref<!tpu.dma_semaphore, #tpu.memory_space<semaphore_mem>>)
    %dma_start3A_66 = arith.constant 5 : i32
    %dma_start3A_67 = arith.constant 5 : i32
    %dma_start3A_68 = arith.constant 0 : i32
    %dma_start3A_69 = arith.constant 0 : i32
    %dma_start3A_70 = tpu.memref_slice %arg9[%dma_start3A_67, %dma_start3A_68, %dma_start3A_69] : memref<8x128x32xf32, #tpu.memory_space<vmem>> -> memref<1x128x32xf32, #tpu.memory_space<vmem>>
    %dma_start3A_71 = tpu.memref_squeeze %dma_start3A_70 : memref<1x128x32xf32, #tpu.memory_space<vmem>> -> memref<128x32xf32, #tpu.memory_space<vmem>>
    %dma_start3A_72 = arith.constant 0 : i32
    %dma_start3A_73 = tpu.memref_slice %arg7[%dma_start3A_66, %dma_start3A_72] : memref<80x128xi32, #tpu.memory_space<vmem>> -> memref<1x128xi32, #tpu.memory_space<vmem>>
    %dma_start3A_74 = tpu.memref_squeeze %dma_start3A_73 : memref<1x128xi32, #tpu.memory_space<vmem>> -> memref<128xi32, #tpu.memory_space<vmem>>
    %dma_start3A_75 = arith.constant 0 : i32
    %dma_start3A_76 = arith.constant 0 : i32
    %dma_start3A_77 = tpu.memref_slice %arg2[%dma_start3A_75, %dma_start3A_76] : memref<10112x32xf32, #tpu.memory_space<hbm>> -> memref<10112x32xf32, #tpu.memory_space<hbm>>
    tpu.enqueue_indirect_dma source(%dma_start3A_77 : memref<10112x32xf32, #tpu.memory_space<hbm>>) target(%dma_start3A_71 : memref<128x32xf32, #tpu.memory_space<vmem>>) offsets(%dma_start3A_74 : memref<128xi32, #tpu.memory_space<vmem>>) semaphore(%arg11 : memref<!tpu.dma_semaphore, #tpu.memory_space<semaphore_mem>>)
    %dma_start3A_78 = arith.constant 6 : i32
    %dma_start3A_79 = arith.constant 6 : i32
    %dma_start3A_80 = arith.constant 0 : i32
    %dma_start3A_81 = arith.constant 0 : i32
    %dma_start3A_82 = tpu.memref_slice %arg9[%dma_start3A_79, %dma_start3A_80, %dma_start3A_81] : memref<8x128x32xf32, #tpu.memory_space<vmem>> -> memref<1x128x32xf32, #tpu.memory_space<vmem>>
    %dma_start3A_83 = tpu.memref_squeeze %dma_start3A_82 : memref<1x128x32xf32, #tpu.memory_space<vmem>> -> memref<128x32xf32, #tpu.memory_space<vmem>>
    %dma_start3A_84 = arith.constant 0 : i32
    %dma_start3A_85 = tpu.memref_slice %arg7[%dma_start3A_78, %dma_start3A_84] : memref<80x128xi32, #tpu.memory_space<vmem>> -> memref<1x128xi32, #tpu.memory_space<vmem>>
    %dma_start3A_86 = tpu.memref_squeeze %dma_start3A_85 : memref<1x128xi32, #tpu.memory_space<vmem>> -> memref<128xi32, #tpu.memory_space<vmem>>
    %dma_start3A_87 = arith.constant 0 : i32
    %dma_start3A_88 = arith.constant 0 : i32
    %dma_start3A_89 = tpu.memref_slice %arg2[%dma_start3A_87, %dma_start3A_88] : memref<10112x32xf32, #tpu.memory_space<hbm>> -> memref<10112x32xf32, #tpu.memory_space<hbm>>
    tpu.enqueue_indirect_dma source(%dma_start3A_89 : memref<10112x32xf32, #tpu.memory_space<hbm>>) target(%dma_start3A_83 : memref<128x32xf32, #tpu.memory_space<vmem>>) offsets(%dma_start3A_86 : memref<128xi32, #tpu.memory_space<vmem>>) semaphore(%arg11 : memref<!tpu.dma_semaphore, #tpu.memory_space<semaphore_mem>>)
    %dma_start3A_90 = arith.constant 7 : i32
    %dma_start3A_91 = arith.constant 7 : i32
    %dma_start3A_92 = arith.constant 0 : i32
    %dma_start3A_93 = arith.constant 0 : i32
    %dma_start3A_94 = tpu.memref_slice %arg9[%dma_start3A_91, %dma_start3A_92, %dma_start3A_93] : memref<8x128x32xf32, #tpu.memory_space<vmem>> -> memref<1x128x32xf32, #tpu.memory_space<vmem>>
    %dma_start3A_95 = tpu.memref_squeeze %dma_start3A_94 : memref<1x128x32xf32, #tpu.memory_space<vmem>> -> memref<128x32xf32, #tpu.memory_space<vmem>>
    %dma_start3A_96 = arith.constant 0 : i32
    %dma_start3A_97 = tpu.memref_slice %arg7[%dma_start3A_90, %dma_start3A_96] : memref<80x128xi32, #tpu.memory_space<vmem>> -> memref<1x128xi32, #tpu.memory_space<vmem>>
    %dma_start3A_98 = tpu.memref_squeeze %dma_start3A_97 : memref<1x128xi32, #tpu.memory_space<vmem>> -> memref<128xi32, #tpu.memory_space<vmem>>
    %dma_start3A_99 = arith.constant 0 : i32
    %dma_start3A_100 = arith.constant 0 : i32
    %dma_start3A_101 = tpu.memref_slice %arg2[%dma_start3A_99, %dma_start3A_100] : memref<10112x32xf32, #tpu.memory_space<hbm>> -> memref<10112x32xf32, #tpu.memory_space<hbm>>
    tpu.enqueue_indirect_dma source(%dma_start3A_101 : memref<10112x32xf32, #tpu.memory_space<hbm>>) target(%dma_start3A_95 : memref<128x32xf32, #tpu.memory_space<vmem>>) offsets(%dma_start3A_98 : memref<128xi32, #tpu.memory_space<vmem>>) semaphore(%arg11 : memref<!tpu.dma_semaphore, #tpu.memory_space<semaphore_mem>>)
    %scan3A = arith.constant 0 : i32
    %scan3A_102 = arith.constant 10 : i32
    %scan3A_103 = arith.addi %scan3A, %scan3A_102 : i32
    %scan3A_104 = arith.constant 1 : i32
    scf.for %scan3A_110 = %scan3A to %scan3A_103 step %scan3A_104  : i32 {
      %mul3A_111 = arith.constant 8 : i32
      %mul3A_112 = arith.muli %scan3A_110, %mul3A_111 : i32
      %add3A_113 = arith.constant 0 : i32
      %add3A_114 = arith.addi %add3A_113, %mul3A_112 : i32
      %dma_wait3A = arith.constant 0 : i32
      %dma_wait3A_115 = arith.constant 0 : i32
      %dma_wait3A_116 = arith.constant 0 : i32
      %dma_wait3A_117 = tpu.memref_slice %arg9[%dma_wait3A, %dma_wait3A_115, %dma_wait3A_116] : memref<8x128x32xf32, #tpu.memory_space<vmem>> -> memref<1x128x32xf32, #tpu.memory_space<vmem>>
      %dma_wait3A_118 = tpu.memref_squeeze %dma_wait3A_117 : memref<1x128x32xf32, #tpu.memory_space<vmem>> -> memref<128x32xf32, #tpu.memory_space<vmem>>
      %dma_wait3A_119 = arith.constant 0 : i32
      %dma_wait3A_120 = arith.constant 0 : i32
      %dma_wait3A_121 = tpu.memref_slice %arg2[%dma_wait3A_119, %dma_wait3A_120] : memref<10112x32xf32, #tpu.memory_space<hbm>> -> memref<128x32xf32, #tpu.memory_space<hbm>>
      %dma_wait3A_122 = arith.constant 0 : i32
      %dma_wait3A_123 = arith.constant 0 : i32
      %dma_wait3A_124 = tpu.memref_slice %arg9[%dma_wait3A, %dma_wait3A_122, %dma_wait3A_123] : memref<8x128x32xf32, #tpu.memory_space<vmem>> -> memref<1x128x32xf32, #tpu.memory_space<vmem>>
      %dma_wait3A_125 = tpu.memref_squeeze %dma_wait3A_124 : memref<1x128x32xf32, #tpu.memory_space<vmem>> -> memref<128x32xf32, #tpu.memory_space<vmem>>
      %dma_wait3A_126 = arith.constant 0 : i32
      %dma_wait3A_127 = arith.constant 0 : i32
      %dma_wait3A_128 = tpu.memref_slice %arg2[%dma_wait3A_126, %dma_wait3A_127] : memref<10112x32xf32, #tpu.memory_space<hbm>> -> memref<128x32xf32, #tpu.memory_space<hbm>>
      tpu.wait_dma2 semaphore(%arg11 : memref<!tpu.dma_semaphore, #tpu.memory_space<semaphore_mem>>) src(%dma_wait3A_128 : memref<128x32xf32, #tpu.memory_space<hbm>>) dst(%dma_wait3A_125 : memref<128x32xf32, #tpu.memory_space<vmem>>)
      %add3A_129 = arith.constant 0 : i32
      %add3A_130 = arith.addi %add3A_114, %add3A_129 : i32
      %run_scoped3A = arith.constant 0 : i32
      "tpu.region"() ({
        %run_scoped3A_326 = tpu.sem_alloc : memref<!tpu.dma_semaphore, #tpu.memory_space<semaphore_mem>>
        %dma_start3A_327 = arith.constant 0 : i32
        %dma_start3A_328 = arith.constant 0 : i32
        %dma_start3A_329 = tpu.memref_slice %arg9[%run_scoped3A, %dma_start3A_327, %dma_start3A_328] : memref<8x128x32xf32, #tpu.memory_space<vmem>> -> memref<1x128x32xf32, #tpu.memory_space<vmem>>
        %dma_start3A_330 = tpu.memref_squeeze %dma_start3A_329 : memref<1x128x32xf32, #tpu.memory_space<vmem>> -> memref<128x32xf32, #tpu.memory_space<vmem>>
        %dma_start3A_331 = arith.constant 0 : i32
        %dma_start3A_332 = tpu.memref_slice %arg8[%add3A_130, %dma_start3A_331] : memref<80x128xi32, #tpu.memory_space<vmem>> -> memref<1x128xi32, #tpu.memory_space<vmem>>
        %dma_start3A_333 = tpu.memref_squeeze %dma_start3A_332 : memref<1x128xi32, #tpu.memory_space<vmem>> -> memref<128xi32, #tpu.memory_space<vmem>>
        %dma_start3A_334 = arith.constant 0 : i32
        %dma_start3A_335 = arith.constant 0 : i32
        %dma_start3A_336 = tpu.memref_slice %arg10[%dma_start3A_334, %dma_start3A_335] : memref<10112x32xf32, #tpu.memory_space<vmem_shared>> -> memref<10112x32xf32, #tpu.memory_space<vmem_shared>>
        tpu.enqueue_indirect_dma source(%dma_start3A_330 : memref<128x32xf32, #tpu.memory_space<vmem>>) target(%dma_start3A_336 : memref<10112x32xf32, #tpu.memory_space<vmem_shared>>) offsets(%dma_start3A_333 : memref<128xi32, #tpu.memory_space<vmem>>) semaphore(%run_scoped3A_326 : memref<!tpu.dma_semaphore, #tpu.memory_space<semaphore_mem>>) {add = true}
        %dma_wait3A_337 = arith.constant 0 : i32
        %dma_wait3A_338 = arith.constant 0 : i32
        %dma_wait3A_339 = tpu.memref_slice %arg9[%run_scoped3A, %dma_wait3A_337, %dma_wait3A_338] : memref<8x128x32xf32, #tpu.memory_space<vmem>> -> memref<1x128x32xf32, #tpu.memory_space<vmem>>
        %dma_wait3A_340 = tpu.memref_squeeze %dma_wait3A_339 : memref<1x128x32xf32, #tpu.memory_space<vmem>> -> memref<128x32xf32, #tpu.memory_space<vmem>>
        %dma_wait3A_341 = arith.constant 0 : i32
        %dma_wait3A_342 = tpu.memref_slice %arg8[%add3A_130, %dma_wait3A_341] : memref<80x128xi32, #tpu.memory_space<vmem>> -> memref<1x128xi32, #tpu.memory_space<vmem>>
        %dma_wait3A_343 = tpu.memref_squeeze %dma_wait3A_342 : memref<1x128xi32, #tpu.memory_space<vmem>> -> memref<128xi32, #tpu.memory_space<vmem>>
        %dma_wait3A_344 = arith.constant 0 : i32
        %dma_wait3A_345 = arith.constant 0 : i32
        %dma_wait3A_346 = tpu.memref_slice %arg10[%dma_wait3A_344, %dma_wait3A_345] : memref<10112x32xf32, #tpu.memory_space<vmem_shared>> -> memref<10112x32xf32, #tpu.memory_space<vmem_shared>>
        tpu.wait_indirect_dma semaphore(%run_scoped3A_326 : memref<!tpu.dma_semaphore, #tpu.memory_space<semaphore_mem>>) src(%dma_wait3A_340 : memref<128x32xf32, #tpu.memory_space<vmem>>) dst(%dma_wait3A_346 : memref<10112x32xf32, #tpu.memory_space<vmem_shared>>)
        tpu.yield
      }) : () -> ()
      %add3A_131 = arith.constant 0 : i32
      %add3A_132 = arith.addi %add3A_114, %add3A_131 : i32
      %add3A_133 = arith.constant 8 : i32
      %add3A_134 = arith.addi %add3A_132, %add3A_133 : i32
      %lt3A = arith.constant 80 : i32
      %lt3A_135 = arith.cmpi slt, %add3A_134, %lt3A : i32
      %convert_element_type3A = arith.extui %lt3A_135 : i1 to i32
      %cond3A = arith.constant 0 : i32
      %cond3A_136 = arith.cmpi ne, %convert_element_type3A, %cond3A : i32
      scf.if %cond3A_136 {
        %add3A_326 = arith.constant 0 : i32
        %add3A_327 = arith.addi %add3A_114, %add3A_326 : i32
        %add3A_328 = arith.constant 8 : i32
        %add3A_329 = arith.addi %add3A_327, %add3A_328 : i32
        %dma_start3A_330 = arith.constant 0 : i32
        %dma_start3A_331 = arith.constant 0 : i32
        %dma_start3A_332 = arith.constant 0 : i32
        %dma_start3A_333 = tpu.memref_slice %arg9[%dma_start3A_330, %dma_start3A_331, %dma_start3A_332] : memref<8x128x32xf32, #tpu.memory_space<vmem>> -> memref<1x128x32xf32, #tpu.memory_space<vmem>>
        %dma_start3A_334 = tpu.memref_squeeze %dma_start3A_333 : memref<1x128x32xf32, #tpu.memory_space<vmem>> -> memref<128x32xf32, #tpu.memory_space<vmem>>
        %dma_start3A_335 = arith.constant 0 : i32
        %dma_start3A_336 = tpu.memref_slice %arg7[%add3A_329, %dma_start3A_335] : memref<80x128xi32, #tpu.memory_space<vmem>> -> memref<1x128xi32, #tpu.memory_space<vmem>>
        %dma_start3A_337 = tpu.memref_squeeze %dma_start3A_336 : memref<1x128xi32, #tpu.memory_space<vmem>> -> memref<128xi32, #tpu.memory_space<vmem>>
        %dma_start3A_338 = arith.constant 0 : i32
        %dma_start3A_339 = arith.constant 0 : i32
        %dma_start3A_340 = tpu.memref_slice %arg2[%dma_start3A_338, %dma_start3A_339] : memref<10112x32xf32, #tpu.memory_space<hbm>> -> memref<10112x32xf32, #tpu.memory_space<hbm>>
        tpu.enqueue_indirect_dma source(%dma_start3A_340 : memref<10112x32xf32, #tpu.memory_space<hbm>>) target(%dma_start3A_334 : memref<128x32xf32, #tpu.memory_space<vmem>>) offsets(%dma_start3A_337 : memref<128xi32, #tpu.memory_space<vmem>>) semaphore(%arg11 : memref<!tpu.dma_semaphore, #tpu.memory_space<semaphore_mem>>)
      } else {
      }
      %dma_wait3A_137 = arith.constant 1 : i32
      %dma_wait3A_138 = arith.constant 0 : i32
      %dma_wait3A_139 = arith.constant 0 : i32
      %dma_wait3A_140 = tpu.memref_slice %arg9[%dma_wait3A_137, %dma_wait3A_138, %dma_wait3A_139] : memref<8x128x32xf32, #tpu.memory_space<vmem>> -> memref<1x128x32xf32, #tpu.memory_space<vmem>>
      %dma_wait3A_141 = tpu.memref_squeeze %dma_wait3A_140 : memref<1x128x32xf32, #tpu.memory_space<vmem>> -> memref<128x32xf32, #tpu.memory_space<vmem>>
      %dma_wait3A_142 = arith.constant 0 : i32
      %dma_wait3A_143 = arith.constant 0 : i32
      %dma_wait3A_144 = tpu.memref_slice %arg2[%dma_wait3A_142, %dma_wait3A_143] : memref<10112x32xf32, #tpu.memory_space<hbm>> -> memref<128x32xf32, #tpu.memory_space<hbm>>
      %dma_wait3A_145 = arith.constant 0 : i32
      %dma_wait3A_146 = arith.constant 0 : i32
      %dma_wait3A_147 = tpu.memref_slice %arg9[%dma_wait3A_137, %dma_wait3A_145, %dma_wait3A_146] : memref<8x128x32xf32, #tpu.memory_space<vmem>> -> memref<1x128x32xf32, #tpu.memory_space<vmem>>
      %dma_wait3A_148 = tpu.memref_squeeze %dma_wait3A_147 : memref<1x128x32xf32, #tpu.memory_space<vmem>> -> memref<128x32xf32, #tpu.memory_space<vmem>>
      %dma_wait3A_149 = arith.constant 0 : i32
      %dma_wait3A_150 = arith.constant 0 : i32
      %dma_wait3A_151 = tpu.memref_slice %arg2[%dma_wait3A_149, %dma_wait3A_150] : memref<10112x32xf32, #tpu.memory_space<hbm>> -> memref<128x32xf32, #tpu.memory_space<hbm>>
      tpu.wait_dma2 semaphore(%arg11 : memref<!tpu.dma_semaphore, #tpu.memory_space<semaphore_mem>>) src(%dma_wait3A_151 : memref<128x32xf32, #tpu.memory_space<hbm>>) dst(%dma_wait3A_148 : memref<128x32xf32, #tpu.memory_space<vmem>>)
      %add3A_152 = arith.constant 1 : i32
      %add3A_153 = arith.addi %add3A_114, %add3A_152 : i32
      %run_scoped3A_154 = arith.constant 1 : i32
      "tpu.region"() ({
        %run_scoped3A_326 = tpu.sem_alloc : memref<!tpu.dma_semaphore, #tpu.memory_space<semaphore_mem>>
        %dma_start3A_327 = arith.constant 0 : i32
        %dma_start3A_328 = arith.constant 0 : i32
        %dma_start3A_329 = tpu.memref_slice %arg9[%run_scoped3A_154, %dma_start3A_327, %dma_start3A_328] : memref<8x128x32xf32, #tpu.memory_space<vmem>> -> memref<1x128x32xf32, #tpu.memory_space<vmem>>
        %dma_start3A_330 = tpu.memref_squeeze %dma_start3A_329 : memref<1x128x32xf32, #tpu.memory_space<vmem>> -> memref<128x32xf32, #tpu.memory_space<vmem>>
        %dma_start3A_331 = arith.constant 0 : i32
        %dma_start3A_332 = tpu.memref_slice %arg8[%add3A_153, %dma_start3A_331] : memref<80x128xi32, #tpu.memory_space<vmem>> -> memref<1x128xi32, #tpu.memory_space<vmem>>
        %dma_start3A_333 = tpu.memref_squeeze %dma_start3A_332 : memref<1x128xi32, #tpu.memory_space<vmem>> -> memref<128xi32, #tpu.memory_space<vmem>>
        %dma_start3A_334 = arith.constant 0 : i32
        %dma_start3A_335 = arith.constant 0 : i32
        %dma_start3A_336 = tpu.memref_slice %arg10[%dma_start3A_334, %dma_start3A_335] : memref<10112x32xf32, #tpu.memory_space<vmem_shared>> -> memref<10112x32xf32, #tpu.memory_space<vmem_shared>>
        tpu.enqueue_indirect_dma source(%dma_start3A_330 : memref<128x32xf32, #tpu.memory_space<vmem>>) target(%dma_start3A_336 : memref<10112x32xf32, #tpu.memory_space<vmem_shared>>) offsets(%dma_start3A_333 : memref<128xi32, #tpu.memory_space<vmem>>) semaphore(%run_scoped3A_326 : memref<!tpu.dma_semaphore, #tpu.memory_space<semaphore_mem>>) {add = true}
        %dma_wait3A_337 = arith.constant 0 : i32
        %dma_wait3A_338 = arith.constant 0 : i32
        %dma_wait3A_339 = tpu.memref_slice %arg9[%run_scoped3A_154, %dma_wait3A_337, %dma_wait3A_338] : memref<8x128x32xf32, #tpu.memory_space<vmem>> -> memref<1x128x32xf32, #tpu.memory_space<vmem>>
        %dma_wait3A_340 = tpu.memref_squeeze %dma_wait3A_339 : memref<1x128x32xf32, #tpu.memory_space<vmem>> -> memref<128x32xf32, #tpu.memory_space<vmem>>
        %dma_wait3A_341 = arith.constant 0 : i32
        %dma_wait3A_342 = tpu.memref_slice %arg8[%add3A_153, %dma_wait3A_341] : memref<80x128xi32, #tpu.memory_space<vmem>> -> memref<1x128xi32, #tpu.memory_space<vmem>>
        %dma_wait3A_343 = tpu.memref_squeeze %dma_wait3A_342 : memref<1x128xi32, #tpu.memory_space<vmem>> -> memref<128xi32, #tpu.memory_space<vmem>>
        %dma_wait3A_344 = arith.constant 0 : i32
        %dma_wait3A_345 = arith.constant 0 : i32
        %dma_wait3A_346 = tpu.memref_slice %arg10[%dma_wait3A_344, %dma_wait3A_345] : memref<10112x32xf32, #tpu.memory_space<vmem_shared>> -> memref<10112x32xf32, #tpu.memory_space<vmem_shared>>
        tpu.wait_indirect_dma semaphore(%run_scoped3A_326 : memref<!tpu.dma_semaphore, #tpu.memory_space<semaphore_mem>>) src(%dma_wait3A_340 : memref<128x32xf32, #tpu.memory_space<vmem>>) dst(%dma_wait3A_346 : memref<10112x32xf32, #tpu.memory_space<vmem_shared>>)
        tpu.yield
      }) : () -> ()
      %add3A_155 = arith.constant 1 : i32
      %add3A_156 = arith.addi %add3A_114, %add3A_155 : i32
      %add3A_157 = arith.constant 8 : i32
      %add3A_158 = arith.addi %add3A_156, %add3A_157 : i32
      %lt3A_159 = arith.constant 80 : i32
      %lt3A_160 = arith.cmpi slt, %add3A_158, %lt3A_159 : i32
      %convert_element_type3A_161 = arith.extui %lt3A_160 : i1 to i32
      %cond3A_162 = arith.constant 0 : i32
      %cond3A_163 = arith.cmpi ne, %convert_element_type3A_161, %cond3A_162 : i32
      scf.if %cond3A_163 {
        %add3A_326 = arith.constant 1 : i32
        %add3A_327 = arith.addi %add3A_114, %add3A_326 : i32
        %add3A_328 = arith.constant 8 : i32
        %add3A_329 = arith.addi %add3A_327, %add3A_328 : i32
        %dma_start3A_330 = arith.constant 1 : i32
        %dma_start3A_331 = arith.constant 0 : i32
        %dma_start3A_332 = arith.constant 0 : i32
        %dma_start3A_333 = tpu.memref_slice %arg9[%dma_start3A_330, %dma_start3A_331, %dma_start3A_332] : memref<8x128x32xf32, #tpu.memory_space<vmem>> -> memref<1x128x32xf32, #tpu.memory_space<vmem>>
        %dma_start3A_334 = tpu.memref_squeeze %dma_start3A_333 : memref<1x128x32xf32, #tpu.memory_space<vmem>> -> memref<128x32xf32, #tpu.memory_space<vmem>>
        %dma_start3A_335 = arith.constant 0 : i32
        %dma_start3A_336 = tpu.memref_slice %arg7[%add3A_329, %dma_start3A_335] : memref<80x128xi32, #tpu.memory_space<vmem>> -> memref<1x128xi32, #tpu.memory_space<vmem>>
        %dma_start3A_337 = tpu.memref_squeeze %dma_start3A_336 : memref<1x128xi32, #tpu.memory_space<vmem>> -> memref<128xi32, #tpu.memory_space<vmem>>
        %dma_start3A_338 = arith.constant 0 : i32
        %dma_start3A_339 = arith.constant 0 : i32
        %dma_start3A_340 = tpu.memref_slice %arg2[%dma_start3A_338, %dma_start3A_339] : memref<10112x32xf32, #tpu.memory_space<hbm>> -> memref<10112x32xf32, #tpu.memory_space<hbm>>
        tpu.enqueue_indirect_dma source(%dma_start3A_340 : memref<10112x32xf32, #tpu.memory_space<hbm>>) target(%dma_start3A_334 : memref<128x32xf32, #tpu.memory_space<vmem>>) offsets(%dma_start3A_337 : memref<128xi32, #tpu.memory_space<vmem>>) semaphore(%arg11 : memref<!tpu.dma_semaphore, #tpu.memory_space<semaphore_mem>>)
      } else {
      }
      %dma_wait3A_164 = arith.constant 2 : i32
      %dma_wait3A_165 = arith.constant 0 : i32
      %dma_wait3A_166 = arith.constant 0 : i32
      %dma_wait3A_167 = tpu.memref_slice %arg9[%dma_wait3A_164, %dma_wait3A_165, %dma_wait3A_166] : memref<8x128x32xf32, #tpu.memory_space<vmem>> -> memref<1x128x32xf32, #tpu.memory_space<vmem>>
      %dma_wait3A_168 = tpu.memref_squeeze %dma_wait3A_167 : memref<1x128x32xf32, #tpu.memory_space<vmem>> -> memref<128x32xf32, #tpu.memory_space<vmem>>
      %dma_wait3A_169 = arith.constant 0 : i32
      %dma_wait3A_170 = arith.constant 0 : i32
      %dma_wait3A_171 = tpu.memref_slice %arg2[%dma_wait3A_169, %dma_wait3A_170] : memref<10112x32xf32, #tpu.memory_space<hbm>> -> memref<128x32xf32, #tpu.memory_space<hbm>>
      %dma_wait3A_172 = arith.constant 0 : i32
      %dma_wait3A_173 = arith.constant 0 : i32
      %dma_wait3A_174 = tpu.memref_slice %arg9[%dma_wait3A_164, %dma_wait3A_172, %dma_wait3A_173] : memref<8x128x32xf32, #tpu.memory_space<vmem>> -> memref<1x128x32xf32, #tpu.memory_space<vmem>>
      %dma_wait3A_175 = tpu.memref_squeeze %dma_wait3A_174 : memref<1x128x32xf32, #tpu.memory_space<vmem>> -> memref<128x32xf32, #tpu.memory_space<vmem>>
      %dma_wait3A_176 = arith.constant 0 : i32
      %dma_wait3A_177 = arith.constant 0 : i32
      %dma_wait3A_178 = tpu.memref_slice %arg2[%dma_wait3A_176, %dma_wait3A_177] : memref<10112x32xf32, #tpu.memory_space<hbm>> -> memref<128x32xf32, #tpu.memory_space<hbm>>
      tpu.wait_dma2 semaphore(%arg11 : memref<!tpu.dma_semaphore, #tpu.memory_space<semaphore_mem>>) src(%dma_wait3A_178 : memref<128x32xf32, #tpu.memory_space<hbm>>) dst(%dma_wait3A_175 : memref<128x32xf32, #tpu.memory_space<vmem>>)
      %add3A_179 = arith.constant 2 : i32
      %add3A_180 = arith.addi %add3A_114, %add3A_179 : i32
      %run_scoped3A_181 = arith.constant 2 : i32
      "tpu.region"() ({
        %run_scoped3A_326 = tpu.sem_alloc : memref<!tpu.dma_semaphore, #tpu.memory_space<semaphore_mem>>
        %dma_start3A_327 = arith.constant 0 : i32
        %dma_start3A_328 = arith.constant 0 : i32
        %dma_start3A_329 = tpu.memref_slice %arg9[%run_scoped3A_181, %dma_start3A_327, %dma_start3A_328] : memref<8x128x32xf32, #tpu.memory_space<vmem>> -> memref<1x128x32xf32, #tpu.memory_space<vmem>>
        %dma_start3A_330 = tpu.memref_squeeze %dma_start3A_329 : memref<1x128x32xf32, #tpu.memory_space<vmem>> -> memref<128x32xf32, #tpu.memory_space<vmem>>
        %dma_start3A_331 = arith.constant 0 : i32
        %dma_start3A_332 = tpu.memref_slice %arg8[%add3A_180, %dma_start3A_331] : memref<80x128xi32, #tpu.memory_space<vmem>> -> memref<1x128xi32, #tpu.memory_space<vmem>>
        %dma_start3A_333 = tpu.memref_squeeze %dma_start3A_332 : memref<1x128xi32, #tpu.memory_space<vmem>> -> memref<128xi32, #tpu.memory_space<vmem>>
        %dma_start3A_334 = arith.constant 0 : i32
        %dma_start3A_335 = arith.constant 0 : i32
        %dma_start3A_336 = tpu.memref_slice %arg10[%dma_start3A_334, %dma_start3A_335] : memref<10112x32xf32, #tpu.memory_space<vmem_shared>> -> memref<10112x32xf32, #tpu.memory_space<vmem_shared>>
        tpu.enqueue_indirect_dma source(%dma_start3A_330 : memref<128x32xf32, #tpu.memory_space<vmem>>) target(%dma_start3A_336 : memref<10112x32xf32, #tpu.memory_space<vmem_shared>>) offsets(%dma_start3A_333 : memref<128xi32, #tpu.memory_space<vmem>>) semaphore(%run_scoped3A_326 : memref<!tpu.dma_semaphore, #tpu.memory_space<semaphore_mem>>) {add = true}
        %dma_wait3A_337 = arith.constant 0 : i32
        %dma_wait3A_338 = arith.constant 0 : i32
        %dma_wait3A_339 = tpu.memref_slice %arg9[%run_scoped3A_181, %dma_wait3A_337, %dma_wait3A_338] : memref<8x128x32xf32, #tpu.memory_space<vmem>> -> memref<1x128x32xf32, #tpu.memory_space<vmem>>
        %dma_wait3A_340 = tpu.memref_squeeze %dma_wait3A_339 : memref<1x128x32xf32, #tpu.memory_space<vmem>> -> memref<128x32xf32, #tpu.memory_space<vmem>>
        %dma_wait3A_341 = arith.constant 0 : i32
        %dma_wait3A_342 = tpu.memref_slice %arg8[%add3A_180, %dma_wait3A_341] : memref<80x128xi32, #tpu.memory_space<vmem>> -> memref<1x128xi32, #tpu.memory_space<vmem>>
        %dma_wait3A_343 = tpu.memref_squeeze %dma_wait3A_342 : memref<1x128xi32, #tpu.memory_space<vmem>> -> memref<128xi32, #tpu.memory_space<vmem>>
        %dma_wait3A_344 = arith.constant 0 : i32
        %dma_wait3A_345 = arith.constant 0 : i32
        %dma_wait3A_346 = tpu.memref_slice %arg10[%dma_wait3A_344, %dma_wait3A_345] : memref<10112x32xf32, #tpu.memory_space<vmem_shared>> -> memref<10112x32xf32, #tpu.memory_space<vmem_shared>>
        tpu.wait_indirect_dma semaphore(%run_scoped3A_326 : memref<!tpu.dma_semaphore, #tpu.memory_space<semaphore_mem>>) src(%dma_wait3A_340 : memref<128x32xf32, #tpu.memory_space<vmem>>) dst(%dma_wait3A_346 : memref<10112x32xf32, #tpu.memory_space<vmem_shared>>)
        tpu.yield
      }) : () -> ()
      %add3A_182 = arith.constant 2 : i32
      %add3A_183 = arith.addi %add3A_114, %add3A_182 : i32
      %add3A_184 = arith.constant 8 : i32
      %add3A_185 = arith.addi %add3A_183, %add3A_184 : i32
      %lt3A_186 = arith.constant 80 : i32
      %lt3A_187 = arith.cmpi slt, %add3A_185, %lt3A_186 : i32
      %convert_element_type3A_188 = arith.extui %lt3A_187 : i1 to i32
      %cond3A_189 = arith.constant 0 : i32
      %cond3A_190 = arith.cmpi ne, %convert_element_type3A_188, %cond3A_189 : i32
      scf.if %cond3A_190 {
        %add3A_326 = arith.constant 2 : i32
        %add3A_327 = arith.addi %add3A_114, %add3A_326 : i32
        %add3A_328 = arith.constant 8 : i32
        %add3A_329 = arith.addi %add3A_327, %add3A_328 : i32
        %dma_start3A_330 = arith.constant 2 : i32
        %dma_start3A_331 = arith.constant 0 : i32
        %dma_start3A_332 = arith.constant 0 : i32
        %dma_start3A_333 = tpu.memref_slice %arg9[%dma_start3A_330, %dma_start3A_331, %dma_start3A_332] : memref<8x128x32xf32, #tpu.memory_space<vmem>> -> memref<1x128x32xf32, #tpu.memory_space<vmem>>
        %dma_start3A_334 = tpu.memref_squeeze %dma_start3A_333 : memref<1x128x32xf32, #tpu.memory_space<vmem>> -> memref<128x32xf32, #tpu.memory_space<vmem>>
        %dma_start3A_335 = arith.constant 0 : i32
        %dma_start3A_336 = tpu.memref_slice %arg7[%add3A_329, %dma_start3A_335] : memref<80x128xi32, #tpu.memory_space<vmem>> -> memref<1x128xi32, #tpu.memory_space<vmem>>
        %dma_start3A_337 = tpu.memref_squeeze %dma_start3A_336 : memref<1x128xi32, #tpu.memory_space<vmem>> -> memref<128xi32, #tpu.memory_space<vmem>>
        %dma_start3A_338 = arith.constant 0 : i32
        %dma_start3A_339 = arith.constant 0 : i32
        %dma_start3A_340 = tpu.memref_slice %arg2[%dma_start3A_338, %dma_start3A_339] : memref<10112x32xf32, #tpu.memory_space<hbm>> -> memref<10112x32xf32, #tpu.memory_space<hbm>>
        tpu.enqueue_indirect_dma source(%dma_start3A_340 : memref<10112x32xf32, #tpu.memory_space<hbm>>) target(%dma_start3A_334 : memref<128x32xf32, #tpu.memory_space<vmem>>) offsets(%dma_start3A_337 : memref<128xi32, #tpu.memory_space<vmem>>) semaphore(%arg11 : memref<!tpu.dma_semaphore, #tpu.memory_space<semaphore_mem>>)
      } else {
      }
      %dma_wait3A_191 = arith.constant 3 : i32
      %dma_wait3A_192 = arith.constant 0 : i32
      %dma_wait3A_193 = arith.constant 0 : i32
      %dma_wait3A_194 = tpu.memref_slice %arg9[%dma_wait3A_191, %dma_wait3A_192, %dma_wait3A_193] : memref<8x128x32xf32, #tpu.memory_space<vmem>> -> memref<1x128x32xf32, #tpu.memory_space<vmem>>
      %dma_wait3A_195 = tpu.memref_squeeze %dma_wait3A_194 : memref<1x128x32xf32, #tpu.memory_space<vmem>> -> memref<128x32xf32, #tpu.memory_space<vmem>>
      %dma_wait3A_196 = arith.constant 0 : i32
      %dma_wait3A_197 = arith.constant 0 : i32
      %dma_wait3A_198 = tpu.memref_slice %arg2[%dma_wait3A_196, %dma_wait3A_197] : memref<10112x32xf32, #tpu.memory_space<hbm>> -> memref<128x32xf32, #tpu.memory_space<hbm>>
      %dma_wait3A_199 = arith.constant 0 : i32
      %dma_wait3A_200 = arith.constant 0 : i32
      %dma_wait3A_201 = tpu.memref_slice %arg9[%dma_wait3A_191, %dma_wait3A_199, %dma_wait3A_200] : memref<8x128x32xf32, #tpu.memory_space<vmem>> -> memref<1x128x32xf32, #tpu.memory_space<vmem>>
      %dma_wait3A_202 = tpu.memref_squeeze %dma_wait3A_201 : memref<1x128x32xf32, #tpu.memory_space<vmem>> -> memref<128x32xf32, #tpu.memory_space<vmem>>
      %dma_wait3A_203 = arith.constant 0 : i32
      %dma_wait3A_204 = arith.constant 0 : i32
      %dma_wait3A_205 = tpu.memref_slice %arg2[%dma_wait3A_203, %dma_wait3A_204] : memref<10112x32xf32, #tpu.memory_space<hbm>> -> memref<128x32xf32, #tpu.memory_space<hbm>>
      tpu.wait_dma2 semaphore(%arg11 : memref<!tpu.dma_semaphore, #tpu.memory_space<semaphore_mem>>) src(%dma_wait3A_205 : memref<128x32xf32, #tpu.memory_space<hbm>>) dst(%dma_wait3A_202 : memref<128x32xf32, #tpu.memory_space<vmem>>)
      %add3A_206 = arith.constant 3 : i32
      %add3A_207 = arith.addi %add3A_114, %add3A_206 : i32
      %run_scoped3A_208 = arith.constant 3 : i32
      "tpu.region"() ({
        %run_scoped3A_326 = tpu.sem_alloc : memref<!tpu.dma_semaphore, #tpu.memory_space<semaphore_mem>>
        %dma_start3A_327 = arith.constant 0 : i32
        %dma_start3A_328 = arith.constant 0 : i32
        %dma_start3A_329 = tpu.memref_slice %arg9[%run_scoped3A_208, %dma_start3A_327, %dma_start3A_328] : memref<8x128x32xf32, #tpu.memory_space<vmem>> -> memref<1x128x32xf32, #tpu.memory_space<vmem>>
        %dma_start3A_330 = tpu.memref_squeeze %dma_start3A_329 : memref<1x128x32xf32, #tpu.memory_space<vmem>> -> memref<128x32xf32, #tpu.memory_space<vmem>>
        %dma_start3A_331 = arith.constant 0 : i32
        %dma_start3A_332 = tpu.memref_slice %arg8[%add3A_207, %dma_start3A_331] : memref<80x128xi32, #tpu.memory_space<vmem>> -> memref<1x128xi32, #tpu.memory_space<vmem>>
        %dma_start3A_333 = tpu.memref_squeeze %dma_start3A_332 : memref<1x128xi32, #tpu.memory_space<vmem>> -> memref<128xi32, #tpu.memory_space<vmem>>
        %dma_start3A_334 = arith.constant 0 : i32
        %dma_start3A_335 = arith.constant 0 : i32
        %dma_start3A_336 = tpu.memref_slice %arg10[%dma_start3A_334, %dma_start3A_335] : memref<10112x32xf32, #tpu.memory_space<vmem_shared>> -> memref<10112x32xf32, #tpu.memory_space<vmem_shared>>
        tpu.enqueue_indirect_dma source(%dma_start3A_330 : memref<128x32xf32, #tpu.memory_space<vmem>>) target(%dma_start3A_336 : memref<10112x32xf32, #tpu.memory_space<vmem_shared>>) offsets(%dma_start3A_333 : memref<128xi32, #tpu.memory_space<vmem>>) semaphore(%run_scoped3A_326 : memref<!tpu.dma_semaphore, #tpu.memory_space<semaphore_mem>>) {add = true}
        %dma_wait3A_337 = arith.constant 0 : i32
        %dma_wait3A_338 = arith.constant 0 : i32
        %dma_wait3A_339 = tpu.memref_slice %arg9[%run_scoped3A_208, %dma_wait3A_337, %dma_wait3A_338] : memref<8x128x32xf32, #tpu.memory_space<vmem>> -> memref<1x128x32xf32, #tpu.memory_space<vmem>>
        %dma_wait3A_340 = tpu.memref_squeeze %dma_wait3A_339 : memref<1x128x32xf32, #tpu.memory_space<vmem>> -> memref<128x32xf32, #tpu.memory_space<vmem>>
        %dma_wait3A_341 = arith.constant 0 : i32
        %dma_wait3A_342 = tpu.memref_slice %arg8[%add3A_207, %dma_wait3A_341] : memref<80x128xi32, #tpu.memory_space<vmem>> -> memref<1x128xi32, #tpu.memory_space<vmem>>
        %dma_wait3A_343 = tpu.memref_squeeze %dma_wait3A_342 : memref<1x128xi32, #tpu.memory_space<vmem>> -> memref<128xi32, #tpu.memory_space<vmem>>
        %dma_wait3A_344 = arith.constant 0 : i32
        %dma_wait3A_345 = arith.constant 0 : i32
        %dma_wait3A_346 = tpu.memref_slice %arg10[%dma_wait3A_344, %dma_wait3A_345] : memref<10112x32xf32, #tpu.memory_space<vmem_shared>> -> memref<10112x32xf32, #tpu.memory_space<vmem_shared>>
        tpu.wait_indirect_dma semaphore(%run_scoped3A_326 : memref<!tpu.dma_semaphore, #tpu.memory_space<semaphore_mem>>) src(%dma_wait3A_340 : memref<128x32xf32, #tpu.memory_space<vmem>>) dst(%dma_wait3A_346 : memref<10112x32xf32, #tpu.memory_space<vmem_shared>>)
        tpu.yield
      }) : () -> ()
      %add3A_209 = arith.constant 3 : i32
      %add3A_210 = arith.addi %add3A_114, %add3A_209 : i32
      %add3A_211 = arith.constant 8 : i32
      %add3A_212 = arith.addi %add3A_210, %add3A_211 : i32
      %lt3A_213 = arith.constant 80 : i32
      %lt3A_214 = arith.cmpi slt, %add3A_212, %lt3A_213 : i32
      %convert_element_type3A_215 = arith.extui %lt3A_214 : i1 to i32
      %cond3A_216 = arith.constant 0 : i32
      %cond3A_217 = arith.cmpi ne, %convert_element_type3A_215, %cond3A_216 : i32
      scf.if %cond3A_217 {
        %add3A_326 = arith.constant 3 : i32
        %add3A_327 = arith.addi %add3A_114, %add3A_326 : i32
        %add3A_328 = arith.constant 8 : i32
        %add3A_329 = arith.addi %add3A_327, %add3A_328 : i32
        %dma_start3A_330 = arith.constant 3 : i32
        %dma_start3A_331 = arith.constant 0 : i32
        %dma_start3A_332 = arith.constant 0 : i32
        %dma_start3A_333 = tpu.memref_slice %arg9[%dma_start3A_330, %dma_start3A_331, %dma_start3A_332] : memref<8x128x32xf32, #tpu.memory_space<vmem>> -> memref<1x128x32xf32, #tpu.memory_space<vmem>>
        %dma_start3A_334 = tpu.memref_squeeze %dma_start3A_333 : memref<1x128x32xf32, #tpu.memory_space<vmem>> -> memref<128x32xf32, #tpu.memory_space<vmem>>
        %dma_start3A_335 = arith.constant 0 : i32
        %dma_start3A_336 = tpu.memref_slice %arg7[%add3A_329, %dma_start3A_335] : memref<80x128xi32, #tpu.memory_space<vmem>> -> memref<1x128xi32, #tpu.memory_space<vmem>>
        %dma_start3A_337 = tpu.memref_squeeze %dma_start3A_336 : memref<1x128xi32, #tpu.memory_space<vmem>> -> memref<128xi32, #tpu.memory_space<vmem>>
        %dma_start3A_338 = arith.constant 0 : i32
        %dma_start3A_339 = arith.constant 0 : i32
        %dma_start3A_340 = tpu.memref_slice %arg2[%dma_start3A_338, %dma_start3A_339] : memref<10112x32xf32, #tpu.memory_space<hbm>> -> memref<10112x32xf32, #tpu.memory_space<hbm>>
        tpu.enqueue_indirect_dma source(%dma_start3A_340 : memref<10112x32xf32, #tpu.memory_space<hbm>>) target(%dma_start3A_334 : memref<128x32xf32, #tpu.memory_space<vmem>>) offsets(%dma_start3A_337 : memref<128xi32, #tpu.memory_space<vmem>>) semaphore(%arg11 : memref<!tpu.dma_semaphore, #tpu.memory_space<semaphore_mem>>)
      } else {
      }
      %dma_wait3A_218 = arith.constant 4 : i32
      %dma_wait3A_219 = arith.constant 0 : i32
      %dma_wait3A_220 = arith.constant 0 : i32
      %dma_wait3A_221 = tpu.memref_slice %arg9[%dma_wait3A_218, %dma_wait3A_219, %dma_wait3A_220] : memref<8x128x32xf32, #tpu.memory_space<vmem>> -> memref<1x128x32xf32, #tpu.memory_space<vmem>>
      %dma_wait3A_222 = tpu.memref_squeeze %dma_wait3A_221 : memref<1x128x32xf32, #tpu.memory_space<vmem>> -> memref<128x32xf32, #tpu.memory_space<vmem>>
      %dma_wait3A_223 = arith.constant 0 : i32
      %dma_wait3A_224 = arith.constant 0 : i32
      %dma_wait3A_225 = tpu.memref_slice %arg2[%dma_wait3A_223, %dma_wait3A_224] : memref<10112x32xf32, #tpu.memory_space<hbm>> -> memref<128x32xf32, #tpu.memory_space<hbm>>
      %dma_wait3A_226 = arith.constant 0 : i32
      %dma_wait3A_227 = arith.constant 0 : i32
      %dma_wait3A_228 = tpu.memref_slice %arg9[%dma_wait3A_218, %dma_wait3A_226, %dma_wait3A_227] : memref<8x128x32xf32, #tpu.memory_space<vmem>> -> memref<1x128x32xf32, #tpu.memory_space<vmem>>
      %dma_wait3A_229 = tpu.memref_squeeze %dma_wait3A_228 : memref<1x128x32xf32, #tpu.memory_space<vmem>> -> memref<128x32xf32, #tpu.memory_space<vmem>>
      %dma_wait3A_230 = arith.constant 0 : i32
      %dma_wait3A_231 = arith.constant 0 : i32
      %dma_wait3A_232 = tpu.memref_slice %arg2[%dma_wait3A_230, %dma_wait3A_231] : memref<10112x32xf32, #tpu.memory_space<hbm>> -> memref<128x32xf32, #tpu.memory_space<hbm>>
      tpu.wait_dma2 semaphore(%arg11 : memref<!tpu.dma_semaphore, #tpu.memory_space<semaphore_mem>>) src(%dma_wait3A_232 : memref<128x32xf32, #tpu.memory_space<hbm>>) dst(%dma_wait3A_229 : memref<128x32xf32, #tpu.memory_space<vmem>>)
      %add3A_233 = arith.constant 4 : i32
      %add3A_234 = arith.addi %add3A_114, %add3A_233 : i32
      %run_scoped3A_235 = arith.constant 4 : i32
      "tpu.region"() ({
        %run_scoped3A_326 = tpu.sem_alloc : memref<!tpu.dma_semaphore, #tpu.memory_space<semaphore_mem>>
        %dma_start3A_327 = arith.constant 0 : i32
        %dma_start3A_328 = arith.constant 0 : i32
        %dma_start3A_329 = tpu.memref_slice %arg9[%run_scoped3A_235, %dma_start3A_327, %dma_start3A_328] : memref<8x128x32xf32, #tpu.memory_space<vmem>> -> memref<1x128x32xf32, #tpu.memory_space<vmem>>
        %dma_start3A_330 = tpu.memref_squeeze %dma_start3A_329 : memref<1x128x32xf32, #tpu.memory_space<vmem>> -> memref<128x32xf32, #tpu.memory_space<vmem>>
        %dma_start3A_331 = arith.constant 0 : i32
        %dma_start3A_332 = tpu.memref_slice %arg8[%add3A_234, %dma_start3A_331] : memref<80x128xi32, #tpu.memory_space<vmem>> -> memref<1x128xi32, #tpu.memory_space<vmem>>
        %dma_start3A_333 = tpu.memref_squeeze %dma_start3A_332 : memref<1x128xi32, #tpu.memory_space<vmem>> -> memref<128xi32, #tpu.memory_space<vmem>>
        %dma_start3A_334 = arith.constant 0 : i32
        %dma_start3A_335 = arith.constant 0 : i32
        %dma_start3A_336 = tpu.memref_slice %arg10[%dma_start3A_334, %dma_start3A_335] : memref<10112x32xf32, #tpu.memory_space<vmem_shared>> -> memref<10112x32xf32, #tpu.memory_space<vmem_shared>>
        tpu.enqueue_indirect_dma source(%dma_start3A_330 : memref<128x32xf32, #tpu.memory_space<vmem>>) target(%dma_start3A_336 : memref<10112x32xf32, #tpu.memory_space<vmem_shared>>) offsets(%dma_start3A_333 : memref<128xi32, #tpu.memory_space<vmem>>) semaphore(%run_scoped3A_326 : memref<!tpu.dma_semaphore, #tpu.memory_space<semaphore_mem>>) {add = true}
        %dma_wait3A_337 = arith.constant 0 : i32
        %dma_wait3A_338 = arith.constant 0 : i32
        %dma_wait3A_339 = tpu.memref_slice %arg9[%run_scoped3A_235, %dma_wait3A_337, %dma_wait3A_338] : memref<8x128x32xf32, #tpu.memory_space<vmem>> -> memref<1x128x32xf32, #tpu.memory_space<vmem>>
        %dma_wait3A_340 = tpu.memref_squeeze %dma_wait3A_339 : memref<1x128x32xf32, #tpu.memory_space<vmem>> -> memref<128x32xf32, #tpu.memory_space<vmem>>
        %dma_wait3A_341 = arith.constant 0 : i32
        %dma_wait3A_342 = tpu.memref_slice %arg8[%add3A_234, %dma_wait3A_341] : memref<80x128xi32, #tpu.memory_space<vmem>> -> memref<1x128xi32, #tpu.memory_space<vmem>>
        %dma_wait3A_343 = tpu.memref_squeeze %dma_wait3A_342 : memref<1x128xi32, #tpu.memory_space<vmem>> -> memref<128xi32, #tpu.memory_space<vmem>>
        %dma_wait3A_344 = arith.constant 0 : i32
        %dma_wait3A_345 = arith.constant 0 : i32
        %dma_wait3A_346 = tpu.memref_slice %arg10[%dma_wait3A_344, %dma_wait3A_345] : memref<10112x32xf32, #tpu.memory_space<vmem_shared>> -> memref<10112x32xf32, #tpu.memory_space<vmem_shared>>
        tpu.wait_indirect_dma semaphore(%run_scoped3A_326 : memref<!tpu.dma_semaphore, #tpu.memory_space<semaphore_mem>>) src(%dma_wait3A_340 : memref<128x32xf32, #tpu.memory_space<vmem>>) dst(%dma_wait3A_346 : memref<10112x32xf32, #tpu.memory_space<vmem_shared>>)
        tpu.yield
      }) : () -> ()
      %add3A_236 = arith.constant 4 : i32
      %add3A_237 = arith.addi %add3A_114, %add3A_236 : i32
      %add3A_238 = arith.constant 8 : i32
      %add3A_239 = arith.addi %add3A_237, %add3A_238 : i32
      %lt3A_240 = arith.constant 80 : i32
      %lt3A_241 = arith.cmpi slt, %add3A_239, %lt3A_240 : i32
      %convert_element_type3A_242 = arith.extui %lt3A_241 : i1 to i32
      %cond3A_243 = arith.constant 0 : i32
      %cond3A_244 = arith.cmpi ne, %convert_element_type3A_242, %cond3A_243 : i32
      scf.if %cond3A_244 {
        %add3A_326 = arith.constant 4 : i32
        %add3A_327 = arith.addi %add3A_114, %add3A_326 : i32
        %add3A_328 = arith.constant 8 : i32
        %add3A_329 = arith.addi %add3A_327, %add3A_328 : i32
        %dma_start3A_330 = arith.constant 4 : i32
        %dma_start3A_331 = arith.constant 0 : i32
        %dma_start3A_332 = arith.constant 0 : i32
        %dma_start3A_333 = tpu.memref_slice %arg9[%dma_start3A_330, %dma_start3A_331, %dma_start3A_332] : memref<8x128x32xf32, #tpu.memory_space<vmem>> -> memref<1x128x32xf32, #tpu.memory_space<vmem>>
        %dma_start3A_334 = tpu.memref_squeeze %dma_start3A_333 : memref<1x128x32xf32, #tpu.memory_space<vmem>> -> memref<128x32xf32, #tpu.memory_space<vmem>>
        %dma_start3A_335 = arith.constant 0 : i32
        %dma_start3A_336 = tpu.memref_slice %arg7[%add3A_329, %dma_start3A_335] : memref<80x128xi32, #tpu.memory_space<vmem>> -> memref<1x128xi32, #tpu.memory_space<vmem>>
        %dma_start3A_337 = tpu.memref_squeeze %dma_start3A_336 : memref<1x128xi32, #tpu.memory_space<vmem>> -> memref<128xi32, #tpu.memory_space<vmem>>
        %dma_start3A_338 = arith.constant 0 : i32
        %dma_start3A_339 = arith.constant 0 : i32
        %dma_start3A_340 = tpu.memref_slice %arg2[%dma_start3A_338, %dma_start3A_339] : memref<10112x32xf32, #tpu.memory_space<hbm>> -> memref<10112x32xf32, #tpu.memory_space<hbm>>
        tpu.enqueue_indirect_dma source(%dma_start3A_340 : memref<10112x32xf32, #tpu.memory_space<hbm>>) target(%dma_start3A_334 : memref<128x32xf32, #tpu.memory_space<vmem>>) offsets(%dma_start3A_337 : memref<128xi32, #tpu.memory_space<vmem>>) semaphore(%arg11 : memref<!tpu.dma_semaphore, #tpu.memory_space<semaphore_mem>>)
      } else {
      }
      %dma_wait3A_245 = arith.constant 5 : i32
      %dma_wait3A_246 = arith.constant 0 : i32
      %dma_wait3A_247 = arith.constant 0 : i32
      %dma_wait3A_248 = tpu.memref_slice %arg9[%dma_wait3A_245, %dma_wait3A_246, %dma_wait3A_247] : memref<8x128x32xf32, #tpu.memory_space<vmem>> -> memref<1x128x32xf32, #tpu.memory_space<vmem>>
      %dma_wait3A_249 = tpu.memref_squeeze %dma_wait3A_248 : memref<1x128x32xf32, #tpu.memory_space<vmem>> -> memref<128x32xf32, #tpu.memory_space<vmem>>
      %dma_wait3A_250 = arith.constant 0 : i32
      %dma_wait3A_251 = arith.constant 0 : i32
      %dma_wait3A_252 = tpu.memref_slice %arg2[%dma_wait3A_250, %dma_wait3A_251] : memref<10112x32xf32, #tpu.memory_space<hbm>> -> memref<128x32xf32, #tpu.memory_space<hbm>>
      %dma_wait3A_253 = arith.constant 0 : i32
      %dma_wait3A_254 = arith.constant 0 : i32
      %dma_wait3A_255 = tpu.memref_slice %arg9[%dma_wait3A_245, %dma_wait3A_253, %dma_wait3A_254] : memref<8x128x32xf32, #tpu.memory_space<vmem>> -> memref<1x128x32xf32, #tpu.memory_space<vmem>>
      %dma_wait3A_256 = tpu.memref_squeeze %dma_wait3A_255 : memref<1x128x32xf32, #tpu.memory_space<vmem>> -> memref<128x32xf32, #tpu.memory_space<vmem>>
      %dma_wait3A_257 = arith.constant 0 : i32
      %dma_wait3A_258 = arith.constant 0 : i32
      %dma_wait3A_259 = tpu.memref_slice %arg2[%dma_wait3A_257, %dma_wait3A_258] : memref<10112x32xf32, #tpu.memory_space<hbm>> -> memref<128x32xf32, #tpu.memory_space<hbm>>
      tpu.wait_dma2 semaphore(%arg11 : memref<!tpu.dma_semaphore, #tpu.memory_space<semaphore_mem>>) src(%dma_wait3A_259 : memref<128x32xf32, #tpu.memory_space<hbm>>) dst(%dma_wait3A_256 : memref<128x32xf32, #tpu.memory_space<vmem>>)
      %add3A_260 = arith.constant 5 : i32
      %add3A_261 = arith.addi %add3A_114, %add3A_260 : i32
      %run_scoped3A_262 = arith.constant 5 : i32
      "tpu.region"() ({
        %run_scoped3A_326 = tpu.sem_alloc : memref<!tpu.dma_semaphore, #tpu.memory_space<semaphore_mem>>
        %dma_start3A_327 = arith.constant 0 : i32
        %dma_start3A_328 = arith.constant 0 : i32
        %dma_start3A_329 = tpu.memref_slice %arg9[%run_scoped3A_262, %dma_start3A_327, %dma_start3A_328] : memref<8x128x32xf32, #tpu.memory_space<vmem>> -> memref<1x128x32xf32, #tpu.memory_space<vmem>>
        %dma_start3A_330 = tpu.memref_squeeze %dma_start3A_329 : memref<1x128x32xf32, #tpu.memory_space<vmem>> -> memref<128x32xf32, #tpu.memory_space<vmem>>
        %dma_start3A_331 = arith.constant 0 : i32
        %dma_start3A_332 = tpu.memref_slice %arg8[%add3A_261, %dma_start3A_331] : memref<80x128xi32, #tpu.memory_space<vmem>> -> memref<1x128xi32, #tpu.memory_space<vmem>>
        %dma_start3A_333 = tpu.memref_squeeze %dma_start3A_332 : memref<1x128xi32, #tpu.memory_space<vmem>> -> memref<128xi32, #tpu.memory_space<vmem>>
        %dma_start3A_334 = arith.constant 0 : i32
        %dma_start3A_335 = arith.constant 0 : i32
        %dma_start3A_336 = tpu.memref_slice %arg10[%dma_start3A_334, %dma_start3A_335] : memref<10112x32xf32, #tpu.memory_space<vmem_shared>> -> memref<10112x32xf32, #tpu.memory_space<vmem_shared>>
        tpu.enqueue_indirect_dma source(%dma_start3A_330 : memref<128x32xf32, #tpu.memory_space<vmem>>) target(%dma_start3A_336 : memref<10112x32xf32, #tpu.memory_space<vmem_shared>>) offsets(%dma_start3A_333 : memref<128xi32, #tpu.memory_space<vmem>>) semaphore(%run_scoped3A_326 : memref<!tpu.dma_semaphore, #tpu.memory_space<semaphore_mem>>) {add = true}
        %dma_wait3A_337 = arith.constant 0 : i32
        %dma_wait3A_338 = arith.constant 0 : i32
        %dma_wait3A_339 = tpu.memref_slice %arg9[%run_scoped3A_262, %dma_wait3A_337, %dma_wait3A_338] : memref<8x128x32xf32, #tpu.memory_space<vmem>> -> memref<1x128x32xf32, #tpu.memory_space<vmem>>
        %dma_wait3A_340 = tpu.memref_squeeze %dma_wait3A_339 : memref<1x128x32xf32, #tpu.memory_space<vmem>> -> memref<128x32xf32, #tpu.memory_space<vmem>>
        %dma_wait3A_341 = arith.constant 0 : i32
        %dma_wait3A_342 = tpu.memref_slice %arg8[%add3A_261, %dma_wait3A_341] : memref<80x128xi32, #tpu.memory_space<vmem>> -> memref<1x128xi32, #tpu.memory_space<vmem>>
        %dma_wait3A_343 = tpu.memref_squeeze %dma_wait3A_342 : memref<1x128xi32, #tpu.memory_space<vmem>> -> memref<128xi32, #tpu.memory_space<vmem>>
        %dma_wait3A_344 = arith.constant 0 : i32
        %dma_wait3A_345 = arith.constant 0 : i32
        %dma_wait3A_346 = tpu.memref_slice %arg10[%dma_wait3A_344, %dma_wait3A_345] : memref<10112x32xf32, #tpu.memory_space<vmem_shared>> -> memref<10112x32xf32, #tpu.memory_space<vmem_shared>>
        tpu.wait_indirect_dma semaphore(%run_scoped3A_326 : memref<!tpu.dma_semaphore, #tpu.memory_space<semaphore_mem>>) src(%dma_wait3A_340 : memref<128x32xf32, #tpu.memory_space<vmem>>) dst(%dma_wait3A_346 : memref<10112x32xf32, #tpu.memory_space<vmem_shared>>)
        tpu.yield
      }) : () -> ()
      %add3A_263 = arith.constant 5 : i32
      %add3A_264 = arith.addi %add3A_114, %add3A_263 : i32
      %add3A_265 = arith.constant 8 : i32
      %add3A_266 = arith.addi %add3A_264, %add3A_265 : i32
      %lt3A_267 = arith.constant 80 : i32
      %lt3A_268 = arith.cmpi slt, %add3A_266, %lt3A_267 : i32
      %convert_element_type3A_269 = arith.extui %lt3A_268 : i1 to i32
      %cond3A_270 = arith.constant 0 : i32
      %cond3A_271 = arith.cmpi ne, %convert_element_type3A_269, %cond3A_270 : i32
      scf.if %cond3A_271 {
        %add3A_326 = arith.constant 5 : i32
        %add3A_327 = arith.addi %add3A_114, %add3A_326 : i32
        %add3A_328 = arith.constant 8 : i32
        %add3A_329 = arith.addi %add3A_327, %add3A_328 : i32
        %dma_start3A_330 = arith.constant 5 : i32
        %dma_start3A_331 = arith.constant 0 : i32
        %dma_start3A_332 = arith.constant 0 : i32
        %dma_start3A_333 = tpu.memref_slice %arg9[%dma_start3A_330, %dma_start3A_331, %dma_start3A_332] : memref<8x128x32xf32, #tpu.memory_space<vmem>> -> memref<1x128x32xf32, #tpu.memory_space<vmem>>
        %dma_start3A_334 = tpu.memref_squeeze %dma_start3A_333 : memref<1x128x32xf32, #tpu.memory_space<vmem>> -> memref<128x32xf32, #tpu.memory_space<vmem>>
        %dma_start3A_335 = arith.constant 0 : i32
        %dma_start3A_336 = tpu.memref_slice %arg7[%add3A_329, %dma_start3A_335] : memref<80x128xi32, #tpu.memory_space<vmem>> -> memref<1x128xi32, #tpu.memory_space<vmem>>
        %dma_start3A_337 = tpu.memref_squeeze %dma_start3A_336 : memref<1x128xi32, #tpu.memory_space<vmem>> -> memref<128xi32, #tpu.memory_space<vmem>>
        %dma_start3A_338 = arith.constant 0 : i32
        %dma_start3A_339 = arith.constant 0 : i32
        %dma_start3A_340 = tpu.memref_slice %arg2[%dma_start3A_338, %dma_start3A_339] : memref<10112x32xf32, #tpu.memory_space<hbm>> -> memref<10112x32xf32, #tpu.memory_space<hbm>>
        tpu.enqueue_indirect_dma source(%dma_start3A_340 : memref<10112x32xf32, #tpu.memory_space<hbm>>) target(%dma_start3A_334 : memref<128x32xf32, #tpu.memory_space<vmem>>) offsets(%dma_start3A_337 : memref<128xi32, #tpu.memory_space<vmem>>) semaphore(%arg11 : memref<!tpu.dma_semaphore, #tpu.memory_space<semaphore_mem>>)
      } else {
      }
      %dma_wait3A_272 = arith.constant 6 : i32
      %dma_wait3A_273 = arith.constant 0 : i32
      %dma_wait3A_274 = arith.constant 0 : i32
      %dma_wait3A_275 = tpu.memref_slice %arg9[%dma_wait3A_272, %dma_wait3A_273, %dma_wait3A_274] : memref<8x128x32xf32, #tpu.memory_space<vmem>> -> memref<1x128x32xf32, #tpu.memory_space<vmem>>
      %dma_wait3A_276 = tpu.memref_squeeze %dma_wait3A_275 : memref<1x128x32xf32, #tpu.memory_space<vmem>> -> memref<128x32xf32, #tpu.memory_space<vmem>>
      %dma_wait3A_277 = arith.constant 0 : i32
      %dma_wait3A_278 = arith.constant 0 : i32
      %dma_wait3A_279 = tpu.memref_slice %arg2[%dma_wait3A_277, %dma_wait3A_278] : memref<10112x32xf32, #tpu.memory_space<hbm>> -> memref<128x32xf32, #tpu.memory_space<hbm>>
      %dma_wait3A_280 = arith.constant 0 : i32
      %dma_wait3A_281 = arith.constant 0 : i32
      %dma_wait3A_282 = tpu.memref_slice %arg9[%dma_wait3A_272, %dma_wait3A_280, %dma_wait3A_281] : memref<8x128x32xf32, #tpu.memory_space<vmem>> -> memref<1x128x32xf32, #tpu.memory_space<vmem>>
      %dma_wait3A_283 = tpu.memref_squeeze %dma_wait3A_282 : memref<1x128x32xf32, #tpu.memory_space<vmem>> -> memref<128x32xf32, #tpu.memory_space<vmem>>
      %dma_wait3A_284 = arith.constant 0 : i32
      %dma_wait3A_285 = arith.constant 0 : i32
      %dma_wait3A_286 = tpu.memref_slice %arg2[%dma_wait3A_284, %dma_wait3A_285] : memref<10112x32xf32, #tpu.memory_space<hbm>> -> memref<128x32xf32, #tpu.memory_space<hbm>>
      tpu.wait_dma2 semaphore(%arg11 : memref<!tpu.dma_semaphore, #tpu.memory_space<semaphore_mem>>) src(%dma_wait3A_286 : memref<128x32xf32, #tpu.memory_space<hbm>>) dst(%dma_wait3A_283 : memref<128x32xf32, #tpu.memory_space<vmem>>)
      %add3A_287 = arith.constant 6 : i32
      %add3A_288 = arith.addi %add3A_114, %add3A_287 : i32
      %run_scoped3A_289 = arith.constant 6 : i32
      "tpu.region"() ({
        %run_scoped3A_326 = tpu.sem_alloc : memref<!tpu.dma_semaphore, #tpu.memory_space<semaphore_mem>>
        %dma_start3A_327 = arith.constant 0 : i32
        %dma_start3A_328 = arith.constant 0 : i32
        %dma_start3A_329 = tpu.memref_slice %arg9[%run_scoped3A_289, %dma_start3A_327, %dma_start3A_328] : memref<8x128x32xf32, #tpu.memory_space<vmem>> -> memref<1x128x32xf32, #tpu.memory_space<vmem>>
        %dma_start3A_330 = tpu.memref_squeeze %dma_start3A_329 : memref<1x128x32xf32, #tpu.memory_space<vmem>> -> memref<128x32xf32, #tpu.memory_space<vmem>>
        %dma_start3A_331 = arith.constant 0 : i32
        %dma_start3A_332 = tpu.memref_slice %arg8[%add3A_288, %dma_start3A_331] : memref<80x128xi32, #tpu.memory_space<vmem>> -> memref<1x128xi32, #tpu.memory_space<vmem>>
        %dma_start3A_333 = tpu.memref_squeeze %dma_start3A_332 : memref<1x128xi32, #tpu.memory_space<vmem>> -> memref<128xi32, #tpu.memory_space<vmem>>
        %dma_start3A_334 = arith.constant 0 : i32
        %dma_start3A_335 = arith.constant 0 : i32
        %dma_start3A_336 = tpu.memref_slice %arg10[%dma_start3A_334, %dma_start3A_335] : memref<10112x32xf32, #tpu.memory_space<vmem_shared>> -> memref<10112x32xf32, #tpu.memory_space<vmem_shared>>
        tpu.enqueue_indirect_dma source(%dma_start3A_330 : memref<128x32xf32, #tpu.memory_space<vmem>>) target(%dma_start3A_336 : memref<10112x32xf32, #tpu.memory_space<vmem_shared>>) offsets(%dma_start3A_333 : memref<128xi32, #tpu.memory_space<vmem>>) semaphore(%run_scoped3A_326 : memref<!tpu.dma_semaphore, #tpu.memory_space<semaphore_mem>>) {add = true}
        %dma_wait3A_337 = arith.constant 0 : i32
        %dma_wait3A_338 = arith.constant 0 : i32
        %dma_wait3A_339 = tpu.memref_slice %arg9[%run_scoped3A_289, %dma_wait3A_337, %dma_wait3A_338] : memref<8x128x32xf32, #tpu.memory_space<vmem>> -> memref<1x128x32xf32, #tpu.memory_space<vmem>>
        %dma_wait3A_340 = tpu.memref_squeeze %dma_wait3A_339 : memref<1x128x32xf32, #tpu.memory_space<vmem>> -> memref<128x32xf32, #tpu.memory_space<vmem>>
        %dma_wait3A_341 = arith.constant 0 : i32
        %dma_wait3A_342 = tpu.memref_slice %arg8[%add3A_288, %dma_wait3A_341] : memref<80x128xi32, #tpu.memory_space<vmem>> -> memref<1x128xi32, #tpu.memory_space<vmem>>
        %dma_wait3A_343 = tpu.memref_squeeze %dma_wait3A_342 : memref<1x128xi32, #tpu.memory_space<vmem>> -> memref<128xi32, #tpu.memory_space<vmem>>
        %dma_wait3A_344 = arith.constant 0 : i32
        %dma_wait3A_345 = arith.constant 0 : i32
        %dma_wait3A_346 = tpu.memref_slice %arg10[%dma_wait3A_344, %dma_wait3A_345] : memref<10112x32xf32, #tpu.memory_space<vmem_shared>> -> memref<10112x32xf32, #tpu.memory_space<vmem_shared>>
        tpu.wait_indirect_dma semaphore(%run_scoped3A_326 : memref<!tpu.dma_semaphore, #tpu.memory_space<semaphore_mem>>) src(%dma_wait3A_340 : memref<128x32xf32, #tpu.memory_space<vmem>>) dst(%dma_wait3A_346 : memref<10112x32xf32, #tpu.memory_space<vmem_shared>>)
        tpu.yield
      }) : () -> ()
      %add3A_290 = arith.constant 6 : i32
      %add3A_291 = arith.addi %add3A_114, %add3A_290 : i32
      %add3A_292 = arith.constant 8 : i32
      %add3A_293 = arith.addi %add3A_291, %add3A_292 : i32
      %lt3A_294 = arith.constant 80 : i32
      %lt3A_295 = arith.cmpi slt, %add3A_293, %lt3A_294 : i32
      %convert_element_type3A_296 = arith.extui %lt3A_295 : i1 to i32
      %cond3A_297 = arith.constant 0 : i32
      %cond3A_298 = arith.cmpi ne, %convert_element_type3A_296, %cond3A_297 : i32
      scf.if %cond3A_298 {
        %add3A_326 = arith.constant 6 : i32
        %add3A_327 = arith.addi %add3A_114, %add3A_326 : i32
        %add3A_328 = arith.constant 8 : i32
        %add3A_329 = arith.addi %add3A_327, %add3A_328 : i32
        %dma_start3A_330 = arith.constant 6 : i32
        %dma_start3A_331 = arith.constant 0 : i32
        %dma_start3A_332 = arith.constant 0 : i32
        %dma_start3A_333 = tpu.memref_slice %arg9[%dma_start3A_330, %dma_start3A_331, %dma_start3A_332] : memref<8x128x32xf32, #tpu.memory_space<vmem>> -> memref<1x128x32xf32, #tpu.memory_space<vmem>>
        %dma_start3A_334 = tpu.memref_squeeze %dma_start3A_333 : memref<1x128x32xf32, #tpu.memory_space<vmem>> -> memref<128x32xf32, #tpu.memory_space<vmem>>
        %dma_start3A_335 = arith.constant 0 : i32
        %dma_start3A_336 = tpu.memref_slice %arg7[%add3A_329, %dma_start3A_335] : memref<80x128xi32, #tpu.memory_space<vmem>> -> memref<1x128xi32, #tpu.memory_space<vmem>>
        %dma_start3A_337 = tpu.memref_squeeze %dma_start3A_336 : memref<1x128xi32, #tpu.memory_space<vmem>> -> memref<128xi32, #tpu.memory_space<vmem>>
        %dma_start3A_338 = arith.constant 0 : i32
        %dma_start3A_339 = arith.constant 0 : i32
        %dma_start3A_340 = tpu.memref_slice %arg2[%dma_start3A_338, %dma_start3A_339] : memref<10112x32xf32, #tpu.memory_space<hbm>> -> memref<10112x32xf32, #tpu.memory_space<hbm>>
        tpu.enqueue_indirect_dma source(%dma_start3A_340 : memref<10112x32xf32, #tpu.memory_space<hbm>>) target(%dma_start3A_334 : memref<128x32xf32, #tpu.memory_space<vmem>>) offsets(%dma_start3A_337 : memref<128xi32, #tpu.memory_space<vmem>>) semaphore(%arg11 : memref<!tpu.dma_semaphore, #tpu.memory_space<semaphore_mem>>)
      } else {
      }
      %dma_wait3A_299 = arith.constant 7 : i32
      %dma_wait3A_300 = arith.constant 0 : i32
      %dma_wait3A_301 = arith.constant 0 : i32
      %dma_wait3A_302 = tpu.memref_slice %arg9[%dma_wait3A_299, %dma_wait3A_300, %dma_wait3A_301] : memref<8x128x32xf32, #tpu.memory_space<vmem>> -> memref<1x128x32xf32, #tpu.memory_space<vmem>>
      %dma_wait3A_303 = tpu.memref_squeeze %dma_wait3A_302 : memref<1x128x32xf32, #tpu.memory_space<vmem>> -> memref<128x32xf32, #tpu.memory_space<vmem>>
      %dma_wait3A_304 = arith.constant 0 : i32
      %dma_wait3A_305 = arith.constant 0 : i32
      %dma_wait3A_306 = tpu.memref_slice %arg2[%dma_wait3A_304, %dma_wait3A_305] : memref<10112x32xf32, #tpu.memory_space<hbm>> -> memref<128x32xf32, #tpu.memory_space<hbm>>
      %dma_wait3A_307 = arith.constant 0 : i32
      %dma_wait3A_308 = arith.constant 0 : i32
      %dma_wait3A_309 = tpu.memref_slice %arg9[%dma_wait3A_299, %dma_wait3A_307, %dma_wait3A_308] : memref<8x128x32xf32, #tpu.memory_space<vmem>> -> memref<1x128x32xf32, #tpu.memory_space<vmem>>
      %dma_wait3A_310 = tpu.memref_squeeze %dma_wait3A_309 : memref<1x128x32xf32, #tpu.memory_space<vmem>> -> memref<128x32xf32, #tpu.memory_space<vmem>>
      %dma_wait3A_311 = arith.constant 0 : i32
      %dma_wait3A_312 = arith.constant 0 : i32
      %dma_wait3A_313 = tpu.memref_slice %arg2[%dma_wait3A_311, %dma_wait3A_312] : memref<10112x32xf32, #tpu.memory_space<hbm>> -> memref<128x32xf32, #tpu.memory_space<hbm>>
      tpu.wait_dma2 semaphore(%arg11 : memref<!tpu.dma_semaphore, #tpu.memory_space<semaphore_mem>>) src(%dma_wait3A_313 : memref<128x32xf32, #tpu.memory_space<hbm>>) dst(%dma_wait3A_310 : memref<128x32xf32, #tpu.memory_space<vmem>>)
      %add3A_314 = arith.constant 7 : i32
      %add3A_315 = arith.addi %add3A_114, %add3A_314 : i32
      %run_scoped3A_316 = arith.constant 7 : i32
      "tpu.region"() ({
        %run_scoped3A_326 = tpu.sem_alloc : memref<!tpu.dma_semaphore, #tpu.memory_space<semaphore_mem>>
        %dma_start3A_327 = arith.constant 0 : i32
        %dma_start3A_328 = arith.constant 0 : i32
        %dma_start3A_329 = tpu.memref_slice %arg9[%run_scoped3A_316, %dma_start3A_327, %dma_start3A_328] : memref<8x128x32xf32, #tpu.memory_space<vmem>> -> memref<1x128x32xf32, #tpu.memory_space<vmem>>
        %dma_start3A_330 = tpu.memref_squeeze %dma_start3A_329 : memref<1x128x32xf32, #tpu.memory_space<vmem>> -> memref<128x32xf32, #tpu.memory_space<vmem>>
        %dma_start3A_331 = arith.constant 0 : i32
        %dma_start3A_332 = tpu.memref_slice %arg8[%add3A_315, %dma_start3A_331] : memref<80x128xi32, #tpu.memory_space<vmem>> -> memref<1x128xi32, #tpu.memory_space<vmem>>
        %dma_start3A_333 = tpu.memref_squeeze %dma_start3A_332 : memref<1x128xi32, #tpu.memory_space<vmem>> -> memref<128xi32, #tpu.memory_space<vmem>>
        %dma_start3A_334 = arith.constant 0 : i32
        %dma_start3A_335 = arith.constant 0 : i32
        %dma_start3A_336 = tpu.memref_slice %arg10[%dma_start3A_334, %dma_start3A_335] : memref<10112x32xf32, #tpu.memory_space<vmem_shared>> -> memref<10112x32xf32, #tpu.memory_space<vmem_shared>>
        tpu.enqueue_indirect_dma source(%dma_start3A_330 : memref<128x32xf32, #tpu.memory_space<vmem>>) target(%dma_start3A_336 : memref<10112x32xf32, #tpu.memory_space<vmem_shared>>) offsets(%dma_start3A_333 : memref<128xi32, #tpu.memory_space<vmem>>) semaphore(%run_scoped3A_326 : memref<!tpu.dma_semaphore, #tpu.memory_space<semaphore_mem>>) {add = true}
        %dma_wait3A_337 = arith.constant 0 : i32
        %dma_wait3A_338 = arith.constant 0 : i32
        %dma_wait3A_339 = tpu.memref_slice %arg9[%run_scoped3A_316, %dma_wait3A_337, %dma_wait3A_338] : memref<8x128x32xf32, #tpu.memory_space<vmem>> -> memref<1x128x32xf32, #tpu.memory_space<vmem>>
        %dma_wait3A_340 = tpu.memref_squeeze %dma_wait3A_339 : memref<1x128x32xf32, #tpu.memory_space<vmem>> -> memref<128x32xf32, #tpu.memory_space<vmem>>
        %dma_wait3A_341 = arith.constant 0 : i32
        %dma_wait3A_342 = tpu.memref_slice %arg8[%add3A_315, %dma_wait3A_341] : memref<80x128xi32, #tpu.memory_space<vmem>> -> memref<1x128xi32, #tpu.memory_space<vmem>>
        %dma_wait3A_343 = tpu.memref_squeeze %dma_wait3A_342 : memref<1x128xi32, #tpu.memory_space<vmem>> -> memref<128xi32, #tpu.memory_space<vmem>>
        %dma_wait3A_344 = arith.constant 0 : i32
        %dma_wait3A_345 = arith.constant 0 : i32
        %dma_wait3A_346 = tpu.memref_slice %arg10[%dma_wait3A_344, %dma_wait3A_345] : memref<10112x32xf32, #tpu.memory_space<vmem_shared>> -> memref<10112x32xf32, #tpu.memory_space<vmem_shared>>
        tpu.wait_indirect_dma semaphore(%run_scoped3A_326 : memref<!tpu.dma_semaphore, #tpu.memory_space<semaphore_mem>>) src(%dma_wait3A_340 : memref<128x32xf32, #tpu.memory_space<vmem>>) dst(%dma_wait3A_346 : memref<10112x32xf32, #tpu.memory_space<vmem_shared>>)
        tpu.yield
      }) : () -> ()
      %add3A_317 = arith.constant 7 : i32
      %add3A_318 = arith.addi %add3A_114, %add3A_317 : i32
      %add3A_319 = arith.constant 8 : i32
      %add3A_320 = arith.addi %add3A_318, %add3A_319 : i32
      %lt3A_321 = arith.constant 80 : i32
      %lt3A_322 = arith.cmpi slt, %add3A_320, %lt3A_321 : i32
      %convert_element_type3A_323 = arith.extui %lt3A_322 : i1 to i32
      %cond3A_324 = arith.constant 0 : i32
      %cond3A_325 = arith.cmpi ne, %convert_element_type3A_323, %cond3A_324 : i32
      scf.if %cond3A_325 {
        %add3A_326 = arith.constant 7 : i32
        %add3A_327 = arith.addi %add3A_114, %add3A_326 : i32
        %add3A_328 = arith.constant 8 : i32
        %add3A_329 = arith.addi %add3A_327, %add3A_328 : i32
        %dma_start3A_330 = arith.constant 7 : i32
        %dma_start3A_331 = arith.constant 0 : i32
        %dma_start3A_332 = arith.constant 0 : i32
        %dma_start3A_333 = tpu.memref_slice %arg9[%dma_start3A_330, %dma_start3A_331, %dma_start3A_332] : memref<8x128x32xf32, #tpu.memory_space<vmem>> -> memref<1x128x32xf32, #tpu.memory_space<vmem>>
        %dma_start3A_334 = tpu.memref_squeeze %dma_start3A_333 : memref<1x128x32xf32, #tpu.memory_space<vmem>> -> memref<128x32xf32, #tpu.memory_space<vmem>>
        %dma_start3A_335 = arith.constant 0 : i32
        %dma_start3A_336 = tpu.memref_slice %arg7[%add3A_329, %dma_start3A_335] : memref<80x128xi32, #tpu.memory_space<vmem>> -> memref<1x128xi32, #tpu.memory_space<vmem>>
        %dma_start3A_337 = tpu.memref_squeeze %dma_start3A_336 : memref<1x128xi32, #tpu.memory_space<vmem>> -> memref<128xi32, #tpu.memory_space<vmem>>
        %dma_start3A_338 = arith.constant 0 : i32
        %dma_start3A_339 = arith.constant 0 : i32
        %dma_start3A_340 = tpu.memref_slice %arg2[%dma_start3A_338, %dma_start3A_339] : memref<10112x32xf32, #tpu.memory_space<hbm>> -> memref<10112x32xf32, #tpu.memory_space<hbm>>
        tpu.enqueue_indirect_dma source(%dma_start3A_340 : memref<10112x32xf32, #tpu.memory_space<hbm>>) target(%dma_start3A_334 : memref<128x32xf32, #tpu.memory_space<vmem>>) offsets(%dma_start3A_337 : memref<128xi32, #tpu.memory_space<vmem>>) semaphore(%arg11 : memref<!tpu.dma_semaphore, #tpu.memory_space<semaphore_mem>>)
      } else {
      }
    }
    %scan3A_105 = arith.constant 10 : i32
    %barrier3A_106 = arith.constant 0 : index
    tpu.barrier barrier_id(%barrier3A_106)
    %mul3A_107 = arith.constant 10112 : i32
    %mul3A_108 = arith.muli %arg0, %mul3A_107 : i32
    %add3A_109 = arith.addi %mul3A_108, %mul3A_2 : i32
    "tpu.region"() ({
      %run_scoped3A = tpu.sem_alloc : memref<!tpu.dma_semaphore, #tpu.memory_space<semaphore_mem>>
      %dma_start3A_110 = arith.constant 0 : i32
      %dma_start3A_111 = tpu.memref_slice %arg6[%add3A_109, %dma_start3A_110] : memref<20224x32xf32, #tpu.memory_space<hbm>> -> memref<632x32xf32, #tpu.memory_space<hbm>>
      %dma_start3A_112 = arith.constant 0 : i32
      %dma_start3A_113 = tpu.memref_slice %arg10[%mul3A_2, %dma_start3A_112] : memref<10112x32xf32, #tpu.memory_space<vmem_shared>> -> memref<632x32xf32, #tpu.memory_space<vmem_shared>>
      tpu.enqueue_dma source(%dma_start3A_113 : memref<632x32xf32, #tpu.memory_space<vmem_shared>>) target(%dma_start3A_111 : memref<632x32xf32, #tpu.memory_space<hbm>>) target_semaphore(%run_scoped3A : memref<!tpu.dma_semaphore, #tpu.memory_space<semaphore_mem>>)
      %dma_wait3A = arith.constant 0 : i32
      %dma_wait3A_114 = tpu.memref_slice %arg6[%add3A_109, %dma_wait3A] : memref<20224x32xf32, #tpu.memory_space<hbm>> -> memref<632x32xf32, #tpu.memory_space<hbm>>
      %dma_wait3A_115 = arith.constant 0 : i32
      %dma_wait3A_116 = tpu.memref_slice %arg10[%mul3A_2, %dma_wait3A_115] : memref<10112x32xf32, #tpu.memory_space<vmem_shared>> -> memref<632x32xf32, #tpu.memory_space<vmem_shared>>
      tpu.wait_dma2 semaphore(%run_scoped3A : memref<!tpu.dma_semaphore, #tpu.memory_space<semaphore_mem>>) src(%dma_wait3A_116 : memref<632x32xf32, #tpu.memory_space<vmem_shared>>) dst(%dma_wait3A_114 : memref<632x32xf32, #tpu.memory_space<hbm>>)
      tpu.yield
    }) : () -> ()
    return
  }
}

#map = affine_map<(d0, d1) -> (0, 0)>
module attributes {stable_mosaic.version = 14 : i64} {
  func.func @body(%arg0: i32, %arg1: i32, %arg2: memref<10112x32xf32, #tpu.memory_space<hbm>>, %arg3: memref<2560x128xi32, #tpu.memory_space<hbm>>, %arg4: memref<2560x128xi32, #tpu.memory_space<hbm>>, %arg5: memref<632x32xf32, #tpu.memory_space<hbm>>, %arg6: memref<20224x32xf32, #tpu.memory_space<hbm>>, %arg7: memref<80x128xi32, #tpu.memory_space<vmem>>, %arg8: memref<80x128xi32, #tpu.memory_space<vmem>>, %arg9: memref<8x128x32xf32, #tpu.memory_space<vmem>>, %arg10: memref<10112x32xf32, #tpu.memory_space<vmem_shared>>, %arg11: memref<!tpu.dma_semaphore, #tpu.memory_space<semaphore_mem>>) attributes {dimension_semantics = [#tpu.dimension_semantics<core_parallel>, #tpu.dimension_semantics<subcore_parallel>], iteration_bounds = array<i64: 2, 16>, scalar_prefetch = 0 : i64, scratch_operands = 5 : i64, tpu.core_type = #tpu.core_type<sc_vector_subcore>, window_params = [{transform_indices = #map}, {transform_indices = #map}, {transform_indices = #map}, {transform_indices = #map}, {transform_indices = #map}]} {
    %mul3A = arith.constant 2 : i32
    %mul3A_0 = arith.muli %arg1, %mul3A : i32
    %add3A = arith.addi %mul3A_0, %arg0 : i32
    %mul3A_1 = arith.constant 632 : i32
    %mul3A_2 = arith.muli %arg1, %mul3A_1 : i32
    %mul3A_3 = arith.constant 80 : i32
    %mul3A_4 = arith.muli %add3A, %mul3A_3 : i32
    "tpu.region"() ({
      %run_scoped3A = tpu.sem_alloc : memref<!tpu.dma_semaphore, #tpu.memory_space<semaphore_mem>>
      %dma_start3A_110 = arith.constant 0 : i32
      %dma_start3A_111 = tpu.memref_slice %arg3[%mul3A_4, %dma_start3A_110] : memref<2560x128xi32, #tpu.memory_space<hbm>> -> memref<80x128xi32, #tpu.memory_space<hbm>>
      %dma_start3A_112 = arith.constant 0 : i32
      %dma_start3A_113 = tpu.memref_slice %arg3[%mul3A_4, %dma_start3A_112] : memref<2560x128xi32, #tpu.memory_space<hbm>> -> memref<80x128xi32, #tpu.memory_space<hbm>>
      tpu.enqueue_dma source(%dma_start3A_113 : memref<80x128xi32, #tpu.memory_space<hbm>>) target(%arg7 : memref<80x128xi32, #tpu.memory_space<vmem>>) target_semaphore(%run_scoped3A : memref<!tpu.dma_semaphore, #tpu.memory_space<semaphore_mem>>)
      %dma_wait3A = arith.constant 0 : i32
      %dma_wait3A_114 = tpu.memref_slice %arg3[%mul3A_4, %dma_wait3A] : memref<2560x128xi32, #tpu.memory_space<hbm>> -> memref<80x128xi32, #tpu.memory_space<hbm>>
      %dma_wait3A_115 = arith.constant 0 : i32
      %dma_wait3A_116 = tpu.memref_slice %arg3[%mul3A_4, %dma_wait3A_115] : memref<2560x128xi32, #tpu.memory_space<hbm>> -> memref<80x128xi32, #tpu.memory_space<hbm>>
      tpu.wait_dma2 semaphore(%run_scoped3A : memref<!tpu.dma_semaphore, #tpu.memory_space<semaphore_mem>>) src(%dma_wait3A_116 : memref<80x128xi32, #tpu.memory_space<hbm>>) dst(%arg7 : memref<80x128xi32, #tpu.memory_space<vmem>>)
      tpu.yield
    }) : () -> ()
    %mul3A_5 = arith.constant 80 : i32
    %mul3A_6 = arith.muli %add3A, %mul3A_5 : i32
    "tpu.region"() ({
      %run_scoped3A = tpu.sem_alloc : memref<!tpu.dma_semaphore, #tpu.memory_space<semaphore_mem>>
      %dma_start3A_110 = arith.constant 0 : i32
      %dma_start3A_111 = tpu.memref_slice %arg4[%mul3A_6, %dma_start3A_110] : memref<2560x128xi32, #tpu.memory_space<hbm>> -> memref<80x128xi32, #tpu.memory_space<hbm>>
      %dma_start3A_112 = arith.constant 0 : i32
      %dma_start3A_113 = tpu.memref_slice %arg4[%mul3A_6, %dma_start3A_112] : memref<2560x128xi32, #tpu.memory_space<hbm>> -> memref<80x128xi32, #tpu.memory_space<hbm>>
      tpu.enqueue_dma source(%dma_start3A_113 : memref<80x128xi32, #tpu.memory_space<hbm>>) target(%arg8 : memref<80x128xi32, #tpu.memory_space<vmem>>) target_semaphore(%run_scoped3A : memref<!tpu.dma_semaphore, #tpu.memory_space<semaphore_mem>>)
      %dma_wait3A = arith.constant 0 : i32
      %dma_wait3A_114 = tpu.memref_slice %arg4[%mul3A_6, %dma_wait3A] : memref<2560x128xi32, #tpu.memory_space<hbm>> -> memref<80x128xi32, #tpu.memory_space<hbm>>
      %dma_wait3A_115 = arith.constant 0 : i32
      %dma_wait3A_116 = tpu.memref_slice %arg4[%mul3A_6, %dma_wait3A_115] : memref<2560x128xi32, #tpu.memory_space<hbm>> -> memref<80x128xi32, #tpu.memory_space<hbm>>
      tpu.wait_dma2 semaphore(%run_scoped3A : memref<!tpu.dma_semaphore, #tpu.memory_space<semaphore_mem>>) src(%dma_wait3A_116 : memref<80x128xi32, #tpu.memory_space<hbm>>) dst(%arg8 : memref<80x128xi32, #tpu.memory_space<vmem>>)
      tpu.yield
    }) : () -> ()
    "tpu.region"() ({
      %run_scoped3A = tpu.sem_alloc : memref<!tpu.dma_semaphore, #tpu.memory_space<semaphore_mem>>
      %dma_start3A_110 = arith.constant 0 : i32
      %dma_start3A_111 = tpu.memref_slice %arg10[%mul3A_2, %dma_start3A_110] : memref<10112x32xf32, #tpu.memory_space<vmem_shared>> -> memref<632x32xf32, #tpu.memory_space<vmem_shared>>
      tpu.enqueue_dma source(%arg5 : memref<632x32xf32, #tpu.memory_space<hbm>>) target(%dma_start3A_111 : memref<632x32xf32, #tpu.memory_space<vmem_shared>>) target_semaphore(%run_scoped3A : memref<!tpu.dma_semaphore, #tpu.memory_space<semaphore_mem>>)
      %dma_wait3A = arith.constant 0 : i32
      %dma_wait3A_112 = tpu.memref_slice %arg10[%mul3A_2, %dma_wait3A] : memref<10112x32xf32, #tpu.memory_space<vmem_shared>> -> memref<632x32xf32, #tpu.memory_space<vmem_shared>>
      tpu.wait_dma2 semaphore(%run_scoped3A : memref<!tpu.dma_semaphore, #tpu.memory_space<semaphore_mem>>) src(%arg5 : memref<632x32xf32, #tpu.memory_space<hbm>>) dst(%dma_wait3A_112 : memref<632x32xf32, #tpu.memory_space<vmem_shared>>)
      tpu.yield
    }) : () -> ()
    %barrier3A = arith.constant 0 : index
    tpu.barrier barrier_id(%barrier3A)
    %dma_start3A = arith.constant 0 : i32
    %dma_start3A_7 = arith.constant 0 : i32
    %dma_start3A_8 = arith.constant 0 : i32
    %dma_start3A_9 = arith.constant 0 : i32
    %dma_start3A_10 = tpu.memref_slice %arg9[%dma_start3A_7, %dma_start3A_8, %dma_start3A_9] : memref<8x128x32xf32, #tpu.memory_space<vmem>> -> memref<1x128x32xf32, #tpu.memory_space<vmem>>
    %dma_start3A_11 = tpu.memref_squeeze %dma_start3A_10 : memref<1x128x32xf32, #tpu.memory_space<vmem>> -> memref<128x32xf32, #tpu.memory_space<vmem>>
    %dma_start3A_12 = arith.constant 0 : i32
    %dma_start3A_13 = tpu.memref_slice %arg7[%dma_start3A, %dma_start3A_12] : memref<80x128xi32, #tpu.memory_space<vmem>> -> memref<1x128xi32, #tpu.memory_space<vmem>>
    %dma_start3A_14 = tpu.memref_squeeze %dma_start3A_13 : memref<1x128xi32, #tpu.memory_space<vmem>> -> memref<128xi32, #tpu.memory_space<vmem>>
    %dma_start3A_15 = arith.constant 0 : i32
    %dma_start3A_16 = arith.constant 0 : i32
    %dma_start3A_17 = tpu.memref_slice %arg2[%dma_start3A_15, %dma_start3A_16] : memref<10112x32xf32, #tpu.memory_space<hbm>> -> memref<10112x32xf32, #tpu.memory_space<hbm>>
    tpu.enqueue_indirect_dma source(%dma_start3A_17 : memref<10112x32xf32, #tpu.memory_space<hbm>>) target(%dma_start3A_11 : memref<128x32xf32, #tpu.memory_space<vmem>>) offsets(%dma_start3A_14 : memref<128xi32, #tpu.memory_space<vmem>>) semaphore(%arg11 : memref<!tpu.dma_semaphore, #tpu.memory_space<semaphore_mem>>)
    %dma_start3A_18 = arith.constant 1 : i32
    %dma_start3A_19 = arith.constant 1 : i32
    %dma_start3A_20 = arith.constant 0 : i32
    %dma_start3A_21 = arith.constant 0 : i32
    %dma_start3A_22 = tpu.memref_slice %arg9[%dma_start3A_19, %dma_start3A_20, %dma_start3A_21] : memref<8x128x32xf32, #tpu.memory_space<vmem>> -> memref<1x128x32xf32, #tpu.memory_space<vmem>>
    %dma_start3A_23 = tpu.memref_squeeze %dma_start3A_22 : memref<1x128x32xf32, #tpu.memory_space<vmem>> -> memref<128x32xf32, #tpu.memory_space<vmem>>
    %dma_start3A_24 = arith.constant 0 : i32
    %dma_start3A_25 = tpu.memref_slice %arg7[%dma_start3A_18, %dma_start3A_24] : memref<80x128xi32, #tpu.memory_space<vmem>> -> memref<1x128xi32, #tpu.memory_space<vmem>>
    %dma_start3A_26 = tpu.memref_squeeze %dma_start3A_25 : memref<1x128xi32, #tpu.memory_space<vmem>> -> memref<128xi32, #tpu.memory_space<vmem>>
    %dma_start3A_27 = arith.constant 0 : i32
    %dma_start3A_28 = arith.constant 0 : i32
    %dma_start3A_29 = tpu.memref_slice %arg2[%dma_start3A_27, %dma_start3A_28] : memref<10112x32xf32, #tpu.memory_space<hbm>> -> memref<10112x32xf32, #tpu.memory_space<hbm>>
    tpu.enqueue_indirect_dma source(%dma_start3A_29 : memref<10112x32xf32, #tpu.memory_space<hbm>>) target(%dma_start3A_23 : memref<128x32xf32, #tpu.memory_space<vmem>>) offsets(%dma_start3A_26 : memref<128xi32, #tpu.memory_space<vmem>>) semaphore(%arg11 : memref<!tpu.dma_semaphore, #tpu.memory_space<semaphore_mem>>)
    %dma_start3A_30 = arith.constant 2 : i32
    %dma_start3A_31 = arith.constant 2 : i32
    %dma_start3A_32 = arith.constant 0 : i32
    %dma_start3A_33 = arith.constant 0 : i32
    %dma_start3A_34 = tpu.memref_slice %arg9[%dma_start3A_31, %dma_start3A_32, %dma_start3A_33] : memref<8x128x32xf32, #tpu.memory_space<vmem>> -> memref<1x128x32xf32, #tpu.memory_space<vmem>>
    %dma_start3A_35 = tpu.memref_squeeze %dma_start3A_34 : memref<1x128x32xf32, #tpu.memory_space<vmem>> -> memref<128x32xf32, #tpu.memory_space<vmem>>
    %dma_start3A_36 = arith.constant 0 : i32
    %dma_start3A_37 = tpu.memref_slice %arg7[%dma_start3A_30, %dma_start3A_36] : memref<80x128xi32, #tpu.memory_space<vmem>> -> memref<1x128xi32, #tpu.memory_space<vmem>>
    %dma_start3A_38 = tpu.memref_squeeze %dma_start3A_37 : memref<1x128xi32, #tpu.memory_space<vmem>> -> memref<128xi32, #tpu.memory_space<vmem>>
    %dma_start3A_39 = arith.constant 0 : i32
    %dma_start3A_40 = arith.constant 0 : i32
    %dma_start3A_41 = tpu.memref_slice %arg2[%dma_start3A_39, %dma_start3A_40] : memref<10112x32xf32, #tpu.memory_space<hbm>> -> memref<10112x32xf32, #tpu.memory_space<hbm>>
    tpu.enqueue_indirect_dma source(%dma_start3A_41 : memref<10112x32xf32, #tpu.memory_space<hbm>>) target(%dma_start3A_35 : memref<128x32xf32, #tpu.memory_space<vmem>>) offsets(%dma_start3A_38 : memref<128xi32, #tpu.memory_space<vmem>>) semaphore(%arg11 : memref<!tpu.dma_semaphore, #tpu.memory_space<semaphore_mem>>)
    %dma_start3A_42 = arith.constant 3 : i32
    %dma_start3A_43 = arith.constant 3 : i32
    %dma_start3A_44 = arith.constant 0 : i32
    %dma_start3A_45 = arith.constant 0 : i32
    %dma_start3A_46 = tpu.memref_slice %arg9[%dma_start3A_43, %dma_start3A_44, %dma_start3A_45] : memref<8x128x32xf32, #tpu.memory_space<vmem>> -> memref<1x128x32xf32, #tpu.memory_space<vmem>>
    %dma_start3A_47 = tpu.memref_squeeze %dma_start3A_46 : memref<1x128x32xf32, #tpu.memory_space<vmem>> -> memref<128x32xf32, #tpu.memory_space<vmem>>
    %dma_start3A_48 = arith.constant 0 : i32
    %dma_start3A_49 = tpu.memref_slice %arg7[%dma_start3A_42, %dma_start3A_48] : memref<80x128xi32, #tpu.memory_space<vmem>> -> memref<1x128xi32, #tpu.memory_space<vmem>>
    %dma_start3A_50 = tpu.memref_squeeze %dma_start3A_49 : memref<1x128xi32, #tpu.memory_space<vmem>> -> memref<128xi32, #tpu.memory_space<vmem>>
    %dma_start3A_51 = arith.constant 0 : i32
    %dma_start3A_52 = arith.constant 0 : i32
    %dma_start3A_53 = tpu.memref_slice %arg2[%dma_start3A_51, %dma_start3A_52] : memref<10112x32xf32, #tpu.memory_space<hbm>> -> memref<10112x32xf32, #tpu.memory_space<hbm>>
    tpu.enqueue_indirect_dma source(%dma_start3A_53 : memref<10112x32xf32, #tpu.memory_space<hbm>>) target(%dma_start3A_47 : memref<128x32xf32, #tpu.memory_space<vmem>>) offsets(%dma_start3A_50 : memref<128xi32, #tpu.memory_space<vmem>>) semaphore(%arg11 : memref<!tpu.dma_semaphore, #tpu.memory_space<semaphore_mem>>)
    %dma_start3A_54 = arith.constant 4 : i32
    %dma_start3A_55 = arith.constant 4 : i32
    %dma_start3A_56 = arith.constant 0 : i32
    %dma_start3A_57 = arith.constant 0 : i32
    %dma_start3A_58 = tpu.memref_slice %arg9[%dma_start3A_55, %dma_start3A_56, %dma_start3A_57] : memref<8x128x32xf32, #tpu.memory_space<vmem>> -> memref<1x128x32xf32, #tpu.memory_space<vmem>>
    %dma_start3A_59 = tpu.memref_squeeze %dma_start3A_58 : memref<1x128x32xf32, #tpu.memory_space<vmem>> -> memref<128x32xf32, #tpu.memory_space<vmem>>
    %dma_start3A_60 = arith.constant 0 : i32
    %dma_start3A_61 = tpu.memref_slice %arg7[%dma_start3A_54, %dma_start3A_60] : memref<80x128xi32, #tpu.memory_space<vmem>> -> memref<1x128xi32, #tpu.memory_space<vmem>>
    %dma_start3A_62 = tpu.memref_squeeze %dma_start3A_61 : memref<1x128xi32, #tpu.memory_space<vmem>> -> memref<128xi32, #tpu.memory_space<vmem>>
    %dma_start3A_63 = arith.constant 0 : i32
    %dma_start3A_64 = arith.constant 0 : i32
    %dma_start3A_65 = tpu.memref_slice %arg2[%dma_start3A_63, %dma_start3A_64] : memref<10112x32xf32, #tpu.memory_space<hbm>> -> memref<10112x32xf32, #tpu.memory_space<hbm>>
    tpu.enqueue_indirect_dma source(%dma_start3A_65 : memref<10112x32xf32, #tpu.memory_space<hbm>>) target(%dma_start3A_59 : memref<128x32xf32, #tpu.memory_space<vmem>>) offsets(%dma_start3A_62 : memref<128xi32, #tpu.memory_space<vmem>>) semaphore(%arg11 : memref<!tpu.dma_semaphore, #tpu.memory_space<semaphore_mem>>)
    %dma_start3A_66 = arith.constant 5 : i32
    %dma_start3A_67 = arith.constant 5 : i32
    %dma_start3A_68 = arith.constant 0 : i32
    %dma_start3A_69 = arith.constant 0 : i32
    %dma_start3A_70 = tpu.memref_slice %arg9[%dma_start3A_67, %dma_start3A_68, %dma_start3A_69] : memref<8x128x32xf32, #tpu.memory_space<vmem>> -> memref<1x128x32xf32, #tpu.memory_space<vmem>>
    %dma_start3A_71 = tpu.memref_squeeze %dma_start3A_70 : memref<1x128x32xf32, #tpu.memory_space<vmem>> -> memref<128x32xf32, #tpu.memory_space<vmem>>
    %dma_start3A_72 = arith.constant 0 : i32
    %dma_start3A_73 = tpu.memref_slice %arg7[%dma_start3A_66, %dma_start3A_72] : memref<80x128xi32, #tpu.memory_space<vmem>> -> memref<1x128xi32, #tpu.memory_space<vmem>>
    %dma_start3A_74 = tpu.memref_squeeze %dma_start3A_73 : memref<1x128xi32, #tpu.memory_space<vmem>> -> memref<128xi32, #tpu.memory_space<vmem>>
    %dma_start3A_75 = arith.constant 0 : i32
    %dma_start3A_76 = arith.constant 0 : i32
    %dma_start3A_77 = tpu.memref_slice %arg2[%dma_start3A_75, %dma_start3A_76] : memref<10112x32xf32, #tpu.memory_space<hbm>> -> memref<10112x32xf32, #tpu.memory_space<hbm>>
    tpu.enqueue_indirect_dma source(%dma_start3A_77 : memref<10112x32xf32, #tpu.memory_space<hbm>>) target(%dma_start3A_71 : memref<128x32xf32, #tpu.memory_space<vmem>>) offsets(%dma_start3A_74 : memref<128xi32, #tpu.memory_space<vmem>>) semaphore(%arg11 : memref<!tpu.dma_semaphore, #tpu.memory_space<semaphore_mem>>)
    %dma_start3A_78 = arith.constant 6 : i32
    %dma_start3A_79 = arith.constant 6 : i32
    %dma_start3A_80 = arith.constant 0 : i32
    %dma_start3A_81 = arith.constant 0 : i32
    %dma_start3A_82 = tpu.memref_slice %arg9[%dma_start3A_79, %dma_start3A_80, %dma_start3A_81] : memref<8x128x32xf32, #tpu.memory_space<vmem>> -> memref<1x128x32xf32, #tpu.memory_space<vmem>>
    %dma_start3A_83 = tpu.memref_squeeze %dma_start3A_82 : memref<1x128x32xf32, #tpu.memory_space<vmem>> -> memref<128x32xf32, #tpu.memory_space<vmem>>
    %dma_start3A_84 = arith.constant 0 : i32
    %dma_start3A_85 = tpu.memref_slice %arg7[%dma_start3A_78, %dma_start3A_84] : memref<80x128xi32, #tpu.memory_space<vmem>> -> memref<1x128xi32, #tpu.memory_space<vmem>>
    %dma_start3A_86 = tpu.memref_squeeze %dma_start3A_85 : memref<1x128xi32, #tpu.memory_space<vmem>> -> memref<128xi32, #tpu.memory_space<vmem>>
    %dma_start3A_87 = arith.constant 0 : i32
    %dma_start3A_88 = arith.constant 0 : i32
    %dma_start3A_89 = tpu.memref_slice %arg2[%dma_start3A_87, %dma_start3A_88] : memref<10112x32xf32, #tpu.memory_space<hbm>> -> memref<10112x32xf32, #tpu.memory_space<hbm>>
    tpu.enqueue_indirect_dma source(%dma_start3A_89 : memref<10112x32xf32, #tpu.memory_space<hbm>>) target(%dma_start3A_83 : memref<128x32xf32, #tpu.memory_space<vmem>>) offsets(%dma_start3A_86 : memref<128xi32, #tpu.memory_space<vmem>>) semaphore(%arg11 : memref<!tpu.dma_semaphore, #tpu.memory_space<semaphore_mem>>)
    %dma_start3A_90 = arith.constant 7 : i32
    %dma_start3A_91 = arith.constant 7 : i32
    %dma_start3A_92 = arith.constant 0 : i32
    %dma_start3A_93 = arith.constant 0 : i32
    %dma_start3A_94 = tpu.memref_slice %arg9[%dma_start3A_91, %dma_start3A_92, %dma_start3A_93] : memref<8x128x32xf32, #tpu.memory_space<vmem>> -> memref<1x128x32xf32, #tpu.memory_space<vmem>>
    %dma_start3A_95 = tpu.memref_squeeze %dma_start3A_94 : memref<1x128x32xf32, #tpu.memory_space<vmem>> -> memref<128x32xf32, #tpu.memory_space<vmem>>
    %dma_start3A_96 = arith.constant 0 : i32
    %dma_start3A_97 = tpu.memref_slice %arg7[%dma_start3A_90, %dma_start3A_96] : memref<80x128xi32, #tpu.memory_space<vmem>> -> memref<1x128xi32, #tpu.memory_space<vmem>>
    %dma_start3A_98 = tpu.memref_squeeze %dma_start3A_97 : memref<1x128xi32, #tpu.memory_space<vmem>> -> memref<128xi32, #tpu.memory_space<vmem>>
    %dma_start3A_99 = arith.constant 0 : i32
    %dma_start3A_100 = arith.constant 0 : i32
    %dma_start3A_101 = tpu.memref_slice %arg2[%dma_start3A_99, %dma_start3A_100] : memref<10112x32xf32, #tpu.memory_space<hbm>> -> memref<10112x32xf32, #tpu.memory_space<hbm>>
    tpu.enqueue_indirect_dma source(%dma_start3A_101 : memref<10112x32xf32, #tpu.memory_space<hbm>>) target(%dma_start3A_95 : memref<128x32xf32, #tpu.memory_space<vmem>>) offsets(%dma_start3A_98 : memref<128xi32, #tpu.memory_space<vmem>>) semaphore(%arg11 : memref<!tpu.dma_semaphore, #tpu.memory_space<semaphore_mem>>)
    %scan3A = arith.constant 0 : i32
    %scan3A_102 = arith.constant 10 : i32
    %scan3A_103 = arith.addi %scan3A, %scan3A_102 : i32
    %scan3A_104 = arith.constant 1 : i32
    scf.for %scan3A_110 = %scan3A to %scan3A_103 step %scan3A_104  : i32 {
      %mul3A_111 = arith.constant 8 : i32
      %mul3A_112 = arith.muli %scan3A_110, %mul3A_111 : i32
      %add3A_113 = arith.constant 0 : i32
      %add3A_114 = arith.addi %add3A_113, %mul3A_112 : i32
      %dma_wait3A = arith.constant 0 : i32
      %dma_wait3A_115 = arith.constant 0 : i32
      %dma_wait3A_116 = arith.constant 0 : i32
      %dma_wait3A_117 = tpu.memref_slice %arg9[%dma_wait3A, %dma_wait3A_115, %dma_wait3A_116] : memref<8x128x32xf32, #tpu.memory_space<vmem>> -> memref<1x128x32xf32, #tpu.memory_space<vmem>>
      %dma_wait3A_118 = tpu.memref_squeeze %dma_wait3A_117 : memref<1x128x32xf32, #tpu.memory_space<vmem>> -> memref<128x32xf32, #tpu.memory_space<vmem>>
      %dma_wait3A_119 = arith.constant 0 : i32
      %dma_wait3A_120 = arith.constant 0 : i32
      %dma_wait3A_121 = tpu.memref_slice %arg2[%dma_wait3A_119, %dma_wait3A_120] : memref<10112x32xf32, #tpu.memory_space<hbm>> -> memref<128x32xf32, #tpu.memory_space<hbm>>
      %dma_wait3A_122 = arith.constant 0 : i32
      %dma_wait3A_123 = arith.constant 0 : i32
      %dma_wait3A_124 = tpu.memref_slice %arg9[%dma_wait3A, %dma_wait3A_122, %dma_wait3A_123] : memref<8x128x32xf32, #tpu.memory_space<vmem>> -> memref<1x128x32xf32, #tpu.memory_space<vmem>>
      %dma_wait3A_125 = tpu.memref_squeeze %dma_wait3A_124 : memref<1x128x32xf32, #tpu.memory_space<vmem>> -> memref<128x32xf32, #tpu.memory_space<vmem>>
      %dma_wait3A_126 = arith.constant 0 : i32
      %dma_wait3A_127 = arith.constant 0 : i32
      %dma_wait3A_128 = tpu.memref_slice %arg2[%dma_wait3A_126, %dma_wait3A_127] : memref<10112x32xf32, #tpu.memory_space<hbm>> -> memref<128x32xf32, #tpu.memory_space<hbm>>
      tpu.wait_dma2 semaphore(%arg11 : memref<!tpu.dma_semaphore, #tpu.memory_space<semaphore_mem>>) src(%dma_wait3A_128 : memref<128x32xf32, #tpu.memory_space<hbm>>) dst(%dma_wait3A_125 : memref<128x32xf32, #tpu.memory_space<vmem>>)
      %add3A_129 = arith.constant 0 : i32
      %add3A_130 = arith.addi %add3A_114, %add3A_129 : i32
      %run_scoped3A = arith.constant 0 : i32
      "tpu.region"() ({
        %run_scoped3A_326 = tpu.sem_alloc : memref<!tpu.dma_semaphore, #tpu.memory_space<semaphore_mem>>
        %dma_start3A_327 = arith.constant 0 : i32
        %dma_start3A_328 = arith.constant 0 : i32
        %dma_start3A_329 = tpu.memref_slice %arg9[%run_scoped3A, %dma_start3A_327, %dma_start3A_328] : memref<8x128x32xf32, #tpu.memory_space<vmem>> -> memref<1x128x32xf32, #tpu.memory_space<vmem>>
        %dma_start3A_330 = tpu.memref_squeeze %dma_start3A_329 : memref<1x128x32xf32, #tpu.memory_space<vmem>> -> memref<128x32xf32, #tpu.memory_space<vmem>>
        %dma_start3A_331 = arith.constant 0 : i32
        %dma_start3A_332 = tpu.memref_slice %arg8[%add3A_130, %dma_start3A_331] : memref<80x128xi32, #tpu.memory_space<vmem>> -> memref<1x128xi32, #tpu.memory_space<vmem>>
        %dma_start3A_333 = tpu.memref_squeeze %dma_start3A_332 : memref<1x128xi32, #tpu.memory_space<vmem>> -> memref<128xi32, #tpu.memory_space<vmem>>
        %dma_start3A_334 = arith.constant 0 : i32
        %dma_start3A_335 = arith.constant 0 : i32
        %dma_start3A_336 = tpu.memref_slice %arg10[%dma_start3A_334, %dma_start3A_335] : memref<10112x32xf32, #tpu.memory_space<vmem_shared>> -> memref<10112x32xf32, #tpu.memory_space<vmem_shared>>
        tpu.enqueue_indirect_dma source(%dma_start3A_330 : memref<128x32xf32, #tpu.memory_space<vmem>>) target(%dma_start3A_336 : memref<10112x32xf32, #tpu.memory_space<vmem_shared>>) offsets(%dma_start3A_333 : memref<128xi32, #tpu.memory_space<vmem>>) semaphore(%run_scoped3A_326 : memref<!tpu.dma_semaphore, #tpu.memory_space<semaphore_mem>>) {add = true}
        %dma_wait3A_337 = arith.constant 0 : i32
        %dma_wait3A_338 = arith.constant 0 : i32
        %dma_wait3A_339 = tpu.memref_slice %arg9[%run_scoped3A, %dma_wait3A_337, %dma_wait3A_338] : memref<8x128x32xf32, #tpu.memory_space<vmem>> -> memref<1x128x32xf32, #tpu.memory_space<vmem>>
        %dma_wait3A_340 = tpu.memref_squeeze %dma_wait3A_339 : memref<1x128x32xf32, #tpu.memory_space<vmem>> -> memref<128x32xf32, #tpu.memory_space<vmem>>
        %dma_wait3A_341 = arith.constant 0 : i32
        %dma_wait3A_342 = tpu.memref_slice %arg8[%add3A_130, %dma_wait3A_341] : memref<80x128xi32, #tpu.memory_space<vmem>> -> memref<1x128xi32, #tpu.memory_space<vmem>>
        %dma_wait3A_343 = tpu.memref_squeeze %dma_wait3A_342 : memref<1x128xi32, #tpu.memory_space<vmem>> -> memref<128xi32, #tpu.memory_space<vmem>>
        %dma_wait3A_344 = arith.constant 0 : i32
        %dma_wait3A_345 = arith.constant 0 : i32
        %dma_wait3A_346 = tpu.memref_slice %arg10[%dma_wait3A_344, %dma_wait3A_345] : memref<10112x32xf32, #tpu.memory_space<vmem_shared>> -> memref<10112x32xf32, #tpu.memory_space<vmem_shared>>
        tpu.wait_indirect_dma semaphore(%run_scoped3A_326 : memref<!tpu.dma_semaphore, #tpu.memory_space<semaphore_mem>>) src(%dma_wait3A_340 : memref<128x32xf32, #tpu.memory_space<vmem>>) dst(%dma_wait3A_346 : memref<10112x32xf32, #tpu.memory_space<vmem_shared>>)
        tpu.yield
      }) : () -> ()
      %add3A_131 = arith.constant 0 : i32
      %add3A_132 = arith.addi %add3A_114, %add3A_131 : i32
      %add3A_133 = arith.constant 8 : i32
      %add3A_134 = arith.addi %add3A_132, %add3A_133 : i32
      %lt3A = arith.constant 80 : i32
      %lt3A_135 = arith.cmpi slt, %add3A_134, %lt3A : i32
      %convert_element_type3A = arith.extui %lt3A_135 : i1 to i32
      %cond3A = arith.constant 0 : i32
      %cond3A_136 = arith.cmpi ne, %convert_element_type3A, %cond3A : i32
      scf.if %cond3A_136 {
        %add3A_326 = arith.constant 0 : i32
        %add3A_327 = arith.addi %add3A_114, %add3A_326 : i32
        %add3A_328 = arith.constant 8 : i32
        %add3A_329 = arith.addi %add3A_327, %add3A_328 : i32
        %dma_start3A_330 = arith.constant 0 : i32
        %dma_start3A_331 = arith.constant 0 : i32
        %dma_start3A_332 = arith.constant 0 : i32
        %dma_start3A_333 = tpu.memref_slice %arg9[%dma_start3A_330, %dma_start3A_331, %dma_start3A_332] : memref<8x128x32xf32, #tpu.memory_space<vmem>> -> memref<1x128x32xf32, #tpu.memory_space<vmem>>
        %dma_start3A_334 = tpu.memref_squeeze %dma_start3A_333 : memref<1x128x32xf32, #tpu.memory_space<vmem>> -> memref<128x32xf32, #tpu.memory_space<vmem>>
        %dma_start3A_335 = arith.constant 0 : i32
        %dma_start3A_336 = tpu.memref_slice %arg7[%add3A_329, %dma_start3A_335] : memref<80x128xi32, #tpu.memory_space<vmem>> -> memref<1x128xi32, #tpu.memory_space<vmem>>
        %dma_start3A_337 = tpu.memref_squeeze %dma_start3A_336 : memref<1x128xi32, #tpu.memory_space<vmem>> -> memref<128xi32, #tpu.memory_space<vmem>>
        %dma_start3A_338 = arith.constant 0 : i32
        %dma_start3A_339 = arith.constant 0 : i32
        %dma_start3A_340 = tpu.memref_slice %arg2[%dma_start3A_338, %dma_start3A_339] : memref<10112x32xf32, #tpu.memory_space<hbm>> -> memref<10112x32xf32, #tpu.memory_space<hbm>>
        tpu.enqueue_indirect_dma source(%dma_start3A_340 : memref<10112x32xf32, #tpu.memory_space<hbm>>) target(%dma_start3A_334 : memref<128x32xf32, #tpu.memory_space<vmem>>) offsets(%dma_start3A_337 : memref<128xi32, #tpu.memory_space<vmem>>) semaphore(%arg11 : memref<!tpu.dma_semaphore, #tpu.memory_space<semaphore_mem>>)
      } else {
      }
      %dma_wait3A_137 = arith.constant 1 : i32
      %dma_wait3A_138 = arith.constant 0 : i32
      %dma_wait3A_139 = arith.constant 0 : i32
      %dma_wait3A_140 = tpu.memref_slice %arg9[%dma_wait3A_137, %dma_wait3A_138, %dma_wait3A_139] : memref<8x128x32xf32, #tpu.memory_space<vmem>> -> memref<1x128x32xf32, #tpu.memory_space<vmem>>
      %dma_wait3A_141 = tpu.memref_squeeze %dma_wait3A_140 : memref<1x128x32xf32, #tpu.memory_space<vmem>> -> memref<128x32xf32, #tpu.memory_space<vmem>>
      %dma_wait3A_142 = arith.constant 0 : i32
      %dma_wait3A_143 = arith.constant 0 : i32
      %dma_wait3A_144 = tpu.memref_slice %arg2[%dma_wait3A_142, %dma_wait3A_143] : memref<10112x32xf32, #tpu.memory_space<hbm>> -> memref<128x32xf32, #tpu.memory_space<hbm>>
      %dma_wait3A_145 = arith.constant 0 : i32
      %dma_wait3A_146 = arith.constant 0 : i32
      %dma_wait3A_147 = tpu.memref_slice %arg9[%dma_wait3A_137, %dma_wait3A_145, %dma_wait3A_146] : memref<8x128x32xf32, #tpu.memory_space<vmem>> -> memref<1x128x32xf32, #tpu.memory_space<vmem>>
      %dma_wait3A_148 = tpu.memref_squeeze %dma_wait3A_147 : memref<1x128x32xf32, #tpu.memory_space<vmem>> -> memref<128x32xf32, #tpu.memory_space<vmem>>
      %dma_wait3A_149 = arith.constant 0 : i32
      %dma_wait3A_150 = arith.constant 0 : i32
      %dma_wait3A_151 = tpu.memref_slice %arg2[%dma_wait3A_149, %dma_wait3A_150] : memref<10112x32xf32, #tpu.memory_space<hbm>> -> memref<128x32xf32, #tpu.memory_space<hbm>>
      tpu.wait_dma2 semaphore(%arg11 : memref<!tpu.dma_semaphore, #tpu.memory_space<semaphore_mem>>) src(%dma_wait3A_151 : memref<128x32xf32, #tpu.memory_space<hbm>>) dst(%dma_wait3A_148 : memref<128x32xf32, #tpu.memory_space<vmem>>)
      %add3A_152 = arith.constant 1 : i32
      %add3A_153 = arith.addi %add3A_114, %add3A_152 : i32
      %run_scoped3A_154 = arith.constant 1 : i32
      "tpu.region"() ({
        %run_scoped3A_326 = tpu.sem_alloc : memref<!tpu.dma_semaphore, #tpu.memory_space<semaphore_mem>>
        %dma_start3A_327 = arith.constant 0 : i32
        %dma_start3A_328 = arith.constant 0 : i32
        %dma_start3A_329 = tpu.memref_slice %arg9[%run_scoped3A_154, %dma_start3A_327, %dma_start3A_328] : memref<8x128x32xf32, #tpu.memory_space<vmem>> -> memref<1x128x32xf32, #tpu.memory_space<vmem>>
        %dma_start3A_330 = tpu.memref_squeeze %dma_start3A_329 : memref<1x128x32xf32, #tpu.memory_space<vmem>> -> memref<128x32xf32, #tpu.memory_space<vmem>>
        %dma_start3A_331 = arith.constant 0 : i32
        %dma_start3A_332 = tpu.memref_slice %arg8[%add3A_153, %dma_start3A_331] : memref<80x128xi32, #tpu.memory_space<vmem>> -> memref<1x128xi32, #tpu.memory_space<vmem>>
        %dma_start3A_333 = tpu.memref_squeeze %dma_start3A_332 : memref<1x128xi32, #tpu.memory_space<vmem>> -> memref<128xi32, #tpu.memory_space<vmem>>
        %dma_start3A_334 = arith.constant 0 : i32
        %dma_start3A_335 = arith.constant 0 : i32
        %dma_start3A_336 = tpu.memref_slice %arg10[%dma_start3A_334, %dma_start3A_335] : memref<10112x32xf32, #tpu.memory_space<vmem_shared>> -> memref<10112x32xf32, #tpu.memory_space<vmem_shared>>
        tpu.enqueue_indirect_dma source(%dma_start3A_330 : memref<128x32xf32, #tpu.memory_space<vmem>>) target(%dma_start3A_336 : memref<10112x32xf32, #tpu.memory_space<vmem_shared>>) offsets(%dma_start3A_333 : memref<128xi32, #tpu.memory_space<vmem>>) semaphore(%run_scoped3A_326 : memref<!tpu.dma_semaphore, #tpu.memory_space<semaphore_mem>>) {add = true}
        %dma_wait3A_337 = arith.constant 0 : i32
        %dma_wait3A_338 = arith.constant 0 : i32
        %dma_wait3A_339 = tpu.memref_slice %arg9[%run_scoped3A_154, %dma_wait3A_337, %dma_wait3A_338] : memref<8x128x32xf32, #tpu.memory_space<vmem>> -> memref<1x128x32xf32, #tpu.memory_space<vmem>>
        %dma_wait3A_340 = tpu.memref_squeeze %dma_wait3A_339 : memref<1x128x32xf32, #tpu.memory_space<vmem>> -> memref<128x32xf32, #tpu.memory_space<vmem>>
        %dma_wait3A_341 = arith.constant 0 : i32
        %dma_wait3A_342 = tpu.memref_slice %arg8[%add3A_153, %dma_wait3A_341] : memref<80x128xi32, #tpu.memory_space<vmem>> -> memref<1x128xi32, #tpu.memory_space<vmem>>
        %dma_wait3A_343 = tpu.memref_squeeze %dma_wait3A_342 : memref<1x128xi32, #tpu.memory_space<vmem>> -> memref<128xi32, #tpu.memory_space<vmem>>
        %dma_wait3A_344 = arith.constant 0 : i32
        %dma_wait3A_345 = arith.constant 0 : i32
        %dma_wait3A_346 = tpu.memref_slice %arg10[%dma_wait3A_344, %dma_wait3A_345] : memref<10112x32xf32, #tpu.memory_space<vmem_shared>> -> memref<10112x32xf32, #tpu.memory_space<vmem_shared>>
        tpu.wait_indirect_dma semaphore(%run_scoped3A_326 : memref<!tpu.dma_semaphore, #tpu.memory_space<semaphore_mem>>) src(%dma_wait3A_340 : memref<128x32xf32, #tpu.memory_space<vmem>>) dst(%dma_wait3A_346 : memref<10112x32xf32, #tpu.memory_space<vmem_shared>>)
        tpu.yield
      }) : () -> ()
      %add3A_155 = arith.constant 1 : i32
      %add3A_156 = arith.addi %add3A_114, %add3A_155 : i32
      %add3A_157 = arith.constant 8 : i32
      %add3A_158 = arith.addi %add3A_156, %add3A_157 : i32
      %lt3A_159 = arith.constant 80 : i32
      %lt3A_160 = arith.cmpi slt, %add3A_158, %lt3A_159 : i32
      %convert_element_type3A_161 = arith.extui %lt3A_160 : i1 to i32
      %cond3A_162 = arith.constant 0 : i32
      %cond3A_163 = arith.cmpi ne, %convert_element_type3A_161, %cond3A_162 : i32
      scf.if %cond3A_163 {
        %add3A_326 = arith.constant 1 : i32
        %add3A_327 = arith.addi %add3A_114, %add3A_326 : i32
        %add3A_328 = arith.constant 8 : i32
        %add3A_329 = arith.addi %add3A_327, %add3A_328 : i32
        %dma_start3A_330 = arith.constant 1 : i32
        %dma_start3A_331 = arith.constant 0 : i32
        %dma_start3A_332 = arith.constant 0 : i32
        %dma_start3A_333 = tpu.memref_slice %arg9[%dma_start3A_330, %dma_start3A_331, %dma_start3A_332] : memref<8x128x32xf32, #tpu.memory_space<vmem>> -> memref<1x128x32xf32, #tpu.memory_space<vmem>>
        %dma_start3A_334 = tpu.memref_squeeze %dma_start3A_333 : memref<1x128x32xf32, #tpu.memory_space<vmem>> -> memref<128x32xf32, #tpu.memory_space<vmem>>
        %dma_start3A_335 = arith.constant 0 : i32
        %dma_start3A_336 = tpu.memref_slice %arg7[%add3A_329, %dma_start3A_335] : memref<80x128xi32, #tpu.memory_space<vmem>> -> memref<1x128xi32, #tpu.memory_space<vmem>>
        %dma_start3A_337 = tpu.memref_squeeze %dma_start3A_336 : memref<1x128xi32, #tpu.memory_space<vmem>> -> memref<128xi32, #tpu.memory_space<vmem>>
        %dma_start3A_338 = arith.constant 0 : i32
        %dma_start3A_339 = arith.constant 0 : i32
        %dma_start3A_340 = tpu.memref_slice %arg2[%dma_start3A_338, %dma_start3A_339] : memref<10112x32xf32, #tpu.memory_space<hbm>> -> memref<10112x32xf32, #tpu.memory_space<hbm>>
        tpu.enqueue_indirect_dma source(%dma_start3A_340 : memref<10112x32xf32, #tpu.memory_space<hbm>>) target(%dma_start3A_334 : memref<128x32xf32, #tpu.memory_space<vmem>>) offsets(%dma_start3A_337 : memref<128xi32, #tpu.memory_space<vmem>>) semaphore(%arg11 : memref<!tpu.dma_semaphore, #tpu.memory_space<semaphore_mem>>)
      } else {
      }
      %dma_wait3A_164 = arith.constant 2 : i32
      %dma_wait3A_165 = arith.constant 0 : i32
      %dma_wait3A_166 = arith.constant 0 : i32
      %dma_wait3A_167 = tpu.memref_slice %arg9[%dma_wait3A_164, %dma_wait3A_165, %dma_wait3A_166] : memref<8x128x32xf32, #tpu.memory_space<vmem>> -> memref<1x128x32xf32, #tpu.memory_space<vmem>>
      %dma_wait3A_168 = tpu.memref_squeeze %dma_wait3A_167 : memref<1x128x32xf32, #tpu.memory_space<vmem>> -> memref<128x32xf32, #tpu.memory_space<vmem>>
      %dma_wait3A_169 = arith.constant 0 : i32
      %dma_wait3A_170 = arith.constant 0 : i32
      %dma_wait3A_171 = tpu.memref_slice %arg2[%dma_wait3A_169, %dma_wait3A_170] : memref<10112x32xf32, #tpu.memory_space<hbm>> -> memref<128x32xf32, #tpu.memory_space<hbm>>
      %dma_wait3A_172 = arith.constant 0 : i32
      %dma_wait3A_173 = arith.constant 0 : i32
      %dma_wait3A_174 = tpu.memref_slice %arg9[%dma_wait3A_164, %dma_wait3A_172, %dma_wait3A_173] : memref<8x128x32xf32, #tpu.memory_space<vmem>> -> memref<1x128x32xf32, #tpu.memory_space<vmem>>
      %dma_wait3A_175 = tpu.memref_squeeze %dma_wait3A_174 : memref<1x128x32xf32, #tpu.memory_space<vmem>> -> memref<128x32xf32, #tpu.memory_space<vmem>>
      %dma_wait3A_176 = arith.constant 0 : i32
      %dma_wait3A_177 = arith.constant 0 : i32
      %dma_wait3A_178 = tpu.memref_slice %arg2[%dma_wait3A_176, %dma_wait3A_177] : memref<10112x32xf32, #tpu.memory_space<hbm>> -> memref<128x32xf32, #tpu.memory_space<hbm>>
      tpu.wait_dma2 semaphore(%arg11 : memref<!tpu.dma_semaphore, #tpu.memory_space<semaphore_mem>>) src(%dma_wait3A_178 : memref<128x32xf32, #tpu.memory_space<hbm>>) dst(%dma_wait3A_175 : memref<128x32xf32, #tpu.memory_space<vmem>>)
      %add3A_179 = arith.constant 2 : i32
      %add3A_180 = arith.addi %add3A_114, %add3A_179 : i32
      %run_scoped3A_181 = arith.constant 2 : i32
      "tpu.region"() ({
        %run_scoped3A_326 = tpu.sem_alloc : memref<!tpu.dma_semaphore, #tpu.memory_space<semaphore_mem>>
        %dma_start3A_327 = arith.constant 0 : i32
        %dma_start3A_328 = arith.constant 0 : i32
        %dma_start3A_329 = tpu.memref_slice %arg9[%run_scoped3A_181, %dma_start3A_327, %dma_start3A_328] : memref<8x128x32xf32, #tpu.memory_space<vmem>> -> memref<1x128x32xf32, #tpu.memory_space<vmem>>
        %dma_start3A_330 = tpu.memref_squeeze %dma_start3A_329 : memref<1x128x32xf32, #tpu.memory_space<vmem>> -> memref<128x32xf32, #tpu.memory_space<vmem>>
        %dma_start3A_331 = arith.constant 0 : i32
        %dma_start3A_332 = tpu.memref_slice %arg8[%add3A_180, %dma_start3A_331] : memref<80x128xi32, #tpu.memory_space<vmem>> -> memref<1x128xi32, #tpu.memory_space<vmem>>
        %dma_start3A_333 = tpu.memref_squeeze %dma_start3A_332 : memref<1x128xi32, #tpu.memory_space<vmem>> -> memref<128xi32, #tpu.memory_space<vmem>>
        %dma_start3A_334 = arith.constant 0 : i32
        %dma_start3A_335 = arith.constant 0 : i32
        %dma_start3A_336 = tpu.memref_slice %arg10[%dma_start3A_334, %dma_start3A_335] : memref<10112x32xf32, #tpu.memory_space<vmem_shared>> -> memref<10112x32xf32, #tpu.memory_space<vmem_shared>>
        tpu.enqueue_indirect_dma source(%dma_start3A_330 : memref<128x32xf32, #tpu.memory_space<vmem>>) target(%dma_start3A_336 : memref<10112x32xf32, #tpu.memory_space<vmem_shared>>) offsets(%dma_start3A_333 : memref<128xi32, #tpu.memory_space<vmem>>) semaphore(%run_scoped3A_326 : memref<!tpu.dma_semaphore, #tpu.memory_space<semaphore_mem>>) {add = true}
        %dma_wait3A_337 = arith.constant 0 : i32
        %dma_wait3A_338 = arith.constant 0 : i32
        %dma_wait3A_339 = tpu.memref_slice %arg9[%run_scoped3A_181, %dma_wait3A_337, %dma_wait3A_338] : memref<8x128x32xf32, #tpu.memory_space<vmem>> -> memref<1x128x32xf32, #tpu.memory_space<vmem>>
        %dma_wait3A_340 = tpu.memref_squeeze %dma_wait3A_339 : memref<1x128x32xf32, #tpu.memory_space<vmem>> -> memref<128x32xf32, #tpu.memory_space<vmem>>
        %dma_wait3A_341 = arith.constant 0 : i32
        %dma_wait3A_342 = tpu.memref_slice %arg8[%add3A_180, %dma_wait3A_341] : memref<80x128xi32, #tpu.memory_space<vmem>> -> memref<1x128xi32, #tpu.memory_space<vmem>>
        %dma_wait3A_343 = tpu.memref_squeeze %dma_wait3A_342 : memref<1x128xi32, #tpu.memory_space<vmem>> -> memref<128xi32, #tpu.memory_space<vmem>>
        %dma_wait3A_344 = arith.constant 0 : i32
        %dma_wait3A_345 = arith.constant 0 : i32
        %dma_wait3A_346 = tpu.memref_slice %arg10[%dma_wait3A_344, %dma_wait3A_345] : memref<10112x32xf32, #tpu.memory_space<vmem_shared>> -> memref<10112x32xf32, #tpu.memory_space<vmem_shared>>
        tpu.wait_indirect_dma semaphore(%run_scoped3A_326 : memref<!tpu.dma_semaphore, #tpu.memory_space<semaphore_mem>>) src(%dma_wait3A_340 : memref<128x32xf32, #tpu.memory_space<vmem>>) dst(%dma_wait3A_346 : memref<10112x32xf32, #tpu.memory_space<vmem_shared>>)
        tpu.yield
      }) : () -> ()
      %add3A_182 = arith.constant 2 : i32
      %add3A_183 = arith.addi %add3A_114, %add3A_182 : i32
      %add3A_184 = arith.constant 8 : i32
      %add3A_185 = arith.addi %add3A_183, %add3A_184 : i32
      %lt3A_186 = arith.constant 80 : i32
      %lt3A_187 = arith.cmpi slt, %add3A_185, %lt3A_186 : i32
      %convert_element_type3A_188 = arith.extui %lt3A_187 : i1 to i32
      %cond3A_189 = arith.constant 0 : i32
      %cond3A_190 = arith.cmpi ne, %convert_element_type3A_188, %cond3A_189 : i32
      scf.if %cond3A_190 {
        %add3A_326 = arith.constant 2 : i32
        %add3A_327 = arith.addi %add3A_114, %add3A_326 : i32
        %add3A_328 = arith.constant 8 : i32
        %add3A_329 = arith.addi %add3A_327, %add3A_328 : i32
        %dma_start3A_330 = arith.constant 2 : i32
        %dma_start3A_331 = arith.constant 0 : i32
        %dma_start3A_332 = arith.constant 0 : i32
        %dma_start3A_333 = tpu.memref_slice %arg9[%dma_start3A_330, %dma_start3A_331, %dma_start3A_332] : memref<8x128x32xf32, #tpu.memory_space<vmem>> -> memref<1x128x32xf32, #tpu.memory_space<vmem>>
        %dma_start3A_334 = tpu.memref_squeeze %dma_start3A_333 : memref<1x128x32xf32, #tpu.memory_space<vmem>> -> memref<128x32xf32, #tpu.memory_space<vmem>>
        %dma_start3A_335 = arith.constant 0 : i32
        %dma_start3A_336 = tpu.memref_slice %arg7[%add3A_329, %dma_start3A_335] : memref<80x128xi32, #tpu.memory_space<vmem>> -> memref<1x128xi32, #tpu.memory_space<vmem>>
        %dma_start3A_337 = tpu.memref_squeeze %dma_start3A_336 : memref<1x128xi32, #tpu.memory_space<vmem>> -> memref<128xi32, #tpu.memory_space<vmem>>
        %dma_start3A_338 = arith.constant 0 : i32
        %dma_start3A_339 = arith.constant 0 : i32
        %dma_start3A_340 = tpu.memref_slice %arg2[%dma_start3A_338, %dma_start3A_339] : memref<10112x32xf32, #tpu.memory_space<hbm>> -> memref<10112x32xf32, #tpu.memory_space<hbm>>
        tpu.enqueue_indirect_dma source(%dma_start3A_340 : memref<10112x32xf32, #tpu.memory_space<hbm>>) target(%dma_start3A_334 : memref<128x32xf32, #tpu.memory_space<vmem>>) offsets(%dma_start3A_337 : memref<128xi32, #tpu.memory_space<vmem>>) semaphore(%arg11 : memref<!tpu.dma_semaphore, #tpu.memory_space<semaphore_mem>>)
      } else {
      }
      %dma_wait3A_191 = arith.constant 3 : i32
      %dma_wait3A_192 = arith.constant 0 : i32
      %dma_wait3A_193 = arith.constant 0 : i32
      %dma_wait3A_194 = tpu.memref_slice %arg9[%dma_wait3A_191, %dma_wait3A_192, %dma_wait3A_193] : memref<8x128x32xf32, #tpu.memory_space<vmem>> -> memref<1x128x32xf32, #tpu.memory_space<vmem>>
      %dma_wait3A_195 = tpu.memref_squeeze %dma_wait3A_194 : memref<1x128x32xf32, #tpu.memory_space<vmem>> -> memref<128x32xf32, #tpu.memory_space<vmem>>
      %dma_wait3A_196 = arith.constant 0 : i32
      %dma_wait3A_197 = arith.constant 0 : i32
      %dma_wait3A_198 = tpu.memref_slice %arg2[%dma_wait3A_196, %dma_wait3A_197] : memref<10112x32xf32, #tpu.memory_space<hbm>> -> memref<128x32xf32, #tpu.memory_space<hbm>>
      %dma_wait3A_199 = arith.constant 0 : i32
      %dma_wait3A_200 = arith.constant 0 : i32
      %dma_wait3A_201 = tpu.memref_slice %arg9[%dma_wait3A_191, %dma_wait3A_199, %dma_wait3A_200] : memref<8x128x32xf32, #tpu.memory_space<vmem>> -> memref<1x128x32xf32, #tpu.memory_space<vmem>>
      %dma_wait3A_202 = tpu.memref_squeeze %dma_wait3A_201 : memref<1x128x32xf32, #tpu.memory_space<vmem>> -> memref<128x32xf32, #tpu.memory_space<vmem>>
      %dma_wait3A_203 = arith.constant 0 : i32
      %dma_wait3A_204 = arith.constant 0 : i32
      %dma_wait3A_205 = tpu.memref_slice %arg2[%dma_wait3A_203, %dma_wait3A_204] : memref<10112x32xf32, #tpu.memory_space<hbm>> -> memref<128x32xf32, #tpu.memory_space<hbm>>
      tpu.wait_dma2 semaphore(%arg11 : memref<!tpu.dma_semaphore, #tpu.memory_space<semaphore_mem>>) src(%dma_wait3A_205 : memref<128x32xf32, #tpu.memory_space<hbm>>) dst(%dma_wait3A_202 : memref<128x32xf32, #tpu.memory_space<vmem>>)
      %add3A_206 = arith.constant 3 : i32
      %add3A_207 = arith.addi %add3A_114, %add3A_206 : i32
      %run_scoped3A_208 = arith.constant 3 : i32
      "tpu.region"() ({
        %run_scoped3A_326 = tpu.sem_alloc : memref<!tpu.dma_semaphore, #tpu.memory_space<semaphore_mem>>
        %dma_start3A_327 = arith.constant 0 : i32
        %dma_start3A_328 = arith.constant 0 : i32
        %dma_start3A_329 = tpu.memref_slice %arg9[%run_scoped3A_208, %dma_start3A_327, %dma_start3A_328] : memref<8x128x32xf32, #tpu.memory_space<vmem>> -> memref<1x128x32xf32, #tpu.memory_space<vmem>>
        %dma_start3A_330 = tpu.memref_squeeze %dma_start3A_329 : memref<1x128x32xf32, #tpu.memory_space<vmem>> -> memref<128x32xf32, #tpu.memory_space<vmem>>
        %dma_start3A_331 = arith.constant 0 : i32
        %dma_start3A_332 = tpu.memref_slice %arg8[%add3A_207, %dma_start3A_331] : memref<80x128xi32, #tpu.memory_space<vmem>> -> memref<1x128xi32, #tpu.memory_space<vmem>>
        %dma_start3A_333 = tpu.memref_squeeze %dma_start3A_332 : memref<1x128xi32, #tpu.memory_space<vmem>> -> memref<128xi32, #tpu.memory_space<vmem>>
        %dma_start3A_334 = arith.constant 0 : i32
        %dma_start3A_335 = arith.constant 0 : i32
        %dma_start3A_336 = tpu.memref_slice %arg10[%dma_start3A_334, %dma_start3A_335] : memref<10112x32xf32, #tpu.memory_space<vmem_shared>> -> memref<10112x32xf32, #tpu.memory_space<vmem_shared>>
        tpu.enqueue_indirect_dma source(%dma_start3A_330 : memref<128x32xf32, #tpu.memory_space<vmem>>) target(%dma_start3A_336 : memref<10112x32xf32, #tpu.memory_space<vmem_shared>>) offsets(%dma_start3A_333 : memref<128xi32, #tpu.memory_space<vmem>>) semaphore(%run_scoped3A_326 : memref<!tpu.dma_semaphore, #tpu.memory_space<semaphore_mem>>) {add = true}
        %dma_wait3A_337 = arith.constant 0 : i32
        %dma_wait3A_338 = arith.constant 0 : i32
        %dma_wait3A_339 = tpu.memref_slice %arg9[%run_scoped3A_208, %dma_wait3A_337, %dma_wait3A_338] : memref<8x128x32xf32, #tpu.memory_space<vmem>> -> memref<1x128x32xf32, #tpu.memory_space<vmem>>
        %dma_wait3A_340 = tpu.memref_squeeze %dma_wait3A_339 : memref<1x128x32xf32, #tpu.memory_space<vmem>> -> memref<128x32xf32, #tpu.memory_space<vmem>>
        %dma_wait3A_341 = arith.constant 0 : i32
        %dma_wait3A_342 = tpu.memref_slice %arg8[%add3A_207, %dma_wait3A_341] : memref<80x128xi32, #tpu.memory_space<vmem>> -> memref<1x128xi32, #tpu.memory_space<vmem>>
        %dma_wait3A_343 = tpu.memref_squeeze %dma_wait3A_342 : memref<1x128xi32, #tpu.memory_space<vmem>> -> memref<128xi32, #tpu.memory_space<vmem>>
        %dma_wait3A_344 = arith.constant 0 : i32
        %dma_wait3A_345 = arith.constant 0 : i32
        %dma_wait3A_346 = tpu.memref_slice %arg10[%dma_wait3A_344, %dma_wait3A_345] : memref<10112x32xf32, #tpu.memory_space<vmem_shared>> -> memref<10112x32xf32, #tpu.memory_space<vmem_shared>>
        tpu.wait_indirect_dma semaphore(%run_scoped3A_326 : memref<!tpu.dma_semaphore, #tpu.memory_space<semaphore_mem>>) src(%dma_wait3A_340 : memref<128x32xf32, #tpu.memory_space<vmem>>) dst(%dma_wait3A_346 : memref<10112x32xf32, #tpu.memory_space<vmem_shared>>)
        tpu.yield
      }) : () -> ()
      %add3A_209 = arith.constant 3 : i32
      %add3A_210 = arith.addi %add3A_114, %add3A_209 : i32
      %add3A_211 = arith.constant 8 : i32
      %add3A_212 = arith.addi %add3A_210, %add3A_211 : i32
      %lt3A_213 = arith.constant 80 : i32
      %lt3A_214 = arith.cmpi slt, %add3A_212, %lt3A_213 : i32
      %convert_element_type3A_215 = arith.extui %lt3A_214 : i1 to i32
      %cond3A_216 = arith.constant 0 : i32
      %cond3A_217 = arith.cmpi ne, %convert_element_type3A_215, %cond3A_216 : i32
      scf.if %cond3A_217 {
        %add3A_326 = arith.constant 3 : i32
        %add3A_327 = arith.addi %add3A_114, %add3A_326 : i32
        %add3A_328 = arith.constant 8 : i32
        %add3A_329 = arith.addi %add3A_327, %add3A_328 : i32
        %dma_start3A_330 = arith.constant 3 : i32
        %dma_start3A_331 = arith.constant 0 : i32
        %dma_start3A_332 = arith.constant 0 : i32
        %dma_start3A_333 = tpu.memref_slice %arg9[%dma_start3A_330, %dma_start3A_331, %dma_start3A_332] : memref<8x128x32xf32, #tpu.memory_space<vmem>> -> memref<1x128x32xf32, #tpu.memory_space<vmem>>
        %dma_start3A_334 = tpu.memref_squeeze %dma_start3A_333 : memref<1x128x32xf32, #tpu.memory_space<vmem>> -> memref<128x32xf32, #tpu.memory_space<vmem>>
        %dma_start3A_335 = arith.constant 0 : i32
        %dma_start3A_336 = tpu.memref_slice %arg7[%add3A_329, %dma_start3A_335] : memref<80x128xi32, #tpu.memory_space<vmem>> -> memref<1x128xi32, #tpu.memory_space<vmem>>
        %dma_start3A_337 = tpu.memref_squeeze %dma_start3A_336 : memref<1x128xi32, #tpu.memory_space<vmem>> -> memref<128xi32, #tpu.memory_space<vmem>>
        %dma_start3A_338 = arith.constant 0 : i32
        %dma_start3A_339 = arith.constant 0 : i32
        %dma_start3A_340 = tpu.memref_slice %arg2[%dma_start3A_338, %dma_start3A_339] : memref<10112x32xf32, #tpu.memory_space<hbm>> -> memref<10112x32xf32, #tpu.memory_space<hbm>>
        tpu.enqueue_indirect_dma source(%dma_start3A_340 : memref<10112x32xf32, #tpu.memory_space<hbm>>) target(%dma_start3A_334 : memref<128x32xf32, #tpu.memory_space<vmem>>) offsets(%dma_start3A_337 : memref<128xi32, #tpu.memory_space<vmem>>) semaphore(%arg11 : memref<!tpu.dma_semaphore, #tpu.memory_space<semaphore_mem>>)
      } else {
      }
      %dma_wait3A_218 = arith.constant 4 : i32
      %dma_wait3A_219 = arith.constant 0 : i32
      %dma_wait3A_220 = arith.constant 0 : i32
      %dma_wait3A_221 = tpu.memref_slice %arg9[%dma_wait3A_218, %dma_wait3A_219, %dma_wait3A_220] : memref<8x128x32xf32, #tpu.memory_space<vmem>> -> memref<1x128x32xf32, #tpu.memory_space<vmem>>
      %dma_wait3A_222 = tpu.memref_squeeze %dma_wait3A_221 : memref<1x128x32xf32, #tpu.memory_space<vmem>> -> memref<128x32xf32, #tpu.memory_space<vmem>>
      %dma_wait3A_223 = arith.constant 0 : i32
      %dma_wait3A_224 = arith.constant 0 : i32
      %dma_wait3A_225 = tpu.memref_slice %arg2[%dma_wait3A_223, %dma_wait3A_224] : memref<10112x32xf32, #tpu.memory_space<hbm>> -> memref<128x32xf32, #tpu.memory_space<hbm>>
      %dma_wait3A_226 = arith.constant 0 : i32
      %dma_wait3A_227 = arith.constant 0 : i32
      %dma_wait3A_228 = tpu.memref_slice %arg9[%dma_wait3A_218, %dma_wait3A_226, %dma_wait3A_227] : memref<8x128x32xf32, #tpu.memory_space<vmem>> -> memref<1x128x32xf32, #tpu.memory_space<vmem>>
      %dma_wait3A_229 = tpu.memref_squeeze %dma_wait3A_228 : memref<1x128x32xf32, #tpu.memory_space<vmem>> -> memref<128x32xf32, #tpu.memory_space<vmem>>
      %dma_wait3A_230 = arith.constant 0 : i32
      %dma_wait3A_231 = arith.constant 0 : i32
      %dma_wait3A_232 = tpu.memref_slice %arg2[%dma_wait3A_230, %dma_wait3A_231] : memref<10112x32xf32, #tpu.memory_space<hbm>> -> memref<128x32xf32, #tpu.memory_space<hbm>>
      tpu.wait_dma2 semaphore(%arg11 : memref<!tpu.dma_semaphore, #tpu.memory_space<semaphore_mem>>) src(%dma_wait3A_232 : memref<128x32xf32, #tpu.memory_space<hbm>>) dst(%dma_wait3A_229 : memref<128x32xf32, #tpu.memory_space<vmem>>)
      %add3A_233 = arith.constant 4 : i32
      %add3A_234 = arith.addi %add3A_114, %add3A_233 : i32
      %run_scoped3A_235 = arith.constant 4 : i32
      "tpu.region"() ({
        %run_scoped3A_326 = tpu.sem_alloc : memref<!tpu.dma_semaphore, #tpu.memory_space<semaphore_mem>>
        %dma_start3A_327 = arith.constant 0 : i32
        %dma_start3A_328 = arith.constant 0 : i32
        %dma_start3A_329 = tpu.memref_slice %arg9[%run_scoped3A_235, %dma_start3A_327, %dma_start3A_328] : memref<8x128x32xf32, #tpu.memory_space<vmem>> -> memref<1x128x32xf32, #tpu.memory_space<vmem>>
        %dma_start3A_330 = tpu.memref_squeeze %dma_start3A_329 : memref<1x128x32xf32, #tpu.memory_space<vmem>> -> memref<128x32xf32, #tpu.memory_space<vmem>>
        %dma_start3A_331 = arith.constant 0 : i32
        %dma_start3A_332 = tpu.memref_slice %arg8[%add3A_234, %dma_start3A_331] : memref<80x128xi32, #tpu.memory_space<vmem>> -> memref<1x128xi32, #tpu.memory_space<vmem>>
        %dma_start3A_333 = tpu.memref_squeeze %dma_start3A_332 : memref<1x128xi32, #tpu.memory_space<vmem>> -> memref<128xi32, #tpu.memory_space<vmem>>
        %dma_start3A_334 = arith.constant 0 : i32
        %dma_start3A_335 = arith.constant 0 : i32
        %dma_start3A_336 = tpu.memref_slice %arg10[%dma_start3A_334, %dma_start3A_335] : memref<10112x32xf32, #tpu.memory_space<vmem_shared>> -> memref<10112x32xf32, #tpu.memory_space<vmem_shared>>
        tpu.enqueue_indirect_dma source(%dma_start3A_330 : memref<128x32xf32, #tpu.memory_space<vmem>>) target(%dma_start3A_336 : memref<10112x32xf32, #tpu.memory_space<vmem_shared>>) offsets(%dma_start3A_333 : memref<128xi32, #tpu.memory_space<vmem>>) semaphore(%run_scoped3A_326 : memref<!tpu.dma_semaphore, #tpu.memory_space<semaphore_mem>>) {add = true}
        %dma_wait3A_337 = arith.constant 0 : i32
        %dma_wait3A_338 = arith.constant 0 : i32
        %dma_wait3A_339 = tpu.memref_slice %arg9[%run_scoped3A_235, %dma_wait3A_337, %dma_wait3A_338] : memref<8x128x32xf32, #tpu.memory_space<vmem>> -> memref<1x128x32xf32, #tpu.memory_space<vmem>>
        %dma_wait3A_340 = tpu.memref_squeeze %dma_wait3A_339 : memref<1x128x32xf32, #tpu.memory_space<vmem>> -> memref<128x32xf32, #tpu.memory_space<vmem>>
        %dma_wait3A_341 = arith.constant 0 : i32
        %dma_wait3A_342 = tpu.memref_slice %arg8[%add3A_234, %dma_wait3A_341] : memref<80x128xi32, #tpu.memory_space<vmem>> -> memref<1x128xi32, #tpu.memory_space<vmem>>
        %dma_wait3A_343 = tpu.memref_squeeze %dma_wait3A_342 : memref<1x128xi32, #tpu.memory_space<vmem>> -> memref<128xi32, #tpu.memory_space<vmem>>
        %dma_wait3A_344 = arith.constant 0 : i32
        %dma_wait3A_345 = arith.constant 0 : i32
        %dma_wait3A_346 = tpu.memref_slice %arg10[%dma_wait3A_344, %dma_wait3A_345] : memref<10112x32xf32, #tpu.memory_space<vmem_shared>> -> memref<10112x32xf32, #tpu.memory_space<vmem_shared>>
        tpu.wait_indirect_dma semaphore(%run_scoped3A_326 : memref<!tpu.dma_semaphore, #tpu.memory_space<semaphore_mem>>) src(%dma_wait3A_340 : memref<128x32xf32, #tpu.memory_space<vmem>>) dst(%dma_wait3A_346 : memref<10112x32xf32, #tpu.memory_space<vmem_shared>>)
        tpu.yield
      }) : () -> ()
      %add3A_236 = arith.constant 4 : i32
      %add3A_237 = arith.addi %add3A_114, %add3A_236 : i32
      %add3A_238 = arith.constant 8 : i32
      %add3A_239 = arith.addi %add3A_237, %add3A_238 : i32
      %lt3A_240 = arith.constant 80 : i32
      %lt3A_241 = arith.cmpi slt, %add3A_239, %lt3A_240 : i32
      %convert_element_type3A_242 = arith.extui %lt3A_241 : i1 to i32
      %cond3A_243 = arith.constant 0 : i32
      %cond3A_244 = arith.cmpi ne, %convert_element_type3A_242, %cond3A_243 : i32
      scf.if %cond3A_244 {
        %add3A_326 = arith.constant 4 : i32
        %add3A_327 = arith.addi %add3A_114, %add3A_326 : i32
        %add3A_328 = arith.constant 8 : i32
        %add3A_329 = arith.addi %add3A_327, %add3A_328 : i32
        %dma_start3A_330 = arith.constant 4 : i32
        %dma_start3A_331 = arith.constant 0 : i32
        %dma_start3A_332 = arith.constant 0 : i32
        %dma_start3A_333 = tpu.memref_slice %arg9[%dma_start3A_330, %dma_start3A_331, %dma_start3A_332] : memref<8x128x32xf32, #tpu.memory_space<vmem>> -> memref<1x128x32xf32, #tpu.memory_space<vmem>>
        %dma_start3A_334 = tpu.memref_squeeze %dma_start3A_333 : memref<1x128x32xf32, #tpu.memory_space<vmem>> -> memref<128x32xf32, #tpu.memory_space<vmem>>
        %dma_start3A_335 = arith.constant 0 : i32
        %dma_start3A_336 = tpu.memref_slice %arg7[%add3A_329, %dma_start3A_335] : memref<80x128xi32, #tpu.memory_space<vmem>> -> memref<1x128xi32, #tpu.memory_space<vmem>>
        %dma_start3A_337 = tpu.memref_squeeze %dma_start3A_336 : memref<1x128xi32, #tpu.memory_space<vmem>> -> memref<128xi32, #tpu.memory_space<vmem>>
        %dma_start3A_338 = arith.constant 0 : i32
        %dma_start3A_339 = arith.constant 0 : i32
        %dma_start3A_340 = tpu.memref_slice %arg2[%dma_start3A_338, %dma_start3A_339] : memref<10112x32xf32, #tpu.memory_space<hbm>> -> memref<10112x32xf32, #tpu.memory_space<hbm>>
        tpu.enqueue_indirect_dma source(%dma_start3A_340 : memref<10112x32xf32, #tpu.memory_space<hbm>>) target(%dma_start3A_334 : memref<128x32xf32, #tpu.memory_space<vmem>>) offsets(%dma_start3A_337 : memref<128xi32, #tpu.memory_space<vmem>>) semaphore(%arg11 : memref<!tpu.dma_semaphore, #tpu.memory_space<semaphore_mem>>)
      } else {
      }
      %dma_wait3A_245 = arith.constant 5 : i32
      %dma_wait3A_246 = arith.constant 0 : i32
      %dma_wait3A_247 = arith.constant 0 : i32
      %dma_wait3A_248 = tpu.memref_slice %arg9[%dma_wait3A_245, %dma_wait3A_246, %dma_wait3A_247] : memref<8x128x32xf32, #tpu.memory_space<vmem>> -> memref<1x128x32xf32, #tpu.memory_space<vmem>>
      %dma_wait3A_249 = tpu.memref_squeeze %dma_wait3A_248 : memref<1x128x32xf32, #tpu.memory_space<vmem>> -> memref<128x32xf32, #tpu.memory_space<vmem>>
      %dma_wait3A_250 = arith.constant 0 : i32
      %dma_wait3A_251 = arith.constant 0 : i32
      %dma_wait3A_252 = tpu.memref_slice %arg2[%dma_wait3A_250, %dma_wait3A_251] : memref<10112x32xf32, #tpu.memory_space<hbm>> -> memref<128x32xf32, #tpu.memory_space<hbm>>
      %dma_wait3A_253 = arith.constant 0 : i32
      %dma_wait3A_254 = arith.constant 0 : i32
      %dma_wait3A_255 = tpu.memref_slice %arg9[%dma_wait3A_245, %dma_wait3A_253, %dma_wait3A_254] : memref<8x128x32xf32, #tpu.memory_space<vmem>> -> memref<1x128x32xf32, #tpu.memory_space<vmem>>
      %dma_wait3A_256 = tpu.memref_squeeze %dma_wait3A_255 : memref<1x128x32xf32, #tpu.memory_space<vmem>> -> memref<128x32xf32, #tpu.memory_space<vmem>>
      %dma_wait3A_257 = arith.constant 0 : i32
      %dma_wait3A_258 = arith.constant 0 : i32
      %dma_wait3A_259 = tpu.memref_slice %arg2[%dma_wait3A_257, %dma_wait3A_258] : memref<10112x32xf32, #tpu.memory_space<hbm>> -> memref<128x32xf32, #tpu.memory_space<hbm>>
      tpu.wait_dma2 semaphore(%arg11 : memref<!tpu.dma_semaphore, #tpu.memory_space<semaphore_mem>>) src(%dma_wait3A_259 : memref<128x32xf32, #tpu.memory_space<hbm>>) dst(%dma_wait3A_256 : memref<128x32xf32, #tpu.memory_space<vmem>>)
      %add3A_260 = arith.constant 5 : i32
      %add3A_261 = arith.addi %add3A_114, %add3A_260 : i32
      %run_scoped3A_262 = arith.constant 5 : i32
      "tpu.region"() ({
        %run_scoped3A_326 = tpu.sem_alloc : memref<!tpu.dma_semaphore, #tpu.memory_space<semaphore_mem>>
        %dma_start3A_327 = arith.constant 0 : i32
        %dma_start3A_328 = arith.constant 0 : i32
        %dma_start3A_329 = tpu.memref_slice %arg9[%run_scoped3A_262, %dma_start3A_327, %dma_start3A_328] : memref<8x128x32xf32, #tpu.memory_space<vmem>> -> memref<1x128x32xf32, #tpu.memory_space<vmem>>
        %dma_start3A_330 = tpu.memref_squeeze %dma_start3A_329 : memref<1x128x32xf32, #tpu.memory_space<vmem>> -> memref<128x32xf32, #tpu.memory_space<vmem>>
        %dma_start3A_331 = arith.constant 0 : i32
        %dma_start3A_332 = tpu.memref_slice %arg8[%add3A_261, %dma_start3A_331] : memref<80x128xi32, #tpu.memory_space<vmem>> -> memref<1x128xi32, #tpu.memory_space<vmem>>
        %dma_start3A_333 = tpu.memref_squeeze %dma_start3A_332 : memref<1x128xi32, #tpu.memory_space<vmem>> -> memref<128xi32, #tpu.memory_space<vmem>>
        %dma_start3A_334 = arith.constant 0 : i32
        %dma_start3A_335 = arith.constant 0 : i32
        %dma_start3A_336 = tpu.memref_slice %arg10[%dma_start3A_334, %dma_start3A_335] : memref<10112x32xf32, #tpu.memory_space<vmem_shared>> -> memref<10112x32xf32, #tpu.memory_space<vmem_shared>>
        tpu.enqueue_indirect_dma source(%dma_start3A_330 : memref<128x32xf32, #tpu.memory_space<vmem>>) target(%dma_start3A_336 : memref<10112x32xf32, #tpu.memory_space<vmem_shared>>) offsets(%dma_start3A_333 : memref<128xi32, #tpu.memory_space<vmem>>) semaphore(%run_scoped3A_326 : memref<!tpu.dma_semaphore, #tpu.memory_space<semaphore_mem>>) {add = true}
        %dma_wait3A_337 = arith.constant 0 : i32
        %dma_wait3A_338 = arith.constant 0 : i32
        %dma_wait3A_339 = tpu.memref_slice %arg9[%run_scoped3A_262, %dma_wait3A_337, %dma_wait3A_338] : memref<8x128x32xf32, #tpu.memory_space<vmem>> -> memref<1x128x32xf32, #tpu.memory_space<vmem>>
        %dma_wait3A_340 = tpu.memref_squeeze %dma_wait3A_339 : memref<1x128x32xf32, #tpu.memory_space<vmem>> -> memref<128x32xf32, #tpu.memory_space<vmem>>
        %dma_wait3A_341 = arith.constant 0 : i32
        %dma_wait3A_342 = tpu.memref_slice %arg8[%add3A_261, %dma_wait3A_341] : memref<80x128xi32, #tpu.memory_space<vmem>> -> memref<1x128xi32, #tpu.memory_space<vmem>>
        %dma_wait3A_343 = tpu.memref_squeeze %dma_wait3A_342 : memref<1x128xi32, #tpu.memory_space<vmem>> -> memref<128xi32, #tpu.memory_space<vmem>>
        %dma_wait3A_344 = arith.constant 0 : i32
        %dma_wait3A_345 = arith.constant 0 : i32
        %dma_wait3A_346 = tpu.memref_slice %arg10[%dma_wait3A_344, %dma_wait3A_345] : memref<10112x32xf32, #tpu.memory_space<vmem_shared>> -> memref<10112x32xf32, #tpu.memory_space<vmem_shared>>
        tpu.wait_indirect_dma semaphore(%run_scoped3A_326 : memref<!tpu.dma_semaphore, #tpu.memory_space<semaphore_mem>>) src(%dma_wait3A_340 : memref<128x32xf32, #tpu.memory_space<vmem>>) dst(%dma_wait3A_346 : memref<10112x32xf32, #tpu.memory_space<vmem_shared>>)
        tpu.yield
      }) : () -> ()
      %add3A_263 = arith.constant 5 : i32
      %add3A_264 = arith.addi %add3A_114, %add3A_263 : i32
      %add3A_265 = arith.constant 8 : i32
      %add3A_266 = arith.addi %add3A_264, %add3A_265 : i32
      %lt3A_267 = arith.constant 80 : i32
      %lt3A_268 = arith.cmpi slt, %add3A_266, %lt3A_267 : i32
      %convert_element_type3A_269 = arith.extui %lt3A_268 : i1 to i32
      %cond3A_270 = arith.constant 0 : i32
      %cond3A_271 = arith.cmpi ne, %convert_element_type3A_269, %cond3A_270 : i32
      scf.if %cond3A_271 {
        %add3A_326 = arith.constant 5 : i32
        %add3A_327 = arith.addi %add3A_114, %add3A_326 : i32
        %add3A_328 = arith.constant 8 : i32
        %add3A_329 = arith.addi %add3A_327, %add3A_328 : i32
        %dma_start3A_330 = arith.constant 5 : i32
        %dma_start3A_331 = arith.constant 0 : i32
        %dma_start3A_332 = arith.constant 0 : i32
        %dma_start3A_333 = tpu.memref_slice %arg9[%dma_start3A_330, %dma_start3A_331, %dma_start3A_332] : memref<8x128x32xf32, #tpu.memory_space<vmem>> -> memref<1x128x32xf32, #tpu.memory_space<vmem>>
        %dma_start3A_334 = tpu.memref_squeeze %dma_start3A_333 : memref<1x128x32xf32, #tpu.memory_space<vmem>> -> memref<128x32xf32, #tpu.memory_space<vmem>>
        %dma_start3A_335 = arith.constant 0 : i32
        %dma_start3A_336 = tpu.memref_slice %arg7[%add3A_329, %dma_start3A_335] : memref<80x128xi32, #tpu.memory_space<vmem>> -> memref<1x128xi32, #tpu.memory_space<vmem>>
        %dma_start3A_337 = tpu.memref_squeeze %dma_start3A_336 : memref<1x128xi32, #tpu.memory_space<vmem>> -> memref<128xi32, #tpu.memory_space<vmem>>
        %dma_start3A_338 = arith.constant 0 : i32
        %dma_start3A_339 = arith.constant 0 : i32
        %dma_start3A_340 = tpu.memref_slice %arg2[%dma_start3A_338, %dma_start3A_339] : memref<10112x32xf32, #tpu.memory_space<hbm>> -> memref<10112x32xf32, #tpu.memory_space<hbm>>
        tpu.enqueue_indirect_dma source(%dma_start3A_340 : memref<10112x32xf32, #tpu.memory_space<hbm>>) target(%dma_start3A_334 : memref<128x32xf32, #tpu.memory_space<vmem>>) offsets(%dma_start3A_337 : memref<128xi32, #tpu.memory_space<vmem>>) semaphore(%arg11 : memref<!tpu.dma_semaphore, #tpu.memory_space<semaphore_mem>>)
      } else {
      }
      %dma_wait3A_272 = arith.constant 6 : i32
      %dma_wait3A_273 = arith.constant 0 : i32
      %dma_wait3A_274 = arith.constant 0 : i32
      %dma_wait3A_275 = tpu.memref_slice %arg9[%dma_wait3A_272, %dma_wait3A_273, %dma_wait3A_274] : memref<8x128x32xf32, #tpu.memory_space<vmem>> -> memref<1x128x32xf32, #tpu.memory_space<vmem>>
      %dma_wait3A_276 = tpu.memref_squeeze %dma_wait3A_275 : memref<1x128x32xf32, #tpu.memory_space<vmem>> -> memref<128x32xf32, #tpu.memory_space<vmem>>
      %dma_wait3A_277 = arith.constant 0 : i32
      %dma_wait3A_278 = arith.constant 0 : i32
      %dma_wait3A_279 = tpu.memref_slice %arg2[%dma_wait3A_277, %dma_wait3A_278] : memref<10112x32xf32, #tpu.memory_space<hbm>> -> memref<128x32xf32, #tpu.memory_space<hbm>>
      %dma_wait3A_280 = arith.constant 0 : i32
      %dma_wait3A_281 = arith.constant 0 : i32
      %dma_wait3A_282 = tpu.memref_slice %arg9[%dma_wait3A_272, %dma_wait3A_280, %dma_wait3A_281] : memref<8x128x32xf32, #tpu.memory_space<vmem>> -> memref<1x128x32xf32, #tpu.memory_space<vmem>>
      %dma_wait3A_283 = tpu.memref_squeeze %dma_wait3A_282 : memref<1x128x32xf32, #tpu.memory_space<vmem>> -> memref<128x32xf32, #tpu.memory_space<vmem>>
      %dma_wait3A_284 = arith.constant 0 : i32
      %dma_wait3A_285 = arith.constant 0 : i32
      %dma_wait3A_286 = tpu.memref_slice %arg2[%dma_wait3A_284, %dma_wait3A_285] : memref<10112x32xf32, #tpu.memory_space<hbm>> -> memref<128x32xf32, #tpu.memory_space<hbm>>
      tpu.wait_dma2 semaphore(%arg11 : memref<!tpu.dma_semaphore, #tpu.memory_space<semaphore_mem>>) src(%dma_wait3A_286 : memref<128x32xf32, #tpu.memory_space<hbm>>) dst(%dma_wait3A_283 : memref<128x32xf32, #tpu.memory_space<vmem>>)
      %add3A_287 = arith.constant 6 : i32
      %add3A_288 = arith.addi %add3A_114, %add3A_287 : i32
      %run_scoped3A_289 = arith.constant 6 : i32
      "tpu.region"() ({
        %run_scoped3A_326 = tpu.sem_alloc : memref<!tpu.dma_semaphore, #tpu.memory_space<semaphore_mem>>
        %dma_start3A_327 = arith.constant 0 : i32
        %dma_start3A_328 = arith.constant 0 : i32
        %dma_start3A_329 = tpu.memref_slice %arg9[%run_scoped3A_289, %dma_start3A_327, %dma_start3A_328] : memref<8x128x32xf32, #tpu.memory_space<vmem>> -> memref<1x128x32xf32, #tpu.memory_space<vmem>>
        %dma_start3A_330 = tpu.memref_squeeze %dma_start3A_329 : memref<1x128x32xf32, #tpu.memory_space<vmem>> -> memref<128x32xf32, #tpu.memory_space<vmem>>
        %dma_start3A_331 = arith.constant 0 : i32
        %dma_start3A_332 = tpu.memref_slice %arg8[%add3A_288, %dma_start3A_331] : memref<80x128xi32, #tpu.memory_space<vmem>> -> memref<1x128xi32, #tpu.memory_space<vmem>>
        %dma_start3A_333 = tpu.memref_squeeze %dma_start3A_332 : memref<1x128xi32, #tpu.memory_space<vmem>> -> memref<128xi32, #tpu.memory_space<vmem>>
        %dma_start3A_334 = arith.constant 0 : i32
        %dma_start3A_335 = arith.constant 0 : i32
        %dma_start3A_336 = tpu.memref_slice %arg10[%dma_start3A_334, %dma_start3A_335] : memref<10112x32xf32, #tpu.memory_space<vmem_shared>> -> memref<10112x32xf32, #tpu.memory_space<vmem_shared>>
        tpu.enqueue_indirect_dma source(%dma_start3A_330 : memref<128x32xf32, #tpu.memory_space<vmem>>) target(%dma_start3A_336 : memref<10112x32xf32, #tpu.memory_space<vmem_shared>>) offsets(%dma_start3A_333 : memref<128xi32, #tpu.memory_space<vmem>>) semaphore(%run_scoped3A_326 : memref<!tpu.dma_semaphore, #tpu.memory_space<semaphore_mem>>) {add = true}
        %dma_wait3A_337 = arith.constant 0 : i32
        %dma_wait3A_338 = arith.constant 0 : i32
        %dma_wait3A_339 = tpu.memref_slice %arg9[%run_scoped3A_289, %dma_wait3A_337, %dma_wait3A_338] : memref<8x128x32xf32, #tpu.memory_space<vmem>> -> memref<1x128x32xf32, #tpu.memory_space<vmem>>
        %dma_wait3A_340 = tpu.memref_squeeze %dma_wait3A_339 : memref<1x128x32xf32, #tpu.memory_space<vmem>> -> memref<128x32xf32, #tpu.memory_space<vmem>>
        %dma_wait3A_341 = arith.constant 0 : i32
        %dma_wait3A_342 = tpu.memref_slice %arg8[%add3A_288, %dma_wait3A_341] : memref<80x128xi32, #tpu.memory_space<vmem>> -> memref<1x128xi32, #tpu.memory_space<vmem>>
        %dma_wait3A_343 = tpu.memref_squeeze %dma_wait3A_342 : memref<1x128xi32, #tpu.memory_space<vmem>> -> memref<128xi32, #tpu.memory_space<vmem>>
        %dma_wait3A_344 = arith.constant 0 : i32
        %dma_wait3A_345 = arith.constant 0 : i32
        %dma_wait3A_346 = tpu.memref_slice %arg10[%dma_wait3A_344, %dma_wait3A_345] : memref<10112x32xf32, #tpu.memory_space<vmem_shared>> -> memref<10112x32xf32, #tpu.memory_space<vmem_shared>>
        tpu.wait_indirect_dma semaphore(%run_scoped3A_326 : memref<!tpu.dma_semaphore, #tpu.memory_space<semaphore_mem>>) src(%dma_wait3A_340 : memref<128x32xf32, #tpu.memory_space<vmem>>) dst(%dma_wait3A_346 : memref<10112x32xf32, #tpu.memory_space<vmem_shared>>)
        tpu.yield
      }) : () -> ()
      %add3A_290 = arith.constant 6 : i32
      %add3A_291 = arith.addi %add3A_114, %add3A_290 : i32
      %add3A_292 = arith.constant 8 : i32
      %add3A_293 = arith.addi %add3A_291, %add3A_292 : i32
      %lt3A_294 = arith.constant 80 : i32
      %lt3A_295 = arith.cmpi slt, %add3A_293, %lt3A_294 : i32
      %convert_element_type3A_296 = arith.extui %lt3A_295 : i1 to i32
      %cond3A_297 = arith.constant 0 : i32
      %cond3A_298 = arith.cmpi ne, %convert_element_type3A_296, %cond3A_297 : i32
      scf.if %cond3A_298 {
        %add3A_326 = arith.constant 6 : i32
        %add3A_327 = arith.addi %add3A_114, %add3A_326 : i32
        %add3A_328 = arith.constant 8 : i32
        %add3A_329 = arith.addi %add3A_327, %add3A_328 : i32
        %dma_start3A_330 = arith.constant 6 : i32
        %dma_start3A_331 = arith.constant 0 : i32
        %dma_start3A_332 = arith.constant 0 : i32
        %dma_start3A_333 = tpu.memref_slice %arg9[%dma_start3A_330, %dma_start3A_331, %dma_start3A_332] : memref<8x128x32xf32, #tpu.memory_space<vmem>> -> memref<1x128x32xf32, #tpu.memory_space<vmem>>
        %dma_start3A_334 = tpu.memref_squeeze %dma_start3A_333 : memref<1x128x32xf32, #tpu.memory_space<vmem>> -> memref<128x32xf32, #tpu.memory_space<vmem>>
        %dma_start3A_335 = arith.constant 0 : i32
        %dma_start3A_336 = tpu.memref_slice %arg7[%add3A_329, %dma_start3A_335] : memref<80x128xi32, #tpu.memory_space<vmem>> -> memref<1x128xi32, #tpu.memory_space<vmem>>
        %dma_start3A_337 = tpu.memref_squeeze %dma_start3A_336 : memref<1x128xi32, #tpu.memory_space<vmem>> -> memref<128xi32, #tpu.memory_space<vmem>>
        %dma_start3A_338 = arith.constant 0 : i32
        %dma_start3A_339 = arith.constant 0 : i32
        %dma_start3A_340 = tpu.memref_slice %arg2[%dma_start3A_338, %dma_start3A_339] : memref<10112x32xf32, #tpu.memory_space<hbm>> -> memref<10112x32xf32, #tpu.memory_space<hbm>>
        tpu.enqueue_indirect_dma source(%dma_start3A_340 : memref<10112x32xf32, #tpu.memory_space<hbm>>) target(%dma_start3A_334 : memref<128x32xf32, #tpu.memory_space<vmem>>) offsets(%dma_start3A_337 : memref<128xi32, #tpu.memory_space<vmem>>) semaphore(%arg11 : memref<!tpu.dma_semaphore, #tpu.memory_space<semaphore_mem>>)
      } else {
      }
      %dma_wait3A_299 = arith.constant 7 : i32
      %dma_wait3A_300 = arith.constant 0 : i32
      %dma_wait3A_301 = arith.constant 0 : i32
      %dma_wait3A_302 = tpu.memref_slice %arg9[%dma_wait3A_299, %dma_wait3A_300, %dma_wait3A_301] : memref<8x128x32xf32, #tpu.memory_space<vmem>> -> memref<1x128x32xf32, #tpu.memory_space<vmem>>
      %dma_wait3A_303 = tpu.memref_squeeze %dma_wait3A_302 : memref<1x128x32xf32, #tpu.memory_space<vmem>> -> memref<128x32xf32, #tpu.memory_space<vmem>>
      %dma_wait3A_304 = arith.constant 0 : i32
      %dma_wait3A_305 = arith.constant 0 : i32
      %dma_wait3A_306 = tpu.memref_slice %arg2[%dma_wait3A_304, %dma_wait3A_305] : memref<10112x32xf32, #tpu.memory_space<hbm>> -> memref<128x32xf32, #tpu.memory_space<hbm>>
      %dma_wait3A_307 = arith.constant 0 : i32
      %dma_wait3A_308 = arith.constant 0 : i32
      %dma_wait3A_309 = tpu.memref_slice %arg9[%dma_wait3A_299, %dma_wait3A_307, %dma_wait3A_308] : memref<8x128x32xf32, #tpu.memory_space<vmem>> -> memref<1x128x32xf32, #tpu.memory_space<vmem>>
      %dma_wait3A_310 = tpu.memref_squeeze %dma_wait3A_309 : memref<1x128x32xf32, #tpu.memory_space<vmem>> -> memref<128x32xf32, #tpu.memory_space<vmem>>
      %dma_wait3A_311 = arith.constant 0 : i32
      %dma_wait3A_312 = arith.constant 0 : i32
      %dma_wait3A_313 = tpu.memref_slice %arg2[%dma_wait3A_311, %dma_wait3A_312] : memref<10112x32xf32, #tpu.memory_space<hbm>> -> memref<128x32xf32, #tpu.memory_space<hbm>>
      tpu.wait_dma2 semaphore(%arg11 : memref<!tpu.dma_semaphore, #tpu.memory_space<semaphore_mem>>) src(%dma_wait3A_313 : memref<128x32xf32, #tpu.memory_space<hbm>>) dst(%dma_wait3A_310 : memref<128x32xf32, #tpu.memory_space<vmem>>)
      %add3A_314 = arith.constant 7 : i32
      %add3A_315 = arith.addi %add3A_114, %add3A_314 : i32
      %run_scoped3A_316 = arith.constant 7 : i32
      "tpu.region"() ({
        %run_scoped3A_326 = tpu.sem_alloc : memref<!tpu.dma_semaphore, #tpu.memory_space<semaphore_mem>>
        %dma_start3A_327 = arith.constant 0 : i32
        %dma_start3A_328 = arith.constant 0 : i32
        %dma_start3A_329 = tpu.memref_slice %arg9[%run_scoped3A_316, %dma_start3A_327, %dma_start3A_328] : memref<8x128x32xf32, #tpu.memory_space<vmem>> -> memref<1x128x32xf32, #tpu.memory_space<vmem>>
        %dma_start3A_330 = tpu.memref_squeeze %dma_start3A_329 : memref<1x128x32xf32, #tpu.memory_space<vmem>> -> memref<128x32xf32, #tpu.memory_space<vmem>>
        %dma_start3A_331 = arith.constant 0 : i32
        %dma_start3A_332 = tpu.memref_slice %arg8[%add3A_315, %dma_start3A_331] : memref<80x128xi32, #tpu.memory_space<vmem>> -> memref<1x128xi32, #tpu.memory_space<vmem>>
        %dma_start3A_333 = tpu.memref_squeeze %dma_start3A_332 : memref<1x128xi32, #tpu.memory_space<vmem>> -> memref<128xi32, #tpu.memory_space<vmem>>
        %dma_start3A_334 = arith.constant 0 : i32
        %dma_start3A_335 = arith.constant 0 : i32
        %dma_start3A_336 = tpu.memref_slice %arg10[%dma_start3A_334, %dma_start3A_335] : memref<10112x32xf32, #tpu.memory_space<vmem_shared>> -> memref<10112x32xf32, #tpu.memory_space<vmem_shared>>
        tpu.enqueue_indirect_dma source(%dma_start3A_330 : memref<128x32xf32, #tpu.memory_space<vmem>>) target(%dma_start3A_336 : memref<10112x32xf32, #tpu.memory_space<vmem_shared>>) offsets(%dma_start3A_333 : memref<128xi32, #tpu.memory_space<vmem>>) semaphore(%run_scoped3A_326 : memref<!tpu.dma_semaphore, #tpu.memory_space<semaphore_mem>>) {add = true}
        %dma_wait3A_337 = arith.constant 0 : i32
        %dma_wait3A_338 = arith.constant 0 : i32
        %dma_wait3A_339 = tpu.memref_slice %arg9[%run_scoped3A_316, %dma_wait3A_337, %dma_wait3A_338] : memref<8x128x32xf32, #tpu.memory_space<vmem>> -> memref<1x128x32xf32, #tpu.memory_space<vmem>>
        %dma_wait3A_340 = tpu.memref_squeeze %dma_wait3A_339 : memref<1x128x32xf32, #tpu.memory_space<vmem>> -> memref<128x32xf32, #tpu.memory_space<vmem>>
        %dma_wait3A_341 = arith.constant 0 : i32
        %dma_wait3A_342 = tpu.memref_slice %arg8[%add3A_315, %dma_wait3A_341] : memref<80x128xi32, #tpu.memory_space<vmem>> -> memref<1x128xi32, #tpu.memory_space<vmem>>
        %dma_wait3A_343 = tpu.memref_squeeze %dma_wait3A_342 : memref<1x128xi32, #tpu.memory_space<vmem>> -> memref<128xi32, #tpu.memory_space<vmem>>
        %dma_wait3A_344 = arith.constant 0 : i32
        %dma_wait3A_345 = arith.constant 0 : i32
        %dma_wait3A_346 = tpu.memref_slice %arg10[%dma_wait3A_344, %dma_wait3A_345] : memref<10112x32xf32, #tpu.memory_space<vmem_shared>> -> memref<10112x32xf32, #tpu.memory_space<vmem_shared>>
        tpu.wait_indirect_dma semaphore(%run_scoped3A_326 : memref<!tpu.dma_semaphore, #tpu.memory_space<semaphore_mem>>) src(%dma_wait3A_340 : memref<128x32xf32, #tpu.memory_space<vmem>>) dst(%dma_wait3A_346 : memref<10112x32xf32, #tpu.memory_space<vmem_shared>>)
        tpu.yield
      }) : () -> ()
      %add3A_317 = arith.constant 7 : i32
      %add3A_318 = arith.addi %add3A_114, %add3A_317 : i32
      %add3A_319 = arith.constant 8 : i32
      %add3A_320 = arith.addi %add3A_318, %add3A_319 : i32
      %lt3A_321 = arith.constant 80 : i32
      %lt3A_322 = arith.cmpi slt, %add3A_320, %lt3A_321 : i32
      %convert_element_type3A_323 = arith.extui %lt3A_322 : i1 to i32
      %cond3A_324 = arith.constant 0 : i32
      %cond3A_325 = arith.cmpi ne, %convert_element_type3A_323, %cond3A_324 : i32
      scf.if %cond3A_325 {
        %add3A_326 = arith.constant 7 : i32
        %add3A_327 = arith.addi %add3A_114, %add3A_326 : i32
        %add3A_328 = arith.constant 8 : i32
        %add3A_329 = arith.addi %add3A_327, %add3A_328 : i32
        %dma_start3A_330 = arith.constant 7 : i32
        %dma_start3A_331 = arith.constant 0 : i32
        %dma_start3A_332 = arith.constant 0 : i32
        %dma_start3A_333 = tpu.memref_slice %arg9[%dma_start3A_330, %dma_start3A_331, %dma_start3A_332] : memref<8x128x32xf32, #tpu.memory_space<vmem>> -> memref<1x128x32xf32, #tpu.memory_space<vmem>>
        %dma_start3A_334 = tpu.memref_squeeze %dma_start3A_333 : memref<1x128x32xf32, #tpu.memory_space<vmem>> -> memref<128x32xf32, #tpu.memory_space<vmem>>
        %dma_start3A_335 = arith.constant 0 : i32
        %dma_start3A_336 = tpu.memref_slice %arg7[%add3A_329, %dma_start3A_335] : memref<80x128xi32, #tpu.memory_space<vmem>> -> memref<1x128xi32, #tpu.memory_space<vmem>>
        %dma_start3A_337 = tpu.memref_squeeze %dma_start3A_336 : memref<1x128xi32, #tpu.memory_space<vmem>> -> memref<128xi32, #tpu.memory_space<vmem>>
        %dma_start3A_338 = arith.constant 0 : i32
        %dma_start3A_339 = arith.constant 0 : i32
        %dma_start3A_340 = tpu.memref_slice %arg2[%dma_start3A_338, %dma_start3A_339] : memref<10112x32xf32, #tpu.memory_space<hbm>> -> memref<10112x32xf32, #tpu.memory_space<hbm>>
        tpu.enqueue_indirect_dma source(%dma_start3A_340 : memref<10112x32xf32, #tpu.memory_space<hbm>>) target(%dma_start3A_334 : memref<128x32xf32, #tpu.memory_space<vmem>>) offsets(%dma_start3A_337 : memref<128xi32, #tpu.memory_space<vmem>>) semaphore(%arg11 : memref<!tpu.dma_semaphore, #tpu.memory_space<semaphore_mem>>)
      } else {
      }
    }
    %scan3A_105 = arith.constant 10 : i32
    %barrier3A_106 = arith.constant 0 : index
    tpu.barrier barrier_id(%barrier3A_106)
    %mul3A_107 = arith.constant 10112 : i32
    %mul3A_108 = arith.muli %arg0, %mul3A_107 : i32
    %add3A_109 = arith.addi %mul3A_108, %mul3A_2 : i32
    "tpu.region"() ({
      %run_scoped3A = tpu.sem_alloc : memref<!tpu.dma_semaphore, #tpu.memory_space<semaphore_mem>>
      %dma_start3A_110 = arith.constant 0 : i32
      %dma_start3A_111 = tpu.memref_slice %arg6[%add3A_109, %dma_start3A_110] : memref<20224x32xf32, #tpu.memory_space<hbm>> -> memref<632x32xf32, #tpu.memory_space<hbm>>
      %dma_start3A_112 = arith.constant 0 : i32
      %dma_start3A_113 = tpu.memref_slice %arg10[%mul3A_2, %dma_start3A_112] : memref<10112x32xf32, #tpu.memory_space<vmem_shared>> -> memref<632x32xf32, #tpu.memory_space<vmem_shared>>
      tpu.enqueue_dma source(%dma_start3A_113 : memref<632x32xf32, #tpu.memory_space<vmem_shared>>) target(%dma_start3A_111 : memref<632x32xf32, #tpu.memory_space<hbm>>) target_semaphore(%run_scoped3A : memref<!tpu.dma_semaphore, #tpu.memory_space<semaphore_mem>>)
      %dma_wait3A = arith.constant 0 : i32
      %dma_wait3A_114 = tpu.memref_slice %arg6[%add3A_109, %dma_wait3A] : memref<20224x32xf32, #tpu.memory_space<hbm>> -> memref<632x32xf32, #tpu.memory_space<hbm>>
      %dma_wait3A_115 = arith.constant 0 : i32
      %dma_wait3A_116 = tpu.memref_slice %arg10[%mul3A_2, %dma_wait3A_115] : memref<10112x32xf32, #tpu.memory_space<vmem_shared>> -> memref<632x32xf32, #tpu.memory_space<vmem_shared>>
      tpu.wait_dma2 semaphore(%run_scoped3A : memref<!tpu.dma_semaphore, #tpu.memory_space<semaphore_mem>>) src(%dma_wait3A_116 : memref<632x32xf32, #tpu.memory_space<vmem_shared>>) dst(%dma_wait3A_114 : memref<632x32xf32, #tpu.memory_space<hbm>>)
      tpu.yield
    }) : () -> ()
    return
  }
}

#map = affine_map<(d0, d1) -> (0, 0)>
module attributes {stable_mosaic.version = 14 : i64} {
  func.func @body(%arg0: i32, %arg1: i32, %arg2: memref<10112x32xf32, #tpu.memory_space<hbm>>, %arg3: memref<2560x128xi32, #tpu.memory_space<hbm>>, %arg4: memref<2560x128xi32, #tpu.memory_space<hbm>>, %arg5: memref<632x32xf32, #tpu.memory_space<hbm>>, %arg6: memref<632x16xf32, #tpu.memory_space<hbm>>, %arg7: memref<128x16xf32, #tpu.memory_space<hbm>>, %arg8: memref<20224x32xf32, #tpu.memory_space<hbm>>, %arg9: memref<20224x16xf32, #tpu.memory_space<hbm>>, %arg10: memref<80x128xi32, #tpu.memory_space<vmem>>, %arg11: memref<80x128xi32, #tpu.memory_space<vmem>>, %arg12: memref<8x128x32xf32, #tpu.memory_space<vmem>>, %arg13: memref<10112x32xf32, #tpu.memory_space<vmem_shared>>, %arg14: memref<!tpu.dma_semaphore, #tpu.memory_space<semaphore_mem>>, %arg15: memref<128x16xf32, #tpu.memory_space<vmem>>, %arg16: memref<10112x16xf32, #tpu.memory_space<vmem_shared>>) attributes {dimension_semantics = [#tpu.dimension_semantics<core_parallel>, #tpu.dimension_semantics<subcore_parallel>], iteration_bounds = array<i64: 2, 16>, scalar_prefetch = 0 : i64, scratch_operands = 7 : i64, tpu.core_type = #tpu.core_type<sc_vector_subcore>, window_params = [{transform_indices = #map}, {transform_indices = #map}, {transform_indices = #map}, {transform_indices = #map}, {transform_indices = #map}, {transform_indices = #map}, {transform_indices = #map}, {transform_indices = #map}]} {
    %mul3A = arith.constant 2 : i32
    %mul3A_0 = arith.muli %arg1, %mul3A : i32
    %add3A = arith.addi %mul3A_0, %arg0 : i32
    %mul3A_1 = arith.constant 632 : i32
    %mul3A_2 = arith.muli %arg1, %mul3A_1 : i32
    %mul3A_3 = arith.constant 80 : i32
    %mul3A_4 = arith.muli %add3A, %mul3A_3 : i32
    "tpu.region"() ({
      %run_scoped3A = tpu.sem_alloc : memref<!tpu.dma_semaphore, #tpu.memory_space<semaphore_mem>>
      %dma_start3A_113 = arith.constant 0 : i32
      %dma_start3A_114 = tpu.memref_slice %arg3[%mul3A_4, %dma_start3A_113] : memref<2560x128xi32, #tpu.memory_space<hbm>> -> memref<80x128xi32, #tpu.memory_space<hbm>>
      %dma_start3A_115 = arith.constant 0 : i32
      %dma_start3A_116 = tpu.memref_slice %arg3[%mul3A_4, %dma_start3A_115] : memref<2560x128xi32, #tpu.memory_space<hbm>> -> memref<80x128xi32, #tpu.memory_space<hbm>>
      tpu.enqueue_dma source(%dma_start3A_116 : memref<80x128xi32, #tpu.memory_space<hbm>>) target(%arg10 : memref<80x128xi32, #tpu.memory_space<vmem>>) target_semaphore(%run_scoped3A : memref<!tpu.dma_semaphore, #tpu.memory_space<semaphore_mem>>)
      %dma_wait3A = arith.constant 0 : i32
      %dma_wait3A_117 = tpu.memref_slice %arg3[%mul3A_4, %dma_wait3A] : memref<2560x128xi32, #tpu.memory_space<hbm>> -> memref<80x128xi32, #tpu.memory_space<hbm>>
      %dma_wait3A_118 = arith.constant 0 : i32
      %dma_wait3A_119 = tpu.memref_slice %arg3[%mul3A_4, %dma_wait3A_118] : memref<2560x128xi32, #tpu.memory_space<hbm>> -> memref<80x128xi32, #tpu.memory_space<hbm>>
      tpu.wait_dma2 semaphore(%run_scoped3A : memref<!tpu.dma_semaphore, #tpu.memory_space<semaphore_mem>>) src(%dma_wait3A_119 : memref<80x128xi32, #tpu.memory_space<hbm>>) dst(%arg10 : memref<80x128xi32, #tpu.memory_space<vmem>>)
      tpu.yield
    }) : () -> ()
    %mul3A_5 = arith.constant 80 : i32
    %mul3A_6 = arith.muli %add3A, %mul3A_5 : i32
    "tpu.region"() ({
      %run_scoped3A = tpu.sem_alloc : memref<!tpu.dma_semaphore, #tpu.memory_space<semaphore_mem>>
      %dma_start3A_113 = arith.constant 0 : i32
      %dma_start3A_114 = tpu.memref_slice %arg4[%mul3A_6, %dma_start3A_113] : memref<2560x128xi32, #tpu.memory_space<hbm>> -> memref<80x128xi32, #tpu.memory_space<hbm>>
      %dma_start3A_115 = arith.constant 0 : i32
      %dma_start3A_116 = tpu.memref_slice %arg4[%mul3A_6, %dma_start3A_115] : memref<2560x128xi32, #tpu.memory_space<hbm>> -> memref<80x128xi32, #tpu.memory_space<hbm>>
      tpu.enqueue_dma source(%dma_start3A_116 : memref<80x128xi32, #tpu.memory_space<hbm>>) target(%arg11 : memref<80x128xi32, #tpu.memory_space<vmem>>) target_semaphore(%run_scoped3A : memref<!tpu.dma_semaphore, #tpu.memory_space<semaphore_mem>>)
      %dma_wait3A = arith.constant 0 : i32
      %dma_wait3A_117 = tpu.memref_slice %arg4[%mul3A_6, %dma_wait3A] : memref<2560x128xi32, #tpu.memory_space<hbm>> -> memref<80x128xi32, #tpu.memory_space<hbm>>
      %dma_wait3A_118 = arith.constant 0 : i32
      %dma_wait3A_119 = tpu.memref_slice %arg4[%mul3A_6, %dma_wait3A_118] : memref<2560x128xi32, #tpu.memory_space<hbm>> -> memref<80x128xi32, #tpu.memory_space<hbm>>
      tpu.wait_dma2 semaphore(%run_scoped3A : memref<!tpu.dma_semaphore, #tpu.memory_space<semaphore_mem>>) src(%dma_wait3A_119 : memref<80x128xi32, #tpu.memory_space<hbm>>) dst(%arg11 : memref<80x128xi32, #tpu.memory_space<vmem>>)
      tpu.yield
    }) : () -> ()
    "tpu.region"() ({
      %run_scoped3A = tpu.sem_alloc : memref<!tpu.dma_semaphore, #tpu.memory_space<semaphore_mem>>
      %dma_start3A_113 = arith.constant 0 : i32
      %dma_start3A_114 = tpu.memref_slice %arg13[%mul3A_2, %dma_start3A_113] : memref<10112x32xf32, #tpu.memory_space<vmem_shared>> -> memref<632x32xf32, #tpu.memory_space<vmem_shared>>
      tpu.enqueue_dma source(%arg5 : memref<632x32xf32, #tpu.memory_space<hbm>>) target(%dma_start3A_114 : memref<632x32xf32, #tpu.memory_space<vmem_shared>>) target_semaphore(%run_scoped3A : memref<!tpu.dma_semaphore, #tpu.memory_space<semaphore_mem>>)
      %dma_wait3A = arith.constant 0 : i32
      %dma_wait3A_115 = tpu.memref_slice %arg13[%mul3A_2, %dma_wait3A] : memref<10112x32xf32, #tpu.memory_space<vmem_shared>> -> memref<632x32xf32, #tpu.memory_space<vmem_shared>>
      tpu.wait_dma2 semaphore(%run_scoped3A : memref<!tpu.dma_semaphore, #tpu.memory_space<semaphore_mem>>) src(%arg5 : memref<632x32xf32, #tpu.memory_space<hbm>>) dst(%dma_wait3A_115 : memref<632x32xf32, #tpu.memory_space<vmem_shared>>)
      tpu.yield
    }) : () -> ()
    "tpu.region"() ({
      %run_scoped3A = tpu.sem_alloc : memref<!tpu.dma_semaphore, #tpu.memory_space<semaphore_mem>>
      %dma_start3A_113 = arith.constant 0 : i32
      %dma_start3A_114 = tpu.memref_slice %arg16[%mul3A_2, %dma_start3A_113] : memref<10112x16xf32, #tpu.memory_space<vmem_shared>> -> memref<632x16xf32, #tpu.memory_space<vmem_shared>>
      tpu.enqueue_dma source(%arg6 : memref<632x16xf32, #tpu.memory_space<hbm>>) target(%dma_start3A_114 : memref<632x16xf32, #tpu.memory_space<vmem_shared>>) target_semaphore(%run_scoped3A : memref<!tpu.dma_semaphore, #tpu.memory_space<semaphore_mem>>)
      %dma_wait3A = arith.constant 0 : i32
      %dma_wait3A_115 = tpu.memref_slice %arg16[%mul3A_2, %dma_wait3A] : memref<10112x16xf32, #tpu.memory_space<vmem_shared>> -> memref<632x16xf32, #tpu.memory_space<vmem_shared>>
      tpu.wait_dma2 semaphore(%run_scoped3A : memref<!tpu.dma_semaphore, #tpu.memory_space<semaphore_mem>>) src(%arg6 : memref<632x16xf32, #tpu.memory_space<hbm>>) dst(%dma_wait3A_115 : memref<632x16xf32, #tpu.memory_space<vmem_shared>>)
      tpu.yield
    }) : () -> ()
    "tpu.region"() ({
      %run_scoped3A = tpu.sem_alloc : memref<!tpu.dma_semaphore, #tpu.memory_space<semaphore_mem>>
      tpu.enqueue_dma source(%arg7 : memref<128x16xf32, #tpu.memory_space<hbm>>) target(%arg15 : memref<128x16xf32, #tpu.memory_space<vmem>>) target_semaphore(%run_scoped3A : memref<!tpu.dma_semaphore, #tpu.memory_space<semaphore_mem>>)
      tpu.wait_dma2 semaphore(%run_scoped3A : memref<!tpu.dma_semaphore, #tpu.memory_space<semaphore_mem>>) src(%arg7 : memref<128x16xf32, #tpu.memory_space<hbm>>) dst(%arg15 : memref<128x16xf32, #tpu.memory_space<vmem>>)
      tpu.yield
    }) : () -> ()
    %barrier3A = arith.constant 0 : index
    tpu.barrier barrier_id(%barrier3A)
    %dma_start3A = arith.constant 0 : i32
    %dma_start3A_7 = arith.constant 0 : i32
    %dma_start3A_8 = arith.constant 0 : i32
    %dma_start3A_9 = arith.constant 0 : i32
    %dma_start3A_10 = tpu.memref_slice %arg12[%dma_start3A_7, %dma_start3A_8, %dma_start3A_9] : memref<8x128x32xf32, #tpu.memory_space<vmem>> -> memref<1x128x32xf32, #tpu.memory_space<vmem>>
    %dma_start3A_11 = tpu.memref_squeeze %dma_start3A_10 : memref<1x128x32xf32, #tpu.memory_space<vmem>> -> memref<128x32xf32, #tpu.memory_space<vmem>>
    %dma_start3A_12 = arith.constant 0 : i32
    %dma_start3A_13 = tpu.memref_slice %arg10[%dma_start3A, %dma_start3A_12] : memref<80x128xi32, #tpu.memory_space<vmem>> -> memref<1x128xi32, #tpu.memory_space<vmem>>
    %dma_start3A_14 = tpu.memref_squeeze %dma_start3A_13 : memref<1x128xi32, #tpu.memory_space<vmem>> -> memref<128xi32, #tpu.memory_space<vmem>>
    %dma_start3A_15 = arith.constant 0 : i32
    %dma_start3A_16 = arith.constant 0 : i32
    %dma_start3A_17 = tpu.memref_slice %arg2[%dma_start3A_15, %dma_start3A_16] : memref<10112x32xf32, #tpu.memory_space<hbm>> -> memref<10112x32xf32, #tpu.memory_space<hbm>>
    tpu.enqueue_indirect_dma source(%dma_start3A_17 : memref<10112x32xf32, #tpu.memory_space<hbm>>) target(%dma_start3A_11 : memref<128x32xf32, #tpu.memory_space<vmem>>) offsets(%dma_start3A_14 : memref<128xi32, #tpu.memory_space<vmem>>) semaphore(%arg14 : memref<!tpu.dma_semaphore, #tpu.memory_space<semaphore_mem>>)
    %dma_start3A_18 = arith.constant 1 : i32
    %dma_start3A_19 = arith.constant 1 : i32
    %dma_start3A_20 = arith.constant 0 : i32
    %dma_start3A_21 = arith.constant 0 : i32
    %dma_start3A_22 = tpu.memref_slice %arg12[%dma_start3A_19, %dma_start3A_20, %dma_start3A_21] : memref<8x128x32xf32, #tpu.memory_space<vmem>> -> memref<1x128x32xf32, #tpu.memory_space<vmem>>
    %dma_start3A_23 = tpu.memref_squeeze %dma_start3A_22 : memref<1x128x32xf32, #tpu.memory_space<vmem>> -> memref<128x32xf32, #tpu.memory_space<vmem>>
    %dma_start3A_24 = arith.constant 0 : i32
    %dma_start3A_25 = tpu.memref_slice %arg10[%dma_start3A_18, %dma_start3A_24] : memref<80x128xi32, #tpu.memory_space<vmem>> -> memref<1x128xi32, #tpu.memory_space<vmem>>
    %dma_start3A_26 = tpu.memref_squeeze %dma_start3A_25 : memref<1x128xi32, #tpu.memory_space<vmem>> -> memref<128xi32, #tpu.memory_space<vmem>>
    %dma_start3A_27 = arith.constant 0 : i32
    %dma_start3A_28 = arith.constant 0 : i32
    %dma_start3A_29 = tpu.memref_slice %arg2[%dma_start3A_27, %dma_start3A_28] : memref<10112x32xf32, #tpu.memory_space<hbm>> -> memref<10112x32xf32, #tpu.memory_space<hbm>>
    tpu.enqueue_indirect_dma source(%dma_start3A_29 : memref<10112x32xf32, #tpu.memory_space<hbm>>) target(%dma_start3A_23 : memref<128x32xf32, #tpu.memory_space<vmem>>) offsets(%dma_start3A_26 : memref<128xi32, #tpu.memory_space<vmem>>) semaphore(%arg14 : memref<!tpu.dma_semaphore, #tpu.memory_space<semaphore_mem>>)
    %dma_start3A_30 = arith.constant 2 : i32
    %dma_start3A_31 = arith.constant 2 : i32
    %dma_start3A_32 = arith.constant 0 : i32
    %dma_start3A_33 = arith.constant 0 : i32
    %dma_start3A_34 = tpu.memref_slice %arg12[%dma_start3A_31, %dma_start3A_32, %dma_start3A_33] : memref<8x128x32xf32, #tpu.memory_space<vmem>> -> memref<1x128x32xf32, #tpu.memory_space<vmem>>
    %dma_start3A_35 = tpu.memref_squeeze %dma_start3A_34 : memref<1x128x32xf32, #tpu.memory_space<vmem>> -> memref<128x32xf32, #tpu.memory_space<vmem>>
    %dma_start3A_36 = arith.constant 0 : i32
    %dma_start3A_37 = tpu.memref_slice %arg10[%dma_start3A_30, %dma_start3A_36] : memref<80x128xi32, #tpu.memory_space<vmem>> -> memref<1x128xi32, #tpu.memory_space<vmem>>
    %dma_start3A_38 = tpu.memref_squeeze %dma_start3A_37 : memref<1x128xi32, #tpu.memory_space<vmem>> -> memref<128xi32, #tpu.memory_space<vmem>>
    %dma_start3A_39 = arith.constant 0 : i32
    %dma_start3A_40 = arith.constant 0 : i32
    %dma_start3A_41 = tpu.memref_slice %arg2[%dma_start3A_39, %dma_start3A_40] : memref<10112x32xf32, #tpu.memory_space<hbm>> -> memref<10112x32xf32, #tpu.memory_space<hbm>>
    tpu.enqueue_indirect_dma source(%dma_start3A_41 : memref<10112x32xf32, #tpu.memory_space<hbm>>) target(%dma_start3A_35 : memref<128x32xf32, #tpu.memory_space<vmem>>) offsets(%dma_start3A_38 : memref<128xi32, #tpu.memory_space<vmem>>) semaphore(%arg14 : memref<!tpu.dma_semaphore, #tpu.memory_space<semaphore_mem>>)
    %dma_start3A_42 = arith.constant 3 : i32
    %dma_start3A_43 = arith.constant 3 : i32
    %dma_start3A_44 = arith.constant 0 : i32
    %dma_start3A_45 = arith.constant 0 : i32
    %dma_start3A_46 = tpu.memref_slice %arg12[%dma_start3A_43, %dma_start3A_44, %dma_start3A_45] : memref<8x128x32xf32, #tpu.memory_space<vmem>> -> memref<1x128x32xf32, #tpu.memory_space<vmem>>
    %dma_start3A_47 = tpu.memref_squeeze %dma_start3A_46 : memref<1x128x32xf32, #tpu.memory_space<vmem>> -> memref<128x32xf32, #tpu.memory_space<vmem>>
    %dma_start3A_48 = arith.constant 0 : i32
    %dma_start3A_49 = tpu.memref_slice %arg10[%dma_start3A_42, %dma_start3A_48] : memref<80x128xi32, #tpu.memory_space<vmem>> -> memref<1x128xi32, #tpu.memory_space<vmem>>
    %dma_start3A_50 = tpu.memref_squeeze %dma_start3A_49 : memref<1x128xi32, #tpu.memory_space<vmem>> -> memref<128xi32, #tpu.memory_space<vmem>>
    %dma_start3A_51 = arith.constant 0 : i32
    %dma_start3A_52 = arith.constant 0 : i32
    %dma_start3A_53 = tpu.memref_slice %arg2[%dma_start3A_51, %dma_start3A_52] : memref<10112x32xf32, #tpu.memory_space<hbm>> -> memref<10112x32xf32, #tpu.memory_space<hbm>>
    tpu.enqueue_indirect_dma source(%dma_start3A_53 : memref<10112x32xf32, #tpu.memory_space<hbm>>) target(%dma_start3A_47 : memref<128x32xf32, #tpu.memory_space<vmem>>) offsets(%dma_start3A_50 : memref<128xi32, #tpu.memory_space<vmem>>) semaphore(%arg14 : memref<!tpu.dma_semaphore, #tpu.memory_space<semaphore_mem>>)
    %dma_start3A_54 = arith.constant 4 : i32
    %dma_start3A_55 = arith.constant 4 : i32
    %dma_start3A_56 = arith.constant 0 : i32
    %dma_start3A_57 = arith.constant 0 : i32
    %dma_start3A_58 = tpu.memref_slice %arg12[%dma_start3A_55, %dma_start3A_56, %dma_start3A_57] : memref<8x128x32xf32, #tpu.memory_space<vmem>> -> memref<1x128x32xf32, #tpu.memory_space<vmem>>
    %dma_start3A_59 = tpu.memref_squeeze %dma_start3A_58 : memref<1x128x32xf32, #tpu.memory_space<vmem>> -> memref<128x32xf32, #tpu.memory_space<vmem>>
    %dma_start3A_60 = arith.constant 0 : i32
    %dma_start3A_61 = tpu.memref_slice %arg10[%dma_start3A_54, %dma_start3A_60] : memref<80x128xi32, #tpu.memory_space<vmem>> -> memref<1x128xi32, #tpu.memory_space<vmem>>
    %dma_start3A_62 = tpu.memref_squeeze %dma_start3A_61 : memref<1x128xi32, #tpu.memory_space<vmem>> -> memref<128xi32, #tpu.memory_space<vmem>>
    %dma_start3A_63 = arith.constant 0 : i32
    %dma_start3A_64 = arith.constant 0 : i32
    %dma_start3A_65 = tpu.memref_slice %arg2[%dma_start3A_63, %dma_start3A_64] : memref<10112x32xf32, #tpu.memory_space<hbm>> -> memref<10112x32xf32, #tpu.memory_space<hbm>>
    tpu.enqueue_indirect_dma source(%dma_start3A_65 : memref<10112x32xf32, #tpu.memory_space<hbm>>) target(%dma_start3A_59 : memref<128x32xf32, #tpu.memory_space<vmem>>) offsets(%dma_start3A_62 : memref<128xi32, #tpu.memory_space<vmem>>) semaphore(%arg14 : memref<!tpu.dma_semaphore, #tpu.memory_space<semaphore_mem>>)
    %dma_start3A_66 = arith.constant 5 : i32
    %dma_start3A_67 = arith.constant 5 : i32
    %dma_start3A_68 = arith.constant 0 : i32
    %dma_start3A_69 = arith.constant 0 : i32
    %dma_start3A_70 = tpu.memref_slice %arg12[%dma_start3A_67, %dma_start3A_68, %dma_start3A_69] : memref<8x128x32xf32, #tpu.memory_space<vmem>> -> memref<1x128x32xf32, #tpu.memory_space<vmem>>
    %dma_start3A_71 = tpu.memref_squeeze %dma_start3A_70 : memref<1x128x32xf32, #tpu.memory_space<vmem>> -> memref<128x32xf32, #tpu.memory_space<vmem>>
    %dma_start3A_72 = arith.constant 0 : i32
    %dma_start3A_73 = tpu.memref_slice %arg10[%dma_start3A_66, %dma_start3A_72] : memref<80x128xi32, #tpu.memory_space<vmem>> -> memref<1x128xi32, #tpu.memory_space<vmem>>
    %dma_start3A_74 = tpu.memref_squeeze %dma_start3A_73 : memref<1x128xi32, #tpu.memory_space<vmem>> -> memref<128xi32, #tpu.memory_space<vmem>>
    %dma_start3A_75 = arith.constant 0 : i32
    %dma_start3A_76 = arith.constant 0 : i32
    %dma_start3A_77 = tpu.memref_slice %arg2[%dma_start3A_75, %dma_start3A_76] : memref<10112x32xf32, #tpu.memory_space<hbm>> -> memref<10112x32xf32, #tpu.memory_space<hbm>>
    tpu.enqueue_indirect_dma source(%dma_start3A_77 : memref<10112x32xf32, #tpu.memory_space<hbm>>) target(%dma_start3A_71 : memref<128x32xf32, #tpu.memory_space<vmem>>) offsets(%dma_start3A_74 : memref<128xi32, #tpu.memory_space<vmem>>) semaphore(%arg14 : memref<!tpu.dma_semaphore, #tpu.memory_space<semaphore_mem>>)
    %dma_start3A_78 = arith.constant 6 : i32
    %dma_start3A_79 = arith.constant 6 : i32
    %dma_start3A_80 = arith.constant 0 : i32
    %dma_start3A_81 = arith.constant 0 : i32
    %dma_start3A_82 = tpu.memref_slice %arg12[%dma_start3A_79, %dma_start3A_80, %dma_start3A_81] : memref<8x128x32xf32, #tpu.memory_space<vmem>> -> memref<1x128x32xf32, #tpu.memory_space<vmem>>
    %dma_start3A_83 = tpu.memref_squeeze %dma_start3A_82 : memref<1x128x32xf32, #tpu.memory_space<vmem>> -> memref<128x32xf32, #tpu.memory_space<vmem>>
    %dma_start3A_84 = arith.constant 0 : i32
    %dma_start3A_85 = tpu.memref_slice %arg10[%dma_start3A_78, %dma_start3A_84] : memref<80x128xi32, #tpu.memory_space<vmem>> -> memref<1x128xi32, #tpu.memory_space<vmem>>
    %dma_start3A_86 = tpu.memref_squeeze %dma_start3A_85 : memref<1x128xi32, #tpu.memory_space<vmem>> -> memref<128xi32, #tpu.memory_space<vmem>>
    %dma_start3A_87 = arith.constant 0 : i32
    %dma_start3A_88 = arith.constant 0 : i32
    %dma_start3A_89 = tpu.memref_slice %arg2[%dma_start3A_87, %dma_start3A_88] : memref<10112x32xf32, #tpu.memory_space<hbm>> -> memref<10112x32xf32, #tpu.memory_space<hbm>>
    tpu.enqueue_indirect_dma source(%dma_start3A_89 : memref<10112x32xf32, #tpu.memory_space<hbm>>) target(%dma_start3A_83 : memref<128x32xf32, #tpu.memory_space<vmem>>) offsets(%dma_start3A_86 : memref<128xi32, #tpu.memory_space<vmem>>) semaphore(%arg14 : memref<!tpu.dma_semaphore, #tpu.memory_space<semaphore_mem>>)
    %dma_start3A_90 = arith.constant 7 : i32
    %dma_start3A_91 = arith.constant 7 : i32
    %dma_start3A_92 = arith.constant 0 : i32
    %dma_start3A_93 = arith.constant 0 : i32
    %dma_start3A_94 = tpu.memref_slice %arg12[%dma_start3A_91, %dma_start3A_92, %dma_start3A_93] : memref<8x128x32xf32, #tpu.memory_space<vmem>> -> memref<1x128x32xf32, #tpu.memory_space<vmem>>
    %dma_start3A_95 = tpu.memref_squeeze %dma_start3A_94 : memref<1x128x32xf32, #tpu.memory_space<vmem>> -> memref<128x32xf32, #tpu.memory_space<vmem>>
    %dma_start3A_96 = arith.constant 0 : i32
    %dma_start3A_97 = tpu.memref_slice %arg10[%dma_start3A_90, %dma_start3A_96] : memref<80x128xi32, #tpu.memory_space<vmem>> -> memref<1x128xi32, #tpu.memory_space<vmem>>
    %dma_start3A_98 = tpu.memref_squeeze %dma_start3A_97 : memref<1x128xi32, #tpu.memory_space<vmem>> -> memref<128xi32, #tpu.memory_space<vmem>>
    %dma_start3A_99 = arith.constant 0 : i32
    %dma_start3A_100 = arith.constant 0 : i32
    %dma_start3A_101 = tpu.memref_slice %arg2[%dma_start3A_99, %dma_start3A_100] : memref<10112x32xf32, #tpu.memory_space<hbm>> -> memref<10112x32xf32, #tpu.memory_space<hbm>>
    tpu.enqueue_indirect_dma source(%dma_start3A_101 : memref<10112x32xf32, #tpu.memory_space<hbm>>) target(%dma_start3A_95 : memref<128x32xf32, #tpu.memory_space<vmem>>) offsets(%dma_start3A_98 : memref<128xi32, #tpu.memory_space<vmem>>) semaphore(%arg14 : memref<!tpu.dma_semaphore, #tpu.memory_space<semaphore_mem>>)
    %scan3A = arith.constant 0 : i32
    %scan3A_102 = arith.constant 10 : i32
    %scan3A_103 = arith.addi %scan3A, %scan3A_102 : i32
    %scan3A_104 = arith.constant 1 : i32
    scf.for %scan3A_113 = %scan3A to %scan3A_103 step %scan3A_104  : i32 {
      %mul3A_114 = arith.constant 8 : i32
      %mul3A_115 = arith.muli %scan3A_113, %mul3A_114 : i32
      %add3A_116 = arith.constant 0 : i32
      %add3A_117 = arith.addi %add3A_116, %mul3A_115 : i32
      %dma_wait3A = arith.constant 0 : i32
      %dma_wait3A_118 = arith.constant 0 : i32
      %dma_wait3A_119 = arith.constant 0 : i32
      %dma_wait3A_120 = tpu.memref_slice %arg12[%dma_wait3A, %dma_wait3A_118, %dma_wait3A_119] : memref<8x128x32xf32, #tpu.memory_space<vmem>> -> memref<1x128x32xf32, #tpu.memory_space<vmem>>
      %dma_wait3A_121 = tpu.memref_squeeze %dma_wait3A_120 : memref<1x128x32xf32, #tpu.memory_space<vmem>> -> memref<128x32xf32, #tpu.memory_space<vmem>>
      %dma_wait3A_122 = arith.constant 0 : i32
      %dma_wait3A_123 = arith.constant 0 : i32
      %dma_wait3A_124 = tpu.memref_slice %arg2[%dma_wait3A_122, %dma_wait3A_123] : memref<10112x32xf32, #tpu.memory_space<hbm>> -> memref<128x32xf32, #tpu.memory_space<hbm>>
      %dma_wait3A_125 = arith.constant 0 : i32
      %dma_wait3A_126 = arith.constant 0 : i32
      %dma_wait3A_127 = tpu.memref_slice %arg12[%dma_wait3A, %dma_wait3A_125, %dma_wait3A_126] : memref<8x128x32xf32, #tpu.memory_space<vmem>> -> memref<1x128x32xf32, #tpu.memory_space<vmem>>
      %dma_wait3A_128 = tpu.memref_squeeze %dma_wait3A_127 : memref<1x128x32xf32, #tpu.memory_space<vmem>> -> memref<128x32xf32, #tpu.memory_space<vmem>>
      %dma_wait3A_129 = arith.constant 0 : i32
      %dma_wait3A_130 = arith.constant 0 : i32
      %dma_wait3A_131 = tpu.memref_slice %arg2[%dma_wait3A_129, %dma_wait3A_130] : memref<10112x32xf32, #tpu.memory_space<hbm>> -> memref<128x32xf32, #tpu.memory_space<hbm>>
      tpu.wait_dma2 semaphore(%arg14 : memref<!tpu.dma_semaphore, #tpu.memory_space<semaphore_mem>>) src(%dma_wait3A_131 : memref<128x32xf32, #tpu.memory_space<hbm>>) dst(%dma_wait3A_128 : memref<128x32xf32, #tpu.memory_space<vmem>>)
      %add3A_132 = arith.constant 0 : i32
      %add3A_133 = arith.addi %add3A_117, %add3A_132 : i32
      %run_scoped3A = arith.constant 0 : i32
      "tpu.region"() ({
        %run_scoped3A_345 = tpu.sem_alloc : memref<!tpu.dma_semaphore, #tpu.memory_space<semaphore_mem>>
        %dma_start3A_346 = arith.constant 0 : i32
        %dma_start3A_347 = arith.constant 0 : i32
        %dma_start3A_348 = tpu.memref_slice %arg12[%run_scoped3A, %dma_start3A_346, %dma_start3A_347] : memref<8x128x32xf32, #tpu.memory_space<vmem>> -> memref<1x128x32xf32, #tpu.memory_space<vmem>>
        %dma_start3A_349 = tpu.memref_squeeze %dma_start3A_348 : memref<1x128x32xf32, #tpu.memory_space<vmem>> -> memref<128x32xf32, #tpu.memory_space<vmem>>
        %dma_start3A_350 = arith.constant 0 : i32
        %dma_start3A_351 = tpu.memref_slice %arg11[%add3A_133, %dma_start3A_350] : memref<80x128xi32, #tpu.memory_space<vmem>> -> memref<1x128xi32, #tpu.memory_space<vmem>>
        %dma_start3A_352 = tpu.memref_squeeze %dma_start3A_351 : memref<1x128xi32, #tpu.memory_space<vmem>> -> memref<128xi32, #tpu.memory_space<vmem>>
        %dma_start3A_353 = arith.constant 0 : i32
        %dma_start3A_354 = arith.constant 0 : i32
        %dma_start3A_355 = tpu.memref_slice %arg13[%dma_start3A_353, %dma_start3A_354] : memref<10112x32xf32, #tpu.memory_space<vmem_shared>> -> memref<10112x32xf32, #tpu.memory_space<vmem_shared>>
        tpu.enqueue_indirect_dma source(%dma_start3A_349 : memref<128x32xf32, #tpu.memory_space<vmem>>) target(%dma_start3A_355 : memref<10112x32xf32, #tpu.memory_space<vmem_shared>>) offsets(%dma_start3A_352 : memref<128xi32, #tpu.memory_space<vmem>>) semaphore(%run_scoped3A_345 : memref<!tpu.dma_semaphore, #tpu.memory_space<semaphore_mem>>) {add = true}
        %dma_wait3A_356 = arith.constant 0 : i32
        %dma_wait3A_357 = arith.constant 0 : i32
        %dma_wait3A_358 = tpu.memref_slice %arg12[%run_scoped3A, %dma_wait3A_356, %dma_wait3A_357] : memref<8x128x32xf32, #tpu.memory_space<vmem>> -> memref<1x128x32xf32, #tpu.memory_space<vmem>>
        %dma_wait3A_359 = tpu.memref_squeeze %dma_wait3A_358 : memref<1x128x32xf32, #tpu.memory_space<vmem>> -> memref<128x32xf32, #tpu.memory_space<vmem>>
        %dma_wait3A_360 = arith.constant 0 : i32
        %dma_wait3A_361 = tpu.memref_slice %arg11[%add3A_133, %dma_wait3A_360] : memref<80x128xi32, #tpu.memory_space<vmem>> -> memref<1x128xi32, #tpu.memory_space<vmem>>
        %dma_wait3A_362 = tpu.memref_squeeze %dma_wait3A_361 : memref<1x128xi32, #tpu.memory_space<vmem>> -> memref<128xi32, #tpu.memory_space<vmem>>
        %dma_wait3A_363 = arith.constant 0 : i32
        %dma_wait3A_364 = arith.constant 0 : i32
        %dma_wait3A_365 = tpu.memref_slice %arg13[%dma_wait3A_363, %dma_wait3A_364] : memref<10112x32xf32, #tpu.memory_space<vmem_shared>> -> memref<10112x32xf32, #tpu.memory_space<vmem_shared>>
        tpu.wait_indirect_dma semaphore(%run_scoped3A_345 : memref<!tpu.dma_semaphore, #tpu.memory_space<semaphore_mem>>) src(%dma_wait3A_359 : memref<128x32xf32, #tpu.memory_space<vmem>>) dst(%dma_wait3A_365 : memref<10112x32xf32, #tpu.memory_space<vmem_shared>>)
        tpu.yield
      }) : () -> ()
      %add3A_134 = arith.constant 0 : i32
      %add3A_135 = arith.addi %add3A_117, %add3A_134 : i32
      %add3A_136 = arith.constant 8 : i32
      %add3A_137 = arith.addi %add3A_135, %add3A_136 : i32
      %lt3A = arith.constant 80 : i32
      %lt3A_138 = arith.cmpi slt, %add3A_137, %lt3A : i32
      %convert_element_type3A = arith.extui %lt3A_138 : i1 to i32
      %cond3A = arith.constant 0 : i32
      %cond3A_139 = arith.cmpi ne, %convert_element_type3A, %cond3A : i32
      scf.if %cond3A_139 {
        %add3A_345 = arith.constant 0 : i32
        %add3A_346 = arith.addi %add3A_117, %add3A_345 : i32
        %add3A_347 = arith.constant 8 : i32
        %add3A_348 = arith.addi %add3A_346, %add3A_347 : i32
        %dma_start3A_349 = arith.constant 0 : i32
        %dma_start3A_350 = arith.constant 0 : i32
        %dma_start3A_351 = arith.constant 0 : i32
        %dma_start3A_352 = tpu.memref_slice %arg12[%dma_start3A_349, %dma_start3A_350, %dma_start3A_351] : memref<8x128x32xf32, #tpu.memory_space<vmem>> -> memref<1x128x32xf32, #tpu.memory_space<vmem>>
        %dma_start3A_353 = tpu.memref_squeeze %dma_start3A_352 : memref<1x128x32xf32, #tpu.memory_space<vmem>> -> memref<128x32xf32, #tpu.memory_space<vmem>>
        %dma_start3A_354 = arith.constant 0 : i32
        %dma_start3A_355 = tpu.memref_slice %arg10[%add3A_348, %dma_start3A_354] : memref<80x128xi32, #tpu.memory_space<vmem>> -> memref<1x128xi32, #tpu.memory_space<vmem>>
        %dma_start3A_356 = tpu.memref_squeeze %dma_start3A_355 : memref<1x128xi32, #tpu.memory_space<vmem>> -> memref<128xi32, #tpu.memory_space<vmem>>
        %dma_start3A_357 = arith.constant 0 : i32
        %dma_start3A_358 = arith.constant 0 : i32
        %dma_start3A_359 = tpu.memref_slice %arg2[%dma_start3A_357, %dma_start3A_358] : memref<10112x32xf32, #tpu.memory_space<hbm>> -> memref<10112x32xf32, #tpu.memory_space<hbm>>
        tpu.enqueue_indirect_dma source(%dma_start3A_359 : memref<10112x32xf32, #tpu.memory_space<hbm>>) target(%dma_start3A_353 : memref<128x32xf32, #tpu.memory_space<vmem>>) offsets(%dma_start3A_356 : memref<128xi32, #tpu.memory_space<vmem>>) semaphore(%arg14 : memref<!tpu.dma_semaphore, #tpu.memory_space<semaphore_mem>>)
      } else {
      }
      %add3A_140 = arith.constant 0 : i32
      %add3A_141 = arith.addi %add3A_117, %add3A_140 : i32
      "tpu.region"() ({
        %run_scoped3A_345 = tpu.sem_alloc : memref<!tpu.dma_semaphore, #tpu.memory_space<semaphore_mem>>
        %dma_start3A_346 = arith.constant 0 : i32
        %dma_start3A_347 = tpu.memref_slice %arg11[%add3A_141, %dma_start3A_346] : memref<80x128xi32, #tpu.memory_space<vmem>> -> memref<1x128xi32, #tpu.memory_space<vmem>>
        %dma_start3A_348 = tpu.memref_squeeze %dma_start3A_347 : memref<1x128xi32, #tpu.memory_space<vmem>> -> memref<128xi32, #tpu.memory_space<vmem>>
        %dma_start3A_349 = arith.constant 0 : i32
        %dma_start3A_350 = arith.constant 0 : i32
        %dma_start3A_351 = tpu.memref_slice %arg16[%dma_start3A_349, %dma_start3A_350] : memref<10112x16xf32, #tpu.memory_space<vmem_shared>> -> memref<10112x16xf32, #tpu.memory_space<vmem_shared>>
        tpu.enqueue_indirect_dma source(%arg15 : memref<128x16xf32, #tpu.memory_space<vmem>>) target(%dma_start3A_351 : memref<10112x16xf32, #tpu.memory_space<vmem_shared>>) offsets(%dma_start3A_348 : memref<128xi32, #tpu.memory_space<vmem>>) semaphore(%run_scoped3A_345 : memref<!tpu.dma_semaphore, #tpu.memory_space<semaphore_mem>>) {add = true}
        %dma_wait3A_352 = arith.constant 0 : i32
        %dma_wait3A_353 = tpu.memref_slice %arg11[%add3A_141, %dma_wait3A_352] : memref<80x128xi32, #tpu.memory_space<vmem>> -> memref<1x128xi32, #tpu.memory_space<vmem>>
        %dma_wait3A_354 = tpu.memref_squeeze %dma_wait3A_353 : memref<1x128xi32, #tpu.memory_space<vmem>> -> memref<128xi32, #tpu.memory_space<vmem>>
        %dma_wait3A_355 = arith.constant 0 : i32
        %dma_wait3A_356 = arith.constant 0 : i32
        %dma_wait3A_357 = tpu.memref_slice %arg16[%dma_wait3A_355, %dma_wait3A_356] : memref<10112x16xf32, #tpu.memory_space<vmem_shared>> -> memref<10112x16xf32, #tpu.memory_space<vmem_shared>>
        tpu.wait_indirect_dma semaphore(%run_scoped3A_345 : memref<!tpu.dma_semaphore, #tpu.memory_space<semaphore_mem>>) src(%arg15 : memref<128x16xf32, #tpu.memory_space<vmem>>) dst(%dma_wait3A_357 : memref<10112x16xf32, #tpu.memory_space<vmem_shared>>)
        tpu.yield
      }) : () -> ()
      %dma_wait3A_142 = arith.constant 1 : i32
      %dma_wait3A_143 = arith.constant 0 : i32
      %dma_wait3A_144 = arith.constant 0 : i32
      %dma_wait3A_145 = tpu.memref_slice %arg12[%dma_wait3A_142, %dma_wait3A_143, %dma_wait3A_144] : memref<8x128x32xf32, #tpu.memory_space<vmem>> -> memref<1x128x32xf32, #tpu.memory_space<vmem>>
      %dma_wait3A_146 = tpu.memref_squeeze %dma_wait3A_145 : memref<1x128x32xf32, #tpu.memory_space<vmem>> -> memref<128x32xf32, #tpu.memory_space<vmem>>
      %dma_wait3A_147 = arith.constant 0 : i32
      %dma_wait3A_148 = arith.constant 0 : i32
      %dma_wait3A_149 = tpu.memref_slice %arg2[%dma_wait3A_147, %dma_wait3A_148] : memref<10112x32xf32, #tpu.memory_space<hbm>> -> memref<128x32xf32, #tpu.memory_space<hbm>>
      %dma_wait3A_150 = arith.constant 0 : i32
      %dma_wait3A_151 = arith.constant 0 : i32
      %dma_wait3A_152 = tpu.memref_slice %arg12[%dma_wait3A_142, %dma_wait3A_150, %dma_wait3A_151] : memref<8x128x32xf32, #tpu.memory_space<vmem>> -> memref<1x128x32xf32, #tpu.memory_space<vmem>>
      %dma_wait3A_153 = tpu.memref_squeeze %dma_wait3A_152 : memref<1x128x32xf32, #tpu.memory_space<vmem>> -> memref<128x32xf32, #tpu.memory_space<vmem>>
      %dma_wait3A_154 = arith.constant 0 : i32
      %dma_wait3A_155 = arith.constant 0 : i32
      %dma_wait3A_156 = tpu.memref_slice %arg2[%dma_wait3A_154, %dma_wait3A_155] : memref<10112x32xf32, #tpu.memory_space<hbm>> -> memref<128x32xf32, #tpu.memory_space<hbm>>
      tpu.wait_dma2 semaphore(%arg14 : memref<!tpu.dma_semaphore, #tpu.memory_space<semaphore_mem>>) src(%dma_wait3A_156 : memref<128x32xf32, #tpu.memory_space<hbm>>) dst(%dma_wait3A_153 : memref<128x32xf32, #tpu.memory_space<vmem>>)
      %add3A_157 = arith.constant 1 : i32
      %add3A_158 = arith.addi %add3A_117, %add3A_157 : i32
      %run_scoped3A_159 = arith.constant 1 : i32
      "tpu.region"() ({
        %run_scoped3A_345 = tpu.sem_alloc : memref<!tpu.dma_semaphore, #tpu.memory_space<semaphore_mem>>
        %dma_start3A_346 = arith.constant 0 : i32
        %dma_start3A_347 = arith.constant 0 : i32
        %dma_start3A_348 = tpu.memref_slice %arg12[%run_scoped3A_159, %dma_start3A_346, %dma_start3A_347] : memref<8x128x32xf32, #tpu.memory_space<vmem>> -> memref<1x128x32xf32, #tpu.memory_space<vmem>>
        %dma_start3A_349 = tpu.memref_squeeze %dma_start3A_348 : memref<1x128x32xf32, #tpu.memory_space<vmem>> -> memref<128x32xf32, #tpu.memory_space<vmem>>
        %dma_start3A_350 = arith.constant 0 : i32
        %dma_start3A_351 = tpu.memref_slice %arg11[%add3A_158, %dma_start3A_350] : memref<80x128xi32, #tpu.memory_space<vmem>> -> memref<1x128xi32, #tpu.memory_space<vmem>>
        %dma_start3A_352 = tpu.memref_squeeze %dma_start3A_351 : memref<1x128xi32, #tpu.memory_space<vmem>> -> memref<128xi32, #tpu.memory_space<vmem>>
        %dma_start3A_353 = arith.constant 0 : i32
        %dma_start3A_354 = arith.constant 0 : i32
        %dma_start3A_355 = tpu.memref_slice %arg13[%dma_start3A_353, %dma_start3A_354] : memref<10112x32xf32, #tpu.memory_space<vmem_shared>> -> memref<10112x32xf32, #tpu.memory_space<vmem_shared>>
        tpu.enqueue_indirect_dma source(%dma_start3A_349 : memref<128x32xf32, #tpu.memory_space<vmem>>) target(%dma_start3A_355 : memref<10112x32xf32, #tpu.memory_space<vmem_shared>>) offsets(%dma_start3A_352 : memref<128xi32, #tpu.memory_space<vmem>>) semaphore(%run_scoped3A_345 : memref<!tpu.dma_semaphore, #tpu.memory_space<semaphore_mem>>) {add = true}
        %dma_wait3A_356 = arith.constant 0 : i32
        %dma_wait3A_357 = arith.constant 0 : i32
        %dma_wait3A_358 = tpu.memref_slice %arg12[%run_scoped3A_159, %dma_wait3A_356, %dma_wait3A_357] : memref<8x128x32xf32, #tpu.memory_space<vmem>> -> memref<1x128x32xf32, #tpu.memory_space<vmem>>
        %dma_wait3A_359 = tpu.memref_squeeze %dma_wait3A_358 : memref<1x128x32xf32, #tpu.memory_space<vmem>> -> memref<128x32xf32, #tpu.memory_space<vmem>>
        %dma_wait3A_360 = arith.constant 0 : i32
        %dma_wait3A_361 = tpu.memref_slice %arg11[%add3A_158, %dma_wait3A_360] : memref<80x128xi32, #tpu.memory_space<vmem>> -> memref<1x128xi32, #tpu.memory_space<vmem>>
        %dma_wait3A_362 = tpu.memref_squeeze %dma_wait3A_361 : memref<1x128xi32, #tpu.memory_space<vmem>> -> memref<128xi32, #tpu.memory_space<vmem>>
        %dma_wait3A_363 = arith.constant 0 : i32
        %dma_wait3A_364 = arith.constant 0 : i32
        %dma_wait3A_365 = tpu.memref_slice %arg13[%dma_wait3A_363, %dma_wait3A_364] : memref<10112x32xf32, #tpu.memory_space<vmem_shared>> -> memref<10112x32xf32, #tpu.memory_space<vmem_shared>>
        tpu.wait_indirect_dma semaphore(%run_scoped3A_345 : memref<!tpu.dma_semaphore, #tpu.memory_space<semaphore_mem>>) src(%dma_wait3A_359 : memref<128x32xf32, #tpu.memory_space<vmem>>) dst(%dma_wait3A_365 : memref<10112x32xf32, #tpu.memory_space<vmem_shared>>)
        tpu.yield
      }) : () -> ()
      %add3A_160 = arith.constant 1 : i32
      %add3A_161 = arith.addi %add3A_117, %add3A_160 : i32
      %add3A_162 = arith.constant 8 : i32
      %add3A_163 = arith.addi %add3A_161, %add3A_162 : i32
      %lt3A_164 = arith.constant 80 : i32
      %lt3A_165 = arith.cmpi slt, %add3A_163, %lt3A_164 : i32
      %convert_element_type3A_166 = arith.extui %lt3A_165 : i1 to i32
      %cond3A_167 = arith.constant 0 : i32
      %cond3A_168 = arith.cmpi ne, %convert_element_type3A_166, %cond3A_167 : i32
      scf.if %cond3A_168 {
        %add3A_345 = arith.constant 1 : i32
        %add3A_346 = arith.addi %add3A_117, %add3A_345 : i32
        %add3A_347 = arith.constant 8 : i32
        %add3A_348 = arith.addi %add3A_346, %add3A_347 : i32
        %dma_start3A_349 = arith.constant 1 : i32
        %dma_start3A_350 = arith.constant 0 : i32
        %dma_start3A_351 = arith.constant 0 : i32
        %dma_start3A_352 = tpu.memref_slice %arg12[%dma_start3A_349, %dma_start3A_350, %dma_start3A_351] : memref<8x128x32xf32, #tpu.memory_space<vmem>> -> memref<1x128x32xf32, #tpu.memory_space<vmem>>
        %dma_start3A_353 = tpu.memref_squeeze %dma_start3A_352 : memref<1x128x32xf32, #tpu.memory_space<vmem>> -> memref<128x32xf32, #tpu.memory_space<vmem>>
        %dma_start3A_354 = arith.constant 0 : i32
        %dma_start3A_355 = tpu.memref_slice %arg10[%add3A_348, %dma_start3A_354] : memref<80x128xi32, #tpu.memory_space<vmem>> -> memref<1x128xi32, #tpu.memory_space<vmem>>
        %dma_start3A_356 = tpu.memref_squeeze %dma_start3A_355 : memref<1x128xi32, #tpu.memory_space<vmem>> -> memref<128xi32, #tpu.memory_space<vmem>>
        %dma_start3A_357 = arith.constant 0 : i32
        %dma_start3A_358 = arith.constant 0 : i32
        %dma_start3A_359 = tpu.memref_slice %arg2[%dma_start3A_357, %dma_start3A_358] : memref<10112x32xf32, #tpu.memory_space<hbm>> -> memref<10112x32xf32, #tpu.memory_space<hbm>>
        tpu.enqueue_indirect_dma source(%dma_start3A_359 : memref<10112x32xf32, #tpu.memory_space<hbm>>) target(%dma_start3A_353 : memref<128x32xf32, #tpu.memory_space<vmem>>) offsets(%dma_start3A_356 : memref<128xi32, #tpu.memory_space<vmem>>) semaphore(%arg14 : memref<!tpu.dma_semaphore, #tpu.memory_space<semaphore_mem>>)
      } else {
      }
      %add3A_169 = arith.constant 1 : i32
      %add3A_170 = arith.addi %add3A_117, %add3A_169 : i32
      "tpu.region"() ({
        %run_scoped3A_345 = tpu.sem_alloc : memref<!tpu.dma_semaphore, #tpu.memory_space<semaphore_mem>>
        %dma_start3A_346 = arith.constant 0 : i32
        %dma_start3A_347 = tpu.memref_slice %arg11[%add3A_170, %dma_start3A_346] : memref<80x128xi32, #tpu.memory_space<vmem>> -> memref<1x128xi32, #tpu.memory_space<vmem>>
        %dma_start3A_348 = tpu.memref_squeeze %dma_start3A_347 : memref<1x128xi32, #tpu.memory_space<vmem>> -> memref<128xi32, #tpu.memory_space<vmem>>
        %dma_start3A_349 = arith.constant 0 : i32
        %dma_start3A_350 = arith.constant 0 : i32
        %dma_start3A_351 = tpu.memref_slice %arg16[%dma_start3A_349, %dma_start3A_350] : memref<10112x16xf32, #tpu.memory_space<vmem_shared>> -> memref<10112x16xf32, #tpu.memory_space<vmem_shared>>
        tpu.enqueue_indirect_dma source(%arg15 : memref<128x16xf32, #tpu.memory_space<vmem>>) target(%dma_start3A_351 : memref<10112x16xf32, #tpu.memory_space<vmem_shared>>) offsets(%dma_start3A_348 : memref<128xi32, #tpu.memory_space<vmem>>) semaphore(%run_scoped3A_345 : memref<!tpu.dma_semaphore, #tpu.memory_space<semaphore_mem>>) {add = true}
        %dma_wait3A_352 = arith.constant 0 : i32
        %dma_wait3A_353 = tpu.memref_slice %arg11[%add3A_170, %dma_wait3A_352] : memref<80x128xi32, #tpu.memory_space<vmem>> -> memref<1x128xi32, #tpu.memory_space<vmem>>
        %dma_wait3A_354 = tpu.memref_squeeze %dma_wait3A_353 : memref<1x128xi32, #tpu.memory_space<vmem>> -> memref<128xi32, #tpu.memory_space<vmem>>
        %dma_wait3A_355 = arith.constant 0 : i32
        %dma_wait3A_356 = arith.constant 0 : i32
        %dma_wait3A_357 = tpu.memref_slice %arg16[%dma_wait3A_355, %dma_wait3A_356] : memref<10112x16xf32, #tpu.memory_space<vmem_shared>> -> memref<10112x16xf32, #tpu.memory_space<vmem_shared>>
        tpu.wait_indirect_dma semaphore(%run_scoped3A_345 : memref<!tpu.dma_semaphore, #tpu.memory_space<semaphore_mem>>) src(%arg15 : memref<128x16xf32, #tpu.memory_space<vmem>>) dst(%dma_wait3A_357 : memref<10112x16xf32, #tpu.memory_space<vmem_shared>>)
        tpu.yield
      }) : () -> ()
      %dma_wait3A_171 = arith.constant 2 : i32
      %dma_wait3A_172 = arith.constant 0 : i32
      %dma_wait3A_173 = arith.constant 0 : i32
      %dma_wait3A_174 = tpu.memref_slice %arg12[%dma_wait3A_171, %dma_wait3A_172, %dma_wait3A_173] : memref<8x128x32xf32, #tpu.memory_space<vmem>> -> memref<1x128x32xf32, #tpu.memory_space<vmem>>
      %dma_wait3A_175 = tpu.memref_squeeze %dma_wait3A_174 : memref<1x128x32xf32, #tpu.memory_space<vmem>> -> memref<128x32xf32, #tpu.memory_space<vmem>>
      %dma_wait3A_176 = arith.constant 0 : i32
      %dma_wait3A_177 = arith.constant 0 : i32
      %dma_wait3A_178 = tpu.memref_slice %arg2[%dma_wait3A_176, %dma_wait3A_177] : memref<10112x32xf32, #tpu.memory_space<hbm>> -> memref<128x32xf32, #tpu.memory_space<hbm>>
      %dma_wait3A_179 = arith.constant 0 : i32
      %dma_wait3A_180 = arith.constant 0 : i32
      %dma_wait3A_181 = tpu.memref_slice %arg12[%dma_wait3A_171, %dma_wait3A_179, %dma_wait3A_180] : memref<8x128x32xf32, #tpu.memory_space<vmem>> -> memref<1x128x32xf32, #tpu.memory_space<vmem>>
      %dma_wait3A_182 = tpu.memref_squeeze %dma_wait3A_181 : memref<1x128x32xf32, #tpu.memory_space<vmem>> -> memref<128x32xf32, #tpu.memory_space<vmem>>
      %dma_wait3A_183 = arith.constant 0 : i32
      %dma_wait3A_184 = arith.constant 0 : i32
      %dma_wait3A_185 = tpu.memref_slice %arg2[%dma_wait3A_183, %dma_wait3A_184] : memref<10112x32xf32, #tpu.memory_space<hbm>> -> memref<128x32xf32, #tpu.memory_space<hbm>>
      tpu.wait_dma2 semaphore(%arg14 : memref<!tpu.dma_semaphore, #tpu.memory_space<semaphore_mem>>) src(%dma_wait3A_185 : memref<128x32xf32, #tpu.memory_space<hbm>>) dst(%dma_wait3A_182 : memref<128x32xf32, #tpu.memory_space<vmem>>)
      %add3A_186 = arith.constant 2 : i32
      %add3A_187 = arith.addi %add3A_117, %add3A_186 : i32
      %run_scoped3A_188 = arith.constant 2 : i32
      "tpu.region"() ({
        %run_scoped3A_345 = tpu.sem_alloc : memref<!tpu.dma_semaphore, #tpu.memory_space<semaphore_mem>>
        %dma_start3A_346 = arith.constant 0 : i32
        %dma_start3A_347 = arith.constant 0 : i32
        %dma_start3A_348 = tpu.memref_slice %arg12[%run_scoped3A_188, %dma_start3A_346, %dma_start3A_347] : memref<8x128x32xf32, #tpu.memory_space<vmem>> -> memref<1x128x32xf32, #tpu.memory_space<vmem>>
        %dma_start3A_349 = tpu.memref_squeeze %dma_start3A_348 : memref<1x128x32xf32, #tpu.memory_space<vmem>> -> memref<128x32xf32, #tpu.memory_space<vmem>>
        %dma_start3A_350 = arith.constant 0 : i32
        %dma_start3A_351 = tpu.memref_slice %arg11[%add3A_187, %dma_start3A_350] : memref<80x128xi32, #tpu.memory_space<vmem>> -> memref<1x128xi32, #tpu.memory_space<vmem>>
        %dma_start3A_352 = tpu.memref_squeeze %dma_start3A_351 : memref<1x128xi32, #tpu.memory_space<vmem>> -> memref<128xi32, #tpu.memory_space<vmem>>
        %dma_start3A_353 = arith.constant 0 : i32
        %dma_start3A_354 = arith.constant 0 : i32
        %dma_start3A_355 = tpu.memref_slice %arg13[%dma_start3A_353, %dma_start3A_354] : memref<10112x32xf32, #tpu.memory_space<vmem_shared>> -> memref<10112x32xf32, #tpu.memory_space<vmem_shared>>
        tpu.enqueue_indirect_dma source(%dma_start3A_349 : memref<128x32xf32, #tpu.memory_space<vmem>>) target(%dma_start3A_355 : memref<10112x32xf32, #tpu.memory_space<vmem_shared>>) offsets(%dma_start3A_352 : memref<128xi32, #tpu.memory_space<vmem>>) semaphore(%run_scoped3A_345 : memref<!tpu.dma_semaphore, #tpu.memory_space<semaphore_mem>>) {add = true}
        %dma_wait3A_356 = arith.constant 0 : i32
        %dma_wait3A_357 = arith.constant 0 : i32
        %dma_wait3A_358 = tpu.memref_slice %arg12[%run_scoped3A_188, %dma_wait3A_356, %dma_wait3A_357] : memref<8x128x32xf32, #tpu.memory_space<vmem>> -> memref<1x128x32xf32, #tpu.memory_space<vmem>>
        %dma_wait3A_359 = tpu.memref_squeeze %dma_wait3A_358 : memref<1x128x32xf32, #tpu.memory_space<vmem>> -> memref<128x32xf32, #tpu.memory_space<vmem>>
        %dma_wait3A_360 = arith.constant 0 : i32
        %dma_wait3A_361 = tpu.memref_slice %arg11[%add3A_187, %dma_wait3A_360] : memref<80x128xi32, #tpu.memory_space<vmem>> -> memref<1x128xi32, #tpu.memory_space<vmem>>
        %dma_wait3A_362 = tpu.memref_squeeze %dma_wait3A_361 : memref<1x128xi32, #tpu.memory_space<vmem>> -> memref<128xi32, #tpu.memory_space<vmem>>
        %dma_wait3A_363 = arith.constant 0 : i32
        %dma_wait3A_364 = arith.constant 0 : i32
        %dma_wait3A_365 = tpu.memref_slice %arg13[%dma_wait3A_363, %dma_wait3A_364] : memref<10112x32xf32, #tpu.memory_space<vmem_shared>> -> memref<10112x32xf32, #tpu.memory_space<vmem_shared>>
        tpu.wait_indirect_dma semaphore(%run_scoped3A_345 : memref<!tpu.dma_semaphore, #tpu.memory_space<semaphore_mem>>) src(%dma_wait3A_359 : memref<128x32xf32, #tpu.memory_space<vmem>>) dst(%dma_wait3A_365 : memref<10112x32xf32, #tpu.memory_space<vmem_shared>>)
        tpu.yield
      }) : () -> ()
      %add3A_189 = arith.constant 2 : i32
      %add3A_190 = arith.addi %add3A_117, %add3A_189 : i32
      %add3A_191 = arith.constant 8 : i32
      %add3A_192 = arith.addi %add3A_190, %add3A_191 : i32
      %lt3A_193 = arith.constant 80 : i32
      %lt3A_194 = arith.cmpi slt, %add3A_192, %lt3A_193 : i32
      %convert_element_type3A_195 = arith.extui %lt3A_194 : i1 to i32
      %cond3A_196 = arith.constant 0 : i32
      %cond3A_197 = arith.cmpi ne, %convert_element_type3A_195, %cond3A_196 : i32
      scf.if %cond3A_197 {
        %add3A_345 = arith.constant 2 : i32
        %add3A_346 = arith.addi %add3A_117, %add3A_345 : i32
        %add3A_347 = arith.constant 8 : i32
        %add3A_348 = arith.addi %add3A_346, %add3A_347 : i32
        %dma_start3A_349 = arith.constant 2 : i32
        %dma_start3A_350 = arith.constant 0 : i32
        %dma_start3A_351 = arith.constant 0 : i32
        %dma_start3A_352 = tpu.memref_slice %arg12[%dma_start3A_349, %dma_start3A_350, %dma_start3A_351] : memref<8x128x32xf32, #tpu.memory_space<vmem>> -> memref<1x128x32xf32, #tpu.memory_space<vmem>>
        %dma_start3A_353 = tpu.memref_squeeze %dma_start3A_352 : memref<1x128x32xf32, #tpu.memory_space<vmem>> -> memref<128x32xf32, #tpu.memory_space<vmem>>
        %dma_start3A_354 = arith.constant 0 : i32
        %dma_start3A_355 = tpu.memref_slice %arg10[%add3A_348, %dma_start3A_354] : memref<80x128xi32, #tpu.memory_space<vmem>> -> memref<1x128xi32, #tpu.memory_space<vmem>>
        %dma_start3A_356 = tpu.memref_squeeze %dma_start3A_355 : memref<1x128xi32, #tpu.memory_space<vmem>> -> memref<128xi32, #tpu.memory_space<vmem>>
        %dma_start3A_357 = arith.constant 0 : i32
        %dma_start3A_358 = arith.constant 0 : i32
        %dma_start3A_359 = tpu.memref_slice %arg2[%dma_start3A_357, %dma_start3A_358] : memref<10112x32xf32, #tpu.memory_space<hbm>> -> memref<10112x32xf32, #tpu.memory_space<hbm>>
        tpu.enqueue_indirect_dma source(%dma_start3A_359 : memref<10112x32xf32, #tpu.memory_space<hbm>>) target(%dma_start3A_353 : memref<128x32xf32, #tpu.memory_space<vmem>>) offsets(%dma_start3A_356 : memref<128xi32, #tpu.memory_space<vmem>>) semaphore(%arg14 : memref<!tpu.dma_semaphore, #tpu.memory_space<semaphore_mem>>)
      } else {
      }
      %add3A_198 = arith.constant 2 : i32
      %add3A_199 = arith.addi %add3A_117, %add3A_198 : i32
      "tpu.region"() ({
        %run_scoped3A_345 = tpu.sem_alloc : memref<!tpu.dma_semaphore, #tpu.memory_space<semaphore_mem>>
        %dma_start3A_346 = arith.constant 0 : i32
        %dma_start3A_347 = tpu.memref_slice %arg11[%add3A_199, %dma_start3A_346] : memref<80x128xi32, #tpu.memory_space<vmem>> -> memref<1x128xi32, #tpu.memory_space<vmem>>
        %dma_start3A_348 = tpu.memref_squeeze %dma_start3A_347 : memref<1x128xi32, #tpu.memory_space<vmem>> -> memref<128xi32, #tpu.memory_space<vmem>>
        %dma_start3A_349 = arith.constant 0 : i32
        %dma_start3A_350 = arith.constant 0 : i32
        %dma_start3A_351 = tpu.memref_slice %arg16[%dma_start3A_349, %dma_start3A_350] : memref<10112x16xf32, #tpu.memory_space<vmem_shared>> -> memref<10112x16xf32, #tpu.memory_space<vmem_shared>>
        tpu.enqueue_indirect_dma source(%arg15 : memref<128x16xf32, #tpu.memory_space<vmem>>) target(%dma_start3A_351 : memref<10112x16xf32, #tpu.memory_space<vmem_shared>>) offsets(%dma_start3A_348 : memref<128xi32, #tpu.memory_space<vmem>>) semaphore(%run_scoped3A_345 : memref<!tpu.dma_semaphore, #tpu.memory_space<semaphore_mem>>) {add = true}
        %dma_wait3A_352 = arith.constant 0 : i32
        %dma_wait3A_353 = tpu.memref_slice %arg11[%add3A_199, %dma_wait3A_352] : memref<80x128xi32, #tpu.memory_space<vmem>> -> memref<1x128xi32, #tpu.memory_space<vmem>>
        %dma_wait3A_354 = tpu.memref_squeeze %dma_wait3A_353 : memref<1x128xi32, #tpu.memory_space<vmem>> -> memref<128xi32, #tpu.memory_space<vmem>>
        %dma_wait3A_355 = arith.constant 0 : i32
        %dma_wait3A_356 = arith.constant 0 : i32
        %dma_wait3A_357 = tpu.memref_slice %arg16[%dma_wait3A_355, %dma_wait3A_356] : memref<10112x16xf32, #tpu.memory_space<vmem_shared>> -> memref<10112x16xf32, #tpu.memory_space<vmem_shared>>
        tpu.wait_indirect_dma semaphore(%run_scoped3A_345 : memref<!tpu.dma_semaphore, #tpu.memory_space<semaphore_mem>>) src(%arg15 : memref<128x16xf32, #tpu.memory_space<vmem>>) dst(%dma_wait3A_357 : memref<10112x16xf32, #tpu.memory_space<vmem_shared>>)
        tpu.yield
      }) : () -> ()
      %dma_wait3A_200 = arith.constant 3 : i32
      %dma_wait3A_201 = arith.constant 0 : i32
      %dma_wait3A_202 = arith.constant 0 : i32
      %dma_wait3A_203 = tpu.memref_slice %arg12[%dma_wait3A_200, %dma_wait3A_201, %dma_wait3A_202] : memref<8x128x32xf32, #tpu.memory_space<vmem>> -> memref<1x128x32xf32, #tpu.memory_space<vmem>>
      %dma_wait3A_204 = tpu.memref_squeeze %dma_wait3A_203 : memref<1x128x32xf32, #tpu.memory_space<vmem>> -> memref<128x32xf32, #tpu.memory_space<vmem>>
      %dma_wait3A_205 = arith.constant 0 : i32
      %dma_wait3A_206 = arith.constant 0 : i32
      %dma_wait3A_207 = tpu.memref_slice %arg2[%dma_wait3A_205, %dma_wait3A_206] : memref<10112x32xf32, #tpu.memory_space<hbm>> -> memref<128x32xf32, #tpu.memory_space<hbm>>
      %dma_wait3A_208 = arith.constant 0 : i32
      %dma_wait3A_209 = arith.constant 0 : i32
      %dma_wait3A_210 = tpu.memref_slice %arg12[%dma_wait3A_200, %dma_wait3A_208, %dma_wait3A_209] : memref<8x128x32xf32, #tpu.memory_space<vmem>> -> memref<1x128x32xf32, #tpu.memory_space<vmem>>
      %dma_wait3A_211 = tpu.memref_squeeze %dma_wait3A_210 : memref<1x128x32xf32, #tpu.memory_space<vmem>> -> memref<128x32xf32, #tpu.memory_space<vmem>>
      %dma_wait3A_212 = arith.constant 0 : i32
      %dma_wait3A_213 = arith.constant 0 : i32
      %dma_wait3A_214 = tpu.memref_slice %arg2[%dma_wait3A_212, %dma_wait3A_213] : memref<10112x32xf32, #tpu.memory_space<hbm>> -> memref<128x32xf32, #tpu.memory_space<hbm>>
      tpu.wait_dma2 semaphore(%arg14 : memref<!tpu.dma_semaphore, #tpu.memory_space<semaphore_mem>>) src(%dma_wait3A_214 : memref<128x32xf32, #tpu.memory_space<hbm>>) dst(%dma_wait3A_211 : memref<128x32xf32, #tpu.memory_space<vmem>>)
      %add3A_215 = arith.constant 3 : i32
      %add3A_216 = arith.addi %add3A_117, %add3A_215 : i32
      %run_scoped3A_217 = arith.constant 3 : i32
      "tpu.region"() ({
        %run_scoped3A_345 = tpu.sem_alloc : memref<!tpu.dma_semaphore, #tpu.memory_space<semaphore_mem>>
        %dma_start3A_346 = arith.constant 0 : i32
        %dma_start3A_347 = arith.constant 0 : i32
        %dma_start3A_348 = tpu.memref_slice %arg12[%run_scoped3A_217, %dma_start3A_346, %dma_start3A_347] : memref<8x128x32xf32, #tpu.memory_space<vmem>> -> memref<1x128x32xf32, #tpu.memory_space<vmem>>
        %dma_start3A_349 = tpu.memref_squeeze %dma_start3A_348 : memref<1x128x32xf32, #tpu.memory_space<vmem>> -> memref<128x32xf32, #tpu.memory_space<vmem>>
        %dma_start3A_350 = arith.constant 0 : i32
        %dma_start3A_351 = tpu.memref_slice %arg11[%add3A_216, %dma_start3A_350] : memref<80x128xi32, #tpu.memory_space<vmem>> -> memref<1x128xi32, #tpu.memory_space<vmem>>
        %dma_start3A_352 = tpu.memref_squeeze %dma_start3A_351 : memref<1x128xi32, #tpu.memory_space<vmem>> -> memref<128xi32, #tpu.memory_space<vmem>>
        %dma_start3A_353 = arith.constant 0 : i32
        %dma_start3A_354 = arith.constant 0 : i32
        %dma_start3A_355 = tpu.memref_slice %arg13[%dma_start3A_353, %dma_start3A_354] : memref<10112x32xf32, #tpu.memory_space<vmem_shared>> -> memref<10112x32xf32, #tpu.memory_space<vmem_shared>>
        tpu.enqueue_indirect_dma source(%dma_start3A_349 : memref<128x32xf32, #tpu.memory_space<vmem>>) target(%dma_start3A_355 : memref<10112x32xf32, #tpu.memory_space<vmem_shared>>) offsets(%dma_start3A_352 : memref<128xi32, #tpu.memory_space<vmem>>) semaphore(%run_scoped3A_345 : memref<!tpu.dma_semaphore, #tpu.memory_space<semaphore_mem>>) {add = true}
        %dma_wait3A_356 = arith.constant 0 : i32
        %dma_wait3A_357 = arith.constant 0 : i32
        %dma_wait3A_358 = tpu.memref_slice %arg12[%run_scoped3A_217, %dma_wait3A_356, %dma_wait3A_357] : memref<8x128x32xf32, #tpu.memory_space<vmem>> -> memref<1x128x32xf32, #tpu.memory_space<vmem>>
        %dma_wait3A_359 = tpu.memref_squeeze %dma_wait3A_358 : memref<1x128x32xf32, #tpu.memory_space<vmem>> -> memref<128x32xf32, #tpu.memory_space<vmem>>
        %dma_wait3A_360 = arith.constant 0 : i32
        %dma_wait3A_361 = tpu.memref_slice %arg11[%add3A_216, %dma_wait3A_360] : memref<80x128xi32, #tpu.memory_space<vmem>> -> memref<1x128xi32, #tpu.memory_space<vmem>>
        %dma_wait3A_362 = tpu.memref_squeeze %dma_wait3A_361 : memref<1x128xi32, #tpu.memory_space<vmem>> -> memref<128xi32, #tpu.memory_space<vmem>>
        %dma_wait3A_363 = arith.constant 0 : i32
        %dma_wait3A_364 = arith.constant 0 : i32
        %dma_wait3A_365 = tpu.memref_slice %arg13[%dma_wait3A_363, %dma_wait3A_364] : memref<10112x32xf32, #tpu.memory_space<vmem_shared>> -> memref<10112x32xf32, #tpu.memory_space<vmem_shared>>
        tpu.wait_indirect_dma semaphore(%run_scoped3A_345 : memref<!tpu.dma_semaphore, #tpu.memory_space<semaphore_mem>>) src(%dma_wait3A_359 : memref<128x32xf32, #tpu.memory_space<vmem>>) dst(%dma_wait3A_365 : memref<10112x32xf32, #tpu.memory_space<vmem_shared>>)
        tpu.yield
      }) : () -> ()
      %add3A_218 = arith.constant 3 : i32
      %add3A_219 = arith.addi %add3A_117, %add3A_218 : i32
      %add3A_220 = arith.constant 8 : i32
      %add3A_221 = arith.addi %add3A_219, %add3A_220 : i32
      %lt3A_222 = arith.constant 80 : i32
      %lt3A_223 = arith.cmpi slt, %add3A_221, %lt3A_222 : i32
      %convert_element_type3A_224 = arith.extui %lt3A_223 : i1 to i32
      %cond3A_225 = arith.constant 0 : i32
      %cond3A_226 = arith.cmpi ne, %convert_element_type3A_224, %cond3A_225 : i32
      scf.if %cond3A_226 {
        %add3A_345 = arith.constant 3 : i32
        %add3A_346 = arith.addi %add3A_117, %add3A_345 : i32
        %add3A_347 = arith.constant 8 : i32
        %add3A_348 = arith.addi %add3A_346, %add3A_347 : i32
        %dma_start3A_349 = arith.constant 3 : i32
        %dma_start3A_350 = arith.constant 0 : i32
        %dma_start3A_351 = arith.constant 0 : i32
        %dma_start3A_352 = tpu.memref_slice %arg12[%dma_start3A_349, %dma_start3A_350, %dma_start3A_351] : memref<8x128x32xf32, #tpu.memory_space<vmem>> -> memref<1x128x32xf32, #tpu.memory_space<vmem>>
        %dma_start3A_353 = tpu.memref_squeeze %dma_start3A_352 : memref<1x128x32xf32, #tpu.memory_space<vmem>> -> memref<128x32xf32, #tpu.memory_space<vmem>>
        %dma_start3A_354 = arith.constant 0 : i32
        %dma_start3A_355 = tpu.memref_slice %arg10[%add3A_348, %dma_start3A_354] : memref<80x128xi32, #tpu.memory_space<vmem>> -> memref<1x128xi32, #tpu.memory_space<vmem>>
        %dma_start3A_356 = tpu.memref_squeeze %dma_start3A_355 : memref<1x128xi32, #tpu.memory_space<vmem>> -> memref<128xi32, #tpu.memory_space<vmem>>
        %dma_start3A_357 = arith.constant 0 : i32
        %dma_start3A_358 = arith.constant 0 : i32
        %dma_start3A_359 = tpu.memref_slice %arg2[%dma_start3A_357, %dma_start3A_358] : memref<10112x32xf32, #tpu.memory_space<hbm>> -> memref<10112x32xf32, #tpu.memory_space<hbm>>
        tpu.enqueue_indirect_dma source(%dma_start3A_359 : memref<10112x32xf32, #tpu.memory_space<hbm>>) target(%dma_start3A_353 : memref<128x32xf32, #tpu.memory_space<vmem>>) offsets(%dma_start3A_356 : memref<128xi32, #tpu.memory_space<vmem>>) semaphore(%arg14 : memref<!tpu.dma_semaphore, #tpu.memory_space<semaphore_mem>>)
      } else {
      }
      %add3A_227 = arith.constant 3 : i32
      %add3A_228 = arith.addi %add3A_117, %add3A_227 : i32
      "tpu.region"() ({
        %run_scoped3A_345 = tpu.sem_alloc : memref<!tpu.dma_semaphore, #tpu.memory_space<semaphore_mem>>
        %dma_start3A_346 = arith.constant 0 : i32
        %dma_start3A_347 = tpu.memref_slice %arg11[%add3A_228, %dma_start3A_346] : memref<80x128xi32, #tpu.memory_space<vmem>> -> memref<1x128xi32, #tpu.memory_space<vmem>>
        %dma_start3A_348 = tpu.memref_squeeze %dma_start3A_347 : memref<1x128xi32, #tpu.memory_space<vmem>> -> memref<128xi32, #tpu.memory_space<vmem>>
        %dma_start3A_349 = arith.constant 0 : i32
        %dma_start3A_350 = arith.constant 0 : i32
        %dma_start3A_351 = tpu.memref_slice %arg16[%dma_start3A_349, %dma_start3A_350] : memref<10112x16xf32, #tpu.memory_space<vmem_shared>> -> memref<10112x16xf32, #tpu.memory_space<vmem_shared>>
        tpu.enqueue_indirect_dma source(%arg15 : memref<128x16xf32, #tpu.memory_space<vmem>>) target(%dma_start3A_351 : memref<10112x16xf32, #tpu.memory_space<vmem_shared>>) offsets(%dma_start3A_348 : memref<128xi32, #tpu.memory_space<vmem>>) semaphore(%run_scoped3A_345 : memref<!tpu.dma_semaphore, #tpu.memory_space<semaphore_mem>>) {add = true}
        %dma_wait3A_352 = arith.constant 0 : i32
        %dma_wait3A_353 = tpu.memref_slice %arg11[%add3A_228, %dma_wait3A_352] : memref<80x128xi32, #tpu.memory_space<vmem>> -> memref<1x128xi32, #tpu.memory_space<vmem>>
        %dma_wait3A_354 = tpu.memref_squeeze %dma_wait3A_353 : memref<1x128xi32, #tpu.memory_space<vmem>> -> memref<128xi32, #tpu.memory_space<vmem>>
        %dma_wait3A_355 = arith.constant 0 : i32
        %dma_wait3A_356 = arith.constant 0 : i32
        %dma_wait3A_357 = tpu.memref_slice %arg16[%dma_wait3A_355, %dma_wait3A_356] : memref<10112x16xf32, #tpu.memory_space<vmem_shared>> -> memref<10112x16xf32, #tpu.memory_space<vmem_shared>>
        tpu.wait_indirect_dma semaphore(%run_scoped3A_345 : memref<!tpu.dma_semaphore, #tpu.memory_space<semaphore_mem>>) src(%arg15 : memref<128x16xf32, #tpu.memory_space<vmem>>) dst(%dma_wait3A_357 : memref<10112x16xf32, #tpu.memory_space<vmem_shared>>)
        tpu.yield
      }) : () -> ()
      %dma_wait3A_229 = arith.constant 4 : i32
      %dma_wait3A_230 = arith.constant 0 : i32
      %dma_wait3A_231 = arith.constant 0 : i32
      %dma_wait3A_232 = tpu.memref_slice %arg12[%dma_wait3A_229, %dma_wait3A_230, %dma_wait3A_231] : memref<8x128x32xf32, #tpu.memory_space<vmem>> -> memref<1x128x32xf32, #tpu.memory_space<vmem>>
      %dma_wait3A_233 = tpu.memref_squeeze %dma_wait3A_232 : memref<1x128x32xf32, #tpu.memory_space<vmem>> -> memref<128x32xf32, #tpu.memory_space<vmem>>
      %dma_wait3A_234 = arith.constant 0 : i32
      %dma_wait3A_235 = arith.constant 0 : i32
      %dma_wait3A_236 = tpu.memref_slice %arg2[%dma_wait3A_234, %dma_wait3A_235] : memref<10112x32xf32, #tpu.memory_space<hbm>> -> memref<128x32xf32, #tpu.memory_space<hbm>>
      %dma_wait3A_237 = arith.constant 0 : i32
      %dma_wait3A_238 = arith.constant 0 : i32
      %dma_wait3A_239 = tpu.memref_slice %arg12[%dma_wait3A_229, %dma_wait3A_237, %dma_wait3A_238] : memref<8x128x32xf32, #tpu.memory_space<vmem>> -> memref<1x128x32xf32, #tpu.memory_space<vmem>>
      %dma_wait3A_240 = tpu.memref_squeeze %dma_wait3A_239 : memref<1x128x32xf32, #tpu.memory_space<vmem>> -> memref<128x32xf32, #tpu.memory_space<vmem>>
      %dma_wait3A_241 = arith.constant 0 : i32
      %dma_wait3A_242 = arith.constant 0 : i32
      %dma_wait3A_243 = tpu.memref_slice %arg2[%dma_wait3A_241, %dma_wait3A_242] : memref<10112x32xf32, #tpu.memory_space<hbm>> -> memref<128x32xf32, #tpu.memory_space<hbm>>
      tpu.wait_dma2 semaphore(%arg14 : memref<!tpu.dma_semaphore, #tpu.memory_space<semaphore_mem>>) src(%dma_wait3A_243 : memref<128x32xf32, #tpu.memory_space<hbm>>) dst(%dma_wait3A_240 : memref<128x32xf32, #tpu.memory_space<vmem>>)
      %add3A_244 = arith.constant 4 : i32
      %add3A_245 = arith.addi %add3A_117, %add3A_244 : i32
      %run_scoped3A_246 = arith.constant 4 : i32
      "tpu.region"() ({
        %run_scoped3A_345 = tpu.sem_alloc : memref<!tpu.dma_semaphore, #tpu.memory_space<semaphore_mem>>
        %dma_start3A_346 = arith.constant 0 : i32
        %dma_start3A_347 = arith.constant 0 : i32
        %dma_start3A_348 = tpu.memref_slice %arg12[%run_scoped3A_246, %dma_start3A_346, %dma_start3A_347] : memref<8x128x32xf32, #tpu.memory_space<vmem>> -> memref<1x128x32xf32, #tpu.memory_space<vmem>>
        %dma_start3A_349 = tpu.memref_squeeze %dma_start3A_348 : memref<1x128x32xf32, #tpu.memory_space<vmem>> -> memref<128x32xf32, #tpu.memory_space<vmem>>
        %dma_start3A_350 = arith.constant 0 : i32
        %dma_start3A_351 = tpu.memref_slice %arg11[%add3A_245, %dma_start3A_350] : memref<80x128xi32, #tpu.memory_space<vmem>> -> memref<1x128xi32, #tpu.memory_space<vmem>>
        %dma_start3A_352 = tpu.memref_squeeze %dma_start3A_351 : memref<1x128xi32, #tpu.memory_space<vmem>> -> memref<128xi32, #tpu.memory_space<vmem>>
        %dma_start3A_353 = arith.constant 0 : i32
        %dma_start3A_354 = arith.constant 0 : i32
        %dma_start3A_355 = tpu.memref_slice %arg13[%dma_start3A_353, %dma_start3A_354] : memref<10112x32xf32, #tpu.memory_space<vmem_shared>> -> memref<10112x32xf32, #tpu.memory_space<vmem_shared>>
        tpu.enqueue_indirect_dma source(%dma_start3A_349 : memref<128x32xf32, #tpu.memory_space<vmem>>) target(%dma_start3A_355 : memref<10112x32xf32, #tpu.memory_space<vmem_shared>>) offsets(%dma_start3A_352 : memref<128xi32, #tpu.memory_space<vmem>>) semaphore(%run_scoped3A_345 : memref<!tpu.dma_semaphore, #tpu.memory_space<semaphore_mem>>) {add = true}
        %dma_wait3A_356 = arith.constant 0 : i32
        %dma_wait3A_357 = arith.constant 0 : i32
        %dma_wait3A_358 = tpu.memref_slice %arg12[%run_scoped3A_246, %dma_wait3A_356, %dma_wait3A_357] : memref<8x128x32xf32, #tpu.memory_space<vmem>> -> memref<1x128x32xf32, #tpu.memory_space<vmem>>
        %dma_wait3A_359 = tpu.memref_squeeze %dma_wait3A_358 : memref<1x128x32xf32, #tpu.memory_space<vmem>> -> memref<128x32xf32, #tpu.memory_space<vmem>>
        %dma_wait3A_360 = arith.constant 0 : i32
        %dma_wait3A_361 = tpu.memref_slice %arg11[%add3A_245, %dma_wait3A_360] : memref<80x128xi32, #tpu.memory_space<vmem>> -> memref<1x128xi32, #tpu.memory_space<vmem>>
        %dma_wait3A_362 = tpu.memref_squeeze %dma_wait3A_361 : memref<1x128xi32, #tpu.memory_space<vmem>> -> memref<128xi32, #tpu.memory_space<vmem>>
        %dma_wait3A_363 = arith.constant 0 : i32
        %dma_wait3A_364 = arith.constant 0 : i32
        %dma_wait3A_365 = tpu.memref_slice %arg13[%dma_wait3A_363, %dma_wait3A_364] : memref<10112x32xf32, #tpu.memory_space<vmem_shared>> -> memref<10112x32xf32, #tpu.memory_space<vmem_shared>>
        tpu.wait_indirect_dma semaphore(%run_scoped3A_345 : memref<!tpu.dma_semaphore, #tpu.memory_space<semaphore_mem>>) src(%dma_wait3A_359 : memref<128x32xf32, #tpu.memory_space<vmem>>) dst(%dma_wait3A_365 : memref<10112x32xf32, #tpu.memory_space<vmem_shared>>)
        tpu.yield
      }) : () -> ()
      %add3A_247 = arith.constant 4 : i32
      %add3A_248 = arith.addi %add3A_117, %add3A_247 : i32
      %add3A_249 = arith.constant 8 : i32
      %add3A_250 = arith.addi %add3A_248, %add3A_249 : i32
      %lt3A_251 = arith.constant 80 : i32
      %lt3A_252 = arith.cmpi slt, %add3A_250, %lt3A_251 : i32
      %convert_element_type3A_253 = arith.extui %lt3A_252 : i1 to i32
      %cond3A_254 = arith.constant 0 : i32
      %cond3A_255 = arith.cmpi ne, %convert_element_type3A_253, %cond3A_254 : i32
      scf.if %cond3A_255 {
        %add3A_345 = arith.constant 4 : i32
        %add3A_346 = arith.addi %add3A_117, %add3A_345 : i32
        %add3A_347 = arith.constant 8 : i32
        %add3A_348 = arith.addi %add3A_346, %add3A_347 : i32
        %dma_start3A_349 = arith.constant 4 : i32
        %dma_start3A_350 = arith.constant 0 : i32
        %dma_start3A_351 = arith.constant 0 : i32
        %dma_start3A_352 = tpu.memref_slice %arg12[%dma_start3A_349, %dma_start3A_350, %dma_start3A_351] : memref<8x128x32xf32, #tpu.memory_space<vmem>> -> memref<1x128x32xf32, #tpu.memory_space<vmem>>
        %dma_start3A_353 = tpu.memref_squeeze %dma_start3A_352 : memref<1x128x32xf32, #tpu.memory_space<vmem>> -> memref<128x32xf32, #tpu.memory_space<vmem>>
        %dma_start3A_354 = arith.constant 0 : i32
        %dma_start3A_355 = tpu.memref_slice %arg10[%add3A_348, %dma_start3A_354] : memref<80x128xi32, #tpu.memory_space<vmem>> -> memref<1x128xi32, #tpu.memory_space<vmem>>
        %dma_start3A_356 = tpu.memref_squeeze %dma_start3A_355 : memref<1x128xi32, #tpu.memory_space<vmem>> -> memref<128xi32, #tpu.memory_space<vmem>>
        %dma_start3A_357 = arith.constant 0 : i32
        %dma_start3A_358 = arith.constant 0 : i32
        %dma_start3A_359 = tpu.memref_slice %arg2[%dma_start3A_357, %dma_start3A_358] : memref<10112x32xf32, #tpu.memory_space<hbm>> -> memref<10112x32xf32, #tpu.memory_space<hbm>>
        tpu.enqueue_indirect_dma source(%dma_start3A_359 : memref<10112x32xf32, #tpu.memory_space<hbm>>) target(%dma_start3A_353 : memref<128x32xf32, #tpu.memory_space<vmem>>) offsets(%dma_start3A_356 : memref<128xi32, #tpu.memory_space<vmem>>) semaphore(%arg14 : memref<!tpu.dma_semaphore, #tpu.memory_space<semaphore_mem>>)
      } else {
      }
      %add3A_256 = arith.constant 4 : i32
      %add3A_257 = arith.addi %add3A_117, %add3A_256 : i32
      "tpu.region"() ({
        %run_scoped3A_345 = tpu.sem_alloc : memref<!tpu.dma_semaphore, #tpu.memory_space<semaphore_mem>>
        %dma_start3A_346 = arith.constant 0 : i32
        %dma_start3A_347 = tpu.memref_slice %arg11[%add3A_257, %dma_start3A_346] : memref<80x128xi32, #tpu.memory_space<vmem>> -> memref<1x128xi32, #tpu.memory_space<vmem>>
        %dma_start3A_348 = tpu.memref_squeeze %dma_start3A_347 : memref<1x128xi32, #tpu.memory_space<vmem>> -> memref<128xi32, #tpu.memory_space<vmem>>
        %dma_start3A_349 = arith.constant 0 : i32
        %dma_start3A_350 = arith.constant 0 : i32
        %dma_start3A_351 = tpu.memref_slice %arg16[%dma_start3A_349, %dma_start3A_350] : memref<10112x16xf32, #tpu.memory_space<vmem_shared>> -> memref<10112x16xf32, #tpu.memory_space<vmem_shared>>
        tpu.enqueue_indirect_dma source(%arg15 : memref<128x16xf32, #tpu.memory_space<vmem>>) target(%dma_start3A_351 : memref<10112x16xf32, #tpu.memory_space<vmem_shared>>) offsets(%dma_start3A_348 : memref<128xi32, #tpu.memory_space<vmem>>) semaphore(%run_scoped3A_345 : memref<!tpu.dma_semaphore, #tpu.memory_space<semaphore_mem>>) {add = true}
        %dma_wait3A_352 = arith.constant 0 : i32
        %dma_wait3A_353 = tpu.memref_slice %arg11[%add3A_257, %dma_wait3A_352] : memref<80x128xi32, #tpu.memory_space<vmem>> -> memref<1x128xi32, #tpu.memory_space<vmem>>
        %dma_wait3A_354 = tpu.memref_squeeze %dma_wait3A_353 : memref<1x128xi32, #tpu.memory_space<vmem>> -> memref<128xi32, #tpu.memory_space<vmem>>
        %dma_wait3A_355 = arith.constant 0 : i32
        %dma_wait3A_356 = arith.constant 0 : i32
        %dma_wait3A_357 = tpu.memref_slice %arg16[%dma_wait3A_355, %dma_wait3A_356] : memref<10112x16xf32, #tpu.memory_space<vmem_shared>> -> memref<10112x16xf32, #tpu.memory_space<vmem_shared>>
        tpu.wait_indirect_dma semaphore(%run_scoped3A_345 : memref<!tpu.dma_semaphore, #tpu.memory_space<semaphore_mem>>) src(%arg15 : memref<128x16xf32, #tpu.memory_space<vmem>>) dst(%dma_wait3A_357 : memref<10112x16xf32, #tpu.memory_space<vmem_shared>>)
        tpu.yield
      }) : () -> ()
      %dma_wait3A_258 = arith.constant 5 : i32
      %dma_wait3A_259 = arith.constant 0 : i32
      %dma_wait3A_260 = arith.constant 0 : i32
      %dma_wait3A_261 = tpu.memref_slice %arg12[%dma_wait3A_258, %dma_wait3A_259, %dma_wait3A_260] : memref<8x128x32xf32, #tpu.memory_space<vmem>> -> memref<1x128x32xf32, #tpu.memory_space<vmem>>
      %dma_wait3A_262 = tpu.memref_squeeze %dma_wait3A_261 : memref<1x128x32xf32, #tpu.memory_space<vmem>> -> memref<128x32xf32, #tpu.memory_space<vmem>>
      %dma_wait3A_263 = arith.constant 0 : i32
      %dma_wait3A_264 = arith.constant 0 : i32
      %dma_wait3A_265 = tpu.memref_slice %arg2[%dma_wait3A_263, %dma_wait3A_264] : memref<10112x32xf32, #tpu.memory_space<hbm>> -> memref<128x32xf32, #tpu.memory_space<hbm>>
      %dma_wait3A_266 = arith.constant 0 : i32
      %dma_wait3A_267 = arith.constant 0 : i32
      %dma_wait3A_268 = tpu.memref_slice %arg12[%dma_wait3A_258, %dma_wait3A_266, %dma_wait3A_267] : memref<8x128x32xf32, #tpu.memory_space<vmem>> -> memref<1x128x32xf32, #tpu.memory_space<vmem>>
      %dma_wait3A_269 = tpu.memref_squeeze %dma_wait3A_268 : memref<1x128x32xf32, #tpu.memory_space<vmem>> -> memref<128x32xf32, #tpu.memory_space<vmem>>
      %dma_wait3A_270 = arith.constant 0 : i32
      %dma_wait3A_271 = arith.constant 0 : i32
      %dma_wait3A_272 = tpu.memref_slice %arg2[%dma_wait3A_270, %dma_wait3A_271] : memref<10112x32xf32, #tpu.memory_space<hbm>> -> memref<128x32xf32, #tpu.memory_space<hbm>>
      tpu.wait_dma2 semaphore(%arg14 : memref<!tpu.dma_semaphore, #tpu.memory_space<semaphore_mem>>) src(%dma_wait3A_272 : memref<128x32xf32, #tpu.memory_space<hbm>>) dst(%dma_wait3A_269 : memref<128x32xf32, #tpu.memory_space<vmem>>)
      %add3A_273 = arith.constant 5 : i32
      %add3A_274 = arith.addi %add3A_117, %add3A_273 : i32
      %run_scoped3A_275 = arith.constant 5 : i32
      "tpu.region"() ({
        %run_scoped3A_345 = tpu.sem_alloc : memref<!tpu.dma_semaphore, #tpu.memory_space<semaphore_mem>>
        %dma_start3A_346 = arith.constant 0 : i32
        %dma_start3A_347 = arith.constant 0 : i32
        %dma_start3A_348 = tpu.memref_slice %arg12[%run_scoped3A_275, %dma_start3A_346, %dma_start3A_347] : memref<8x128x32xf32, #tpu.memory_space<vmem>> -> memref<1x128x32xf32, #tpu.memory_space<vmem>>
        %dma_start3A_349 = tpu.memref_squeeze %dma_start3A_348 : memref<1x128x32xf32, #tpu.memory_space<vmem>> -> memref<128x32xf32, #tpu.memory_space<vmem>>
        %dma_start3A_350 = arith.constant 0 : i32
        %dma_start3A_351 = tpu.memref_slice %arg11[%add3A_274, %dma_start3A_350] : memref<80x128xi32, #tpu.memory_space<vmem>> -> memref<1x128xi32, #tpu.memory_space<vmem>>
        %dma_start3A_352 = tpu.memref_squeeze %dma_start3A_351 : memref<1x128xi32, #tpu.memory_space<vmem>> -> memref<128xi32, #tpu.memory_space<vmem>>
        %dma_start3A_353 = arith.constant 0 : i32
        %dma_start3A_354 = arith.constant 0 : i32
        %dma_start3A_355 = tpu.memref_slice %arg13[%dma_start3A_353, %dma_start3A_354] : memref<10112x32xf32, #tpu.memory_space<vmem_shared>> -> memref<10112x32xf32, #tpu.memory_space<vmem_shared>>
        tpu.enqueue_indirect_dma source(%dma_start3A_349 : memref<128x32xf32, #tpu.memory_space<vmem>>) target(%dma_start3A_355 : memref<10112x32xf32, #tpu.memory_space<vmem_shared>>) offsets(%dma_start3A_352 : memref<128xi32, #tpu.memory_space<vmem>>) semaphore(%run_scoped3A_345 : memref<!tpu.dma_semaphore, #tpu.memory_space<semaphore_mem>>) {add = true}
        %dma_wait3A_356 = arith.constant 0 : i32
        %dma_wait3A_357 = arith.constant 0 : i32
        %dma_wait3A_358 = tpu.memref_slice %arg12[%run_scoped3A_275, %dma_wait3A_356, %dma_wait3A_357] : memref<8x128x32xf32, #tpu.memory_space<vmem>> -> memref<1x128x32xf32, #tpu.memory_space<vmem>>
        %dma_wait3A_359 = tpu.memref_squeeze %dma_wait3A_358 : memref<1x128x32xf32, #tpu.memory_space<vmem>> -> memref<128x32xf32, #tpu.memory_space<vmem>>
        %dma_wait3A_360 = arith.constant 0 : i32
        %dma_wait3A_361 = tpu.memref_slice %arg11[%add3A_274, %dma_wait3A_360] : memref<80x128xi32, #tpu.memory_space<vmem>> -> memref<1x128xi32, #tpu.memory_space<vmem>>
        %dma_wait3A_362 = tpu.memref_squeeze %dma_wait3A_361 : memref<1x128xi32, #tpu.memory_space<vmem>> -> memref<128xi32, #tpu.memory_space<vmem>>
        %dma_wait3A_363 = arith.constant 0 : i32
        %dma_wait3A_364 = arith.constant 0 : i32
        %dma_wait3A_365 = tpu.memref_slice %arg13[%dma_wait3A_363, %dma_wait3A_364] : memref<10112x32xf32, #tpu.memory_space<vmem_shared>> -> memref<10112x32xf32, #tpu.memory_space<vmem_shared>>
        tpu.wait_indirect_dma semaphore(%run_scoped3A_345 : memref<!tpu.dma_semaphore, #tpu.memory_space<semaphore_mem>>) src(%dma_wait3A_359 : memref<128x32xf32, #tpu.memory_space<vmem>>) dst(%dma_wait3A_365 : memref<10112x32xf32, #tpu.memory_space<vmem_shared>>)
        tpu.yield
      }) : () -> ()
      %add3A_276 = arith.constant 5 : i32
      %add3A_277 = arith.addi %add3A_117, %add3A_276 : i32
      %add3A_278 = arith.constant 8 : i32
      %add3A_279 = arith.addi %add3A_277, %add3A_278 : i32
      %lt3A_280 = arith.constant 80 : i32
      %lt3A_281 = arith.cmpi slt, %add3A_279, %lt3A_280 : i32
      %convert_element_type3A_282 = arith.extui %lt3A_281 : i1 to i32
      %cond3A_283 = arith.constant 0 : i32
      %cond3A_284 = arith.cmpi ne, %convert_element_type3A_282, %cond3A_283 : i32
      scf.if %cond3A_284 {
        %add3A_345 = arith.constant 5 : i32
        %add3A_346 = arith.addi %add3A_117, %add3A_345 : i32
        %add3A_347 = arith.constant 8 : i32
        %add3A_348 = arith.addi %add3A_346, %add3A_347 : i32
        %dma_start3A_349 = arith.constant 5 : i32
        %dma_start3A_350 = arith.constant 0 : i32
        %dma_start3A_351 = arith.constant 0 : i32
        %dma_start3A_352 = tpu.memref_slice %arg12[%dma_start3A_349, %dma_start3A_350, %dma_start3A_351] : memref<8x128x32xf32, #tpu.memory_space<vmem>> -> memref<1x128x32xf32, #tpu.memory_space<vmem>>
        %dma_start3A_353 = tpu.memref_squeeze %dma_start3A_352 : memref<1x128x32xf32, #tpu.memory_space<vmem>> -> memref<128x32xf32, #tpu.memory_space<vmem>>
        %dma_start3A_354 = arith.constant 0 : i32
        %dma_start3A_355 = tpu.memref_slice %arg10[%add3A_348, %dma_start3A_354] : memref<80x128xi32, #tpu.memory_space<vmem>> -> memref<1x128xi32, #tpu.memory_space<vmem>>
        %dma_start3A_356 = tpu.memref_squeeze %dma_start3A_355 : memref<1x128xi32, #tpu.memory_space<vmem>> -> memref<128xi32, #tpu.memory_space<vmem>>
        %dma_start3A_357 = arith.constant 0 : i32
        %dma_start3A_358 = arith.constant 0 : i32
        %dma_start3A_359 = tpu.memref_slice %arg2[%dma_start3A_357, %dma_start3A_358] : memref<10112x32xf32, #tpu.memory_space<hbm>> -> memref<10112x32xf32, #tpu.memory_space<hbm>>
        tpu.enqueue_indirect_dma source(%dma_start3A_359 : memref<10112x32xf32, #tpu.memory_space<hbm>>) target(%dma_start3A_353 : memref<128x32xf32, #tpu.memory_space<vmem>>) offsets(%dma_start3A_356 : memref<128xi32, #tpu.memory_space<vmem>>) semaphore(%arg14 : memref<!tpu.dma_semaphore, #tpu.memory_space<semaphore_mem>>)
      } else {
      }
      %add3A_285 = arith.constant 5 : i32
      %add3A_286 = arith.addi %add3A_117, %add3A_285 : i32
      "tpu.region"() ({
        %run_scoped3A_345 = tpu.sem_alloc : memref<!tpu.dma_semaphore, #tpu.memory_space<semaphore_mem>>
        %dma_start3A_346 = arith.constant 0 : i32
        %dma_start3A_347 = tpu.memref_slice %arg11[%add3A_286, %dma_start3A_346] : memref<80x128xi32, #tpu.memory_space<vmem>> -> memref<1x128xi32, #tpu.memory_space<vmem>>
        %dma_start3A_348 = tpu.memref_squeeze %dma_start3A_347 : memref<1x128xi32, #tpu.memory_space<vmem>> -> memref<128xi32, #tpu.memory_space<vmem>>
        %dma_start3A_349 = arith.constant 0 : i32
        %dma_start3A_350 = arith.constant 0 : i32
        %dma_start3A_351 = tpu.memref_slice %arg16[%dma_start3A_349, %dma_start3A_350] : memref<10112x16xf32, #tpu.memory_space<vmem_shared>> -> memref<10112x16xf32, #tpu.memory_space<vmem_shared>>
        tpu.enqueue_indirect_dma source(%arg15 : memref<128x16xf32, #tpu.memory_space<vmem>>) target(%dma_start3A_351 : memref<10112x16xf32, #tpu.memory_space<vmem_shared>>) offsets(%dma_start3A_348 : memref<128xi32, #tpu.memory_space<vmem>>) semaphore(%run_scoped3A_345 : memref<!tpu.dma_semaphore, #tpu.memory_space<semaphore_mem>>) {add = true}
        %dma_wait3A_352 = arith.constant 0 : i32
        %dma_wait3A_353 = tpu.memref_slice %arg11[%add3A_286, %dma_wait3A_352] : memref<80x128xi32, #tpu.memory_space<vmem>> -> memref<1x128xi32, #tpu.memory_space<vmem>>
        %dma_wait3A_354 = tpu.memref_squeeze %dma_wait3A_353 : memref<1x128xi32, #tpu.memory_space<vmem>> -> memref<128xi32, #tpu.memory_space<vmem>>
        %dma_wait3A_355 = arith.constant 0 : i32
        %dma_wait3A_356 = arith.constant 0 : i32
        %dma_wait3A_357 = tpu.memref_slice %arg16[%dma_wait3A_355, %dma_wait3A_356] : memref<10112x16xf32, #tpu.memory_space<vmem_shared>> -> memref<10112x16xf32, #tpu.memory_space<vmem_shared>>
        tpu.wait_indirect_dma semaphore(%run_scoped3A_345 : memref<!tpu.dma_semaphore, #tpu.memory_space<semaphore_mem>>) src(%arg15 : memref<128x16xf32, #tpu.memory_space<vmem>>) dst(%dma_wait3A_357 : memref<10112x16xf32, #tpu.memory_space<vmem_shared>>)
        tpu.yield
      }) : () -> ()
      %dma_wait3A_287 = arith.constant 6 : i32
      %dma_wait3A_288 = arith.constant 0 : i32
      %dma_wait3A_289 = arith.constant 0 : i32
      %dma_wait3A_290 = tpu.memref_slice %arg12[%dma_wait3A_287, %dma_wait3A_288, %dma_wait3A_289] : memref<8x128x32xf32, #tpu.memory_space<vmem>> -> memref<1x128x32xf32, #tpu.memory_space<vmem>>
      %dma_wait3A_291 = tpu.memref_squeeze %dma_wait3A_290 : memref<1x128x32xf32, #tpu.memory_space<vmem>> -> memref<128x32xf32, #tpu.memory_space<vmem>>
      %dma_wait3A_292 = arith.constant 0 : i32
      %dma_wait3A_293 = arith.constant 0 : i32
      %dma_wait3A_294 = tpu.memref_slice %arg2[%dma_wait3A_292, %dma_wait3A_293] : memref<10112x32xf32, #tpu.memory_space<hbm>> -> memref<128x32xf32, #tpu.memory_space<hbm>>
      %dma_wait3A_295 = arith.constant 0 : i32
      %dma_wait3A_296 = arith.constant 0 : i32
      %dma_wait3A_297 = tpu.memref_slice %arg12[%dma_wait3A_287, %dma_wait3A_295, %dma_wait3A_296] : memref<8x128x32xf32, #tpu.memory_space<vmem>> -> memref<1x128x32xf32, #tpu.memory_space<vmem>>
      %dma_wait3A_298 = tpu.memref_squeeze %dma_wait3A_297 : memref<1x128x32xf32, #tpu.memory_space<vmem>> -> memref<128x32xf32, #tpu.memory_space<vmem>>
      %dma_wait3A_299 = arith.constant 0 : i32
      %dma_wait3A_300 = arith.constant 0 : i32
      %dma_wait3A_301 = tpu.memref_slice %arg2[%dma_wait3A_299, %dma_wait3A_300] : memref<10112x32xf32, #tpu.memory_space<hbm>> -> memref<128x32xf32, #tpu.memory_space<hbm>>
      tpu.wait_dma2 semaphore(%arg14 : memref<!tpu.dma_semaphore, #tpu.memory_space<semaphore_mem>>) src(%dma_wait3A_301 : memref<128x32xf32, #tpu.memory_space<hbm>>) dst(%dma_wait3A_298 : memref<128x32xf32, #tpu.memory_space<vmem>>)
      %add3A_302 = arith.constant 6 : i32
      %add3A_303 = arith.addi %add3A_117, %add3A_302 : i32
      %run_scoped3A_304 = arith.constant 6 : i32
      "tpu.region"() ({
        %run_scoped3A_345 = tpu.sem_alloc : memref<!tpu.dma_semaphore, #tpu.memory_space<semaphore_mem>>
        %dma_start3A_346 = arith.constant 0 : i32
        %dma_start3A_347 = arith.constant 0 : i32
        %dma_start3A_348 = tpu.memref_slice %arg12[%run_scoped3A_304, %dma_start3A_346, %dma_start3A_347] : memref<8x128x32xf32, #tpu.memory_space<vmem>> -> memref<1x128x32xf32, #tpu.memory_space<vmem>>
        %dma_start3A_349 = tpu.memref_squeeze %dma_start3A_348 : memref<1x128x32xf32, #tpu.memory_space<vmem>> -> memref<128x32xf32, #tpu.memory_space<vmem>>
        %dma_start3A_350 = arith.constant 0 : i32
        %dma_start3A_351 = tpu.memref_slice %arg11[%add3A_303, %dma_start3A_350] : memref<80x128xi32, #tpu.memory_space<vmem>> -> memref<1x128xi32, #tpu.memory_space<vmem>>
        %dma_start3A_352 = tpu.memref_squeeze %dma_start3A_351 : memref<1x128xi32, #tpu.memory_space<vmem>> -> memref<128xi32, #tpu.memory_space<vmem>>
        %dma_start3A_353 = arith.constant 0 : i32
        %dma_start3A_354 = arith.constant 0 : i32
        %dma_start3A_355 = tpu.memref_slice %arg13[%dma_start3A_353, %dma_start3A_354] : memref<10112x32xf32, #tpu.memory_space<vmem_shared>> -> memref<10112x32xf32, #tpu.memory_space<vmem_shared>>
        tpu.enqueue_indirect_dma source(%dma_start3A_349 : memref<128x32xf32, #tpu.memory_space<vmem>>) target(%dma_start3A_355 : memref<10112x32xf32, #tpu.memory_space<vmem_shared>>) offsets(%dma_start3A_352 : memref<128xi32, #tpu.memory_space<vmem>>) semaphore(%run_scoped3A_345 : memref<!tpu.dma_semaphore, #tpu.memory_space<semaphore_mem>>) {add = true}
        %dma_wait3A_356 = arith.constant 0 : i32
        %dma_wait3A_357 = arith.constant 0 : i32
        %dma_wait3A_358 = tpu.memref_slice %arg12[%run_scoped3A_304, %dma_wait3A_356, %dma_wait3A_357] : memref<8x128x32xf32, #tpu.memory_space<vmem>> -> memref<1x128x32xf32, #tpu.memory_space<vmem>>
        %dma_wait3A_359 = tpu.memref_squeeze %dma_wait3A_358 : memref<1x128x32xf32, #tpu.memory_space<vmem>> -> memref<128x32xf32, #tpu.memory_space<vmem>>
        %dma_wait3A_360 = arith.constant 0 : i32
        %dma_wait3A_361 = tpu.memref_slice %arg11[%add3A_303, %dma_wait3A_360] : memref<80x128xi32, #tpu.memory_space<vmem>> -> memref<1x128xi32, #tpu.memory_space<vmem>>
        %dma_wait3A_362 = tpu.memref_squeeze %dma_wait3A_361 : memref<1x128xi32, #tpu.memory_space<vmem>> -> memref<128xi32, #tpu.memory_space<vmem>>
        %dma_wait3A_363 = arith.constant 0 : i32
        %dma_wait3A_364 = arith.constant 0 : i32
        %dma_wait3A_365 = tpu.memref_slice %arg13[%dma_wait3A_363, %dma_wait3A_364] : memref<10112x32xf32, #tpu.memory_space<vmem_shared>> -> memref<10112x32xf32, #tpu.memory_space<vmem_shared>>
        tpu.wait_indirect_dma semaphore(%run_scoped3A_345 : memref<!tpu.dma_semaphore, #tpu.memory_space<semaphore_mem>>) src(%dma_wait3A_359 : memref<128x32xf32, #tpu.memory_space<vmem>>) dst(%dma_wait3A_365 : memref<10112x32xf32, #tpu.memory_space<vmem_shared>>)
        tpu.yield
      }) : () -> ()
      %add3A_305 = arith.constant 6 : i32
      %add3A_306 = arith.addi %add3A_117, %add3A_305 : i32
      %add3A_307 = arith.constant 8 : i32
      %add3A_308 = arith.addi %add3A_306, %add3A_307 : i32
      %lt3A_309 = arith.constant 80 : i32
      %lt3A_310 = arith.cmpi slt, %add3A_308, %lt3A_309 : i32
      %convert_element_type3A_311 = arith.extui %lt3A_310 : i1 to i32
      %cond3A_312 = arith.constant 0 : i32
      %cond3A_313 = arith.cmpi ne, %convert_element_type3A_311, %cond3A_312 : i32
      scf.if %cond3A_313 {
        %add3A_345 = arith.constant 6 : i32
        %add3A_346 = arith.addi %add3A_117, %add3A_345 : i32
        %add3A_347 = arith.constant 8 : i32
        %add3A_348 = arith.addi %add3A_346, %add3A_347 : i32
        %dma_start3A_349 = arith.constant 6 : i32
        %dma_start3A_350 = arith.constant 0 : i32
        %dma_start3A_351 = arith.constant 0 : i32
        %dma_start3A_352 = tpu.memref_slice %arg12[%dma_start3A_349, %dma_start3A_350, %dma_start3A_351] : memref<8x128x32xf32, #tpu.memory_space<vmem>> -> memref<1x128x32xf32, #tpu.memory_space<vmem>>
        %dma_start3A_353 = tpu.memref_squeeze %dma_start3A_352 : memref<1x128x32xf32, #tpu.memory_space<vmem>> -> memref<128x32xf32, #tpu.memory_space<vmem>>
        %dma_start3A_354 = arith.constant 0 : i32
        %dma_start3A_355 = tpu.memref_slice %arg10[%add3A_348, %dma_start3A_354] : memref<80x128xi32, #tpu.memory_space<vmem>> -> memref<1x128xi32, #tpu.memory_space<vmem>>
        %dma_start3A_356 = tpu.memref_squeeze %dma_start3A_355 : memref<1x128xi32, #tpu.memory_space<vmem>> -> memref<128xi32, #tpu.memory_space<vmem>>
        %dma_start3A_357 = arith.constant 0 : i32
        %dma_start3A_358 = arith.constant 0 : i32
        %dma_start3A_359 = tpu.memref_slice %arg2[%dma_start3A_357, %dma_start3A_358] : memref<10112x32xf32, #tpu.memory_space<hbm>> -> memref<10112x32xf32, #tpu.memory_space<hbm>>
        tpu.enqueue_indirect_dma source(%dma_start3A_359 : memref<10112x32xf32, #tpu.memory_space<hbm>>) target(%dma_start3A_353 : memref<128x32xf32, #tpu.memory_space<vmem>>) offsets(%dma_start3A_356 : memref<128xi32, #tpu.memory_space<vmem>>) semaphore(%arg14 : memref<!tpu.dma_semaphore, #tpu.memory_space<semaphore_mem>>)
      } else {
      }
      %add3A_314 = arith.constant 6 : i32
      %add3A_315 = arith.addi %add3A_117, %add3A_314 : i32
      "tpu.region"() ({
        %run_scoped3A_345 = tpu.sem_alloc : memref<!tpu.dma_semaphore, #tpu.memory_space<semaphore_mem>>
        %dma_start3A_346 = arith.constant 0 : i32
        %dma_start3A_347 = tpu.memref_slice %arg11[%add3A_315, %dma_start3A_346] : memref<80x128xi32, #tpu.memory_space<vmem>> -> memref<1x128xi32, #tpu.memory_space<vmem>>
        %dma_start3A_348 = tpu.memref_squeeze %dma_start3A_347 : memref<1x128xi32, #tpu.memory_space<vmem>> -> memref<128xi32, #tpu.memory_space<vmem>>
        %dma_start3A_349 = arith.constant 0 : i32
        %dma_start3A_350 = arith.constant 0 : i32
        %dma_start3A_351 = tpu.memref_slice %arg16[%dma_start3A_349, %dma_start3A_350] : memref<10112x16xf32, #tpu.memory_space<vmem_shared>> -> memref<10112x16xf32, #tpu.memory_space<vmem_shared>>
        tpu.enqueue_indirect_dma source(%arg15 : memref<128x16xf32, #tpu.memory_space<vmem>>) target(%dma_start3A_351 : memref<10112x16xf32, #tpu.memory_space<vmem_shared>>) offsets(%dma_start3A_348 : memref<128xi32, #tpu.memory_space<vmem>>) semaphore(%run_scoped3A_345 : memref<!tpu.dma_semaphore, #tpu.memory_space<semaphore_mem>>) {add = true}
        %dma_wait3A_352 = arith.constant 0 : i32
        %dma_wait3A_353 = tpu.memref_slice %arg11[%add3A_315, %dma_wait3A_352] : memref<80x128xi32, #tpu.memory_space<vmem>> -> memref<1x128xi32, #tpu.memory_space<vmem>>
        %dma_wait3A_354 = tpu.memref_squeeze %dma_wait3A_353 : memref<1x128xi32, #tpu.memory_space<vmem>> -> memref<128xi32, #tpu.memory_space<vmem>>
        %dma_wait3A_355 = arith.constant 0 : i32
        %dma_wait3A_356 = arith.constant 0 : i32
        %dma_wait3A_357 = tpu.memref_slice %arg16[%dma_wait3A_355, %dma_wait3A_356] : memref<10112x16xf32, #tpu.memory_space<vmem_shared>> -> memref<10112x16xf32, #tpu.memory_space<vmem_shared>>
        tpu.wait_indirect_dma semaphore(%run_scoped3A_345 : memref<!tpu.dma_semaphore, #tpu.memory_space<semaphore_mem>>) src(%arg15 : memref<128x16xf32, #tpu.memory_space<vmem>>) dst(%dma_wait3A_357 : memref<10112x16xf32, #tpu.memory_space<vmem_shared>>)
        tpu.yield
      }) : () -> ()
      %dma_wait3A_316 = arith.constant 7 : i32
      %dma_wait3A_317 = arith.constant 0 : i32
      %dma_wait3A_318 = arith.constant 0 : i32
      %dma_wait3A_319 = tpu.memref_slice %arg12[%dma_wait3A_316, %dma_wait3A_317, %dma_wait3A_318] : memref<8x128x32xf32, #tpu.memory_space<vmem>> -> memref<1x128x32xf32, #tpu.memory_space<vmem>>
      %dma_wait3A_320 = tpu.memref_squeeze %dma_wait3A_319 : memref<1x128x32xf32, #tpu.memory_space<vmem>> -> memref<128x32xf32, #tpu.memory_space<vmem>>
      %dma_wait3A_321 = arith.constant 0 : i32
      %dma_wait3A_322 = arith.constant 0 : i32
      %dma_wait3A_323 = tpu.memref_slice %arg2[%dma_wait3A_321, %dma_wait3A_322] : memref<10112x32xf32, #tpu.memory_space<hbm>> -> memref<128x32xf32, #tpu.memory_space<hbm>>
      %dma_wait3A_324 = arith.constant 0 : i32
      %dma_wait3A_325 = arith.constant 0 : i32
      %dma_wait3A_326 = tpu.memref_slice %arg12[%dma_wait3A_316, %dma_wait3A_324, %dma_wait3A_325] : memref<8x128x32xf32, #tpu.memory_space<vmem>> -> memref<1x128x32xf32, #tpu.memory_space<vmem>>
      %dma_wait3A_327 = tpu.memref_squeeze %dma_wait3A_326 : memref<1x128x32xf32, #tpu.memory_space<vmem>> -> memref<128x32xf32, #tpu.memory_space<vmem>>
      %dma_wait3A_328 = arith.constant 0 : i32
      %dma_wait3A_329 = arith.constant 0 : i32
      %dma_wait3A_330 = tpu.memref_slice %arg2[%dma_wait3A_328, %dma_wait3A_329] : memref<10112x32xf32, #tpu.memory_space<hbm>> -> memref<128x32xf32, #tpu.memory_space<hbm>>
      tpu.wait_dma2 semaphore(%arg14 : memref<!tpu.dma_semaphore, #tpu.memory_space<semaphore_mem>>) src(%dma_wait3A_330 : memref<128x32xf32, #tpu.memory_space<hbm>>) dst(%dma_wait3A_327 : memref<128x32xf32, #tpu.memory_space<vmem>>)
      %add3A_331 = arith.constant 7 : i32
      %add3A_332 = arith.addi %add3A_117, %add3A_331 : i32
      %run_scoped3A_333 = arith.constant 7 : i32
      "tpu.region"() ({
        %run_scoped3A_345 = tpu.sem_alloc : memref<!tpu.dma_semaphore, #tpu.memory_space<semaphore_mem>>
        %dma_start3A_346 = arith.constant 0 : i32
        %dma_start3A_347 = arith.constant 0 : i32
        %dma_start3A_348 = tpu.memref_slice %arg12[%run_scoped3A_333, %dma_start3A_346, %dma_start3A_347] : memref<8x128x32xf32, #tpu.memory_space<vmem>> -> memref<1x128x32xf32, #tpu.memory_space<vmem>>
        %dma_start3A_349 = tpu.memref_squeeze %dma_start3A_348 : memref<1x128x32xf32, #tpu.memory_space<vmem>> -> memref<128x32xf32, #tpu.memory_space<vmem>>
        %dma_start3A_350 = arith.constant 0 : i32
        %dma_start3A_351 = tpu.memref_slice %arg11[%add3A_332, %dma_start3A_350] : memref<80x128xi32, #tpu.memory_space<vmem>> -> memref<1x128xi32, #tpu.memory_space<vmem>>
        %dma_start3A_352 = tpu.memref_squeeze %dma_start3A_351 : memref<1x128xi32, #tpu.memory_space<vmem>> -> memref<128xi32, #tpu.memory_space<vmem>>
        %dma_start3A_353 = arith.constant 0 : i32
        %dma_start3A_354 = arith.constant 0 : i32
        %dma_start3A_355 = tpu.memref_slice %arg13[%dma_start3A_353, %dma_start3A_354] : memref<10112x32xf32, #tpu.memory_space<vmem_shared>> -> memref<10112x32xf32, #tpu.memory_space<vmem_shared>>
        tpu.enqueue_indirect_dma source(%dma_start3A_349 : memref<128x32xf32, #tpu.memory_space<vmem>>) target(%dma_start3A_355 : memref<10112x32xf32, #tpu.memory_space<vmem_shared>>) offsets(%dma_start3A_352 : memref<128xi32, #tpu.memory_space<vmem>>) semaphore(%run_scoped3A_345 : memref<!tpu.dma_semaphore, #tpu.memory_space<semaphore_mem>>) {add = true}
        %dma_wait3A_356 = arith.constant 0 : i32
        %dma_wait3A_357 = arith.constant 0 : i32
        %dma_wait3A_358 = tpu.memref_slice %arg12[%run_scoped3A_333, %dma_wait3A_356, %dma_wait3A_357] : memref<8x128x32xf32, #tpu.memory_space<vmem>> -> memref<1x128x32xf32, #tpu.memory_space<vmem>>
        %dma_wait3A_359 = tpu.memref_squeeze %dma_wait3A_358 : memref<1x128x32xf32, #tpu.memory_space<vmem>> -> memref<128x32xf32, #tpu.memory_space<vmem>>
        %dma_wait3A_360 = arith.constant 0 : i32
        %dma_wait3A_361 = tpu.memref_slice %arg11[%add3A_332, %dma_wait3A_360] : memref<80x128xi32, #tpu.memory_space<vmem>> -> memref<1x128xi32, #tpu.memory_space<vmem>>
        %dma_wait3A_362 = tpu.memref_squeeze %dma_wait3A_361 : memref<1x128xi32, #tpu.memory_space<vmem>> -> memref<128xi32, #tpu.memory_space<vmem>>
        %dma_wait3A_363 = arith.constant 0 : i32
        %dma_wait3A_364 = arith.constant 0 : i32
        %dma_wait3A_365 = tpu.memref_slice %arg13[%dma_wait3A_363, %dma_wait3A_364] : memref<10112x32xf32, #tpu.memory_space<vmem_shared>> -> memref<10112x32xf32, #tpu.memory_space<vmem_shared>>
        tpu.wait_indirect_dma semaphore(%run_scoped3A_345 : memref<!tpu.dma_semaphore, #tpu.memory_space<semaphore_mem>>) src(%dma_wait3A_359 : memref<128x32xf32, #tpu.memory_space<vmem>>) dst(%dma_wait3A_365 : memref<10112x32xf32, #tpu.memory_space<vmem_shared>>)
        tpu.yield
      }) : () -> ()
      %add3A_334 = arith.constant 7 : i32
      %add3A_335 = arith.addi %add3A_117, %add3A_334 : i32
      %add3A_336 = arith.constant 8 : i32
      %add3A_337 = arith.addi %add3A_335, %add3A_336 : i32
      %lt3A_338 = arith.constant 80 : i32
      %lt3A_339 = arith.cmpi slt, %add3A_337, %lt3A_338 : i32
      %convert_element_type3A_340 = arith.extui %lt3A_339 : i1 to i32
      %cond3A_341 = arith.constant 0 : i32
      %cond3A_342 = arith.cmpi ne, %convert_element_type3A_340, %cond3A_341 : i32
      scf.if %cond3A_342 {
        %add3A_345 = arith.constant 7 : i32
        %add3A_346 = arith.addi %add3A_117, %add3A_345 : i32
        %add3A_347 = arith.constant 8 : i32
        %add3A_348 = arith.addi %add3A_346, %add3A_347 : i32
        %dma_start3A_349 = arith.constant 7 : i32
        %dma_start3A_350 = arith.constant 0 : i32
        %dma_start3A_351 = arith.constant 0 : i32
        %dma_start3A_352 = tpu.memref_slice %arg12[%dma_start3A_349, %dma_start3A_350, %dma_start3A_351] : memref<8x128x32xf32, #tpu.memory_space<vmem>> -> memref<1x128x32xf32, #tpu.memory_space<vmem>>
        %dma_start3A_353 = tpu.memref_squeeze %dma_start3A_352 : memref<1x128x32xf32, #tpu.memory_space<vmem>> -> memref<128x32xf32, #tpu.memory_space<vmem>>
        %dma_start3A_354 = arith.constant 0 : i32
        %dma_start3A_355 = tpu.memref_slice %arg10[%add3A_348, %dma_start3A_354] : memref<80x128xi32, #tpu.memory_space<vmem>> -> memref<1x128xi32, #tpu.memory_space<vmem>>
        %dma_start3A_356 = tpu.memref_squeeze %dma_start3A_355 : memref<1x128xi32, #tpu.memory_space<vmem>> -> memref<128xi32, #tpu.memory_space<vmem>>
        %dma_start3A_357 = arith.constant 0 : i32
        %dma_start3A_358 = arith.constant 0 : i32
        %dma_start3A_359 = tpu.memref_slice %arg2[%dma_start3A_357, %dma_start3A_358] : memref<10112x32xf32, #tpu.memory_space<hbm>> -> memref<10112x32xf32, #tpu.memory_space<hbm>>
        tpu.enqueue_indirect_dma source(%dma_start3A_359 : memref<10112x32xf32, #tpu.memory_space<hbm>>) target(%dma_start3A_353 : memref<128x32xf32, #tpu.memory_space<vmem>>) offsets(%dma_start3A_356 : memref<128xi32, #tpu.memory_space<vmem>>) semaphore(%arg14 : memref<!tpu.dma_semaphore, #tpu.memory_space<semaphore_mem>>)
      } else {
      }
      %add3A_343 = arith.constant 7 : i32
      %add3A_344 = arith.addi %add3A_117, %add3A_343 : i32
      "tpu.region"() ({
        %run_scoped3A_345 = tpu.sem_alloc : memref<!tpu.dma_semaphore, #tpu.memory_space<semaphore_mem>>
        %dma_start3A_346 = arith.constant 0 : i32
        %dma_start3A_347 = tpu.memref_slice %arg11[%add3A_344, %dma_start3A_346] : memref<80x128xi32, #tpu.memory_space<vmem>> -> memref<1x128xi32, #tpu.memory_space<vmem>>
        %dma_start3A_348 = tpu.memref_squeeze %dma_start3A_347 : memref<1x128xi32, #tpu.memory_space<vmem>> -> memref<128xi32, #tpu.memory_space<vmem>>
        %dma_start3A_349 = arith.constant 0 : i32
        %dma_start3A_350 = arith.constant 0 : i32
        %dma_start3A_351 = tpu.memref_slice %arg16[%dma_start3A_349, %dma_start3A_350] : memref<10112x16xf32, #tpu.memory_space<vmem_shared>> -> memref<10112x16xf32, #tpu.memory_space<vmem_shared>>
        tpu.enqueue_indirect_dma source(%arg15 : memref<128x16xf32, #tpu.memory_space<vmem>>) target(%dma_start3A_351 : memref<10112x16xf32, #tpu.memory_space<vmem_shared>>) offsets(%dma_start3A_348 : memref<128xi32, #tpu.memory_space<vmem>>) semaphore(%run_scoped3A_345 : memref<!tpu.dma_semaphore, #tpu.memory_space<semaphore_mem>>) {add = true}
        %dma_wait3A_352 = arith.constant 0 : i32
        %dma_wait3A_353 = tpu.memref_slice %arg11[%add3A_344, %dma_wait3A_352] : memref<80x128xi32, #tpu.memory_space<vmem>> -> memref<1x128xi32, #tpu.memory_space<vmem>>
        %dma_wait3A_354 = tpu.memref_squeeze %dma_wait3A_353 : memref<1x128xi32, #tpu.memory_space<vmem>> -> memref<128xi32, #tpu.memory_space<vmem>>
        %dma_wait3A_355 = arith.constant 0 : i32
        %dma_wait3A_356 = arith.constant 0 : i32
        %dma_wait3A_357 = tpu.memref_slice %arg16[%dma_wait3A_355, %dma_wait3A_356] : memref<10112x16xf32, #tpu.memory_space<vmem_shared>> -> memref<10112x16xf32, #tpu.memory_space<vmem_shared>>
        tpu.wait_indirect_dma semaphore(%run_scoped3A_345 : memref<!tpu.dma_semaphore, #tpu.memory_space<semaphore_mem>>) src(%arg15 : memref<128x16xf32, #tpu.memory_space<vmem>>) dst(%dma_wait3A_357 : memref<10112x16xf32, #tpu.memory_space<vmem_shared>>)
        tpu.yield
      }) : () -> ()
    }
    %scan3A_105 = arith.constant 10 : i32
    %barrier3A_106 = arith.constant 0 : index
    tpu.barrier barrier_id(%barrier3A_106)
    %mul3A_107 = arith.constant 10112 : i32
    %mul3A_108 = arith.muli %arg0, %mul3A_107 : i32
    %add3A_109 = arith.addi %mul3A_108, %mul3A_2 : i32
    "tpu.region"() ({
      %run_scoped3A = tpu.sem_alloc : memref<!tpu.dma_semaphore, #tpu.memory_space<semaphore_mem>>
      %dma_start3A_113 = arith.constant 0 : i32
      %dma_start3A_114 = tpu.memref_slice %arg8[%add3A_109, %dma_start3A_113] : memref<20224x32xf32, #tpu.memory_space<hbm>> -> memref<632x32xf32, #tpu.memory_space<hbm>>
      %dma_start3A_115 = arith.constant 0 : i32
      %dma_start3A_116 = tpu.memref_slice %arg13[%mul3A_2, %dma_start3A_115] : memref<10112x32xf32, #tpu.memory_space<vmem_shared>> -> memref<632x32xf32, #tpu.memory_space<vmem_shared>>
      tpu.enqueue_dma source(%dma_start3A_116 : memref<632x32xf32, #tpu.memory_space<vmem_shared>>) target(%dma_start3A_114 : memref<632x32xf32, #tpu.memory_space<hbm>>) target_semaphore(%run_scoped3A : memref<!tpu.dma_semaphore, #tpu.memory_space<semaphore_mem>>)
      %dma_wait3A = arith.constant 0 : i32
      %dma_wait3A_117 = tpu.memref_slice %arg8[%add3A_109, %dma_wait3A] : memref<20224x32xf32, #tpu.memory_space<hbm>> -> memref<632x32xf32, #tpu.memory_space<hbm>>
      %dma_wait3A_118 = arith.constant 0 : i32
      %dma_wait3A_119 = tpu.memref_slice %arg13[%mul3A_2, %dma_wait3A_118] : memref<10112x32xf32, #tpu.memory_space<vmem_shared>> -> memref<632x32xf32, #tpu.memory_space<vmem_shared>>
      tpu.wait_dma2 semaphore(%run_scoped3A : memref<!tpu.dma_semaphore, #tpu.memory_space<semaphore_mem>>) src(%dma_wait3A_119 : memref<632x32xf32, #tpu.memory_space<vmem_shared>>) dst(%dma_wait3A_117 : memref<632x32xf32, #tpu.memory_space<hbm>>)
      tpu.yield
    }) : () -> ()
    %mul3A_110 = arith.constant 10112 : i32
    %mul3A_111 = arith.muli %arg0, %mul3A_110 : i32
    %add3A_112 = arith.addi %mul3A_111, %mul3A_2 : i32
    "tpu.region"() ({
      %run_scoped3A = tpu.sem_alloc : memref<!tpu.dma_semaphore, #tpu.memory_space<semaphore_mem>>
      %dma_start3A_113 = arith.constant 0 : i32
      %dma_start3A_114 = tpu.memref_slice %arg9[%add3A_112, %dma_start3A_113] : memref<20224x16xf32, #tpu.memory_space<hbm>> -> memref<632x16xf32, #tpu.memory_space<hbm>>
      %dma_start3A_115 = arith.constant 0 : i32
      %dma_start3A_116 = tpu.memref_slice %arg16[%mul3A_2, %dma_start3A_115] : memref<10112x16xf32, #tpu.memory_space<vmem_shared>> -> memref<632x16xf32, #tpu.memory_space<vmem_shared>>
      tpu.enqueue_dma source(%dma_start3A_116 : memref<632x16xf32, #tpu.memory_space<vmem_shared>>) target(%dma_start3A_114 : memref<632x16xf32, #tpu.memory_space<hbm>>) target_semaphore(%run_scoped3A : memref<!tpu.dma_semaphore, #tpu.memory_space<semaphore_mem>>)
      %dma_wait3A = arith.constant 0 : i32
      %dma_wait3A_117 = tpu.memref_slice %arg9[%add3A_112, %dma_wait3A] : memref<20224x16xf32, #tpu.memory_space<hbm>> -> memref<632x16xf32, #tpu.memory_space<hbm>>
      %dma_wait3A_118 = arith.constant 0 : i32
      %dma_wait3A_119 = tpu.memref_slice %arg16[%mul3A_2, %dma_wait3A_118] : memref<10112x16xf32, #tpu.memory_space<vmem_shared>> -> memref<632x16xf32, #tpu.memory_space<vmem_shared>>
      tpu.wait_dma2 semaphore(%run_scoped3A : memref<!tpu.dma_semaphore, #tpu.memory_space<semaphore_mem>>) src(%dma_wait3A_119 : memref<632x16xf32, #tpu.memory_space<vmem_shared>>) dst(%dma_wait3A_117 : memref<632x16xf32, #tpu.memory_space<hbm>>)
      tpu.yield
    }) : () -> ()
    return
  }
}

#map = affine_map<(d0, d1) -> (0, 0)>
module attributes {stable_mosaic.version = 14 : i64} {
  func.func @body(%arg0: i32, %arg1: i32, %arg2: memref<10112x32xf32, #tpu.memory_space<hbm>>, %arg3: memref<2560x128xi32, #tpu.memory_space<hbm>>, %arg4: memref<2560x128xi32, #tpu.memory_space<hbm>>, %arg5: memref<632x32xf32, #tpu.memory_space<hbm>>, %arg6: memref<20224x32xf32, #tpu.memory_space<hbm>>, %arg7: memref<80x128xi32, #tpu.memory_space<vmem>>, %arg8: memref<80x128xi32, #tpu.memory_space<vmem>>, %arg9: memref<8x128x32xf32, #tpu.memory_space<vmem>>, %arg10: memref<10112x32xf32, #tpu.memory_space<vmem_shared>>, %arg11: memref<!tpu.dma_semaphore, #tpu.memory_space<semaphore_mem>>) attributes {dimension_semantics = [#tpu.dimension_semantics<core_parallel>, #tpu.dimension_semantics<subcore_parallel>], iteration_bounds = array<i64: 2, 16>, scalar_prefetch = 0 : i64, scratch_operands = 5 : i64, tpu.core_type = #tpu.core_type<sc_vector_subcore>, window_params = [{transform_indices = #map}, {transform_indices = #map}, {transform_indices = #map}, {transform_indices = #map}, {transform_indices = #map}]} {
    %mul3A = arith.constant 2 : i32
    %mul3A_0 = arith.muli %arg1, %mul3A : i32
    %add3A = arith.addi %mul3A_0, %arg0 : i32
    %mul3A_1 = arith.constant 632 : i32
    %mul3A_2 = arith.muli %arg1, %mul3A_1 : i32
    %mul3A_3 = arith.constant 80 : i32
    %mul3A_4 = arith.muli %add3A, %mul3A_3 : i32
    "tpu.region"() ({
      %run_scoped3A = tpu.sem_alloc : memref<!tpu.dma_semaphore, #tpu.memory_space<semaphore_mem>>
      %dma_start3A_110 = arith.constant 0 : i32
      %dma_start3A_111 = tpu.memref_slice %arg3[%mul3A_4, %dma_start3A_110] : memref<2560x128xi32, #tpu.memory_space<hbm>> -> memref<80x128xi32, #tpu.memory_space<hbm>>
      %dma_start3A_112 = arith.constant 0 : i32
      %dma_start3A_113 = tpu.memref_slice %arg3[%mul3A_4, %dma_start3A_112] : memref<2560x128xi32, #tpu.memory_space<hbm>> -> memref<80x128xi32, #tpu.memory_space<hbm>>
      tpu.enqueue_dma source(%dma_start3A_113 : memref<80x128xi32, #tpu.memory_space<hbm>>) target(%arg7 : memref<80x128xi32, #tpu.memory_space<vmem>>) target_semaphore(%run_scoped3A : memref<!tpu.dma_semaphore, #tpu.memory_space<semaphore_mem>>)
      %dma_wait3A = arith.constant 0 : i32
      %dma_wait3A_114 = tpu.memref_slice %arg3[%mul3A_4, %dma_wait3A] : memref<2560x128xi32, #tpu.memory_space<hbm>> -> memref<80x128xi32, #tpu.memory_space<hbm>>
      %dma_wait3A_115 = arith.constant 0 : i32
      %dma_wait3A_116 = tpu.memref_slice %arg3[%mul3A_4, %dma_wait3A_115] : memref<2560x128xi32, #tpu.memory_space<hbm>> -> memref<80x128xi32, #tpu.memory_space<hbm>>
      tpu.wait_dma2 semaphore(%run_scoped3A : memref<!tpu.dma_semaphore, #tpu.memory_space<semaphore_mem>>) src(%dma_wait3A_116 : memref<80x128xi32, #tpu.memory_space<hbm>>) dst(%arg7 : memref<80x128xi32, #tpu.memory_space<vmem>>)
      tpu.yield
    }) : () -> ()
    %mul3A_5 = arith.constant 80 : i32
    %mul3A_6 = arith.muli %add3A, %mul3A_5 : i32
    "tpu.region"() ({
      %run_scoped3A = tpu.sem_alloc : memref<!tpu.dma_semaphore, #tpu.memory_space<semaphore_mem>>
      %dma_start3A_110 = arith.constant 0 : i32
      %dma_start3A_111 = tpu.memref_slice %arg4[%mul3A_6, %dma_start3A_110] : memref<2560x128xi32, #tpu.memory_space<hbm>> -> memref<80x128xi32, #tpu.memory_space<hbm>>
      %dma_start3A_112 = arith.constant 0 : i32
      %dma_start3A_113 = tpu.memref_slice %arg4[%mul3A_6, %dma_start3A_112] : memref<2560x128xi32, #tpu.memory_space<hbm>> -> memref<80x128xi32, #tpu.memory_space<hbm>>
      tpu.enqueue_dma source(%dma_start3A_113 : memref<80x128xi32, #tpu.memory_space<hbm>>) target(%arg8 : memref<80x128xi32, #tpu.memory_space<vmem>>) target_semaphore(%run_scoped3A : memref<!tpu.dma_semaphore, #tpu.memory_space<semaphore_mem>>)
      %dma_wait3A = arith.constant 0 : i32
      %dma_wait3A_114 = tpu.memref_slice %arg4[%mul3A_6, %dma_wait3A] : memref<2560x128xi32, #tpu.memory_space<hbm>> -> memref<80x128xi32, #tpu.memory_space<hbm>>
      %dma_wait3A_115 = arith.constant 0 : i32
      %dma_wait3A_116 = tpu.memref_slice %arg4[%mul3A_6, %dma_wait3A_115] : memref<2560x128xi32, #tpu.memory_space<hbm>> -> memref<80x128xi32, #tpu.memory_space<hbm>>
      tpu.wait_dma2 semaphore(%run_scoped3A : memref<!tpu.dma_semaphore, #tpu.memory_space<semaphore_mem>>) src(%dma_wait3A_116 : memref<80x128xi32, #tpu.memory_space<hbm>>) dst(%arg8 : memref<80x128xi32, #tpu.memory_space<vmem>>)
      tpu.yield
    }) : () -> ()
    "tpu.region"() ({
      %run_scoped3A = tpu.sem_alloc : memref<!tpu.dma_semaphore, #tpu.memory_space<semaphore_mem>>
      %dma_start3A_110 = arith.constant 0 : i32
      %dma_start3A_111 = tpu.memref_slice %arg10[%mul3A_2, %dma_start3A_110] : memref<10112x32xf32, #tpu.memory_space<vmem_shared>> -> memref<632x32xf32, #tpu.memory_space<vmem_shared>>
      tpu.enqueue_dma source(%arg5 : memref<632x32xf32, #tpu.memory_space<hbm>>) target(%dma_start3A_111 : memref<632x32xf32, #tpu.memory_space<vmem_shared>>) target_semaphore(%run_scoped3A : memref<!tpu.dma_semaphore, #tpu.memory_space<semaphore_mem>>)
      %dma_wait3A = arith.constant 0 : i32
      %dma_wait3A_112 = tpu.memref_slice %arg10[%mul3A_2, %dma_wait3A] : memref<10112x32xf32, #tpu.memory_space<vmem_shared>> -> memref<632x32xf32, #tpu.memory_space<vmem_shared>>
      tpu.wait_dma2 semaphore(%run_scoped3A : memref<!tpu.dma_semaphore, #tpu.memory_space<semaphore_mem>>) src(%arg5 : memref<632x32xf32, #tpu.memory_space<hbm>>) dst(%dma_wait3A_112 : memref<632x32xf32, #tpu.memory_space<vmem_shared>>)
      tpu.yield
    }) : () -> ()
    %barrier3A = arith.constant 0 : index
    tpu.barrier barrier_id(%barrier3A)
    %dma_start3A = arith.constant 0 : i32
    %dma_start3A_7 = arith.constant 0 : i32
    %dma_start3A_8 = arith.constant 0 : i32
    %dma_start3A_9 = arith.constant 0 : i32
    %dma_start3A_10 = tpu.memref_slice %arg9[%dma_start3A_7, %dma_start3A_8, %dma_start3A_9] : memref<8x128x32xf32, #tpu.memory_space<vmem>> -> memref<1x128x32xf32, #tpu.memory_space<vmem>>
    %dma_start3A_11 = tpu.memref_squeeze %dma_start3A_10 : memref<1x128x32xf32, #tpu.memory_space<vmem>> -> memref<128x32xf32, #tpu.memory_space<vmem>>
    %dma_start3A_12 = arith.constant 0 : i32
    %dma_start3A_13 = tpu.memref_slice %arg7[%dma_start3A, %dma_start3A_12] : memref<80x128xi32, #tpu.memory_space<vmem>> -> memref<1x128xi32, #tpu.memory_space<vmem>>
    %dma_start3A_14 = tpu.memref_squeeze %dma_start3A_13 : memref<1x128xi32, #tpu.memory_space<vmem>> -> memref<128xi32, #tpu.memory_space<vmem>>
    %dma_start3A_15 = arith.constant 0 : i32
    %dma_start3A_16 = arith.constant 0 : i32
    %dma_start3A_17 = tpu.memref_slice %arg2[%dma_start3A_15, %dma_start3A_16] : memref<10112x32xf32, #tpu.memory_space<hbm>> -> memref<10112x32xf32, #tpu.memory_space<hbm>>
    tpu.enqueue_indirect_dma source(%dma_start3A_17 : memref<10112x32xf32, #tpu.memory_space<hbm>>) target(%dma_start3A_11 : memref<128x32xf32, #tpu.memory_space<vmem>>) offsets(%dma_start3A_14 : memref<128xi32, #tpu.memory_space<vmem>>) semaphore(%arg11 : memref<!tpu.dma_semaphore, #tpu.memory_space<semaphore_mem>>)
    %dma_start3A_18 = arith.constant 1 : i32
    %dma_start3A_19 = arith.constant 1 : i32
    %dma_start3A_20 = arith.constant 0 : i32
    %dma_start3A_21 = arith.constant 0 : i32
    %dma_start3A_22 = tpu.memref_slice %arg9[%dma_start3A_19, %dma_start3A_20, %dma_start3A_21] : memref<8x128x32xf32, #tpu.memory_space<vmem>> -> memref<1x128x32xf32, #tpu.memory_space<vmem>>
    %dma_start3A_23 = tpu.memref_squeeze %dma_start3A_22 : memref<1x128x32xf32, #tpu.memory_space<vmem>> -> memref<128x32xf32, #tpu.memory_space<vmem>>
    %dma_start3A_24 = arith.constant 0 : i32
    %dma_start3A_25 = tpu.memref_slice %arg7[%dma_start3A_18, %dma_start3A_24] : memref<80x128xi32, #tpu.memory_space<vmem>> -> memref<1x128xi32, #tpu.memory_space<vmem>>
    %dma_start3A_26 = tpu.memref_squeeze %dma_start3A_25 : memref<1x128xi32, #tpu.memory_space<vmem>> -> memref<128xi32, #tpu.memory_space<vmem>>
    %dma_start3A_27 = arith.constant 0 : i32
    %dma_start3A_28 = arith.constant 0 : i32
    %dma_start3A_29 = tpu.memref_slice %arg2[%dma_start3A_27, %dma_start3A_28] : memref<10112x32xf32, #tpu.memory_space<hbm>> -> memref<10112x32xf32, #tpu.memory_space<hbm>>
    tpu.enqueue_indirect_dma source(%dma_start3A_29 : memref<10112x32xf32, #tpu.memory_space<hbm>>) target(%dma_start3A_23 : memref<128x32xf32, #tpu.memory_space<vmem>>) offsets(%dma_start3A_26 : memref<128xi32, #tpu.memory_space<vmem>>) semaphore(%arg11 : memref<!tpu.dma_semaphore, #tpu.memory_space<semaphore_mem>>)
    %dma_start3A_30 = arith.constant 2 : i32
    %dma_start3A_31 = arith.constant 2 : i32
    %dma_start3A_32 = arith.constant 0 : i32
    %dma_start3A_33 = arith.constant 0 : i32
    %dma_start3A_34 = tpu.memref_slice %arg9[%dma_start3A_31, %dma_start3A_32, %dma_start3A_33] : memref<8x128x32xf32, #tpu.memory_space<vmem>> -> memref<1x128x32xf32, #tpu.memory_space<vmem>>
    %dma_start3A_35 = tpu.memref_squeeze %dma_start3A_34 : memref<1x128x32xf32, #tpu.memory_space<vmem>> -> memref<128x32xf32, #tpu.memory_space<vmem>>
    %dma_start3A_36 = arith.constant 0 : i32
    %dma_start3A_37 = tpu.memref_slice %arg7[%dma_start3A_30, %dma_start3A_36] : memref<80x128xi32, #tpu.memory_space<vmem>> -> memref<1x128xi32, #tpu.memory_space<vmem>>
    %dma_start3A_38 = tpu.memref_squeeze %dma_start3A_37 : memref<1x128xi32, #tpu.memory_space<vmem>> -> memref<128xi32, #tpu.memory_space<vmem>>
    %dma_start3A_39 = arith.constant 0 : i32
    %dma_start3A_40 = arith.constant 0 : i32
    %dma_start3A_41 = tpu.memref_slice %arg2[%dma_start3A_39, %dma_start3A_40] : memref<10112x32xf32, #tpu.memory_space<hbm>> -> memref<10112x32xf32, #tpu.memory_space<hbm>>
    tpu.enqueue_indirect_dma source(%dma_start3A_41 : memref<10112x32xf32, #tpu.memory_space<hbm>>) target(%dma_start3A_35 : memref<128x32xf32, #tpu.memory_space<vmem>>) offsets(%dma_start3A_38 : memref<128xi32, #tpu.memory_space<vmem>>) semaphore(%arg11 : memref<!tpu.dma_semaphore, #tpu.memory_space<semaphore_mem>>)
    %dma_start3A_42 = arith.constant 3 : i32
    %dma_start3A_43 = arith.constant 3 : i32
    %dma_start3A_44 = arith.constant 0 : i32
    %dma_start3A_45 = arith.constant 0 : i32
    %dma_start3A_46 = tpu.memref_slice %arg9[%dma_start3A_43, %dma_start3A_44, %dma_start3A_45] : memref<8x128x32xf32, #tpu.memory_space<vmem>> -> memref<1x128x32xf32, #tpu.memory_space<vmem>>
    %dma_start3A_47 = tpu.memref_squeeze %dma_start3A_46 : memref<1x128x32xf32, #tpu.memory_space<vmem>> -> memref<128x32xf32, #tpu.memory_space<vmem>>
    %dma_start3A_48 = arith.constant 0 : i32
    %dma_start3A_49 = tpu.memref_slice %arg7[%dma_start3A_42, %dma_start3A_48] : memref<80x128xi32, #tpu.memory_space<vmem>> -> memref<1x128xi32, #tpu.memory_space<vmem>>
    %dma_start3A_50 = tpu.memref_squeeze %dma_start3A_49 : memref<1x128xi32, #tpu.memory_space<vmem>> -> memref<128xi32, #tpu.memory_space<vmem>>
    %dma_start3A_51 = arith.constant 0 : i32
    %dma_start3A_52 = arith.constant 0 : i32
    %dma_start3A_53 = tpu.memref_slice %arg2[%dma_start3A_51, %dma_start3A_52] : memref<10112x32xf32, #tpu.memory_space<hbm>> -> memref<10112x32xf32, #tpu.memory_space<hbm>>
    tpu.enqueue_indirect_dma source(%dma_start3A_53 : memref<10112x32xf32, #tpu.memory_space<hbm>>) target(%dma_start3A_47 : memref<128x32xf32, #tpu.memory_space<vmem>>) offsets(%dma_start3A_50 : memref<128xi32, #tpu.memory_space<vmem>>) semaphore(%arg11 : memref<!tpu.dma_semaphore, #tpu.memory_space<semaphore_mem>>)
    %dma_start3A_54 = arith.constant 4 : i32
    %dma_start3A_55 = arith.constant 4 : i32
    %dma_start3A_56 = arith.constant 0 : i32
    %dma_start3A_57 = arith.constant 0 : i32
    %dma_start3A_58 = tpu.memref_slice %arg9[%dma_start3A_55, %dma_start3A_56, %dma_start3A_57] : memref<8x128x32xf32, #tpu.memory_space<vmem>> -> memref<1x128x32xf32, #tpu.memory_space<vmem>>
    %dma_start3A_59 = tpu.memref_squeeze %dma_start3A_58 : memref<1x128x32xf32, #tpu.memory_space<vmem>> -> memref<128x32xf32, #tpu.memory_space<vmem>>
    %dma_start3A_60 = arith.constant 0 : i32
    %dma_start3A_61 = tpu.memref_slice %arg7[%dma_start3A_54, %dma_start3A_60] : memref<80x128xi32, #tpu.memory_space<vmem>> -> memref<1x128xi32, #tpu.memory_space<vmem>>
    %dma_start3A_62 = tpu.memref_squeeze %dma_start3A_61 : memref<1x128xi32, #tpu.memory_space<vmem>> -> memref<128xi32, #tpu.memory_space<vmem>>
    %dma_start3A_63 = arith.constant 0 : i32
    %dma_start3A_64 = arith.constant 0 : i32
    %dma_start3A_65 = tpu.memref_slice %arg2[%dma_start3A_63, %dma_start3A_64] : memref<10112x32xf32, #tpu.memory_space<hbm>> -> memref<10112x32xf32, #tpu.memory_space<hbm>>
    tpu.enqueue_indirect_dma source(%dma_start3A_65 : memref<10112x32xf32, #tpu.memory_space<hbm>>) target(%dma_start3A_59 : memref<128x32xf32, #tpu.memory_space<vmem>>) offsets(%dma_start3A_62 : memref<128xi32, #tpu.memory_space<vmem>>) semaphore(%arg11 : memref<!tpu.dma_semaphore, #tpu.memory_space<semaphore_mem>>)
    %dma_start3A_66 = arith.constant 5 : i32
    %dma_start3A_67 = arith.constant 5 : i32
    %dma_start3A_68 = arith.constant 0 : i32
    %dma_start3A_69 = arith.constant 0 : i32
    %dma_start3A_70 = tpu.memref_slice %arg9[%dma_start3A_67, %dma_start3A_68, %dma_start3A_69] : memref<8x128x32xf32, #tpu.memory_space<vmem>> -> memref<1x128x32xf32, #tpu.memory_space<vmem>>
    %dma_start3A_71 = tpu.memref_squeeze %dma_start3A_70 : memref<1x128x32xf32, #tpu.memory_space<vmem>> -> memref<128x32xf32, #tpu.memory_space<vmem>>
    %dma_start3A_72 = arith.constant 0 : i32
    %dma_start3A_73 = tpu.memref_slice %arg7[%dma_start3A_66, %dma_start3A_72] : memref<80x128xi32, #tpu.memory_space<vmem>> -> memref<1x128xi32, #tpu.memory_space<vmem>>
    %dma_start3A_74 = tpu.memref_squeeze %dma_start3A_73 : memref<1x128xi32, #tpu.memory_space<vmem>> -> memref<128xi32, #tpu.memory_space<vmem>>
    %dma_start3A_75 = arith.constant 0 : i32
    %dma_start3A_76 = arith.constant 0 : i32
    %dma_start3A_77 = tpu.memref_slice %arg2[%dma_start3A_75, %dma_start3A_76] : memref<10112x32xf32, #tpu.memory_space<hbm>> -> memref<10112x32xf32, #tpu.memory_space<hbm>>
    tpu.enqueue_indirect_dma source(%dma_start3A_77 : memref<10112x32xf32, #tpu.memory_space<hbm>>) target(%dma_start3A_71 : memref<128x32xf32, #tpu.memory_space<vmem>>) offsets(%dma_start3A_74 : memref<128xi32, #tpu.memory_space<vmem>>) semaphore(%arg11 : memref<!tpu.dma_semaphore, #tpu.memory_space<semaphore_mem>>)
    %dma_start3A_78 = arith.constant 6 : i32
    %dma_start3A_79 = arith.constant 6 : i32
    %dma_start3A_80 = arith.constant 0 : i32
    %dma_start3A_81 = arith.constant 0 : i32
    %dma_start3A_82 = tpu.memref_slice %arg9[%dma_start3A_79, %dma_start3A_80, %dma_start3A_81] : memref<8x128x32xf32, #tpu.memory_space<vmem>> -> memref<1x128x32xf32, #tpu.memory_space<vmem>>
    %dma_start3A_83 = tpu.memref_squeeze %dma_start3A_82 : memref<1x128x32xf32, #tpu.memory_space<vmem>> -> memref<128x32xf32, #tpu.memory_space<vmem>>
    %dma_start3A_84 = arith.constant 0 : i32
    %dma_start3A_85 = tpu.memref_slice %arg7[%dma_start3A_78, %dma_start3A_84] : memref<80x128xi32, #tpu.memory_space<vmem>> -> memref<1x128xi32, #tpu.memory_space<vmem>>
    %dma_start3A_86 = tpu.memref_squeeze %dma_start3A_85 : memref<1x128xi32, #tpu.memory_space<vmem>> -> memref<128xi32, #tpu.memory_space<vmem>>
    %dma_start3A_87 = arith.constant 0 : i32
    %dma_start3A_88 = arith.constant 0 : i32
    %dma_start3A_89 = tpu.memref_slice %arg2[%dma_start3A_87, %dma_start3A_88] : memref<10112x32xf32, #tpu.memory_space<hbm>> -> memref<10112x32xf32, #tpu.memory_space<hbm>>
    tpu.enqueue_indirect_dma source(%dma_start3A_89 : memref<10112x32xf32, #tpu.memory_space<hbm>>) target(%dma_start3A_83 : memref<128x32xf32, #tpu.memory_space<vmem>>) offsets(%dma_start3A_86 : memref<128xi32, #tpu.memory_space<vmem>>) semaphore(%arg11 : memref<!tpu.dma_semaphore, #tpu.memory_space<semaphore_mem>>)
    %dma_start3A_90 = arith.constant 7 : i32
    %dma_start3A_91 = arith.constant 7 : i32
    %dma_start3A_92 = arith.constant 0 : i32
    %dma_start3A_93 = arith.constant 0 : i32
    %dma_start3A_94 = tpu.memref_slice %arg9[%dma_start3A_91, %dma_start3A_92, %dma_start3A_93] : memref<8x128x32xf32, #tpu.memory_space<vmem>> -> memref<1x128x32xf32, #tpu.memory_space<vmem>>
    %dma_start3A_95 = tpu.memref_squeeze %dma_start3A_94 : memref<1x128x32xf32, #tpu.memory_space<vmem>> -> memref<128x32xf32, #tpu.memory_space<vmem>>
    %dma_start3A_96 = arith.constant 0 : i32
    %dma_start3A_97 = tpu.memref_slice %arg7[%dma_start3A_90, %dma_start3A_96] : memref<80x128xi32, #tpu.memory_space<vmem>> -> memref<1x128xi32, #tpu.memory_space<vmem>>
    %dma_start3A_98 = tpu.memref_squeeze %dma_start3A_97 : memref<1x128xi32, #tpu.memory_space<vmem>> -> memref<128xi32, #tpu.memory_space<vmem>>
    %dma_start3A_99 = arith.constant 0 : i32
    %dma_start3A_100 = arith.constant 0 : i32
    %dma_start3A_101 = tpu.memref_slice %arg2[%dma_start3A_99, %dma_start3A_100] : memref<10112x32xf32, #tpu.memory_space<hbm>> -> memref<10112x32xf32, #tpu.memory_space<hbm>>
    tpu.enqueue_indirect_dma source(%dma_start3A_101 : memref<10112x32xf32, #tpu.memory_space<hbm>>) target(%dma_start3A_95 : memref<128x32xf32, #tpu.memory_space<vmem>>) offsets(%dma_start3A_98 : memref<128xi32, #tpu.memory_space<vmem>>) semaphore(%arg11 : memref<!tpu.dma_semaphore, #tpu.memory_space<semaphore_mem>>)
    %scan3A = arith.constant 0 : i32
    %scan3A_102 = arith.constant 10 : i32
    %scan3A_103 = arith.addi %scan3A, %scan3A_102 : i32
    %scan3A_104 = arith.constant 1 : i32
    scf.for %scan3A_110 = %scan3A to %scan3A_103 step %scan3A_104  : i32 {
      %mul3A_111 = arith.constant 8 : i32
      %mul3A_112 = arith.muli %scan3A_110, %mul3A_111 : i32
      %add3A_113 = arith.constant 0 : i32
      %add3A_114 = arith.addi %add3A_113, %mul3A_112 : i32
      %dma_wait3A = arith.constant 0 : i32
      %dma_wait3A_115 = arith.constant 0 : i32
      %dma_wait3A_116 = arith.constant 0 : i32
      %dma_wait3A_117 = tpu.memref_slice %arg9[%dma_wait3A, %dma_wait3A_115, %dma_wait3A_116] : memref<8x128x32xf32, #tpu.memory_space<vmem>> -> memref<1x128x32xf32, #tpu.memory_space<vmem>>
      %dma_wait3A_118 = tpu.memref_squeeze %dma_wait3A_117 : memref<1x128x32xf32, #tpu.memory_space<vmem>> -> memref<128x32xf32, #tpu.memory_space<vmem>>
      %dma_wait3A_119 = arith.constant 0 : i32
      %dma_wait3A_120 = arith.constant 0 : i32
      %dma_wait3A_121 = tpu.memref_slice %arg2[%dma_wait3A_119, %dma_wait3A_120] : memref<10112x32xf32, #tpu.memory_space<hbm>> -> memref<128x32xf32, #tpu.memory_space<hbm>>
      %dma_wait3A_122 = arith.constant 0 : i32
      %dma_wait3A_123 = arith.constant 0 : i32
      %dma_wait3A_124 = tpu.memref_slice %arg9[%dma_wait3A, %dma_wait3A_122, %dma_wait3A_123] : memref<8x128x32xf32, #tpu.memory_space<vmem>> -> memref<1x128x32xf32, #tpu.memory_space<vmem>>
      %dma_wait3A_125 = tpu.memref_squeeze %dma_wait3A_124 : memref<1x128x32xf32, #tpu.memory_space<vmem>> -> memref<128x32xf32, #tpu.memory_space<vmem>>
      %dma_wait3A_126 = arith.constant 0 : i32
      %dma_wait3A_127 = arith.constant 0 : i32
      %dma_wait3A_128 = tpu.memref_slice %arg2[%dma_wait3A_126, %dma_wait3A_127] : memref<10112x32xf32, #tpu.memory_space<hbm>> -> memref<128x32xf32, #tpu.memory_space<hbm>>
      tpu.wait_dma2 semaphore(%arg11 : memref<!tpu.dma_semaphore, #tpu.memory_space<semaphore_mem>>) src(%dma_wait3A_128 : memref<128x32xf32, #tpu.memory_space<hbm>>) dst(%dma_wait3A_125 : memref<128x32xf32, #tpu.memory_space<vmem>>)
      %add3A_129 = arith.constant 0 : i32
      %add3A_130 = arith.addi %add3A_114, %add3A_129 : i32
      %run_scoped3A = arith.constant 0 : i32
      "tpu.region"() ({
        %run_scoped3A_326 = tpu.sem_alloc : memref<!tpu.dma_semaphore, #tpu.memory_space<semaphore_mem>>
        %dma_start3A_327 = arith.constant 0 : i32
        %dma_start3A_328 = arith.constant 0 : i32
        %dma_start3A_329 = tpu.memref_slice %arg9[%run_scoped3A, %dma_start3A_327, %dma_start3A_328] : memref<8x128x32xf32, #tpu.memory_space<vmem>> -> memref<1x128x32xf32, #tpu.memory_space<vmem>>
        %dma_start3A_330 = tpu.memref_squeeze %dma_start3A_329 : memref<1x128x32xf32, #tpu.memory_space<vmem>> -> memref<128x32xf32, #tpu.memory_space<vmem>>
        %dma_start3A_331 = arith.constant 0 : i32
        %dma_start3A_332 = tpu.memref_slice %arg8[%add3A_130, %dma_start3A_331] : memref<80x128xi32, #tpu.memory_space<vmem>> -> memref<1x128xi32, #tpu.memory_space<vmem>>
        %dma_start3A_333 = tpu.memref_squeeze %dma_start3A_332 : memref<1x128xi32, #tpu.memory_space<vmem>> -> memref<128xi32, #tpu.memory_space<vmem>>
        %dma_start3A_334 = arith.constant 0 : i32
        %dma_start3A_335 = arith.constant 0 : i32
        %dma_start3A_336 = tpu.memref_slice %arg10[%dma_start3A_334, %dma_start3A_335] : memref<10112x32xf32, #tpu.memory_space<vmem_shared>> -> memref<10112x32xf32, #tpu.memory_space<vmem_shared>>
        tpu.enqueue_indirect_dma source(%dma_start3A_330 : memref<128x32xf32, #tpu.memory_space<vmem>>) target(%dma_start3A_336 : memref<10112x32xf32, #tpu.memory_space<vmem_shared>>) offsets(%dma_start3A_333 : memref<128xi32, #tpu.memory_space<vmem>>) semaphore(%run_scoped3A_326 : memref<!tpu.dma_semaphore, #tpu.memory_space<semaphore_mem>>) {add = true}
        %dma_wait3A_337 = arith.constant 0 : i32
        %dma_wait3A_338 = arith.constant 0 : i32
        %dma_wait3A_339 = tpu.memref_slice %arg9[%run_scoped3A, %dma_wait3A_337, %dma_wait3A_338] : memref<8x128x32xf32, #tpu.memory_space<vmem>> -> memref<1x128x32xf32, #tpu.memory_space<vmem>>
        %dma_wait3A_340 = tpu.memref_squeeze %dma_wait3A_339 : memref<1x128x32xf32, #tpu.memory_space<vmem>> -> memref<128x32xf32, #tpu.memory_space<vmem>>
        %dma_wait3A_341 = arith.constant 0 : i32
        %dma_wait3A_342 = tpu.memref_slice %arg8[%add3A_130, %dma_wait3A_341] : memref<80x128xi32, #tpu.memory_space<vmem>> -> memref<1x128xi32, #tpu.memory_space<vmem>>
        %dma_wait3A_343 = tpu.memref_squeeze %dma_wait3A_342 : memref<1x128xi32, #tpu.memory_space<vmem>> -> memref<128xi32, #tpu.memory_space<vmem>>
        %dma_wait3A_344 = arith.constant 0 : i32
        %dma_wait3A_345 = arith.constant 0 : i32
        %dma_wait3A_346 = tpu.memref_slice %arg10[%dma_wait3A_344, %dma_wait3A_345] : memref<10112x32xf32, #tpu.memory_space<vmem_shared>> -> memref<10112x32xf32, #tpu.memory_space<vmem_shared>>
        tpu.wait_indirect_dma semaphore(%run_scoped3A_326 : memref<!tpu.dma_semaphore, #tpu.memory_space<semaphore_mem>>) src(%dma_wait3A_340 : memref<128x32xf32, #tpu.memory_space<vmem>>) dst(%dma_wait3A_346 : memref<10112x32xf32, #tpu.memory_space<vmem_shared>>)
        tpu.yield
      }) : () -> ()
      %add3A_131 = arith.constant 0 : i32
      %add3A_132 = arith.addi %add3A_114, %add3A_131 : i32
      %add3A_133 = arith.constant 8 : i32
      %add3A_134 = arith.addi %add3A_132, %add3A_133 : i32
      %lt3A = arith.constant 80 : i32
      %lt3A_135 = arith.cmpi slt, %add3A_134, %lt3A : i32
      %convert_element_type3A = arith.extui %lt3A_135 : i1 to i32
      %cond3A = arith.constant 0 : i32
      %cond3A_136 = arith.cmpi ne, %convert_element_type3A, %cond3A : i32
      scf.if %cond3A_136 {
        %add3A_326 = arith.constant 0 : i32
        %add3A_327 = arith.addi %add3A_114, %add3A_326 : i32
        %add3A_328 = arith.constant 8 : i32
        %add3A_329 = arith.addi %add3A_327, %add3A_328 : i32
        %dma_start3A_330 = arith.constant 0 : i32
        %dma_start3A_331 = arith.constant 0 : i32
        %dma_start3A_332 = arith.constant 0 : i32
        %dma_start3A_333 = tpu.memref_slice %arg9[%dma_start3A_330, %dma_start3A_331, %dma_start3A_332] : memref<8x128x32xf32, #tpu.memory_space<vmem>> -> memref<1x128x32xf32, #tpu.memory_space<vmem>>
        %dma_start3A_334 = tpu.memref_squeeze %dma_start3A_333 : memref<1x128x32xf32, #tpu.memory_space<vmem>> -> memref<128x32xf32, #tpu.memory_space<vmem>>
        %dma_start3A_335 = arith.constant 0 : i32
        %dma_start3A_336 = tpu.memref_slice %arg7[%add3A_329, %dma_start3A_335] : memref<80x128xi32, #tpu.memory_space<vmem>> -> memref<1x128xi32, #tpu.memory_space<vmem>>
        %dma_start3A_337 = tpu.memref_squeeze %dma_start3A_336 : memref<1x128xi32, #tpu.memory_space<vmem>> -> memref<128xi32, #tpu.memory_space<vmem>>
        %dma_start3A_338 = arith.constant 0 : i32
        %dma_start3A_339 = arith.constant 0 : i32
        %dma_start3A_340 = tpu.memref_slice %arg2[%dma_start3A_338, %dma_start3A_339] : memref<10112x32xf32, #tpu.memory_space<hbm>> -> memref<10112x32xf32, #tpu.memory_space<hbm>>
        tpu.enqueue_indirect_dma source(%dma_start3A_340 : memref<10112x32xf32, #tpu.memory_space<hbm>>) target(%dma_start3A_334 : memref<128x32xf32, #tpu.memory_space<vmem>>) offsets(%dma_start3A_337 : memref<128xi32, #tpu.memory_space<vmem>>) semaphore(%arg11 : memref<!tpu.dma_semaphore, #tpu.memory_space<semaphore_mem>>)
      } else {
      }
      %dma_wait3A_137 = arith.constant 1 : i32
      %dma_wait3A_138 = arith.constant 0 : i32
      %dma_wait3A_139 = arith.constant 0 : i32
      %dma_wait3A_140 = tpu.memref_slice %arg9[%dma_wait3A_137, %dma_wait3A_138, %dma_wait3A_139] : memref<8x128x32xf32, #tpu.memory_space<vmem>> -> memref<1x128x32xf32, #tpu.memory_space<vmem>>
      %dma_wait3A_141 = tpu.memref_squeeze %dma_wait3A_140 : memref<1x128x32xf32, #tpu.memory_space<vmem>> -> memref<128x32xf32, #tpu.memory_space<vmem>>
      %dma_wait3A_142 = arith.constant 0 : i32
      %dma_wait3A_143 = arith.constant 0 : i32
      %dma_wait3A_144 = tpu.memref_slice %arg2[%dma_wait3A_142, %dma_wait3A_143] : memref<10112x32xf32, #tpu.memory_space<hbm>> -> memref<128x32xf32, #tpu.memory_space<hbm>>
      %dma_wait3A_145 = arith.constant 0 : i32
      %dma_wait3A_146 = arith.constant 0 : i32
      %dma_wait3A_147 = tpu.memref_slice %arg9[%dma_wait3A_137, %dma_wait3A_145, %dma_wait3A_146] : memref<8x128x32xf32, #tpu.memory_space<vmem>> -> memref<1x128x32xf32, #tpu.memory_space<vmem>>
      %dma_wait3A_148 = tpu.memref_squeeze %dma_wait3A_147 : memref<1x128x32xf32, #tpu.memory_space<vmem>> -> memref<128x32xf32, #tpu.memory_space<vmem>>
      %dma_wait3A_149 = arith.constant 0 : i32
      %dma_wait3A_150 = arith.constant 0 : i32
      %dma_wait3A_151 = tpu.memref_slice %arg2[%dma_wait3A_149, %dma_wait3A_150] : memref<10112x32xf32, #tpu.memory_space<hbm>> -> memref<128x32xf32, #tpu.memory_space<hbm>>
      tpu.wait_dma2 semaphore(%arg11 : memref<!tpu.dma_semaphore, #tpu.memory_space<semaphore_mem>>) src(%dma_wait3A_151 : memref<128x32xf32, #tpu.memory_space<hbm>>) dst(%dma_wait3A_148 : memref<128x32xf32, #tpu.memory_space<vmem>>)
      %add3A_152 = arith.constant 1 : i32
      %add3A_153 = arith.addi %add3A_114, %add3A_152 : i32
      %run_scoped3A_154 = arith.constant 1 : i32
      "tpu.region"() ({
        %run_scoped3A_326 = tpu.sem_alloc : memref<!tpu.dma_semaphore, #tpu.memory_space<semaphore_mem>>
        %dma_start3A_327 = arith.constant 0 : i32
        %dma_start3A_328 = arith.constant 0 : i32
        %dma_start3A_329 = tpu.memref_slice %arg9[%run_scoped3A_154, %dma_start3A_327, %dma_start3A_328] : memref<8x128x32xf32, #tpu.memory_space<vmem>> -> memref<1x128x32xf32, #tpu.memory_space<vmem>>
        %dma_start3A_330 = tpu.memref_squeeze %dma_start3A_329 : memref<1x128x32xf32, #tpu.memory_space<vmem>> -> memref<128x32xf32, #tpu.memory_space<vmem>>
        %dma_start3A_331 = arith.constant 0 : i32
        %dma_start3A_332 = tpu.memref_slice %arg8[%add3A_153, %dma_start3A_331] : memref<80x128xi32, #tpu.memory_space<vmem>> -> memref<1x128xi32, #tpu.memory_space<vmem>>
        %dma_start3A_333 = tpu.memref_squeeze %dma_start3A_332 : memref<1x128xi32, #tpu.memory_space<vmem>> -> memref<128xi32, #tpu.memory_space<vmem>>
        %dma_start3A_334 = arith.constant 0 : i32
        %dma_start3A_335 = arith.constant 0 : i32
        %dma_start3A_336 = tpu.memref_slice %arg10[%dma_start3A_334, %dma_start3A_335] : memref<10112x32xf32, #tpu.memory_space<vmem_shared>> -> memref<10112x32xf32, #tpu.memory_space<vmem_shared>>
        tpu.enqueue_indirect_dma source(%dma_start3A_330 : memref<128x32xf32, #tpu.memory_space<vmem>>) target(%dma_start3A_336 : memref<10112x32xf32, #tpu.memory_space<vmem_shared>>) offsets(%dma_start3A_333 : memref<128xi32, #tpu.memory_space<vmem>>) semaphore(%run_scoped3A_326 : memref<!tpu.dma_semaphore, #tpu.memory_space<semaphore_mem>>) {add = true}
        %dma_wait3A_337 = arith.constant 0 : i32
        %dma_wait3A_338 = arith.constant 0 : i32
        %dma_wait3A_339 = tpu.memref_slice %arg9[%run_scoped3A_154, %dma_wait3A_337, %dma_wait3A_338] : memref<8x128x32xf32, #tpu.memory_space<vmem>> -> memref<1x128x32xf32, #tpu.memory_space<vmem>>
        %dma_wait3A_340 = tpu.memref_squeeze %dma_wait3A_339 : memref<1x128x32xf32, #tpu.memory_space<vmem>> -> memref<128x32xf32, #tpu.memory_space<vmem>>
        %dma_wait3A_341 = arith.constant 0 : i32
        %dma_wait3A_342 = tpu.memref_slice %arg8[%add3A_153, %dma_wait3A_341] : memref<80x128xi32, #tpu.memory_space<vmem>> -> memref<1x128xi32, #tpu.memory_space<vmem>>
        %dma_wait3A_343 = tpu.memref_squeeze %dma_wait3A_342 : memref<1x128xi32, #tpu.memory_space<vmem>> -> memref<128xi32, #tpu.memory_space<vmem>>
        %dma_wait3A_344 = arith.constant 0 : i32
        %dma_wait3A_345 = arith.constant 0 : i32
        %dma_wait3A_346 = tpu.memref_slice %arg10[%dma_wait3A_344, %dma_wait3A_345] : memref<10112x32xf32, #tpu.memory_space<vmem_shared>> -> memref<10112x32xf32, #tpu.memory_space<vmem_shared>>
        tpu.wait_indirect_dma semaphore(%run_scoped3A_326 : memref<!tpu.dma_semaphore, #tpu.memory_space<semaphore_mem>>) src(%dma_wait3A_340 : memref<128x32xf32, #tpu.memory_space<vmem>>) dst(%dma_wait3A_346 : memref<10112x32xf32, #tpu.memory_space<vmem_shared>>)
        tpu.yield
      }) : () -> ()
      %add3A_155 = arith.constant 1 : i32
      %add3A_156 = arith.addi %add3A_114, %add3A_155 : i32
      %add3A_157 = arith.constant 8 : i32
      %add3A_158 = arith.addi %add3A_156, %add3A_157 : i32
      %lt3A_159 = arith.constant 80 : i32
      %lt3A_160 = arith.cmpi slt, %add3A_158, %lt3A_159 : i32
      %convert_element_type3A_161 = arith.extui %lt3A_160 : i1 to i32
      %cond3A_162 = arith.constant 0 : i32
      %cond3A_163 = arith.cmpi ne, %convert_element_type3A_161, %cond3A_162 : i32
      scf.if %cond3A_163 {
        %add3A_326 = arith.constant 1 : i32
        %add3A_327 = arith.addi %add3A_114, %add3A_326 : i32
        %add3A_328 = arith.constant 8 : i32
        %add3A_329 = arith.addi %add3A_327, %add3A_328 : i32
        %dma_start3A_330 = arith.constant 1 : i32
        %dma_start3A_331 = arith.constant 0 : i32
        %dma_start3A_332 = arith.constant 0 : i32
        %dma_start3A_333 = tpu.memref_slice %arg9[%dma_start3A_330, %dma_start3A_331, %dma_start3A_332] : memref<8x128x32xf32, #tpu.memory_space<vmem>> -> memref<1x128x32xf32, #tpu.memory_space<vmem>>
        %dma_start3A_334 = tpu.memref_squeeze %dma_start3A_333 : memref<1x128x32xf32, #tpu.memory_space<vmem>> -> memref<128x32xf32, #tpu.memory_space<vmem>>
        %dma_start3A_335 = arith.constant 0 : i32
        %dma_start3A_336 = tpu.memref_slice %arg7[%add3A_329, %dma_start3A_335] : memref<80x128xi32, #tpu.memory_space<vmem>> -> memref<1x128xi32, #tpu.memory_space<vmem>>
        %dma_start3A_337 = tpu.memref_squeeze %dma_start3A_336 : memref<1x128xi32, #tpu.memory_space<vmem>> -> memref<128xi32, #tpu.memory_space<vmem>>
        %dma_start3A_338 = arith.constant 0 : i32
        %dma_start3A_339 = arith.constant 0 : i32
        %dma_start3A_340 = tpu.memref_slice %arg2[%dma_start3A_338, %dma_start3A_339] : memref<10112x32xf32, #tpu.memory_space<hbm>> -> memref<10112x32xf32, #tpu.memory_space<hbm>>
        tpu.enqueue_indirect_dma source(%dma_start3A_340 : memref<10112x32xf32, #tpu.memory_space<hbm>>) target(%dma_start3A_334 : memref<128x32xf32, #tpu.memory_space<vmem>>) offsets(%dma_start3A_337 : memref<128xi32, #tpu.memory_space<vmem>>) semaphore(%arg11 : memref<!tpu.dma_semaphore, #tpu.memory_space<semaphore_mem>>)
      } else {
      }
      %dma_wait3A_164 = arith.constant 2 : i32
      %dma_wait3A_165 = arith.constant 0 : i32
      %dma_wait3A_166 = arith.constant 0 : i32
      %dma_wait3A_167 = tpu.memref_slice %arg9[%dma_wait3A_164, %dma_wait3A_165, %dma_wait3A_166] : memref<8x128x32xf32, #tpu.memory_space<vmem>> -> memref<1x128x32xf32, #tpu.memory_space<vmem>>
      %dma_wait3A_168 = tpu.memref_squeeze %dma_wait3A_167 : memref<1x128x32xf32, #tpu.memory_space<vmem>> -> memref<128x32xf32, #tpu.memory_space<vmem>>
      %dma_wait3A_169 = arith.constant 0 : i32
      %dma_wait3A_170 = arith.constant 0 : i32
      %dma_wait3A_171 = tpu.memref_slice %arg2[%dma_wait3A_169, %dma_wait3A_170] : memref<10112x32xf32, #tpu.memory_space<hbm>> -> memref<128x32xf32, #tpu.memory_space<hbm>>
      %dma_wait3A_172 = arith.constant 0 : i32
      %dma_wait3A_173 = arith.constant 0 : i32
      %dma_wait3A_174 = tpu.memref_slice %arg9[%dma_wait3A_164, %dma_wait3A_172, %dma_wait3A_173] : memref<8x128x32xf32, #tpu.memory_space<vmem>> -> memref<1x128x32xf32, #tpu.memory_space<vmem>>
      %dma_wait3A_175 = tpu.memref_squeeze %dma_wait3A_174 : memref<1x128x32xf32, #tpu.memory_space<vmem>> -> memref<128x32xf32, #tpu.memory_space<vmem>>
      %dma_wait3A_176 = arith.constant 0 : i32
      %dma_wait3A_177 = arith.constant 0 : i32
      %dma_wait3A_178 = tpu.memref_slice %arg2[%dma_wait3A_176, %dma_wait3A_177] : memref<10112x32xf32, #tpu.memory_space<hbm>> -> memref<128x32xf32, #tpu.memory_space<hbm>>
      tpu.wait_dma2 semaphore(%arg11 : memref<!tpu.dma_semaphore, #tpu.memory_space<semaphore_mem>>) src(%dma_wait3A_178 : memref<128x32xf32, #tpu.memory_space<hbm>>) dst(%dma_wait3A_175 : memref<128x32xf32, #tpu.memory_space<vmem>>)
      %add3A_179 = arith.constant 2 : i32
      %add3A_180 = arith.addi %add3A_114, %add3A_179 : i32
      %run_scoped3A_181 = arith.constant 2 : i32
      "tpu.region"() ({
        %run_scoped3A_326 = tpu.sem_alloc : memref<!tpu.dma_semaphore, #tpu.memory_space<semaphore_mem>>
        %dma_start3A_327 = arith.constant 0 : i32
        %dma_start3A_328 = arith.constant 0 : i32
        %dma_start3A_329 = tpu.memref_slice %arg9[%run_scoped3A_181, %dma_start3A_327, %dma_start3A_328] : memref<8x128x32xf32, #tpu.memory_space<vmem>> -> memref<1x128x32xf32, #tpu.memory_space<vmem>>
        %dma_start3A_330 = tpu.memref_squeeze %dma_start3A_329 : memref<1x128x32xf32, #tpu.memory_space<vmem>> -> memref<128x32xf32, #tpu.memory_space<vmem>>
        %dma_start3A_331 = arith.constant 0 : i32
        %dma_start3A_332 = tpu.memref_slice %arg8[%add3A_180, %dma_start3A_331] : memref<80x128xi32, #tpu.memory_space<vmem>> -> memref<1x128xi32, #tpu.memory_space<vmem>>
        %dma_start3A_333 = tpu.memref_squeeze %dma_start3A_332 : memref<1x128xi32, #tpu.memory_space<vmem>> -> memref<128xi32, #tpu.memory_space<vmem>>
        %dma_start3A_334 = arith.constant 0 : i32
        %dma_start3A_335 = arith.constant 0 : i32
        %dma_start3A_336 = tpu.memref_slice %arg10[%dma_start3A_334, %dma_start3A_335] : memref<10112x32xf32, #tpu.memory_space<vmem_shared>> -> memref<10112x32xf32, #tpu.memory_space<vmem_shared>>
        tpu.enqueue_indirect_dma source(%dma_start3A_330 : memref<128x32xf32, #tpu.memory_space<vmem>>) target(%dma_start3A_336 : memref<10112x32xf32, #tpu.memory_space<vmem_shared>>) offsets(%dma_start3A_333 : memref<128xi32, #tpu.memory_space<vmem>>) semaphore(%run_scoped3A_326 : memref<!tpu.dma_semaphore, #tpu.memory_space<semaphore_mem>>) {add = true}
        %dma_wait3A_337 = arith.constant 0 : i32
        %dma_wait3A_338 = arith.constant 0 : i32
        %dma_wait3A_339 = tpu.memref_slice %arg9[%run_scoped3A_181, %dma_wait3A_337, %dma_wait3A_338] : memref<8x128x32xf32, #tpu.memory_space<vmem>> -> memref<1x128x32xf32, #tpu.memory_space<vmem>>
        %dma_wait3A_340 = tpu.memref_squeeze %dma_wait3A_339 : memref<1x128x32xf32, #tpu.memory_space<vmem>> -> memref<128x32xf32, #tpu.memory_space<vmem>>
        %dma_wait3A_341 = arith.constant 0 : i32
        %dma_wait3A_342 = tpu.memref_slice %arg8[%add3A_180, %dma_wait3A_341] : memref<80x128xi32, #tpu.memory_space<vmem>> -> memref<1x128xi32, #tpu.memory_space<vmem>>
        %dma_wait3A_343 = tpu.memref_squeeze %dma_wait3A_342 : memref<1x128xi32, #tpu.memory_space<vmem>> -> memref<128xi32, #tpu.memory_space<vmem>>
        %dma_wait3A_344 = arith.constant 0 : i32
        %dma_wait3A_345 = arith.constant 0 : i32
        %dma_wait3A_346 = tpu.memref_slice %arg10[%dma_wait3A_344, %dma_wait3A_345] : memref<10112x32xf32, #tpu.memory_space<vmem_shared>> -> memref<10112x32xf32, #tpu.memory_space<vmem_shared>>
        tpu.wait_indirect_dma semaphore(%run_scoped3A_326 : memref<!tpu.dma_semaphore, #tpu.memory_space<semaphore_mem>>) src(%dma_wait3A_340 : memref<128x32xf32, #tpu.memory_space<vmem>>) dst(%dma_wait3A_346 : memref<10112x32xf32, #tpu.memory_space<vmem_shared>>)
        tpu.yield
      }) : () -> ()
      %add3A_182 = arith.constant 2 : i32
      %add3A_183 = arith.addi %add3A_114, %add3A_182 : i32
      %add3A_184 = arith.constant 8 : i32
      %add3A_185 = arith.addi %add3A_183, %add3A_184 : i32
      %lt3A_186 = arith.constant 80 : i32
      %lt3A_187 = arith.cmpi slt, %add3A_185, %lt3A_186 : i32
      %convert_element_type3A_188 = arith.extui %lt3A_187 : i1 to i32
      %cond3A_189 = arith.constant 0 : i32
      %cond3A_190 = arith.cmpi ne, %convert_element_type3A_188, %cond3A_189 : i32
      scf.if %cond3A_190 {
        %add3A_326 = arith.constant 2 : i32
        %add3A_327 = arith.addi %add3A_114, %add3A_326 : i32
        %add3A_328 = arith.constant 8 : i32
        %add3A_329 = arith.addi %add3A_327, %add3A_328 : i32
        %dma_start3A_330 = arith.constant 2 : i32
        %dma_start3A_331 = arith.constant 0 : i32
        %dma_start3A_332 = arith.constant 0 : i32
        %dma_start3A_333 = tpu.memref_slice %arg9[%dma_start3A_330, %dma_start3A_331, %dma_start3A_332] : memref<8x128x32xf32, #tpu.memory_space<vmem>> -> memref<1x128x32xf32, #tpu.memory_space<vmem>>
        %dma_start3A_334 = tpu.memref_squeeze %dma_start3A_333 : memref<1x128x32xf32, #tpu.memory_space<vmem>> -> memref<128x32xf32, #tpu.memory_space<vmem>>
        %dma_start3A_335 = arith.constant 0 : i32
        %dma_start3A_336 = tpu.memref_slice %arg7[%add3A_329, %dma_start3A_335] : memref<80x128xi32, #tpu.memory_space<vmem>> -> memref<1x128xi32, #tpu.memory_space<vmem>>
        %dma_start3A_337 = tpu.memref_squeeze %dma_start3A_336 : memref<1x128xi32, #tpu.memory_space<vmem>> -> memref<128xi32, #tpu.memory_space<vmem>>
        %dma_start3A_338 = arith.constant 0 : i32
        %dma_start3A_339 = arith.constant 0 : i32
        %dma_start3A_340 = tpu.memref_slice %arg2[%dma_start3A_338, %dma_start3A_339] : memref<10112x32xf32, #tpu.memory_space<hbm>> -> memref<10112x32xf32, #tpu.memory_space<hbm>>
        tpu.enqueue_indirect_dma source(%dma_start3A_340 : memref<10112x32xf32, #tpu.memory_space<hbm>>) target(%dma_start3A_334 : memref<128x32xf32, #tpu.memory_space<vmem>>) offsets(%dma_start3A_337 : memref<128xi32, #tpu.memory_space<vmem>>) semaphore(%arg11 : memref<!tpu.dma_semaphore, #tpu.memory_space<semaphore_mem>>)
      } else {
      }
      %dma_wait3A_191 = arith.constant 3 : i32
      %dma_wait3A_192 = arith.constant 0 : i32
      %dma_wait3A_193 = arith.constant 0 : i32
      %dma_wait3A_194 = tpu.memref_slice %arg9[%dma_wait3A_191, %dma_wait3A_192, %dma_wait3A_193] : memref<8x128x32xf32, #tpu.memory_space<vmem>> -> memref<1x128x32xf32, #tpu.memory_space<vmem>>
      %dma_wait3A_195 = tpu.memref_squeeze %dma_wait3A_194 : memref<1x128x32xf32, #tpu.memory_space<vmem>> -> memref<128x32xf32, #tpu.memory_space<vmem>>
      %dma_wait3A_196 = arith.constant 0 : i32
      %dma_wait3A_197 = arith.constant 0 : i32
      %dma_wait3A_198 = tpu.memref_slice %arg2[%dma_wait3A_196, %dma_wait3A_197] : memref<10112x32xf32, #tpu.memory_space<hbm>> -> memref<128x32xf32, #tpu.memory_space<hbm>>
      %dma_wait3A_199 = arith.constant 0 : i32
      %dma_wait3A_200 = arith.constant 0 : i32
      %dma_wait3A_201 = tpu.memref_slice %arg9[%dma_wait3A_191, %dma_wait3A_199, %dma_wait3A_200] : memref<8x128x32xf32, #tpu.memory_space<vmem>> -> memref<1x128x32xf32, #tpu.memory_space<vmem>>
      %dma_wait3A_202 = tpu.memref_squeeze %dma_wait3A_201 : memref<1x128x32xf32, #tpu.memory_space<vmem>> -> memref<128x32xf32, #tpu.memory_space<vmem>>
      %dma_wait3A_203 = arith.constant 0 : i32
      %dma_wait3A_204 = arith.constant 0 : i32
      %dma_wait3A_205 = tpu.memref_slice %arg2[%dma_wait3A_203, %dma_wait3A_204] : memref<10112x32xf32, #tpu.memory_space<hbm>> -> memref<128x32xf32, #tpu.memory_space<hbm>>
      tpu.wait_dma2 semaphore(%arg11 : memref<!tpu.dma_semaphore, #tpu.memory_space<semaphore_mem>>) src(%dma_wait3A_205 : memref<128x32xf32, #tpu.memory_space<hbm>>) dst(%dma_wait3A_202 : memref<128x32xf32, #tpu.memory_space<vmem>>)
      %add3A_206 = arith.constant 3 : i32
      %add3A_207 = arith.addi %add3A_114, %add3A_206 : i32
      %run_scoped3A_208 = arith.constant 3 : i32
      "tpu.region"() ({
        %run_scoped3A_326 = tpu.sem_alloc : memref<!tpu.dma_semaphore, #tpu.memory_space<semaphore_mem>>
        %dma_start3A_327 = arith.constant 0 : i32
        %dma_start3A_328 = arith.constant 0 : i32
        %dma_start3A_329 = tpu.memref_slice %arg9[%run_scoped3A_208, %dma_start3A_327, %dma_start3A_328] : memref<8x128x32xf32, #tpu.memory_space<vmem>> -> memref<1x128x32xf32, #tpu.memory_space<vmem>>
        %dma_start3A_330 = tpu.memref_squeeze %dma_start3A_329 : memref<1x128x32xf32, #tpu.memory_space<vmem>> -> memref<128x32xf32, #tpu.memory_space<vmem>>
        %dma_start3A_331 = arith.constant 0 : i32
        %dma_start3A_332 = tpu.memref_slice %arg8[%add3A_207, %dma_start3A_331] : memref<80x128xi32, #tpu.memory_space<vmem>> -> memref<1x128xi32, #tpu.memory_space<vmem>>
        %dma_start3A_333 = tpu.memref_squeeze %dma_start3A_332 : memref<1x128xi32, #tpu.memory_space<vmem>> -> memref<128xi32, #tpu.memory_space<vmem>>
        %dma_start3A_334 = arith.constant 0 : i32
        %dma_start3A_335 = arith.constant 0 : i32
        %dma_start3A_336 = tpu.memref_slice %arg10[%dma_start3A_334, %dma_start3A_335] : memref<10112x32xf32, #tpu.memory_space<vmem_shared>> -> memref<10112x32xf32, #tpu.memory_space<vmem_shared>>
        tpu.enqueue_indirect_dma source(%dma_start3A_330 : memref<128x32xf32, #tpu.memory_space<vmem>>) target(%dma_start3A_336 : memref<10112x32xf32, #tpu.memory_space<vmem_shared>>) offsets(%dma_start3A_333 : memref<128xi32, #tpu.memory_space<vmem>>) semaphore(%run_scoped3A_326 : memref<!tpu.dma_semaphore, #tpu.memory_space<semaphore_mem>>) {add = true}
        %dma_wait3A_337 = arith.constant 0 : i32
        %dma_wait3A_338 = arith.constant 0 : i32
        %dma_wait3A_339 = tpu.memref_slice %arg9[%run_scoped3A_208, %dma_wait3A_337, %dma_wait3A_338] : memref<8x128x32xf32, #tpu.memory_space<vmem>> -> memref<1x128x32xf32, #tpu.memory_space<vmem>>
        %dma_wait3A_340 = tpu.memref_squeeze %dma_wait3A_339 : memref<1x128x32xf32, #tpu.memory_space<vmem>> -> memref<128x32xf32, #tpu.memory_space<vmem>>
        %dma_wait3A_341 = arith.constant 0 : i32
        %dma_wait3A_342 = tpu.memref_slice %arg8[%add3A_207, %dma_wait3A_341] : memref<80x128xi32, #tpu.memory_space<vmem>> -> memref<1x128xi32, #tpu.memory_space<vmem>>
        %dma_wait3A_343 = tpu.memref_squeeze %dma_wait3A_342 : memref<1x128xi32, #tpu.memory_space<vmem>> -> memref<128xi32, #tpu.memory_space<vmem>>
        %dma_wait3A_344 = arith.constant 0 : i32
        %dma_wait3A_345 = arith.constant 0 : i32
        %dma_wait3A_346 = tpu.memref_slice %arg10[%dma_wait3A_344, %dma_wait3A_345] : memref<10112x32xf32, #tpu.memory_space<vmem_shared>> -> memref<10112x32xf32, #tpu.memory_space<vmem_shared>>
        tpu.wait_indirect_dma semaphore(%run_scoped3A_326 : memref<!tpu.dma_semaphore, #tpu.memory_space<semaphore_mem>>) src(%dma_wait3A_340 : memref<128x32xf32, #tpu.memory_space<vmem>>) dst(%dma_wait3A_346 : memref<10112x32xf32, #tpu.memory_space<vmem_shared>>)
        tpu.yield
      }) : () -> ()
      %add3A_209 = arith.constant 3 : i32
      %add3A_210 = arith.addi %add3A_114, %add3A_209 : i32
      %add3A_211 = arith.constant 8 : i32
      %add3A_212 = arith.addi %add3A_210, %add3A_211 : i32
      %lt3A_213 = arith.constant 80 : i32
      %lt3A_214 = arith.cmpi slt, %add3A_212, %lt3A_213 : i32
      %convert_element_type3A_215 = arith.extui %lt3A_214 : i1 to i32
      %cond3A_216 = arith.constant 0 : i32
      %cond3A_217 = arith.cmpi ne, %convert_element_type3A_215, %cond3A_216 : i32
      scf.if %cond3A_217 {
        %add3A_326 = arith.constant 3 : i32
        %add3A_327 = arith.addi %add3A_114, %add3A_326 : i32
        %add3A_328 = arith.constant 8 : i32
        %add3A_329 = arith.addi %add3A_327, %add3A_328 : i32
        %dma_start3A_330 = arith.constant 3 : i32
        %dma_start3A_331 = arith.constant 0 : i32
        %dma_start3A_332 = arith.constant 0 : i32
        %dma_start3A_333 = tpu.memref_slice %arg9[%dma_start3A_330, %dma_start3A_331, %dma_start3A_332] : memref<8x128x32xf32, #tpu.memory_space<vmem>> -> memref<1x128x32xf32, #tpu.memory_space<vmem>>
        %dma_start3A_334 = tpu.memref_squeeze %dma_start3A_333 : memref<1x128x32xf32, #tpu.memory_space<vmem>> -> memref<128x32xf32, #tpu.memory_space<vmem>>
        %dma_start3A_335 = arith.constant 0 : i32
        %dma_start3A_336 = tpu.memref_slice %arg7[%add3A_329, %dma_start3A_335] : memref<80x128xi32, #tpu.memory_space<vmem>> -> memref<1x128xi32, #tpu.memory_space<vmem>>
        %dma_start3A_337 = tpu.memref_squeeze %dma_start3A_336 : memref<1x128xi32, #tpu.memory_space<vmem>> -> memref<128xi32, #tpu.memory_space<vmem>>
        %dma_start3A_338 = arith.constant 0 : i32
        %dma_start3A_339 = arith.constant 0 : i32
        %dma_start3A_340 = tpu.memref_slice %arg2[%dma_start3A_338, %dma_start3A_339] : memref<10112x32xf32, #tpu.memory_space<hbm>> -> memref<10112x32xf32, #tpu.memory_space<hbm>>
        tpu.enqueue_indirect_dma source(%dma_start3A_340 : memref<10112x32xf32, #tpu.memory_space<hbm>>) target(%dma_start3A_334 : memref<128x32xf32, #tpu.memory_space<vmem>>) offsets(%dma_start3A_337 : memref<128xi32, #tpu.memory_space<vmem>>) semaphore(%arg11 : memref<!tpu.dma_semaphore, #tpu.memory_space<semaphore_mem>>)
      } else {
      }
      %dma_wait3A_218 = arith.constant 4 : i32
      %dma_wait3A_219 = arith.constant 0 : i32
      %dma_wait3A_220 = arith.constant 0 : i32
      %dma_wait3A_221 = tpu.memref_slice %arg9[%dma_wait3A_218, %dma_wait3A_219, %dma_wait3A_220] : memref<8x128x32xf32, #tpu.memory_space<vmem>> -> memref<1x128x32xf32, #tpu.memory_space<vmem>>
      %dma_wait3A_222 = tpu.memref_squeeze %dma_wait3A_221 : memref<1x128x32xf32, #tpu.memory_space<vmem>> -> memref<128x32xf32, #tpu.memory_space<vmem>>
      %dma_wait3A_223 = arith.constant 0 : i32
      %dma_wait3A_224 = arith.constant 0 : i32
      %dma_wait3A_225 = tpu.memref_slice %arg2[%dma_wait3A_223, %dma_wait3A_224] : memref<10112x32xf32, #tpu.memory_space<hbm>> -> memref<128x32xf32, #tpu.memory_space<hbm>>
      %dma_wait3A_226 = arith.constant 0 : i32
      %dma_wait3A_227 = arith.constant 0 : i32
      %dma_wait3A_228 = tpu.memref_slice %arg9[%dma_wait3A_218, %dma_wait3A_226, %dma_wait3A_227] : memref<8x128x32xf32, #tpu.memory_space<vmem>> -> memref<1x128x32xf32, #tpu.memory_space<vmem>>
      %dma_wait3A_229 = tpu.memref_squeeze %dma_wait3A_228 : memref<1x128x32xf32, #tpu.memory_space<vmem>> -> memref<128x32xf32, #tpu.memory_space<vmem>>
      %dma_wait3A_230 = arith.constant 0 : i32
      %dma_wait3A_231 = arith.constant 0 : i32
      %dma_wait3A_232 = tpu.memref_slice %arg2[%dma_wait3A_230, %dma_wait3A_231] : memref<10112x32xf32, #tpu.memory_space<hbm>> -> memref<128x32xf32, #tpu.memory_space<hbm>>
      tpu.wait_dma2 semaphore(%arg11 : memref<!tpu.dma_semaphore, #tpu.memory_space<semaphore_mem>>) src(%dma_wait3A_232 : memref<128x32xf32, #tpu.memory_space<hbm>>) dst(%dma_wait3A_229 : memref<128x32xf32, #tpu.memory_space<vmem>>)
      %add3A_233 = arith.constant 4 : i32
      %add3A_234 = arith.addi %add3A_114, %add3A_233 : i32
      %run_scoped3A_235 = arith.constant 4 : i32
      "tpu.region"() ({
        %run_scoped3A_326 = tpu.sem_alloc : memref<!tpu.dma_semaphore, #tpu.memory_space<semaphore_mem>>
        %dma_start3A_327 = arith.constant 0 : i32
        %dma_start3A_328 = arith.constant 0 : i32
        %dma_start3A_329 = tpu.memref_slice %arg9[%run_scoped3A_235, %dma_start3A_327, %dma_start3A_328] : memref<8x128x32xf32, #tpu.memory_space<vmem>> -> memref<1x128x32xf32, #tpu.memory_space<vmem>>
        %dma_start3A_330 = tpu.memref_squeeze %dma_start3A_329 : memref<1x128x32xf32, #tpu.memory_space<vmem>> -> memref<128x32xf32, #tpu.memory_space<vmem>>
        %dma_start3A_331 = arith.constant 0 : i32
        %dma_start3A_332 = tpu.memref_slice %arg8[%add3A_234, %dma_start3A_331] : memref<80x128xi32, #tpu.memory_space<vmem>> -> memref<1x128xi32, #tpu.memory_space<vmem>>
        %dma_start3A_333 = tpu.memref_squeeze %dma_start3A_332 : memref<1x128xi32, #tpu.memory_space<vmem>> -> memref<128xi32, #tpu.memory_space<vmem>>
        %dma_start3A_334 = arith.constant 0 : i32
        %dma_start3A_335 = arith.constant 0 : i32
        %dma_start3A_336 = tpu.memref_slice %arg10[%dma_start3A_334, %dma_start3A_335] : memref<10112x32xf32, #tpu.memory_space<vmem_shared>> -> memref<10112x32xf32, #tpu.memory_space<vmem_shared>>
        tpu.enqueue_indirect_dma source(%dma_start3A_330 : memref<128x32xf32, #tpu.memory_space<vmem>>) target(%dma_start3A_336 : memref<10112x32xf32, #tpu.memory_space<vmem_shared>>) offsets(%dma_start3A_333 : memref<128xi32, #tpu.memory_space<vmem>>) semaphore(%run_scoped3A_326 : memref<!tpu.dma_semaphore, #tpu.memory_space<semaphore_mem>>) {add = true}
        %dma_wait3A_337 = arith.constant 0 : i32
        %dma_wait3A_338 = arith.constant 0 : i32
        %dma_wait3A_339 = tpu.memref_slice %arg9[%run_scoped3A_235, %dma_wait3A_337, %dma_wait3A_338] : memref<8x128x32xf32, #tpu.memory_space<vmem>> -> memref<1x128x32xf32, #tpu.memory_space<vmem>>
        %dma_wait3A_340 = tpu.memref_squeeze %dma_wait3A_339 : memref<1x128x32xf32, #tpu.memory_space<vmem>> -> memref<128x32xf32, #tpu.memory_space<vmem>>
        %dma_wait3A_341 = arith.constant 0 : i32
        %dma_wait3A_342 = tpu.memref_slice %arg8[%add3A_234, %dma_wait3A_341] : memref<80x128xi32, #tpu.memory_space<vmem>> -> memref<1x128xi32, #tpu.memory_space<vmem>>
        %dma_wait3A_343 = tpu.memref_squeeze %dma_wait3A_342 : memref<1x128xi32, #tpu.memory_space<vmem>> -> memref<128xi32, #tpu.memory_space<vmem>>
        %dma_wait3A_344 = arith.constant 0 : i32
        %dma_wait3A_345 = arith.constant 0 : i32
        %dma_wait3A_346 = tpu.memref_slice %arg10[%dma_wait3A_344, %dma_wait3A_345] : memref<10112x32xf32, #tpu.memory_space<vmem_shared>> -> memref<10112x32xf32, #tpu.memory_space<vmem_shared>>
        tpu.wait_indirect_dma semaphore(%run_scoped3A_326 : memref<!tpu.dma_semaphore, #tpu.memory_space<semaphore_mem>>) src(%dma_wait3A_340 : memref<128x32xf32, #tpu.memory_space<vmem>>) dst(%dma_wait3A_346 : memref<10112x32xf32, #tpu.memory_space<vmem_shared>>)
        tpu.yield
      }) : () -> ()
      %add3A_236 = arith.constant 4 : i32
      %add3A_237 = arith.addi %add3A_114, %add3A_236 : i32
      %add3A_238 = arith.constant 8 : i32
      %add3A_239 = arith.addi %add3A_237, %add3A_238 : i32
      %lt3A_240 = arith.constant 80 : i32
      %lt3A_241 = arith.cmpi slt, %add3A_239, %lt3A_240 : i32
      %convert_element_type3A_242 = arith.extui %lt3A_241 : i1 to i32
      %cond3A_243 = arith.constant 0 : i32
      %cond3A_244 = arith.cmpi ne, %convert_element_type3A_242, %cond3A_243 : i32
      scf.if %cond3A_244 {
        %add3A_326 = arith.constant 4 : i32
        %add3A_327 = arith.addi %add3A_114, %add3A_326 : i32
        %add3A_328 = arith.constant 8 : i32
        %add3A_329 = arith.addi %add3A_327, %add3A_328 : i32
        %dma_start3A_330 = arith.constant 4 : i32
        %dma_start3A_331 = arith.constant 0 : i32
        %dma_start3A_332 = arith.constant 0 : i32
        %dma_start3A_333 = tpu.memref_slice %arg9[%dma_start3A_330, %dma_start3A_331, %dma_start3A_332] : memref<8x128x32xf32, #tpu.memory_space<vmem>> -> memref<1x128x32xf32, #tpu.memory_space<vmem>>
        %dma_start3A_334 = tpu.memref_squeeze %dma_start3A_333 : memref<1x128x32xf32, #tpu.memory_space<vmem>> -> memref<128x32xf32, #tpu.memory_space<vmem>>
        %dma_start3A_335 = arith.constant 0 : i32
        %dma_start3A_336 = tpu.memref_slice %arg7[%add3A_329, %dma_start3A_335] : memref<80x128xi32, #tpu.memory_space<vmem>> -> memref<1x128xi32, #tpu.memory_space<vmem>>
        %dma_start3A_337 = tpu.memref_squeeze %dma_start3A_336 : memref<1x128xi32, #tpu.memory_space<vmem>> -> memref<128xi32, #tpu.memory_space<vmem>>
        %dma_start3A_338 = arith.constant 0 : i32
        %dma_start3A_339 = arith.constant 0 : i32
        %dma_start3A_340 = tpu.memref_slice %arg2[%dma_start3A_338, %dma_start3A_339] : memref<10112x32xf32, #tpu.memory_space<hbm>> -> memref<10112x32xf32, #tpu.memory_space<hbm>>
        tpu.enqueue_indirect_dma source(%dma_start3A_340 : memref<10112x32xf32, #tpu.memory_space<hbm>>) target(%dma_start3A_334 : memref<128x32xf32, #tpu.memory_space<vmem>>) offsets(%dma_start3A_337 : memref<128xi32, #tpu.memory_space<vmem>>) semaphore(%arg11 : memref<!tpu.dma_semaphore, #tpu.memory_space<semaphore_mem>>)
      } else {
      }
      %dma_wait3A_245 = arith.constant 5 : i32
      %dma_wait3A_246 = arith.constant 0 : i32
      %dma_wait3A_247 = arith.constant 0 : i32
      %dma_wait3A_248 = tpu.memref_slice %arg9[%dma_wait3A_245, %dma_wait3A_246, %dma_wait3A_247] : memref<8x128x32xf32, #tpu.memory_space<vmem>> -> memref<1x128x32xf32, #tpu.memory_space<vmem>>
      %dma_wait3A_249 = tpu.memref_squeeze %dma_wait3A_248 : memref<1x128x32xf32, #tpu.memory_space<vmem>> -> memref<128x32xf32, #tpu.memory_space<vmem>>
      %dma_wait3A_250 = arith.constant 0 : i32
      %dma_wait3A_251 = arith.constant 0 : i32
      %dma_wait3A_252 = tpu.memref_slice %arg2[%dma_wait3A_250, %dma_wait3A_251] : memref<10112x32xf32, #tpu.memory_space<hbm>> -> memref<128x32xf32, #tpu.memory_space<hbm>>
      %dma_wait3A_253 = arith.constant 0 : i32
      %dma_wait3A_254 = arith.constant 0 : i32
      %dma_wait3A_255 = tpu.memref_slice %arg9[%dma_wait3A_245, %dma_wait3A_253, %dma_wait3A_254] : memref<8x128x32xf32, #tpu.memory_space<vmem>> -> memref<1x128x32xf32, #tpu.memory_space<vmem>>
      %dma_wait3A_256 = tpu.memref_squeeze %dma_wait3A_255 : memref<1x128x32xf32, #tpu.memory_space<vmem>> -> memref<128x32xf32, #tpu.memory_space<vmem>>
      %dma_wait3A_257 = arith.constant 0 : i32
      %dma_wait3A_258 = arith.constant 0 : i32
      %dma_wait3A_259 = tpu.memref_slice %arg2[%dma_wait3A_257, %dma_wait3A_258] : memref<10112x32xf32, #tpu.memory_space<hbm>> -> memref<128x32xf32, #tpu.memory_space<hbm>>
      tpu.wait_dma2 semaphore(%arg11 : memref<!tpu.dma_semaphore, #tpu.memory_space<semaphore_mem>>) src(%dma_wait3A_259 : memref<128x32xf32, #tpu.memory_space<hbm>>) dst(%dma_wait3A_256 : memref<128x32xf32, #tpu.memory_space<vmem>>)
      %add3A_260 = arith.constant 5 : i32
      %add3A_261 = arith.addi %add3A_114, %add3A_260 : i32
      %run_scoped3A_262 = arith.constant 5 : i32
      "tpu.region"() ({
        %run_scoped3A_326 = tpu.sem_alloc : memref<!tpu.dma_semaphore, #tpu.memory_space<semaphore_mem>>
        %dma_start3A_327 = arith.constant 0 : i32
        %dma_start3A_328 = arith.constant 0 : i32
        %dma_start3A_329 = tpu.memref_slice %arg9[%run_scoped3A_262, %dma_start3A_327, %dma_start3A_328] : memref<8x128x32xf32, #tpu.memory_space<vmem>> -> memref<1x128x32xf32, #tpu.memory_space<vmem>>
        %dma_start3A_330 = tpu.memref_squeeze %dma_start3A_329 : memref<1x128x32xf32, #tpu.memory_space<vmem>> -> memref<128x32xf32, #tpu.memory_space<vmem>>
        %dma_start3A_331 = arith.constant 0 : i32
        %dma_start3A_332 = tpu.memref_slice %arg8[%add3A_261, %dma_start3A_331] : memref<80x128xi32, #tpu.memory_space<vmem>> -> memref<1x128xi32, #tpu.memory_space<vmem>>
        %dma_start3A_333 = tpu.memref_squeeze %dma_start3A_332 : memref<1x128xi32, #tpu.memory_space<vmem>> -> memref<128xi32, #tpu.memory_space<vmem>>
        %dma_start3A_334 = arith.constant 0 : i32
        %dma_start3A_335 = arith.constant 0 : i32
        %dma_start3A_336 = tpu.memref_slice %arg10[%dma_start3A_334, %dma_start3A_335] : memref<10112x32xf32, #tpu.memory_space<vmem_shared>> -> memref<10112x32xf32, #tpu.memory_space<vmem_shared>>
        tpu.enqueue_indirect_dma source(%dma_start3A_330 : memref<128x32xf32, #tpu.memory_space<vmem>>) target(%dma_start3A_336 : memref<10112x32xf32, #tpu.memory_space<vmem_shared>>) offsets(%dma_start3A_333 : memref<128xi32, #tpu.memory_space<vmem>>) semaphore(%run_scoped3A_326 : memref<!tpu.dma_semaphore, #tpu.memory_space<semaphore_mem>>) {add = true}
        %dma_wait3A_337 = arith.constant 0 : i32
        %dma_wait3A_338 = arith.constant 0 : i32
        %dma_wait3A_339 = tpu.memref_slice %arg9[%run_scoped3A_262, %dma_wait3A_337, %dma_wait3A_338] : memref<8x128x32xf32, #tpu.memory_space<vmem>> -> memref<1x128x32xf32, #tpu.memory_space<vmem>>
        %dma_wait3A_340 = tpu.memref_squeeze %dma_wait3A_339 : memref<1x128x32xf32, #tpu.memory_space<vmem>> -> memref<128x32xf32, #tpu.memory_space<vmem>>
        %dma_wait3A_341 = arith.constant 0 : i32
        %dma_wait3A_342 = tpu.memref_slice %arg8[%add3A_261, %dma_wait3A_341] : memref<80x128xi32, #tpu.memory_space<vmem>> -> memref<1x128xi32, #tpu.memory_space<vmem>>
        %dma_wait3A_343 = tpu.memref_squeeze %dma_wait3A_342 : memref<1x128xi32, #tpu.memory_space<vmem>> -> memref<128xi32, #tpu.memory_space<vmem>>
        %dma_wait3A_344 = arith.constant 0 : i32
        %dma_wait3A_345 = arith.constant 0 : i32
        %dma_wait3A_346 = tpu.memref_slice %arg10[%dma_wait3A_344, %dma_wait3A_345] : memref<10112x32xf32, #tpu.memory_space<vmem_shared>> -> memref<10112x32xf32, #tpu.memory_space<vmem_shared>>
        tpu.wait_indirect_dma semaphore(%run_scoped3A_326 : memref<!tpu.dma_semaphore, #tpu.memory_space<semaphore_mem>>) src(%dma_wait3A_340 : memref<128x32xf32, #tpu.memory_space<vmem>>) dst(%dma_wait3A_346 : memref<10112x32xf32, #tpu.memory_space<vmem_shared>>)
        tpu.yield
      }) : () -> ()
      %add3A_263 = arith.constant 5 : i32
      %add3A_264 = arith.addi %add3A_114, %add3A_263 : i32
      %add3A_265 = arith.constant 8 : i32
      %add3A_266 = arith.addi %add3A_264, %add3A_265 : i32
      %lt3A_267 = arith.constant 80 : i32
      %lt3A_268 = arith.cmpi slt, %add3A_266, %lt3A_267 : i32
      %convert_element_type3A_269 = arith.extui %lt3A_268 : i1 to i32
      %cond3A_270 = arith.constant 0 : i32
      %cond3A_271 = arith.cmpi ne, %convert_element_type3A_269, %cond3A_270 : i32
      scf.if %cond3A_271 {
        %add3A_326 = arith.constant 5 : i32
        %add3A_327 = arith.addi %add3A_114, %add3A_326 : i32
        %add3A_328 = arith.constant 8 : i32
        %add3A_329 = arith.addi %add3A_327, %add3A_328 : i32
        %dma_start3A_330 = arith.constant 5 : i32
        %dma_start3A_331 = arith.constant 0 : i32
        %dma_start3A_332 = arith.constant 0 : i32
        %dma_start3A_333 = tpu.memref_slice %arg9[%dma_start3A_330, %dma_start3A_331, %dma_start3A_332] : memref<8x128x32xf32, #tpu.memory_space<vmem>> -> memref<1x128x32xf32, #tpu.memory_space<vmem>>
        %dma_start3A_334 = tpu.memref_squeeze %dma_start3A_333 : memref<1x128x32xf32, #tpu.memory_space<vmem>> -> memref<128x32xf32, #tpu.memory_space<vmem>>
        %dma_start3A_335 = arith.constant 0 : i32
        %dma_start3A_336 = tpu.memref_slice %arg7[%add3A_329, %dma_start3A_335] : memref<80x128xi32, #tpu.memory_space<vmem>> -> memref<1x128xi32, #tpu.memory_space<vmem>>
        %dma_start3A_337 = tpu.memref_squeeze %dma_start3A_336 : memref<1x128xi32, #tpu.memory_space<vmem>> -> memref<128xi32, #tpu.memory_space<vmem>>
        %dma_start3A_338 = arith.constant 0 : i32
        %dma_start3A_339 = arith.constant 0 : i32
        %dma_start3A_340 = tpu.memref_slice %arg2[%dma_start3A_338, %dma_start3A_339] : memref<10112x32xf32, #tpu.memory_space<hbm>> -> memref<10112x32xf32, #tpu.memory_space<hbm>>
        tpu.enqueue_indirect_dma source(%dma_start3A_340 : memref<10112x32xf32, #tpu.memory_space<hbm>>) target(%dma_start3A_334 : memref<128x32xf32, #tpu.memory_space<vmem>>) offsets(%dma_start3A_337 : memref<128xi32, #tpu.memory_space<vmem>>) semaphore(%arg11 : memref<!tpu.dma_semaphore, #tpu.memory_space<semaphore_mem>>)
      } else {
      }
      %dma_wait3A_272 = arith.constant 6 : i32
      %dma_wait3A_273 = arith.constant 0 : i32
      %dma_wait3A_274 = arith.constant 0 : i32
      %dma_wait3A_275 = tpu.memref_slice %arg9[%dma_wait3A_272, %dma_wait3A_273, %dma_wait3A_274] : memref<8x128x32xf32, #tpu.memory_space<vmem>> -> memref<1x128x32xf32, #tpu.memory_space<vmem>>
      %dma_wait3A_276 = tpu.memref_squeeze %dma_wait3A_275 : memref<1x128x32xf32, #tpu.memory_space<vmem>> -> memref<128x32xf32, #tpu.memory_space<vmem>>
      %dma_wait3A_277 = arith.constant 0 : i32
      %dma_wait3A_278 = arith.constant 0 : i32
      %dma_wait3A_279 = tpu.memref_slice %arg2[%dma_wait3A_277, %dma_wait3A_278] : memref<10112x32xf32, #tpu.memory_space<hbm>> -> memref<128x32xf32, #tpu.memory_space<hbm>>
      %dma_wait3A_280 = arith.constant 0 : i32
      %dma_wait3A_281 = arith.constant 0 : i32
      %dma_wait3A_282 = tpu.memref_slice %arg9[%dma_wait3A_272, %dma_wait3A_280, %dma_wait3A_281] : memref<8x128x32xf32, #tpu.memory_space<vmem>> -> memref<1x128x32xf32, #tpu.memory_space<vmem>>
      %dma_wait3A_283 = tpu.memref_squeeze %dma_wait3A_282 : memref<1x128x32xf32, #tpu.memory_space<vmem>> -> memref<128x32xf32, #tpu.memory_space<vmem>>
      %dma_wait3A_284 = arith.constant 0 : i32
      %dma_wait3A_285 = arith.constant 0 : i32
      %dma_wait3A_286 = tpu.memref_slice %arg2[%dma_wait3A_284, %dma_wait3A_285] : memref<10112x32xf32, #tpu.memory_space<hbm>> -> memref<128x32xf32, #tpu.memory_space<hbm>>
      tpu.wait_dma2 semaphore(%arg11 : memref<!tpu.dma_semaphore, #tpu.memory_space<semaphore_mem>>) src(%dma_wait3A_286 : memref<128x32xf32, #tpu.memory_space<hbm>>) dst(%dma_wait3A_283 : memref<128x32xf32, #tpu.memory_space<vmem>>)
      %add3A_287 = arith.constant 6 : i32
      %add3A_288 = arith.addi %add3A_114, %add3A_287 : i32
      %run_scoped3A_289 = arith.constant 6 : i32
      "tpu.region"() ({
        %run_scoped3A_326 = tpu.sem_alloc : memref<!tpu.dma_semaphore, #tpu.memory_space<semaphore_mem>>
        %dma_start3A_327 = arith.constant 0 : i32
        %dma_start3A_328 = arith.constant 0 : i32
        %dma_start3A_329 = tpu.memref_slice %arg9[%run_scoped3A_289, %dma_start3A_327, %dma_start3A_328] : memref<8x128x32xf32, #tpu.memory_space<vmem>> -> memref<1x128x32xf32, #tpu.memory_space<vmem>>
        %dma_start3A_330 = tpu.memref_squeeze %dma_start3A_329 : memref<1x128x32xf32, #tpu.memory_space<vmem>> -> memref<128x32xf32, #tpu.memory_space<vmem>>
        %dma_start3A_331 = arith.constant 0 : i32
        %dma_start3A_332 = tpu.memref_slice %arg8[%add3A_288, %dma_start3A_331] : memref<80x128xi32, #tpu.memory_space<vmem>> -> memref<1x128xi32, #tpu.memory_space<vmem>>
        %dma_start3A_333 = tpu.memref_squeeze %dma_start3A_332 : memref<1x128xi32, #tpu.memory_space<vmem>> -> memref<128xi32, #tpu.memory_space<vmem>>
        %dma_start3A_334 = arith.constant 0 : i32
        %dma_start3A_335 = arith.constant 0 : i32
        %dma_start3A_336 = tpu.memref_slice %arg10[%dma_start3A_334, %dma_start3A_335] : memref<10112x32xf32, #tpu.memory_space<vmem_shared>> -> memref<10112x32xf32, #tpu.memory_space<vmem_shared>>
        tpu.enqueue_indirect_dma source(%dma_start3A_330 : memref<128x32xf32, #tpu.memory_space<vmem>>) target(%dma_start3A_336 : memref<10112x32xf32, #tpu.memory_space<vmem_shared>>) offsets(%dma_start3A_333 : memref<128xi32, #tpu.memory_space<vmem>>) semaphore(%run_scoped3A_326 : memref<!tpu.dma_semaphore, #tpu.memory_space<semaphore_mem>>) {add = true}
        %dma_wait3A_337 = arith.constant 0 : i32
        %dma_wait3A_338 = arith.constant 0 : i32
        %dma_wait3A_339 = tpu.memref_slice %arg9[%run_scoped3A_289, %dma_wait3A_337, %dma_wait3A_338] : memref<8x128x32xf32, #tpu.memory_space<vmem>> -> memref<1x128x32xf32, #tpu.memory_space<vmem>>
        %dma_wait3A_340 = tpu.memref_squeeze %dma_wait3A_339 : memref<1x128x32xf32, #tpu.memory_space<vmem>> -> memref<128x32xf32, #tpu.memory_space<vmem>>
        %dma_wait3A_341 = arith.constant 0 : i32
        %dma_wait3A_342 = tpu.memref_slice %arg8[%add3A_288, %dma_wait3A_341] : memref<80x128xi32, #tpu.memory_space<vmem>> -> memref<1x128xi32, #tpu.memory_space<vmem>>
        %dma_wait3A_343 = tpu.memref_squeeze %dma_wait3A_342 : memref<1x128xi32, #tpu.memory_space<vmem>> -> memref<128xi32, #tpu.memory_space<vmem>>
        %dma_wait3A_344 = arith.constant 0 : i32
        %dma_wait3A_345 = arith.constant 0 : i32
        %dma_wait3A_346 = tpu.memref_slice %arg10[%dma_wait3A_344, %dma_wait3A_345] : memref<10112x32xf32, #tpu.memory_space<vmem_shared>> -> memref<10112x32xf32, #tpu.memory_space<vmem_shared>>
        tpu.wait_indirect_dma semaphore(%run_scoped3A_326 : memref<!tpu.dma_semaphore, #tpu.memory_space<semaphore_mem>>) src(%dma_wait3A_340 : memref<128x32xf32, #tpu.memory_space<vmem>>) dst(%dma_wait3A_346 : memref<10112x32xf32, #tpu.memory_space<vmem_shared>>)
        tpu.yield
      }) : () -> ()
      %add3A_290 = arith.constant 6 : i32
      %add3A_291 = arith.addi %add3A_114, %add3A_290 : i32
      %add3A_292 = arith.constant 8 : i32
      %add3A_293 = arith.addi %add3A_291, %add3A_292 : i32
      %lt3A_294 = arith.constant 80 : i32
      %lt3A_295 = arith.cmpi slt, %add3A_293, %lt3A_294 : i32
      %convert_element_type3A_296 = arith.extui %lt3A_295 : i1 to i32
      %cond3A_297 = arith.constant 0 : i32
      %cond3A_298 = arith.cmpi ne, %convert_element_type3A_296, %cond3A_297 : i32
      scf.if %cond3A_298 {
        %add3A_326 = arith.constant 6 : i32
        %add3A_327 = arith.addi %add3A_114, %add3A_326 : i32
        %add3A_328 = arith.constant 8 : i32
        %add3A_329 = arith.addi %add3A_327, %add3A_328 : i32
        %dma_start3A_330 = arith.constant 6 : i32
        %dma_start3A_331 = arith.constant 0 : i32
        %dma_start3A_332 = arith.constant 0 : i32
        %dma_start3A_333 = tpu.memref_slice %arg9[%dma_start3A_330, %dma_start3A_331, %dma_start3A_332] : memref<8x128x32xf32, #tpu.memory_space<vmem>> -> memref<1x128x32xf32, #tpu.memory_space<vmem>>
        %dma_start3A_334 = tpu.memref_squeeze %dma_start3A_333 : memref<1x128x32xf32, #tpu.memory_space<vmem>> -> memref<128x32xf32, #tpu.memory_space<vmem>>
        %dma_start3A_335 = arith.constant 0 : i32
        %dma_start3A_336 = tpu.memref_slice %arg7[%add3A_329, %dma_start3A_335] : memref<80x128xi32, #tpu.memory_space<vmem>> -> memref<1x128xi32, #tpu.memory_space<vmem>>
        %dma_start3A_337 = tpu.memref_squeeze %dma_start3A_336 : memref<1x128xi32, #tpu.memory_space<vmem>> -> memref<128xi32, #tpu.memory_space<vmem>>
        %dma_start3A_338 = arith.constant 0 : i32
        %dma_start3A_339 = arith.constant 0 : i32
        %dma_start3A_340 = tpu.memref_slice %arg2[%dma_start3A_338, %dma_start3A_339] : memref<10112x32xf32, #tpu.memory_space<hbm>> -> memref<10112x32xf32, #tpu.memory_space<hbm>>
        tpu.enqueue_indirect_dma source(%dma_start3A_340 : memref<10112x32xf32, #tpu.memory_space<hbm>>) target(%dma_start3A_334 : memref<128x32xf32, #tpu.memory_space<vmem>>) offsets(%dma_start3A_337 : memref<128xi32, #tpu.memory_space<vmem>>) semaphore(%arg11 : memref<!tpu.dma_semaphore, #tpu.memory_space<semaphore_mem>>)
      } else {
      }
      %dma_wait3A_299 = arith.constant 7 : i32
      %dma_wait3A_300 = arith.constant 0 : i32
      %dma_wait3A_301 = arith.constant 0 : i32
      %dma_wait3A_302 = tpu.memref_slice %arg9[%dma_wait3A_299, %dma_wait3A_300, %dma_wait3A_301] : memref<8x128x32xf32, #tpu.memory_space<vmem>> -> memref<1x128x32xf32, #tpu.memory_space<vmem>>
      %dma_wait3A_303 = tpu.memref_squeeze %dma_wait3A_302 : memref<1x128x32xf32, #tpu.memory_space<vmem>> -> memref<128x32xf32, #tpu.memory_space<vmem>>
      %dma_wait3A_304 = arith.constant 0 : i32
      %dma_wait3A_305 = arith.constant 0 : i32
      %dma_wait3A_306 = tpu.memref_slice %arg2[%dma_wait3A_304, %dma_wait3A_305] : memref<10112x32xf32, #tpu.memory_space<hbm>> -> memref<128x32xf32, #tpu.memory_space<hbm>>
      %dma_wait3A_307 = arith.constant 0 : i32
      %dma_wait3A_308 = arith.constant 0 : i32
      %dma_wait3A_309 = tpu.memref_slice %arg9[%dma_wait3A_299, %dma_wait3A_307, %dma_wait3A_308] : memref<8x128x32xf32, #tpu.memory_space<vmem>> -> memref<1x128x32xf32, #tpu.memory_space<vmem>>
      %dma_wait3A_310 = tpu.memref_squeeze %dma_wait3A_309 : memref<1x128x32xf32, #tpu.memory_space<vmem>> -> memref<128x32xf32, #tpu.memory_space<vmem>>
      %dma_wait3A_311 = arith.constant 0 : i32
      %dma_wait3A_312 = arith.constant 0 : i32
      %dma_wait3A_313 = tpu.memref_slice %arg2[%dma_wait3A_311, %dma_wait3A_312] : memref<10112x32xf32, #tpu.memory_space<hbm>> -> memref<128x32xf32, #tpu.memory_space<hbm>>
      tpu.wait_dma2 semaphore(%arg11 : memref<!tpu.dma_semaphore, #tpu.memory_space<semaphore_mem>>) src(%dma_wait3A_313 : memref<128x32xf32, #tpu.memory_space<hbm>>) dst(%dma_wait3A_310 : memref<128x32xf32, #tpu.memory_space<vmem>>)
      %add3A_314 = arith.constant 7 : i32
      %add3A_315 = arith.addi %add3A_114, %add3A_314 : i32
      %run_scoped3A_316 = arith.constant 7 : i32
      "tpu.region"() ({
        %run_scoped3A_326 = tpu.sem_alloc : memref<!tpu.dma_semaphore, #tpu.memory_space<semaphore_mem>>
        %dma_start3A_327 = arith.constant 0 : i32
        %dma_start3A_328 = arith.constant 0 : i32
        %dma_start3A_329 = tpu.memref_slice %arg9[%run_scoped3A_316, %dma_start3A_327, %dma_start3A_328] : memref<8x128x32xf32, #tpu.memory_space<vmem>> -> memref<1x128x32xf32, #tpu.memory_space<vmem>>
        %dma_start3A_330 = tpu.memref_squeeze %dma_start3A_329 : memref<1x128x32xf32, #tpu.memory_space<vmem>> -> memref<128x32xf32, #tpu.memory_space<vmem>>
        %dma_start3A_331 = arith.constant 0 : i32
        %dma_start3A_332 = tpu.memref_slice %arg8[%add3A_315, %dma_start3A_331] : memref<80x128xi32, #tpu.memory_space<vmem>> -> memref<1x128xi32, #tpu.memory_space<vmem>>
        %dma_start3A_333 = tpu.memref_squeeze %dma_start3A_332 : memref<1x128xi32, #tpu.memory_space<vmem>> -> memref<128xi32, #tpu.memory_space<vmem>>
        %dma_start3A_334 = arith.constant 0 : i32
        %dma_start3A_335 = arith.constant 0 : i32
        %dma_start3A_336 = tpu.memref_slice %arg10[%dma_start3A_334, %dma_start3A_335] : memref<10112x32xf32, #tpu.memory_space<vmem_shared>> -> memref<10112x32xf32, #tpu.memory_space<vmem_shared>>
        tpu.enqueue_indirect_dma source(%dma_start3A_330 : memref<128x32xf32, #tpu.memory_space<vmem>>) target(%dma_start3A_336 : memref<10112x32xf32, #tpu.memory_space<vmem_shared>>) offsets(%dma_start3A_333 : memref<128xi32, #tpu.memory_space<vmem>>) semaphore(%run_scoped3A_326 : memref<!tpu.dma_semaphore, #tpu.memory_space<semaphore_mem>>) {add = true}
        %dma_wait3A_337 = arith.constant 0 : i32
        %dma_wait3A_338 = arith.constant 0 : i32
        %dma_wait3A_339 = tpu.memref_slice %arg9[%run_scoped3A_316, %dma_wait3A_337, %dma_wait3A_338] : memref<8x128x32xf32, #tpu.memory_space<vmem>> -> memref<1x128x32xf32, #tpu.memory_space<vmem>>
        %dma_wait3A_340 = tpu.memref_squeeze %dma_wait3A_339 : memref<1x128x32xf32, #tpu.memory_space<vmem>> -> memref<128x32xf32, #tpu.memory_space<vmem>>
        %dma_wait3A_341 = arith.constant 0 : i32
        %dma_wait3A_342 = tpu.memref_slice %arg8[%add3A_315, %dma_wait3A_341] : memref<80x128xi32, #tpu.memory_space<vmem>> -> memref<1x128xi32, #tpu.memory_space<vmem>>
        %dma_wait3A_343 = tpu.memref_squeeze %dma_wait3A_342 : memref<1x128xi32, #tpu.memory_space<vmem>> -> memref<128xi32, #tpu.memory_space<vmem>>
        %dma_wait3A_344 = arith.constant 0 : i32
        %dma_wait3A_345 = arith.constant 0 : i32
        %dma_wait3A_346 = tpu.memref_slice %arg10[%dma_wait3A_344, %dma_wait3A_345] : memref<10112x32xf32, #tpu.memory_space<vmem_shared>> -> memref<10112x32xf32, #tpu.memory_space<vmem_shared>>
        tpu.wait_indirect_dma semaphore(%run_scoped3A_326 : memref<!tpu.dma_semaphore, #tpu.memory_space<semaphore_mem>>) src(%dma_wait3A_340 : memref<128x32xf32, #tpu.memory_space<vmem>>) dst(%dma_wait3A_346 : memref<10112x32xf32, #tpu.memory_space<vmem_shared>>)
        tpu.yield
      }) : () -> ()
      %add3A_317 = arith.constant 7 : i32
      %add3A_318 = arith.addi %add3A_114, %add3A_317 : i32
      %add3A_319 = arith.constant 8 : i32
      %add3A_320 = arith.addi %add3A_318, %add3A_319 : i32
      %lt3A_321 = arith.constant 80 : i32
      %lt3A_322 = arith.cmpi slt, %add3A_320, %lt3A_321 : i32
      %convert_element_type3A_323 = arith.extui %lt3A_322 : i1 to i32
      %cond3A_324 = arith.constant 0 : i32
      %cond3A_325 = arith.cmpi ne, %convert_element_type3A_323, %cond3A_324 : i32
      scf.if %cond3A_325 {
        %add3A_326 = arith.constant 7 : i32
        %add3A_327 = arith.addi %add3A_114, %add3A_326 : i32
        %add3A_328 = arith.constant 8 : i32
        %add3A_329 = arith.addi %add3A_327, %add3A_328 : i32
        %dma_start3A_330 = arith.constant 7 : i32
        %dma_start3A_331 = arith.constant 0 : i32
        %dma_start3A_332 = arith.constant 0 : i32
        %dma_start3A_333 = tpu.memref_slice %arg9[%dma_start3A_330, %dma_start3A_331, %dma_start3A_332] : memref<8x128x32xf32, #tpu.memory_space<vmem>> -> memref<1x128x32xf32, #tpu.memory_space<vmem>>
        %dma_start3A_334 = tpu.memref_squeeze %dma_start3A_333 : memref<1x128x32xf32, #tpu.memory_space<vmem>> -> memref<128x32xf32, #tpu.memory_space<vmem>>
        %dma_start3A_335 = arith.constant 0 : i32
        %dma_start3A_336 = tpu.memref_slice %arg7[%add3A_329, %dma_start3A_335] : memref<80x128xi32, #tpu.memory_space<vmem>> -> memref<1x128xi32, #tpu.memory_space<vmem>>
        %dma_start3A_337 = tpu.memref_squeeze %dma_start3A_336 : memref<1x128xi32, #tpu.memory_space<vmem>> -> memref<128xi32, #tpu.memory_space<vmem>>
        %dma_start3A_338 = arith.constant 0 : i32
        %dma_start3A_339 = arith.constant 0 : i32
        %dma_start3A_340 = tpu.memref_slice %arg2[%dma_start3A_338, %dma_start3A_339] : memref<10112x32xf32, #tpu.memory_space<hbm>> -> memref<10112x32xf32, #tpu.memory_space<hbm>>
        tpu.enqueue_indirect_dma source(%dma_start3A_340 : memref<10112x32xf32, #tpu.memory_space<hbm>>) target(%dma_start3A_334 : memref<128x32xf32, #tpu.memory_space<vmem>>) offsets(%dma_start3A_337 : memref<128xi32, #tpu.memory_space<vmem>>) semaphore(%arg11 : memref<!tpu.dma_semaphore, #tpu.memory_space<semaphore_mem>>)
      } else {
      }
    }
    %scan3A_105 = arith.constant 10 : i32
    %barrier3A_106 = arith.constant 0 : index
    tpu.barrier barrier_id(%barrier3A_106)
    %mul3A_107 = arith.constant 10112 : i32
    %mul3A_108 = arith.muli %arg0, %mul3A_107 : i32
    %add3A_109 = arith.addi %mul3A_108, %mul3A_2 : i32
    "tpu.region"() ({
      %run_scoped3A = tpu.sem_alloc : memref<!tpu.dma_semaphore, #tpu.memory_space<semaphore_mem>>
      %dma_start3A_110 = arith.constant 0 : i32
      %dma_start3A_111 = tpu.memref_slice %arg6[%add3A_109, %dma_start3A_110] : memref<20224x32xf32, #tpu.memory_space<hbm>> -> memref<632x32xf32, #tpu.memory_space<hbm>>
      %dma_start3A_112 = arith.constant 0 : i32
      %dma_start3A_113 = tpu.memref_slice %arg10[%mul3A_2, %dma_start3A_112] : memref<10112x32xf32, #tpu.memory_space<vmem_shared>> -> memref<632x32xf32, #tpu.memory_space<vmem_shared>>
      tpu.enqueue_dma source(%dma_start3A_113 : memref<632x32xf32, #tpu.memory_space<vmem_shared>>) target(%dma_start3A_111 : memref<632x32xf32, #tpu.memory_space<hbm>>) target_semaphore(%run_scoped3A : memref<!tpu.dma_semaphore, #tpu.memory_space<semaphore_mem>>)
      %dma_wait3A = arith.constant 0 : i32
      %dma_wait3A_114 = tpu.memref_slice %arg6[%add3A_109, %dma_wait3A] : memref<20224x32xf32, #tpu.memory_space<hbm>> -> memref<632x32xf32, #tpu.memory_space<hbm>>
      %dma_wait3A_115 = arith.constant 0 : i32
      %dma_wait3A_116 = tpu.memref_slice %arg10[%mul3A_2, %dma_wait3A_115] : memref<10112x32xf32, #tpu.memory_space<vmem_shared>> -> memref<632x32xf32, #tpu.memory_space<vmem_shared>>
      tpu.wait_dma2 semaphore(%run_scoped3A : memref<!tpu.dma_semaphore, #tpu.memory_space<semaphore_mem>>) src(%dma_wait3A_116 : memref<632x32xf32, #tpu.memory_space<vmem_shared>>) dst(%dma_wait3A_114 : memref<632x32xf32, #tpu.memory_space<hbm>>)
      tpu.yield
    }) : () -> ()
    return
  }
}

module attributes {stable_mosaic.version = 14 : i64} {
  func.func @_tc_proj(%arg0: memref<10000x128xf32, #tpu.memory_space<vmem>>, %arg1: memref<128x32xf32, #tpu.memory_space<vmem>>, %arg2: memref<128x32xf32, #tpu.memory_space<vmem>>, %arg3: memref<1x32xf32, #tpu.memory_space<vmem>>, %arg4: memref<10112x32xf32, #tpu.memory_space<vmem>>, %arg5: memref<10000x32xf32, #tpu.memory_space<vmem>>) attributes {dimension_semantics = [], scalar_prefetch = 0 : i64, scratch_operands = 0 : i64, tpu.core_type = #tpu.core_type<tc>} {
    %get3A = arith.constant 0 : index
    %get3A_0 = arith.constant 0 : index
    %get3A_1 = vector.load %arg0[%get3A, %get3A_0] : memref<10000x128xf32, #tpu.memory_space<vmem>>, vector<10000x128xf32>
    %get3A_2 = arith.constant 0 : index
    %get3A_3 = arith.constant 0 : index
    %get3A_4 = vector.load %arg1[%get3A_2, %get3A_3] : memref<128x32xf32, #tpu.memory_space<vmem>>, vector<128x32xf32>
    %dot_general3A = arith.constant dense<0.000000e+00> : vector<10000x32xf32>
    %dot_general3A_5 = tpu.matmul %get3A_1, %get3A_4, %dot_general3A {dimension_numbers = #tpu.dot_dimension_numbers<[1], [0], [0], [1], [0, 0, 1, 1], [], []>, transpose_lhs_hint = false} : vector<10000x128xf32>, vector<128x32xf32>, vector<10000x32xf32> -> vector<10000x32xf32>
    %swap3A = arith.constant 0 : index
    %swap3A_6 = arith.constant 0 : index
    %swap3A_7 = vector.load %arg4[%swap3A, %swap3A_6] : memref<10112x32xf32, #tpu.memory_space<vmem>>, vector<10000x32xf32>
    tpu.vector_store %arg4[%swap3A, %swap3A_6], %dot_general3A_5 {strides = array<i32>} : memref<10112x32xf32, #tpu.memory_space<vmem>>, vector<10000x32xf32>,
    %broadcast_in_dim3A = arith.constant 0.000000e+00 : f32
    %broadcast_in_dim3A_8 = vector.broadcast %broadcast_in_dim3A : f32 to vector<112x32xf32>
    %swap3A_9 = arith.constant 10000 : index
    %swap3A_10 = arith.constant 0 : index
    %swap3A_11 = vector.load %arg4[%swap3A_9, %swap3A_10] : memref<10112x32xf32, #tpu.memory_space<vmem>>, vector<112x32xf32>
    tpu.vector_store %arg4[%swap3A_9, %swap3A_10], %broadcast_in_dim3A_8 {strides = array<i32>} : memref<10112x32xf32, #tpu.memory_space<vmem>>, vector<112x32xf32>,
    %get3A_12 = arith.constant 0 : index
    %get3A_13 = arith.constant 0 : index
    %get3A_14 = vector.load %arg2[%get3A_12, %get3A_13] : memref<128x32xf32, #tpu.memory_space<vmem>>, vector<128x32xf32>
    %dot_general3A_15 = arith.constant dense<0.000000e+00> : vector<10000x32xf32>
    %dot_general3A_16 = tpu.matmul %get3A_1, %get3A_14, %dot_general3A_15 {dimension_numbers = #tpu.dot_dimension_numbers<[1], [0], [0], [1], [0, 0, 1, 1], [], []>, transpose_lhs_hint = false} : vector<10000x128xf32>, vector<128x32xf32>, vector<10000x32xf32> -> vector<10000x32xf32>
    %get3A_17 = arith.constant 0 : index
    %get3A_18 = arith.constant 0 : index
    %get3A_19 = vector.load %arg3[%get3A_17, %get3A_18] : memref<1x32xf32, #tpu.memory_space<vmem>>, vector<1x32xf32>
    %add3A = vector.broadcast %get3A_19 : vector<1x32xf32> to vector<10000x32xf32>
    %add3A_20 = arith.addf %dot_general3A_16, %add3A : vector<10000x32xf32>
    %swap3A_21 = arith.constant 0 : index
    %swap3A_22 = arith.constant 0 : index
    %swap3A_23 = vector.load %arg5[%swap3A_21, %swap3A_22] : memref<10000x32xf32, #tpu.memory_space<vmem>>, vector<10000x32xf32>
    tpu.vector_store %arg5[%swap3A_21, %swap3A_22], %add3A_20 {strides = array<i32>} : memref<10000x32xf32, #tpu.memory_space<vmem>>, vector<10000x32xf32>,
    return
  }
}

module attributes {stable_mosaic.version = 14 : i64} {
  func.func @_tc_first(%arg0: memref<20224x32xf32, #tpu.memory_space<vmem>>, %arg1: memref<20224x16xf32, #tpu.memory_space<vmem>>, %arg2: memref<10000x32xf32, #tpu.memory_space<vmem>>, %arg3: memref<32x32xf32, #tpu.memory_space<vmem>>, %arg4: memref<32x32xf32, #tpu.memory_space<vmem>>, %arg5: memref<1x32xf32, #tpu.memory_space<vmem>>, %arg6: memref<10000x32xf32, #tpu.memory_space<vmem>>, %arg7: memref<10112x32xf32, #tpu.memory_space<vmem>>, %arg8: memref<10000x32xf32, #tpu.memory_space<vmem>>, %arg9: memref<10000x1xf32, #tpu.memory_space<vmem>>) attributes {dimension_semantics = [], scalar_prefetch = 0 : i64, scratch_operands = 0 : i64, tpu.core_type = #tpu.core_type<tc>} {
    %get3A = arith.constant 0 : index
    %get3A_0 = arith.constant 0 : index
    %get3A_1 = vector.load %arg1[%get3A, %get3A_0] : memref<20224x16xf32, #tpu.memory_space<vmem>>, vector<10000x1xf32>
    %get3A_2 = arith.constant 10112 : index
    %get3A_3 = arith.constant 0 : index
    %get3A_4 = vector.load %arg1[%get3A_2, %get3A_3] : memref<20224x16xf32, #tpu.memory_space<vmem>>, vector<10000x1xf32>
    %add3A = arith.addf %get3A_1, %get3A_4 : vector<10000x1xf32>
    %max3A = arith.constant 1.000000e+00 : f32
    %max3A_5 = vector.broadcast %max3A : f32 to vector<10000x1xf32>
    %max3A_6 = arith.maximumf %add3A, %max3A_5 : vector<10000x1xf32>
    %div3A = arith.constant 1.000000e+00 : f32
    %div3A_7 = vector.broadcast %div3A : f32 to vector<10000x1xf32>
    %div3A_8 = arith.divf %div3A_7, %max3A_6 : vector<10000x1xf32>
    %swap3A = arith.constant 0 : index
    %swap3A_9 = arith.constant 0 : index
    %swap3A_10 = vector.load %arg9[%swap3A, %swap3A_9] : memref<10000x1xf32, #tpu.memory_space<vmem>>, vector<10000x1xf32>
    tpu.vector_store %arg9[%swap3A, %swap3A_9], %div3A_8 {strides = array<i32>} : memref<10000x1xf32, #tpu.memory_space<vmem>>, vector<10000x1xf32>,
    %get3A_11 = arith.constant 0 : index
    %get3A_12 = arith.constant 0 : index
    %get3A_13 = vector.load %arg0[%get3A_11, %get3A_12] : memref<20224x32xf32, #tpu.memory_space<vmem>>, vector<10000x32xf32>
    %get3A_14 = arith.constant 10112 : index
    %get3A_15 = arith.constant 0 : index
    %get3A_16 = vector.load %arg0[%get3A_14, %get3A_15] : memref<20224x32xf32, #tpu.memory_space<vmem>>, vector<10000x32xf32>
    %add3A_17 = arith.addf %get3A_13, %get3A_16 : vector<10000x32xf32>
    %mul3A = vector.broadcast %div3A_8 : vector<10000x1xf32> to vector<10000x32xf32>
    %mul3A_18 = arith.mulf %add3A_17, %mul3A : vector<10000x32xf32>
    %get3A_19 = arith.constant 0 : index
    %get3A_20 = arith.constant 0 : index
    %get3A_21 = vector.load %arg2[%get3A_19, %get3A_20] : memref<10000x32xf32, #tpu.memory_space<vmem>>, vector<10000x32xf32>
    %add3A_22 = arith.addf %mul3A_18, %get3A_21 : vector<10000x32xf32>
    %max3A_23 = arith.constant 0.000000e+00 : f32
    %max3A_24 = vector.broadcast %max3A_23 : f32 to vector<10000x32xf32>
    %max3A_25 = arith.maximumf %add3A_22, %max3A_24 : vector<10000x32xf32>
    %swap3A_26 = arith.constant 0 : index
    %swap3A_27 = arith.constant 0 : index
    %swap3A_28 = vector.load %arg6[%swap3A_26, %swap3A_27] : memref<10000x32xf32, #tpu.memory_space<vmem>>, vector<10000x32xf32>
    tpu.vector_store %arg6[%swap3A_26, %swap3A_27], %max3A_25 {strides = array<i32>} : memref<10000x32xf32, #tpu.memory_space<vmem>>, vector<10000x32xf32>,
    %get3A_29 = arith.constant 0 : index
    %get3A_30 = arith.constant 0 : index
    %get3A_31 = vector.load %arg3[%get3A_29, %get3A_30] : memref<32x32xf32, #tpu.memory_space<vmem>>, vector<32x32xf32>
    %dot_general3A = arith.constant dense<0.000000e+00> : vector<10000x32xf32>
    %dot_general3A_32 = tpu.matmul %max3A_25, %get3A_31, %dot_general3A {dimension_numbers = #tpu.dot_dimension_numbers<[1], [0], [0], [1], [0, 0, 1, 1], [], []>, transpose_lhs_hint = false} : vector<10000x32xf32>, vector<32x32xf32>, vector<10000x32xf32> -> vector<10000x32xf32>
    %swap3A_33 = arith.constant 0 : index
    %swap3A_34 = arith.constant 0 : index
    %swap3A_35 = vector.load %arg7[%swap3A_33, %swap3A_34] : memref<10112x32xf32, #tpu.memory_space<vmem>>, vector<10000x32xf32>
    tpu.vector_store %arg7[%swap3A_33, %swap3A_34], %dot_general3A_32 {strides = array<i32>} : memref<10112x32xf32, #tpu.memory_space<vmem>>, vector<10000x32xf32>,
    %broadcast_in_dim3A = arith.constant 0.000000e+00 : f32
    %broadcast_in_dim3A_36 = vector.broadcast %broadcast_in_dim3A : f32 to vector<112x32xf32>
    %swap3A_37 = arith.constant 10000 : index
    %swap3A_38 = arith.constant 0 : index
    %swap3A_39 = vector.load %arg7[%swap3A_37, %swap3A_38] : memref<10112x32xf32, #tpu.memory_space<vmem>>, vector<112x32xf32>
    tpu.vector_store %arg7[%swap3A_37, %swap3A_38], %broadcast_in_dim3A_36 {strides = array<i32>} : memref<10112x32xf32, #tpu.memory_space<vmem>>, vector<112x32xf32>,
    %get3A_40 = arith.constant 0 : index
    %get3A_41 = arith.constant 0 : index
    %get3A_42 = vector.load %arg4[%get3A_40, %get3A_41] : memref<32x32xf32, #tpu.memory_space<vmem>>, vector<32x32xf32>
    %dot_general3A_43 = arith.constant dense<0.000000e+00> : vector<10000x32xf32>
    %dot_general3A_44 = tpu.matmul %max3A_25, %get3A_42, %dot_general3A_43 {dimension_numbers = #tpu.dot_dimension_numbers<[1], [0], [0], [1], [0, 0, 1, 1], [], []>, transpose_lhs_hint = false} : vector<10000x32xf32>, vector<32x32xf32>, vector<10000x32xf32> -> vector<10000x32xf32>
    %get3A_45 = arith.constant 0 : index
    %get3A_46 = arith.constant 0 : index
    %get3A_47 = vector.load %arg5[%get3A_45, %get3A_46] : memref<1x32xf32, #tpu.memory_space<vmem>>, vector<1x32xf32>
    %add3A_48 = vector.broadcast %get3A_47 : vector<1x32xf32> to vector<10000x32xf32>
    %add3A_49 = arith.addf %dot_general3A_44, %add3A_48 : vector<10000x32xf32>
    %swap3A_50 = arith.constant 0 : index
    %swap3A_51 = arith.constant 0 : index
    %swap3A_52 = vector.load %arg8[%swap3A_50, %swap3A_51] : memref<10000x32xf32, #tpu.memory_space<vmem>>, vector<10000x32xf32>
    tpu.vector_store %arg8[%swap3A_50, %swap3A_51], %add3A_49 {strides = array<i32>} : memref<10000x32xf32, #tpu.memory_space<vmem>>, vector<10000x32xf32>,
    return
  }
}

module attributes {stable_mosaic.version = 14 : i64} {
  func.func @_tc_mid(%arg0: memref<20224x32xf32, #tpu.memory_space<vmem>>, %arg1: memref<10000x1xf32, #tpu.memory_space<vmem>>, %arg2: memref<10000x32xf32, #tpu.memory_space<vmem>>, %arg3: memref<10000x32xf32, #tpu.memory_space<vmem>>, %arg4: memref<32x32xf32, #tpu.memory_space<vmem>>, %arg5: memref<32x32xf32, #tpu.memory_space<vmem>>, %arg6: memref<1x32xf32, #tpu.memory_space<vmem>>, %arg7: memref<10000x32xf32, #tpu.memory_space<vmem>>, %arg8: memref<10112x32xf32, #tpu.memory_space<vmem>>, %arg9: memref<10000x32xf32, #tpu.memory_space<vmem>>) attributes {dimension_semantics = [], scalar_prefetch = 0 : i64, scratch_operands = 0 : i64, tpu.core_type = #tpu.core_type<tc>} {
    %get3A = arith.constant 0 : index
    %get3A_0 = arith.constant 0 : index
    %get3A_1 = vector.load %arg0[%get3A, %get3A_0] : memref<20224x32xf32, #tpu.memory_space<vmem>>, vector<10000x32xf32>
    %get3A_2 = arith.constant 10112 : index
    %get3A_3 = arith.constant 0 : index
    %get3A_4 = vector.load %arg0[%get3A_2, %get3A_3] : memref<20224x32xf32, #tpu.memory_space<vmem>>, vector<10000x32xf32>
    %add3A = arith.addf %get3A_1, %get3A_4 : vector<10000x32xf32>
    %get3A_5 = arith.constant 0 : index
    %get3A_6 = arith.constant 0 : index
    %get3A_7 = vector.load %arg1[%get3A_5, %get3A_6] : memref<10000x1xf32, #tpu.memory_space<vmem>>, vector<10000x1xf32>
    %mul3A = vector.broadcast %get3A_7 : vector<10000x1xf32> to vector<10000x32xf32>
    %mul3A_8 = arith.mulf %add3A, %mul3A : vector<10000x32xf32>
    %get3A_9 = arith.constant 0 : index
    %get3A_10 = arith.constant 0 : index
    %get3A_11 = vector.load %arg2[%get3A_9, %get3A_10] : memref<10000x32xf32, #tpu.memory_space<vmem>>, vector<10000x32xf32>
    %add3A_12 = arith.addf %mul3A_8, %get3A_11 : vector<10000x32xf32>
    %get3A_13 = arith.constant 0 : index
    %get3A_14 = arith.constant 0 : index
    %get3A_15 = vector.load %arg3[%get3A_13, %get3A_14] : memref<10000x32xf32, #tpu.memory_space<vmem>>, vector<10000x32xf32>
    %add3A_16 = arith.addf %add3A_12, %get3A_15 : vector<10000x32xf32>
    %max3A = arith.constant 0.000000e+00 : f32
    %max3A_17 = vector.broadcast %max3A : f32 to vector<10000x32xf32>
    %max3A_18 = arith.maximumf %add3A_16, %max3A_17 : vector<10000x32xf32>
    %swap3A = arith.constant 0 : index
    %swap3A_19 = arith.constant 0 : index
    %swap3A_20 = vector.load %arg7[%swap3A, %swap3A_19] : memref<10000x32xf32, #tpu.memory_space<vmem>>, vector<10000x32xf32>
    tpu.vector_store %arg7[%swap3A, %swap3A_19], %max3A_18 {strides = array<i32>} : memref<10000x32xf32, #tpu.memory_space<vmem>>, vector<10000x32xf32>,
    %get3A_21 = arith.constant 0 : index
    %get3A_22 = arith.constant 0 : index
    %get3A_23 = vector.load %arg4[%get3A_21, %get3A_22] : memref<32x32xf32, #tpu.memory_space<vmem>>, vector<32x32xf32>
    %dot_general3A = arith.constant dense<0.000000e+00> : vector<10000x32xf32>
    %dot_general3A_24 = tpu.matmul %max3A_18, %get3A_23, %dot_general3A {dimension_numbers = #tpu.dot_dimension_numbers<[1], [0], [0], [1], [0, 0, 1, 1], [], []>, transpose_lhs_hint = false} : vector<10000x32xf32>, vector<32x32xf32>, vector<10000x32xf32> -> vector<10000x32xf32>
    %swap3A_25 = arith.constant 0 : index
    %swap3A_26 = arith.constant 0 : index
    %swap3A_27 = vector.load %arg8[%swap3A_25, %swap3A_26] : memref<10112x32xf32, #tpu.memory_space<vmem>>, vector<10000x32xf32>
    tpu.vector_store %arg8[%swap3A_25, %swap3A_26], %dot_general3A_24 {strides = array<i32>} : memref<10112x32xf32, #tpu.memory_space<vmem>>, vector<10000x32xf32>,
    %broadcast_in_dim3A = arith.constant 0.000000e+00 : f32
    %broadcast_in_dim3A_28 = vector.broadcast %broadcast_in_dim3A : f32 to vector<112x32xf32>
    %swap3A_29 = arith.constant 10000 : index
    %swap3A_30 = arith.constant 0 : index
    %swap3A_31 = vector.load %arg8[%swap3A_29, %swap3A_30] : memref<10112x32xf32, #tpu.memory_space<vmem>>, vector<112x32xf32>
    tpu.vector_store %arg8[%swap3A_29, %swap3A_30], %broadcast_in_dim3A_28 {strides = array<i32>} : memref<10112x32xf32, #tpu.memory_space<vmem>>, vector<112x32xf32>,
    %get3A_32 = arith.constant 0 : index
    %get3A_33 = arith.constant 0 : index
    %get3A_34 = vector.load %arg5[%get3A_32, %get3A_33] : memref<32x32xf32, #tpu.memory_space<vmem>>, vector<32x32xf32>
    %dot_general3A_35 = arith.constant dense<0.000000e+00> : vector<10000x32xf32>
    %dot_general3A_36 = tpu.matmul %max3A_18, %get3A_34, %dot_general3A_35 {dimension_numbers = #tpu.dot_dimension_numbers<[1], [0], [0], [1], [0, 0, 1, 1], [], []>, transpose_lhs_hint = false} : vector<10000x32xf32>, vector<32x32xf32>, vector<10000x32xf32> -> vector<10000x32xf32>
    %get3A_37 = arith.constant 0 : index
    %get3A_38 = arith.constant 0 : index
    %get3A_39 = vector.load %arg6[%get3A_37, %get3A_38] : memref<1x32xf32, #tpu.memory_space<vmem>>, vector<1x32xf32>
    %add3A_40 = vector.broadcast %get3A_39 : vector<1x32xf32> to vector<10000x32xf32>
    %add3A_41 = arith.addf %dot_general3A_36, %add3A_40 : vector<10000x32xf32>
    %swap3A_42 = arith.constant 0 : index
    %swap3A_43 = arith.constant 0 : index
    %swap3A_44 = vector.load %arg9[%swap3A_42, %swap3A_43] : memref<10000x32xf32, #tpu.memory_space<vmem>>, vector<10000x32xf32>
    tpu.vector_store %arg9[%swap3A_42, %swap3A_43], %add3A_41 {strides = array<i32>} : memref<10000x32xf32, #tpu.memory_space<vmem>>, vector<10000x32xf32>,
    return
  }
}

module attributes {stable_mosaic.version = 14 : i64} {
  func.func @_tc_mid(%arg0: memref<20224x32xf32, #tpu.memory_space<vmem>>, %arg1: memref<10000x1xf32, #tpu.memory_space<vmem>>, %arg2: memref<10000x32xf32, #tpu.memory_space<vmem>>, %arg3: memref<10000x32xf32, #tpu.memory_space<vmem>>, %arg4: memref<32x32xf32, #tpu.memory_space<vmem>>, %arg5: memref<32x32xf32, #tpu.memory_space<vmem>>, %arg6: memref<1x32xf32, #tpu.memory_space<vmem>>, %arg7: memref<10000x32xf32, #tpu.memory_space<vmem>>, %arg8: memref<10112x32xf32, #tpu.memory_space<vmem>>, %arg9: memref<10000x32xf32, #tpu.memory_space<vmem>>) attributes {dimension_semantics = [], scalar_prefetch = 0 : i64, scratch_operands = 0 : i64, tpu.core_type = #tpu.core_type<tc>} {
    %get3A = arith.constant 0 : index
    %get3A_0 = arith.constant 0 : index
    %get3A_1 = vector.load %arg0[%get3A, %get3A_0] : memref<20224x32xf32, #tpu.memory_space<vmem>>, vector<10000x32xf32>
    %get3A_2 = arith.constant 10112 : index
    %get3A_3 = arith.constant 0 : index
    %get3A_4 = vector.load %arg0[%get3A_2, %get3A_3] : memref<20224x32xf32, #tpu.memory_space<vmem>>, vector<10000x32xf32>
    %add3A = arith.addf %get3A_1, %get3A_4 : vector<10000x32xf32>
    %get3A_5 = arith.constant 0 : index
    %get3A_6 = arith.constant 0 : index
    %get3A_7 = vector.load %arg1[%get3A_5, %get3A_6] : memref<10000x1xf32, #tpu.memory_space<vmem>>, vector<10000x1xf32>
    %mul3A = vector.broadcast %get3A_7 : vector<10000x1xf32> to vector<10000x32xf32>
    %mul3A_8 = arith.mulf %add3A, %mul3A : vector<10000x32xf32>
    %get3A_9 = arith.constant 0 : index
    %get3A_10 = arith.constant 0 : index
    %get3A_11 = vector.load %arg2[%get3A_9, %get3A_10] : memref<10000x32xf32, #tpu.memory_space<vmem>>, vector<10000x32xf32>
    %add3A_12 = arith.addf %mul3A_8, %get3A_11 : vector<10000x32xf32>
    %get3A_13 = arith.constant 0 : index
    %get3A_14 = arith.constant 0 : index
    %get3A_15 = vector.load %arg3[%get3A_13, %get3A_14] : memref<10000x32xf32, #tpu.memory_space<vmem>>, vector<10000x32xf32>
    %add3A_16 = arith.addf %add3A_12, %get3A_15 : vector<10000x32xf32>
    %max3A = arith.constant 0.000000e+00 : f32
    %max3A_17 = vector.broadcast %max3A : f32 to vector<10000x32xf32>
    %max3A_18 = arith.maximumf %add3A_16, %max3A_17 : vector<10000x32xf32>
    %swap3A = arith.constant 0 : index
    %swap3A_19 = arith.constant 0 : index
    %swap3A_20 = vector.load %arg7[%swap3A, %swap3A_19] : memref<10000x32xf32, #tpu.memory_space<vmem>>, vector<10000x32xf32>
    tpu.vector_store %arg7[%swap3A, %swap3A_19], %max3A_18 {strides = array<i32>} : memref<10000x32xf32, #tpu.memory_space<vmem>>, vector<10000x32xf32>,
    %get3A_21 = arith.constant 0 : index
    %get3A_22 = arith.constant 0 : index
    %get3A_23 = vector.load %arg4[%get3A_21, %get3A_22] : memref<32x32xf32, #tpu.memory_space<vmem>>, vector<32x32xf32>
    %dot_general3A = arith.constant dense<0.000000e+00> : vector<10000x32xf32>
    %dot_general3A_24 = tpu.matmul %max3A_18, %get3A_23, %dot_general3A {dimension_numbers = #tpu.dot_dimension_numbers<[1], [0], [0], [1], [0, 0, 1, 1], [], []>, transpose_lhs_hint = false} : vector<10000x32xf32>, vector<32x32xf32>, vector<10000x32xf32> -> vector<10000x32xf32>
    %swap3A_25 = arith.constant 0 : index
    %swap3A_26 = arith.constant 0 : index
    %swap3A_27 = vector.load %arg8[%swap3A_25, %swap3A_26] : memref<10112x32xf32, #tpu.memory_space<vmem>>, vector<10000x32xf32>
    tpu.vector_store %arg8[%swap3A_25, %swap3A_26], %dot_general3A_24 {strides = array<i32>} : memref<10112x32xf32, #tpu.memory_space<vmem>>, vector<10000x32xf32>,
    %broadcast_in_dim3A = arith.constant 0.000000e+00 : f32
    %broadcast_in_dim3A_28 = vector.broadcast %broadcast_in_dim3A : f32 to vector<112x32xf32>
    %swap3A_29 = arith.constant 10000 : index
    %swap3A_30 = arith.constant 0 : index
    %swap3A_31 = vector.load %arg8[%swap3A_29, %swap3A_30] : memref<10112x32xf32, #tpu.memory_space<vmem>>, vector<112x32xf32>
    tpu.vector_store %arg8[%swap3A_29, %swap3A_30], %broadcast_in_dim3A_28 {strides = array<i32>} : memref<10112x32xf32, #tpu.memory_space<vmem>>, vector<112x32xf32>,
    %get3A_32 = arith.constant 0 : index
    %get3A_33 = arith.constant 0 : index
    %get3A_34 = vector.load %arg5[%get3A_32, %get3A_33] : memref<32x32xf32, #tpu.memory_space<vmem>>, vector<32x32xf32>
    %dot_general3A_35 = arith.constant dense<0.000000e+00> : vector<10000x32xf32>
    %dot_general3A_36 = tpu.matmul %max3A_18, %get3A_34, %dot_general3A_35 {dimension_numbers = #tpu.dot_dimension_numbers<[1], [0], [0], [1], [0, 0, 1, 1], [], []>, transpose_lhs_hint = false} : vector<10000x32xf32>, vector<32x32xf32>, vector<10000x32xf32> -> vector<10000x32xf32>
    %get3A_37 = arith.constant 0 : index
    %get3A_38 = arith.constant 0 : index
    %get3A_39 = vector.load %arg6[%get3A_37, %get3A_38] : memref<1x32xf32, #tpu.memory_space<vmem>>, vector<1x32xf32>
    %add3A_40 = vector.broadcast %get3A_39 : vector<1x32xf32> to vector<10000x32xf32>
    %add3A_41 = arith.addf %dot_general3A_36, %add3A_40 : vector<10000x32xf32>
    %swap3A_42 = arith.constant 0 : index
    %swap3A_43 = arith.constant 0 : index
    %swap3A_44 = vector.load %arg9[%swap3A_42, %swap3A_43] : memref<10000x32xf32, #tpu.memory_space<vmem>>, vector<10000x32xf32>
    tpu.vector_store %arg9[%swap3A_42, %swap3A_43], %add3A_41 {strides = array<i32>} : memref<10000x32xf32, #tpu.memory_space<vmem>>, vector<10000x32xf32>,
    return
  }
}

module attributes {stable_mosaic.version = 14 : i64} {
  func.func @_tc_final(%arg0: memref<20224x32xf32, #tpu.memory_space<vmem>>, %arg1: memref<10000x1xf32, #tpu.memory_space<vmem>>, %arg2: memref<10000x32xf32, #tpu.memory_space<vmem>>, %arg3: memref<10000x32xf32, #tpu.memory_space<vmem>>) attributes {dimension_semantics = [], scalar_prefetch = 0 : i64, scratch_operands = 0 : i64, tpu.core_type = #tpu.core_type<tc>} {
    %get3A = arith.constant 0 : index
    %get3A_0 = arith.constant 0 : index
    %get3A_1 = vector.load %arg0[%get3A, %get3A_0] : memref<20224x32xf32, #tpu.memory_space<vmem>>, vector<10000x32xf32>
    %get3A_2 = arith.constant 10112 : index
    %get3A_3 = arith.constant 0 : index
    %get3A_4 = vector.load %arg0[%get3A_2, %get3A_3] : memref<20224x32xf32, #tpu.memory_space<vmem>>, vector<10000x32xf32>
    %add3A = arith.addf %get3A_1, %get3A_4 : vector<10000x32xf32>
    %get3A_5 = arith.constant 0 : index
    %get3A_6 = arith.constant 0 : index
    %get3A_7 = vector.load %arg1[%get3A_5, %get3A_6] : memref<10000x1xf32, #tpu.memory_space<vmem>>, vector<10000x1xf32>
    %mul3A = vector.broadcast %get3A_7 : vector<10000x1xf32> to vector<10000x32xf32>
    %mul3A_8 = arith.mulf %add3A, %mul3A : vector<10000x32xf32>
    %get3A_9 = arith.constant 0 : index
    %get3A_10 = arith.constant 0 : index
    %get3A_11 = vector.load %arg2[%get3A_9, %get3A_10] : memref<10000x32xf32, #tpu.memory_space<vmem>>, vector<10000x32xf32>
    %add3A_12 = arith.addf %mul3A_8, %get3A_11 : vector<10000x32xf32>
    %swap3A = arith.constant 0 : index
    %swap3A_13 = arith.constant 0 : index
    %swap3A_14 = vector.load %arg3[%swap3A, %swap3A_13] : memref<10000x32xf32, #tpu.memory_space<vmem>>, vector<10000x32xf32>
    tpu.vector_store %arg3[%swap3A, %swap3A_13], %add3A_12 {strides = array<i32>} : memref<10000x32xf32, #tpu.memory_space<vmem>>, vector<10000x32xf32>,
    return
  }
}

</mosaic_0001>

<sc_bundles>
// kernel: kernel.11.cloned.1.call-start
scs
__scs_entry_jumppad:
0x0: {  	(pc) =	sbr.rel $0x88, $3  }
0x1: {  	(tag) =	ssettag $0x0;
	lr =	simm.s32 $0x1  }
0x2: {  	[smem:$0x3F93] =	sst lr;
	_ =	strace $0xD0000000  }
0x3: {  	_ = 	snop  }
0x4: {  	_ = 	snop  }
0x5: {  	_ = 	snop  }
0x6: {  	_ = 	snop  }
0x7: {  	_ = 	snop  }
__scs_overlays_trampoline_lowered:
0x8: {  	[smem:$0x3FA2] =	sst s0  }
0x9: {  	[smem:$0x3FA3] =	sst s1  }
0xa: {  	[smem:$0x3FA4] =	sst s2  }
0xb: {  	[smem:$0x3FA5] =	sst s3  }
0xc: {  	[smem:$0x3FA6] =	sst s4  }
0xd: {  	[smem:$0x3FA7] =	sst s5  }
0xe: {  	[smem:$0x3FA8] =	sst s6  }
0xf: {  	[smem:$0x3FA9] =	sst s7  }
0x10: {  	[smem:$0x3FAA] =	sst s8  }
0x11: {  	[smem:$0x3FAB] =	sst s9;
	s0 =	simm.s32 @!p0 $0x0  }
0x12: {  	s1 =	sld [smem:$0x3F91];
	s0 =	simm.s32 @p0 $0x1  }
0x13: {  	[smem:$0x3FAC] =	sst s0;
	s0 =	simm.s32 @!p1 $0x0  }
0x14: {  	s2 =	sld [smem:$0x3F90];
	s0 =	simm.s32 @p1 $0x1  }
0x15: {  	[smem:$0x3FAD] =	sst s0;
	s0 =	simm.s32 @!p2 $0x0  }
0x16: {  	s3 =	sld [smem:$0x3FDB];
	s0 =	simm.s32 @p2 $0x1  }
0x17: {  	s4 =	simm.s32 $0x1BF5;
	[smem:$0x3FAF] =	sst s0  }
0x18: {  	s0 =	sld [smem:$0x3F92];
	_ =	swait.ge [sflag:s4], $0x0  }
0x19: {  	s7 =	sld [smem:$0x3F93]  }
0x1a: {  	s8 =	sadd.s32 $0xFFFFE003, lr  }
0x1b: {  	s9 =	sadd.s32 $0xFFFFFEF7, lr;
	s5 =	simm.s32 $0xFFFFFFFF;
	p2 =	slt.u32 s8, $0xFFFFF086  }
0x1c: {  	p1 =	slt.u32 s9, $0xF7A;
	s5 =	simm.s32 @!p2 $0x0  }
0x1d: {  	s5 =	simm.s32 @p1 $0x1;
	p0 =	seq.s32 s7, s2  }
0x1e: {  	s7 =	smul.u32 @!p0 $0xF7A, s2;
	p2 =	seq.s32 @!p0 s5, $0x0  }
0x1f: {  	s9 =	smul.u32 $0xF7A, s1;
	s8 =	simm.s32 @!p0 $0x1BF5;
	p2 =	por !p2, p0  }
0x20: {  	[sflag:s8] =	ssyncset.s32 @!p0 $0xFFFFF086;
	s6 =	sadd.s32 @!p0 s3, s7;
	s7 =	simm.s32 @!p0 $0x108  }
0x21: {  	s3 =	sadd.s32 s3, s9;
	s6 =	sadd.s32 @!p0 $0x88, s6;
	s7 =	simm.s32 @p2 $0x1082  }
0x22: {  	[simem:s7], [sflag:s8] =	dma.local @!p0 [hbm:s6], $0xF7A  }
0x23: {  	s9 =	sor.u32 $0xD0000000, s2;
	s6 =	simm.s32 $0x108;
	_ =	swait.ge @!p0 [sflag:s8], $0x0  }
0x24: {  	s3 =	sadd.s32 $0x88, s3;
	s6 =	simm.s32 @!p1 $0x1082;
	[sflag:s4] =	ssyncset.s32 $0xFFFFF086  }
0x25: {  	[simem:s6], [sflag:s4] =	dma.local [hbm:s3], $0xF7A  }
0x26: {  	[smem:$0x3F93] =	sst s1;
	(tag) =	ssettag s2;
	_ =	strace s9  }
0x27: {  	s1 =	sld [smem:$0x3FA3]  }
0x28: {  	s2 =	sld [smem:$0x3FA4]  }
0x29: {  	s4 =	sld [smem:$0x3FA6]  }
0x2a: {  	p0 =	seq.s32 s5, $0x0;
	s5 =	sld [smem:$0x3FA7]  }
0x2b: {  	s6 =	sld [smem:$0x3FA8]  }
0x2c: {  	s7 =	sld [smem:$0x3FA9]  }
0x2d: {  	s3 =	simm.s32 $0x108;
	s8 =	sld [smem:$0x3FAA]  }
0x2e: {  	s3 =	simm.s32 @!p0 $0x1082;
	s9 =	sld [smem:$0x3FAB]  }
0x2f: {  	lr =	sadd.s32 s0, s3;
	s0 =	sld [smem:$0x3FA2]  }
0x30: {  	s3 =	sld [smem:$0x3FA5]  }
0x31: {  	[smem:$0x3FAE] =	sst s10  }
0x32: {  	s10 =	sld [smem:$0x3FAC];
	_ =	sdelay $0x3  }
0x33: {  	p0 =	seq.s32 s10, $0x1;
	s10 =	sld [smem:$0x3FAE];
	_ =	sdelay $0x3  }
0x34: {  	[smem:$0x3FAE] =	sst s10  }
0x35: {  	s10 =	sld [smem:$0x3FAD];
	_ =	sdelay $0x3  }
0x36: {  	p1 =	seq.s32 s10, $0x1;
	s10 =	sld [smem:$0x3FAE];
	_ =	sdelay $0x3  }
0x37: {  	[smem:$0x3FAE] =	sst s10  }
0x38: {  	s10 =	sld [smem:$0x3FAF]  }
0x39: {  	_ = 	snop;
	(pc) =	sbr.ind lr, $3  }
0x3a: {  	_ = 	snop  }
0x3b: {  	_ = 	snop  }
0x3c: {  	p2 =	seq.s32 s10, $0x1;
	s10 =	sld [smem:$0x3FAE]  }
0x3d: {  	_ =	shalt  }
0x3e: {  	_ =	shalt  }
0x3f: {  	_ =	shalt  }
0x40: {  	_ =	shalt  }
0x41: {  	_ =	shalt  }
0x42: {  	_ =	shalt  }
0x43: {  	_ =	shalt  }
0x44: {  	_ =	shalt  }
0x45: {  	_ =	shalt  }
0x46: {  	_ =	shalt  }
0x47: {  	_ =	shalt  }
0x48: {  	_ =	shalt  }
0x49: {  	_ =	shalt  }
0x4a: {  	_ =	shalt  }
0x4b: {  	_ =	shalt  }
0x4c: {  	_ =	shalt  }
0x4d: {  	_ =	shalt  }
0x4e: {  	_ =	shalt  }
0x4f: {  	_ =	shalt  }
0x50: {  	_ =	shalt  }
0x51: {  	_ =	shalt  }
0x52: {  	_ =	shalt  }
0x53: {  	_ =	shalt  }
0x54: {  	_ =	shalt  }
0x55: {  	_ =	shalt  }
0x56: {  	_ =	shalt  }
0x57: {  	_ =	shalt  }
0x58: {  	_ =	shalt  }
0x59: {  	_ =	shalt  }
0x5a: {  	_ =	shalt  }
0x5b: {  	_ =	shalt  }
0x5c: {  	_ =	shalt  }
0x5d: {  	_ =	shalt  }
0x5e: {  	_ =	shalt  }
0x5f: {  	_ =	shalt  }
0x60: {  	_ =	shalt  }
0x61: {  	_ =	shalt  }
0x62: {  	_ =	shalt  }
0x63: {  	_ =	shalt  }
0x64: {  	_ =	shalt  }
0x65: {  	_ =	shalt  }
0x66: {  	_ =	shalt  }
0x67: {  	_ =	shalt  }
0x68: {  	_ =	shalt  }
0x69: {  	_ =	shalt  }
0x6a: {  	_ =	shalt  }
0x6b: {  	_ =	shalt  }
0x6c: {  	_ =	shalt  }
0x6d: {  	_ =	shalt  }
0x6e: {  	_ =	shalt  }
0x6f: {  	_ =	shalt  }
0x70: {  	_ =	shalt  }
0x71: {  	_ =	shalt  }
0x72: {  	_ =	shalt  }
0x73: {  	_ =	shalt  }
0x74: {  	_ =	shalt  }
0x75: {  	_ =	shalt  }
0x76: {  	_ =	shalt  }
0x77: {  	_ =	shalt  }
0x78: {  	_ =	shalt  }
0x79: {  	_ =	shalt  }
0x7a: {  	_ =	shalt  }
0x7b: {  	_ =	shalt  }
0x7c: {  	_ =	shalt  }
0x7d: {  	_ =	shalt  }
0x7e: {  	_ =	shalt  }
0x7f: {  	_ =	shalt  }
0x80: {  	_ =	shalt  }
0x81: {  	_ =	shalt  }
0x82: {  	_ =	shalt  }
0x83: {  	_ =	shalt  }
0x84: {  	_ =	shalt  }
0x85: {  	_ =	shalt  }
0x86: {  	_ =	shalt  }
0x87: {  	_ =	shalt  }
.Lfunc_end0:
.L_simem_size_0:
called_computation_lowered:
.L_overlay_start_0:
0x88: {  	s2 =	sld [smem:$0x3FD9]  }
0x89: {  	s3 =	sld [smem:$0x3FFE];
	_ =	sdelay $0x1  }
0x8a: {  	s1 =	srdreg.scid  }
0x8b: {  	s0 =	sand.u32 $0x1, s1  }
0x8c: {  	s17 =	sshll.u32 s0, $0xA;
	s2 =	sadd.s32 s3, s2  }
0x8d: {  	s2 =	sadd.s32 s2, s17  }
0x8e: {  	[smem:$0x3FBA] =	sst s2  }
0x8f: {  	_ = 	snop  }
0x90: {  	s2 =	sld [smem:$0x3FD0];
	(tm) =	ssettm $0x1  }
0x91: {  	s18 =	sld [smem:$0x3FFB];
	_ =	sdelay $0x3  }
0x92: {  	_ =	strace s18  }
0x93: {  	s3 =	sld [smem:$0x3FFC];
	_ =	sdelay $0x3  }
0x94: {  	_ =	strace s3  }
0x95: {  	s3 =	sld [smem:$0x3FFD];
	_ =	sdelay $0x3  }
0x96: {  	_ =	strace s3  }
0x97: {  	_ =	strace $0x8FFFFFFF  }
0x98: {  	s19 =	sld [smem:$0x3FDB];
	_ =	sdelay $0x1  }
0x99: {  	s4 =	simm.s32 $_scs_section_size  }
0x9a: {  	s5 =	simm.s32 $_size__tile_overlayer_lowered;
	s6 =	simm.s32 $_tile_overlayer_lowered  }
0x9b: {  	s22 =	simm.s32 $0x1BFF;
	s21 =	sshll.u32 s6, $0x1;
	s3 =	sadd.s32 s4, s19  }
0x9c: {  	s7 =	simm.s32 $0x0;
	s20 =	sshll.u32 s5, $0x1;
	s5 =	sadd.s32 s21, s3  }
0x9d: {  	[timem:s7], [sflag:s22] =	dma.local [hbm:s5], s20  }
0x9e: {  	_ =	swait.ge [sflag:s22], s20  }
0x9f: {  	s4 =	ssub.s32 $0x0, s20;
	[sflag:s22] =	ssyncset.done $0x0  }
0xa0: {  	[sflag:s22] =	ssyncadd.s32 s4;
	_ =	sdelay $0x1  }
0xa1: {  	s23 =	simm.s32 $0x1B8B  }
0xa2: {  	_ =	swait.ge [sflag:s23], $0x1  }
0xa3: {  	[sflag:s23] =	ssyncset.done $0x0  }
0xa4: {  	s25 =	simm.s32 $0x1B8E;
	s24 =	sld [smem:$0x3FFE];
	[sflag:s23] =	ssyncadd.s32 $0xFFFFFFFF  }
0xa5: {  	s26 =	simm.s32 $execute0_lowered;
	[smem:$0x3FD2] =	sst s25  }
0xa6: {  	s5 =	sshll.u32 s26, $0x1;
	_ =	strace $0x80000046;
	[dreg:$0x1] =	wrdreg $0xFFFFFFFF  }
0xa7: {  	s28 =	simm.s32 $_size_execute0_lowered;
	s3 =	sadd.s32 s3, s5;
	[dreg:$0x0] =	wrdreg $0x0  }
0xa8: {  	s5 =	sshll.u32 s28, $0x1;
	[dreg:$0x2] =	wrdreg s3  }
0xa9: {  	[dreg:$0x3] =	wrdreg s5  }
0xaa: {  	[dreg:$0x4] =	wrdreg $0xC0  }
0xab: {  	_ =	task [dreg:s7], $0x5FFFF  }
0xac: {  	[dreg:$0x1] =	wrdreg $0xFFFFFFFF  }
0xad: {  	[dreg:$0x0] =	wrdreg $0x60  }
0xae: {  	[dreg:$0x2] =	wrdreg s2  }
0xaf: {  	[dreg:$0x3] =	wrdreg s24  }
0xb0: {  	[dreg:$0x4] =	wrdreg $0xD0000  }
0xb1: {  	[dreg:$0x5] =	wrdreg $0x127000  }
0xb2: {  	[dreg:$0x6] =	wrdreg $0x9  }
0xb3: {  	_ =	task.clear_ibuf [dreg:s7], $0x7FFFF;
	_ =	strace $0x90000046  }
0xb4: {  	s29 =	simm.s32 $0x9;
	_ =	strace $0x80000048  }
0xb5: {  	_ =	swait.ge [sflag:s29], $0x1  }
0xb6: {  	[sflag:s29] =	ssyncadd.s32 $0xFFFFFFFF  }
0xb7: {  	_ =	strace $0x90000048  }
0xb8: {  	_ =	sfence  }
0xb9: {  	s30 =	sld [smem:$0x0];
	_ =	sdelay $0x2  }
0xba: {  	s31 =	sshll.u32 s1, $0xD;
	s1 =	sshrl.u32 s1, $0x2  }
0xbb: {  	s3 =	sand.u32 $0x4000, s31;
	s1 =	sadd.s32 s1, s30  }
0xbc: {  	s0 =	sor.u32 s3, s0;
	s1 =	sshll.u32 s1, $0x11  }
0xbd: {  	s0 =	sor.u32 s1, s0  }
0xbe: {  	s0 =	sadd.s32 $0x8F2B, s0  }
0xbf: {  	[sflag:s0] =	ssyncadd.remote.s32 $0x1  }
0xc0: {  	_ =	sfence.sel $0xFFFF  }
0xc1: {  	[dreg:$0x0] =	wrdreg $0xFFFFFFFF;
	(pc) =	sbr.abs _section_cstart, $3  }
0xc2: {  	[dreg:$0x1] =	wrdreg $0xFFFFFFFF  }
0xc3: {  	_ =	task.clear_ibuf [dreg:s7], $0x2FFFF;
	_ =	strace $0x9FFFFFFF  }
0xc4: {  	(tm) =	ssettm $0x7FFFFFFF  }
0xc5: {  	_ =	shalt  }
tec
execute0_lowered:
.L_overlay_start_1:
0x0: {  	(tag) =	ssettag $0x1  }
0x1: {  	s1 =	rddreg [dreg:$0x0]  }
0x2: {  	s0 =	srdreg.scid;
	s2 =	rddreg [dreg:$0x1]  }
0x3: {  	s12 =	stileid.u32;
	s3 =	rddreg [dreg:$0x2];
	s16 =	simm.s32 $0x0  }
0x4: {  	s14 =	simm.s32 $0x2;
	s29 =	simm.s32 $0x9000;
	s31 =	simm.s32 $0xA000  }
0x5: {  	s28 =	simm.s32 $0x0;
	s0 =	sand.u32 $0x1, s0;
	s4 =	sshll.u32 s12, $0x1  }
0x6: {  	s7 =	smul.u32 $0x278, s12;
	[smem:$0x7FF] =	sst s16;
	s17 =	sadd.s32 $0x17400, s2  }
0x7: {  	s18 =	sadd.s32 $0x17E00, s2;
	s5 =	sor.u32 s0, s4;
	s4 =	rddreg [dreg:$0x3]  }
0x8: {  	s9 =	smul.u32 $0x13C00, s12;
	_ =	strace $0x80000047;
	[dreg:$0x5] =	wrdreg s17  }
0x9: {  	s19 =	sadd.s32 $0x18400, s2;
	s11 =	smul.u32 $0x9E00, s12;
	[dreg:$0x6] =	wrdreg s18  }
0xa: {  	s30 =	sshll.u32 s12, $0x6;
	s8 =	smul.u32 $0x2780, s0;
	[dreg:$0x7] =	wrdreg s19  }
0xb: {  	s0 =	ssub.s32 $0x2, s0;
	s16 =	sor.u32 $0x1C02, s30;
	s19 =	simm.s32 $0x11F00  }
0xc: {  	s6 =	smul.u32 $0x500, s5;
	s10 =	sshrl.u32 s0, $0x1;
	s21 =	sshrl.u32 s9, $0x2  }
0xd: {  	s22 =	sshrl.u32 s11, $0x2;
	s7 =	sadd.s32 s7, s8;
	s0 =	ssub.s32 s0, s10  }
0xe: {  	s24 =	sadd.s32 s21, s3;
	s25 =	sadd.s32 s22, s4;
	s21 =	simm.s32 $0x5000  }
0xf: {  	s22 =	simm.s32 $0x6000;
	s6 =	sadd.s32 s6, s2;
	s8 =	sshll.u32 s7, $0x2  }
0x10: {  	s7 =	sshll.u32 s7, $0x1;
	s0 =	smax.u32 s0, $0x1;
	s17 =	sshrl.u32 s24, $0x3  }
0x11: {  	s18 =	sshrl.u32 s25, $0x3;
	s24 =	simm.s32 $0x7000;
	s25 =	simm.s32 $0x1  }
0x12: {  	s8 =	sadd.s32 s8, s2;
	s20 =	sadd.s32 $0xD400, s6;
	[dreg:$0xc] =	wrdreg s0  }
0x13: {  	s2 =	sadd.s32 s7, s2;
	s23 =	sadd.s32 $0x3400, s6;
	[dreg:$0x8] =	wrdreg s20  }
0x14: {  	s0 =	simm.s32 $0xB000;
	[dreg:$0x9] =	wrdreg s23;
	s26 =	sadd.s32 $0x22400, s8  }
0x15: {  	s2 =	sadd.s32 $0x18600, s2;
	s20 =	simm.s32 $0x80;
	[dreg:$0xa] =	wrdreg s26  }
0x16: {  	s23 =	simm.s32 $0xC000;
	[dreg:$0xb] =	wrdreg s2;
	s26 =	simm.s32 $0x8000  }
.LBB2_1:
0x17: {  	s2 =	simm.s32 $0x0;
	s5 =	rddreg [dreg:$0x8]  }
0x18: {  	[tilespmem:s2], [sflag:$0x2] =	stream.linear.gather [hbm4b:s5+s2], $0x2800, $0x38;
	[tilespmem:$0x14E80] =	vst v63  }
0x19: {  	_ =	swait.ge [sflag:s14], $0x2800  }
0x1a: {  	[sflag:s14] =	ssyncset.done $0x0  }
0x1b: {  	s6 =	simm.s32 $0x2800;
	s13 =	rddreg [dreg:$0x9];
	[sflag:s14] =	ssyncadd.s32 $0xFFFFD800  }
0x1c: {  	[tilespmem:s6], [sflag:$0x2] =	stream.linear.gather [hbm4b:s13+s2], $0x2800, $0x38;
	[tilespmem:$0x14E80] =	vst v63  }
0x1d: {  	_ =	swait.ge [sflag:s14], $0x2800  }
0x1e: {  	[sflag:s14] =	ssyncset.done $0x0  }
0x1f: {  	s15 =	rddreg [dreg:$0x5];
	[sflag:s14] =	ssyncadd.s32 $0xFFFFD800  }
0x20: {  	[spmem:s17], [sflag:s16] =	dma.local [hbm:s15], $0x9E0  }
0x21: {  	_ =	swait.ge [sflag:s14], $0x9E0  }
0x22: {  	[sflag:s14] =	ssyncset.done $0x0  }
0x23: {  	s6 =	rddreg [dreg:$0x6];
	[sflag:s14] =	ssyncadd.s32 $0xFFFFF620  }
0x24: {  	[spmem:s18], [sflag:s16] =	dma.local [hbm:s6], $0x4F0  }
0x25: {  	_ =	swait.ge [sflag:s14], $0x4F0  }
0x26: {  	[sflag:s14] =	ssyncset.done $0x0  }
0x27: {  	s7 =	rddreg [dreg:$0x7];
	[sflag:s14] =	ssyncadd.s32 $0xFFFFFB10  }
0x28: {  	[tilespmem:s19], [sflag:$0x2] =	stream.linear.gather [hbm4b:s7+s2], $0x800, $0x38;
	[tilespmem:$0x14E80] =	vst v63  }
0x29: {  	_ =	swait.ge [sflag:s14], $0x800  }
0x2a: {  	[sflag:s14] =	ssyncset.done $0x0  }
0x2b: {  	[sflag:s14] =	ssyncadd.s32 $0xFFFFF800  }
0x2c: {  	[bflag:$0x0] =	sbarrier.arrive $0xFFFF  }
0x2d: {  	[tilespmem:s21], [sflag:$0x1] =	stream.indirect.gather [hbm4b:s1+s20], $0x20, s2, s20, $0xb8;
	[tilespmem:$0x14E80] =	vst v63  }
0x2e: {  	_ = 	snop  }
0x2f: {  	[tilespmem:s22], [sflag:$0x1] =	stream.indirect.gather [hbm4b:s1+s20], $0x20, s20, s20, $0xb8;
	[tilespmem:$0x14E80] =	vst v63  }
0x30: {  	s8 =	simm.s32 $0x100  }
0x31: {  	[tilespmem:s24], [sflag:$0x1] =	stream.indirect.gather [hbm4b:s1+s20], $0x20, s8, s20, $0xb8;
	[tilespmem:$0x14E80] =	vst v63  }
0x32: {  	s9 =	simm.s32 $0x180  }
0x33: {  	[tilespmem:s26], [sflag:$0x1] =	stream.indirect.gather [hbm4b:s1+s20], $0x20, s9, s20, $0xb8;
	[tilespmem:$0x14E80] =	vst v63  }
0x34: {  	s10 =	simm.s32 $0x200  }
0x35: {  	[tilespmem:s29], [sflag:$0x1] =	stream.indirect.gather [hbm4b:s1+s20], $0x20, s10, s20, $0xb8;
	[tilespmem:$0x14E80] =	vst v63  }
0x36: {  	s11 =	simm.s32 $0x280  }
0x37: {  	[tilespmem:s31], [sflag:$0x1] =	stream.indirect.gather [hbm4b:s1+s20], $0x20, s11, s20, $0xb8;
	[tilespmem:$0x14E80] =	vst v63  }
0x38: {  	s12 =	simm.s32 $0x300  }
0x39: {  	[tilespmem:s0], [sflag:$0x1] =	stream.indirect.gather [hbm4b:s1+s20], $0x20, s12, s20, $0xb8;
	[tilespmem:$0x14E80] =	vst v63  }
0x3a: {  	s13 =	simm.s32 $0x380  }
0x3b: {  	[tilespmem:s23], [sflag:$0x1] =	stream.indirect.gather [hbm4b:s1+s20], $0x20, s13, s20, $0xb8;
	[tilespmem:$0x14E80] =	vst v63  }
0x3c: {  	_ =	swait.ge [sflag:s25], $0x1000  }
0x3d: {  	[sflag:s25] =	ssyncset.done $0x0  }
0x3e: {  	s15 =	simm.s32 $0x2800;
	[sflag:s25] =	ssyncadd.s32 $0xFFFFF000  }
0x3f: {  	[spmem:s3] =	stream.indirect.scatter.add.f32 [tilespmem:s21], [sflag:$0x2], $0x20, s15, s20, $0xb8;
	[tilespmem:$0x14E80] =	vst v63  }
0x40: {  	p0 =	por $0x0, $0x0;
	_ =	swait.ge [sflag:s14], $0x1000  }
0x41: {  	s7 =	simm.s32 @!p0 $0x5000;
	[sflag:s14] =	ssyncset.done $0x0  }
0x42: {  	s2 =	simm.s32 @!p0 $0x80;
	s8 =	simm.s32 @!p0 $0x400;
	[sflag:s14] =	ssyncadd.s32 $0xFFFFF000  }
0x43: {  	[tilespmem:s7], [sflag:$0x1] =	stream.indirect.gather @!p0 [hbm4b:s1+s2], $0x20, s8, s2, $0xb8;
	[tilespmem:$0x14E80] =	vst v63  }
0x44: {  	_ = 	snop  }
0x45: {  	[spmem:s4] =	stream.indirect.scatter.add.f32 [tilespmem:s19], [sflag:$0x2], $0x10, s15, s20, $0xb8;
	[tilespmem:$0x14E80] =	vst v63  }
0x46: {  	_ =	swait.ge [sflag:s14], $0x800  }
0x47: {  	[sflag:s14] =	ssyncset.done $0x0  }
0x48: {  	[sflag:s14] =	ssyncadd.s32 $0xFFFFF800  }
0x49: {  	_ =	swait.ge [sflag:s25], $0x1000  }
0x4a: {  	[sflag:s25] =	ssyncset.done $0x0  }
0x4b: {  	s5 =	simm.s32 $0x2880;
	[sflag:s25] =	ssyncadd.s32 $0xFFFFF000  }
0x4c: {  	[spmem:s3] =	stream.indirect.scatter.add.f32 [tilespmem:s22], [sflag:$0x2], $0x20, s5, s20, $0xb8;
	[tilespmem:$0x14E80] =	vst v63  }
0x4d: {  	_ =	swait.ge [sflag:s14], $0x1000  }
0x4e: {  	[sflag:s14] =	ssyncset.done $0x0  }
0x4f: {  	s7 =	simm.s32 @!p0 $0x480;
	s8 =	simm.s32 @!p0 $0x6000;
	[sflag:s14] =	ssyncadd.s32 $0xFFFFF000  }
0x50: {  	[tilespmem:s8], [sflag:$0x1] =	stream.indirect.gather @!p0 [hbm4b:s1+s2], $0x20, s7, s2, $0xb8;
	[tilespmem:$0x14E80] =	vst v63  }
0x51: {  	_ = 	snop  }
0x52: {  	[spmem:s4] =	stream.indirect.scatter.add.f32 [tilespmem:s19], [sflag:$0x2], $0x10, s5, s20, $0xb8;
	[tilespmem:$0x14E80] =	vst v63  }
0x53: {  	_ =	swait.ge [sflag:s14], $0x800  }
0x54: {  	[sflag:s14] =	ssyncset.done $0x0  }
0x55: {  	[sflag:s14] =	ssyncadd.s32 $0xFFFFF800  }
0x56: {  	_ =	swait.ge [sflag:s25], $0x1000  }
0x57: {  	[sflag:s25] =	ssyncset.done $0x0  }
0x58: {  	s9 =	simm.s32 $0x2900;
	[sflag:s25] =	ssyncadd.s32 $0xFFFFF000  }
0x59: {  	[spmem:s3] =	stream.indirect.scatter.add.f32 [tilespmem:s24], [sflag:$0x2], $0x20, s9, s20, $0xb8;
	[tilespmem:$0x14E80] =	vst v63  }
0x5a: {  	_ =	swait.ge [sflag:s14], $0x1000  }
0x5b: {  	[sflag:s14] =	ssyncset.done $0x0  }
0x5c: {  	s7 =	simm.s32 @!p0 $0x500;
	s8 =	simm.s32 @!p0 $0x7000;
	[sflag:s14] =	ssyncadd.s32 $0xFFFFF000  }
0x5d: {  	[tilespmem:s8], [sflag:$0x1] =	stream.indirect.gather @!p0 [hbm4b:s1+s2], $0x20, s7, s2, $0xb8;
	[tilespmem:$0x14E80] =	vst v63  }
0x5e: {  	_ = 	snop  }
0x5f: {  	[spmem:s4] =	stream.indirect.scatter.add.f32 [tilespmem:s19], [sflag:$0x2], $0x10, s9, s20, $0xb8;
	[tilespmem:$0x14E80] =	vst v63  }
0x60: {  	_ =	swait.ge [sflag:s14], $0x800  }
0x61: {  	[sflag:s14] =	ssyncset.done $0x0  }
0x62: {  	[sflag:s14] =	ssyncadd.s32 $0xFFFFF800  }
0x63: {  	_ =	swait.ge [sflag:s25], $0x1000  }
0x64: {  	[sflag:s25] =	ssyncset.done $0x0  }
0x65: {  	s10 =	simm.s32 $0x2980;
	[sflag:s25] =	ssyncadd.s32 $0xFFFFF000  }
0x66: {  	[spmem:s3] =	stream.indirect.scatter.add.f32 [tilespmem:s26], [sflag:$0x2], $0x20, s10, s20, $0xb8;
	[tilespmem:$0x14E80] =	vst v63  }
0x67: {  	_ =	swait.ge [sflag:s14], $0x1000  }
0x68: {  	[sflag:s14] =	ssyncset.done $0x0  }
0x69: {  	s7 =	simm.s32 @!p0 $0x580;
	s8 =	simm.s32 @!p0 $0x8000;
	[sflag:s14] =	ssyncadd.s32 $0xFFFFF000  }
0x6a: {  	[tilespmem:s8], [sflag:$0x1] =	stream.indirect.gather @!p0 [hbm4b:s1+s2], $0x20, s7, s2, $0xb8;
	[tilespmem:$0x14E80] =	vst v63  }
0x6b: {  	_ = 	snop  }
0x6c: {  	[spmem:s4] =	stream.indirect.scatter.add.f32 [tilespmem:s19], [sflag:$0x2], $0x10, s10, s20, $0xb8;
	[tilespmem:$0x14E80] =	vst v63  }
0x6d: {  	_ =	swait.ge [sflag:s14], $0x800  }
0x6e: {  	[sflag:s14] =	ssyncset.done $0x0  }
0x6f: {  	[sflag:s14] =	ssyncadd.s32 $0xFFFFF800  }
0x70: {  	_ =	swait.ge [sflag:s25], $0x1000  }
0x71: {  	[sflag:s25] =	ssyncset.done $0x0  }
0x72: {  	s11 =	simm.s32 $0x2A00;
	[sflag:s25] =	ssyncadd.s32 $0xFFFFF000  }
0x73: {  	[spmem:s3] =	stream.indirect.scatter.add.f32 [tilespmem:s29], [sflag:$0x2], $0x20, s11, s20, $0xb8;
	[tilespmem:$0x14E80] =	vst v63  }
0x74: {  	_ =	swait.ge [sflag:s14], $0x1000  }
0x75: {  	[sflag:s14] =	ssyncset.done $0x0  }
0x76: {  	s7 =	simm.s32 @!p0 $0x600;
	s8 =	simm.s32 @!p0 $0x9000;
	[sflag:s14] =	ssyncadd.s32 $0xFFFFF000  }
0x77: {  	[tilespmem:s8], [sflag:$0x1] =	stream.indirect.gather @!p0 [hbm4b:s1+s2], $0x20, s7, s2, $0xb8;
	[tilespmem:$0x14E80] =	vst v63  }
0x78: {  	_ = 	snop  }
0x79: {  	[spmem:s4] =	stream.indirect.scatter.add.f32 [tilespmem:s19], [sflag:$0x2], $0x10, s11, s20, $0xb8;
	[tilespmem:$0x14E80] =	vst v63  }
0x7a: {  	_ =	swait.ge [sflag:s14], $0x800  }
0x7b: {  	[sflag:s14] =	ssyncset.done $0x0  }
0x7c: {  	[sflag:s14] =	ssyncadd.s32 $0xFFFFF800  }
0x7d: {  	_ =	swait.ge [sflag:s25], $0x1000  }
0x7e: {  	[sflag:s25] =	ssyncset.done $0x0  }
0x7f: {  	s12 =	simm.s32 $0x2A80;
	[sflag:s25] =	ssyncadd.s32 $0xFFFFF000  }
0x80: {  	[spmem:s3] =	stream.indirect.scatter.add.f32 [tilespmem:s31], [sflag:$0x2], $0x20, s12, s20, $0xb8;
	[tilespmem:$0x14E80] =	vst v63  }
0x81: {  	_ =	swait.ge [sflag:s14], $0x1000  }
0x82: {  	[sflag:s14] =	ssyncset.done $0x0  }
0x83: {  	s7 =	simm.s32 @!p0 $0x680;
	s8 =	simm.s32 @!p0 $0xA000;
	[sflag:s14] =	ssyncadd.s32 $0xFFFFF000  }
0x84: {  	[tilespmem:s8], [sflag:$0x1] =	stream.indirect.gather @!p0 [hbm4b:s1+s2], $0x20, s7, s2, $0xb8;
	[tilespmem:$0x14E80] =	vst v63  }
0x85: {  	_ = 	snop  }
0x86: {  	[spmem:s4] =	stream.indirect.scatter.add.f32 [tilespmem:s19], [sflag:$0x2], $0x10, s12, s20, $0xb8;
	[tilespmem:$0x14E80] =	vst v63  }
0x87: {  	_ =	swait.ge [sflag:s14], $0x800  }
0x88: {  	[sflag:s14] =	ssyncset.done $0x0  }
0x89: {  	[sflag:s14] =	ssyncadd.s32 $0xFFFFF800  }
0x8a: {  	_ =	swait.ge [sflag:s25], $0x1000  }
0x8b: {  	[sflag:s25] =	ssyncset.done $0x0  }
0x8c: {  	s13 =	simm.s32 $0x2B00;
	[sflag:s25] =	ssyncadd.s32 $0xFFFFF000  }
0x8d: {  	[spmem:s3] =	stream.indirect.scatter.add.f32 [tilespmem:s0], [sflag:$0x2], $0x20, s13, s20, $0xb8;
	[tilespmem:$0x14E80] =	vst v63  }
0x8e: {  	_ =	swait.ge [sflag:s14], $0x1000  }
0x8f: {  	[sflag:s14] =	ssyncset.done $0x0  }
0x90: {  	s7 =	simm.s32 @!p0 $0x700;
	s8 =	simm.s32 @!p0 $0xB000;
	[sflag:s14] =	ssyncadd.s32 $0xFFFFF000  }
0x91: {  	[tilespmem:s8], [sflag:$0x1] =	stream.indirect.gather @!p0 [hbm4b:s1+s2], $0x20, s7, s2, $0xb8;
	[tilespmem:$0x14E80] =	vst v63  }
0x92: {  	_ = 	snop  }
0x93: {  	[spmem:s4] =	stream.indirect.scatter.add.f32 [tilespmem:s19], [sflag:$0x2], $0x10, s13, s20, $0xb8;
	[tilespmem:$0x14E80] =	vst v63  }
0x94: {  	_ =	swait.ge [sflag:s14], $0x800  }
0x95: {  	[sflag:s14] =	ssyncset.done $0x0  }
0x96: {  	[sflag:s14] =	ssyncadd.s32 $0xFFFFF800  }
0x97: {  	_ =	swait.ge [sflag:s25], $0x1000  }
0x98: {  	[sflag:s25] =	ssyncset.done $0x0  }
0x99: {  	s15 =	simm.s32 $0x2B80;
	[sflag:s25] =	ssyncadd.s32 $0xFFFFF000  }
0x9a: {  	[spmem:s3] =	stream.indirect.scatter.add.f32 [tilespmem:s23], [sflag:$0x2], $0x20, s15, s20, $0xb8;
	[tilespmem:$0x14E80] =	vst v63  }
0x9b: {  	_ =	swait.ge [sflag:s14], $0x1000  }
0x9c: {  	[sflag:s14] =	ssyncset.done $0x0  }
0x9d: {  	s7 =	simm.s32 @!p0 $0x780;
	s8 =	simm.s32 @!p0 $0xC000;
	[sflag:s14] =	ssyncadd.s32 $0xFFFFF000  }
0x9e: {  	[tilespmem:s8], [sflag:$0x1] =	stream.indirect.gather @!p0 [hbm4b:s1+s2], $0x20, s7, s2, $0xb8;
	[tilespmem:$0x14E80] =	vst v63  }
0x9f: {  	_ = 	snop  }
0xa0: {  	[spmem:s4] =	stream.indirect.scatter.add.f32 [tilespmem:s19], [sflag:$0x2], $0x10, s15, s20, $0xb8;
	[tilespmem:$0x14E80] =	vst v63  }
0xa1: {  	_ =	swait.ge [sflag:s14], $0x800  }
0xa2: {  	s30 =	simm.s32 $0x1000;
	[sflag:s14] =	ssyncset.done $0x0  }
.LBB2_2:
0xa3: {  	[sflag:s14] =	ssyncadd.s32 $0xFFFFF800;
	s6 =	smov.u32 s30;
	s30 =	sadd.s32 $0x1000, s30  }
0xa4: {  	p0 =	sne.s32 s30, $0xA000  }
0xa5: {  	_ =	swait.ge [sflag:s25], $0x1000  }
0xa6: {  	s2 =	sshra.s32 s6, $0x2;
	[sflag:s25] =	ssyncset.done $0x0  }
0xa7: {  	s7 =	sadd.s32 $0x2800, s2;
	[sflag:s25] =	ssyncadd.s32 $0xFFFFF000  }
0xa8: {  	[spmem:s3] =	stream.indirect.scatter.add.f32 [tilespmem:s21], [sflag:$0x2], $0x20, s7, s20, $0xb8;
	[tilespmem:$0x14E80] =	vst v63  }
0xa9: {  	p1 =	seq.s32 s6, $0x9000;
	_ =	swait.ge [sflag:s14], $0x1000  }
0xaa: {  	s6 =	sshra.s32 @!p1 s6, $0x2;
	s8 =	simm.s32 @!p1 $0x5000;
	[sflag:s14] =	ssyncset.done $0x0  }
0xab: {  	s15 =	simm.s32 @!p1 $0x80;
	s9 =	sadd.s32 @!p1 $0x400, s6;
	[sflag:s14] =	ssyncadd.s32 $0xFFFFF000  }
0xac: {  	[tilespmem:s8], [sflag:$0x1] =	stream.indirect.gather @!p1 [hbm4b:s1+s15], $0x20, s9, s15, $0xb8;
	[tilespmem:$0x14E80] =	vst v63  }
0xad: {  	s11 =	sadd.s32 @!p1 $0x480, s6;
	s12 =	sadd.s32 @!p1 $0x500, s6;
	s10 =	sadd.s32 @!p1 $0x580, s6  }
0xae: {  	[spmem:s4] =	stream.indirect.scatter.add.f32 [tilespmem:s19], [sflag:$0x2], $0x10, s7, s20, $0xb8;
	[tilespmem:$0x14E80] =	vst v63  }
0xaf: {  	s9 =	sadd.s32 @!p1 $0x600, s6;
	s8 =	sadd.s32 @!p1 $0x680, s6;
	_ =	swait.ge [sflag:s14], $0x800  }
0xb0: {  	s7 =	sadd.s32 @!p1 $0x700, s6;
	s6 =	sadd.s32 @!p1 $0x780, s6;
	[sflag:s14] =	ssyncset.done $0x0  }
0xb1: {  	[sflag:s14] =	ssyncadd.s32 $0xFFFFF800  }
0xb2: {  	_ =	swait.ge [sflag:s25], $0x1000  }
0xb3: {  	[sflag:s25] =	ssyncset.done $0x0  }
0xb4: {  	s13 =	sadd.s32 $0x2880, s2;
	[sflag:s25] =	ssyncadd.s32 $0xFFFFF000  }
0xb5: {  	[spmem:s3] =	stream.indirect.scatter.add.f32 [tilespmem:s22], [sflag:$0x2], $0x20, s13, s20, $0xb8;
	[tilespmem:$0x14E80] =	vst v63  }
0xb6: {  	_ =	swait.ge [sflag:s14], $0x1000  }
0xb7: {  	[sflag:s14] =	ssyncset.done $0x0  }
0xb8: {  	s5 =	simm.s32 @!p1 $0x6000;
	[sflag:s14] =	ssyncadd.s32 $0xFFFFF000  }
0xb9: {  	[tilespmem:s5], [sflag:$0x1] =	stream.indirect.gather @!p1 [hbm4b:s1+s15], $0x20, s11, s15, $0xb8;
	[tilespmem:$0x14E80] =	vst v63  }
0xba: {  	_ = 	snop  }
0xbb: {  	[spmem:s4] =	stream.indirect.scatter.add.f32 [tilespmem:s19], [sflag:$0x2], $0x10, s13, s20, $0xb8;
	[tilespmem:$0x14E80] =	vst v63  }
0xbc: {  	_ =	swait.ge [sflag:s14], $0x800  }
0xbd: {  	[sflag:s14] =	ssyncset.done $0x0  }
0xbe: {  	[sflag:s14] =	ssyncadd.s32 $0xFFFFF800  }
0xbf: {  	_ =	swait.ge [sflag:s25], $0x1000  }
0xc0: {  	[sflag:s25] =	ssyncset.done $0x0  }
0xc1: {  	s5 =	sadd.s32 $0x2900, s2;
	[sflag:s25] =	ssyncadd.s32 $0xFFFFF000  }
0xc2: {  	[spmem:s3] =	stream.indirect.scatter.add.f32 [tilespmem:s24], [sflag:$0x2], $0x20, s5, s20, $0xb8;
	[tilespmem:$0x14E80] =	vst v63  }
0xc3: {  	_ =	swait.ge [sflag:s14], $0x1000  }
0xc4: {  	[sflag:s14] =	ssyncset.done $0x0  }
0xc5: {  	s11 =	simm.s32 @!p1 $0x7000;
	[sflag:s14] =	ssyncadd.s32 $0xFFFFF000  }
0xc6: {  	[tilespmem:s11], [sflag:$0x1] =	stream.indirect.gather @!p1 [hbm4b:s1+s15], $0x20, s12, s15, $0xb8;
	[tilespmem:$0x14E80] =	vst v63  }
0xc7: {  	_ = 	snop  }
0xc8: {  	[spmem:s4] =	stream.indirect.scatter.add.f32 [tilespmem:s19], [sflag:$0x2], $0x10, s5, s20, $0xb8;
	[tilespmem:$0x14E80] =	vst v63  }
0xc9: {  	_ =	swait.ge [sflag:s14], $0x800  }
0xca: {  	[sflag:s14] =	ssyncset.done $0x0  }
0xcb: {  	[sflag:s14] =	ssyncadd.s32 $0xFFFFF800  }
0xcc: {  	_ =	swait.ge [sflag:s25], $0x1000  }
0xcd: {  	[sflag:s25] =	ssyncset.done $0x0  }
0xce: {  	s5 =	sadd.s32 $0x2980, s2;
	[sflag:s25] =	ssyncadd.s32 $0xFFFFF000  }
0xcf: {  	[spmem:s3] =	stream.indirect.scatter.add.f32 [tilespmem:s26], [sflag:$0x2], $0x20, s5, s20, $0xb8;
	[tilespmem:$0x14E80] =	vst v63  }
0xd0: {  	_ =	swait.ge [sflag:s14], $0x1000  }
0xd1: {  	[sflag:s14] =	ssyncset.done $0x0  }
0xd2: {  	s11 =	simm.s32 @!p1 $0x8000;
	[sflag:s14] =	ssyncadd.s32 $0xFFFFF000  }
0xd3: {  	[tilespmem:s11], [sflag:$0x1] =	stream.indirect.gather @!p1 [hbm4b:s1+s15], $0x20, s10, s15, $0xb8;
	[tilespmem:$0x14E80] =	vst v63  }
0xd4: {  	_ = 	snop  }
0xd5: {  	[spmem:s4] =	stream.indirect.scatter.add.f32 [tilespmem:s19], [sflag:$0x2], $0x10, s5, s20, $0xb8;
	[tilespmem:$0x14E80] =	vst v63  }
0xd6: {  	_ =	swait.ge [sflag:s14], $0x800  }
0xd7: {  	[sflag:s14] =	ssyncset.done $0x0  }
0xd8: {  	[sflag:s14] =	ssyncadd.s32 $0xFFFFF800  }
0xd9: {  	_ =	swait.ge [sflag:s25], $0x1000  }
0xda: {  	[sflag:s25] =	ssyncset.done $0x0  }
0xdb: {  	s5 =	sadd.s32 $0x2A00, s2;
	[sflag:s25] =	ssyncadd.s32 $0xFFFFF000  }
0xdc: {  	[spmem:s3] =	stream.indirect.scatter.add.f32 [tilespmem:s29], [sflag:$0x2], $0x20, s5, s20, $0xb8;
	[tilespmem:$0x14E80] =	vst v63  }
0xdd: {  	_ =	swait.ge [sflag:s14], $0x1000  }
0xde: {  	[sflag:s14] =	ssyncset.done $0x0  }
0xdf: {  	s10 =	simm.s32 @!p1 $0x9000;
	[sflag:s14] =	ssyncadd.s32 $0xFFFFF000  }
0xe0: {  	[tilespmem:s10], [sflag:$0x1] =	stream.indirect.gather @!p1 [hbm4b:s1+s15], $0x20, s9, s15, $0xb8;
	[tilespmem:$0x14E80] =	vst v63  }
0xe1: {  	_ = 	snop  }
0xe2: {  	[spmem:s4] =	stream.indirect.scatter.add.f32 [tilespmem:s19], [sflag:$0x2], $0x10, s5, s20, $0xb8;
	[tilespmem:$0x14E80] =	vst v63  }
0xe3: {  	_ =	swait.ge [sflag:s14], $0x800  }
0xe4: {  	[sflag:s14] =	ssyncset.done $0x0  }
0xe5: {  	[sflag:s14] =	ssyncadd.s32 $0xFFFFF800  }
0xe6: {  	_ =	swait.ge [sflag:s25], $0x1000  }
0xe7: {  	[sflag:s25] =	ssyncset.done $0x0  }
0xe8: {  	s5 =	sadd.s32 $0x2A80, s2;
	[sflag:s25] =	ssyncadd.s32 $0xFFFFF000  }
0xe9: {  	[spmem:s3] =	stream.indirect.scatter.add.f32 [tilespmem:s31], [sflag:$0x2], $0x20, s5, s20, $0xb8;
	[tilespmem:$0x14E80] =	vst v63  }
0xea: {  	_ =	swait.ge [sflag:s14], $0x1000  }
0xeb: {  	[sflag:s14] =	ssyncset.done $0x0  }
0xec: {  	s9 =	simm.s32 @!p1 $0xA000;
	[sflag:s14] =	ssyncadd.s32 $0xFFFFF000  }
0xed: {  	[tilespmem:s9], [sflag:$0x1] =	stream.indirect.gather @!p1 [hbm4b:s1+s15], $0x20, s8, s15, $0xb8;
	[tilespmem:$0x14E80] =	vst v63  }
0xee: {  	_ = 	snop  }
0xef: {  	[spmem:s4] =	stream.indirect.scatter.add.f32 [tilespmem:s19], [sflag:$0x2], $0x10, s5, s20, $0xb8;
	[tilespmem:$0x14E80] =	vst v63  }
0xf0: {  	_ =	swait.ge [sflag:s14], $0x800  }
0xf1: {  	[sflag:s14] =	ssyncset.done $0x0  }
0xf2: {  	[sflag:s14] =	ssyncadd.s32 $0xFFFFF800  }
0xf3: {  	_ =	swait.ge [sflag:s25], $0x1000  }
0xf4: {  	[sflag:s25] =	ssyncset.done $0x0  }
0xf5: {  	s5 =	sadd.s32 $0x2B00, s2;
	[sflag:s25] =	ssyncadd.s32 $0xFFFFF000  }
0xf6: {  	[spmem:s3] =	stream.indirect.scatter.add.f32 [tilespmem:s0], [sflag:$0x2], $0x20, s5, s20, $0xb8;
	[tilespmem:$0x14E80] =	vst v63  }
0xf7: {  	_ =	swait.ge [sflag:s14], $0x1000  }
0xf8: {  	[sflag:s14] =	ssyncset.done $0x0  }
0xf9: {  	s8 =	simm.s32 @!p1 $0xB000;
	[sflag:s14] =	ssyncadd.s32 $0xFFFFF000  }
0xfa: {  	[tilespmem:s8], [sflag:$0x1] =	stream.indirect.gather @!p1 [hbm4b:s1+s15], $0x20, s7, s15, $0xb8;
	[tilespmem:$0x14E80] =	vst v63  }
0xfb: {  	_ = 	snop  }
0xfc: {  	[spmem:s4] =	stream.indirect.scatter.add.f32 [tilespmem:s19], [sflag:$0x2], $0x10, s5, s20, $0xb8;
	[tilespmem:$0x14E80] =	vst v63  }
0xfd: {  	_ =	swait.ge [sflag:s14], $0x800  }
0xfe: {  	[sflag:s14] =	ssyncset.done $0x0  }
0xff: {  	[sflag:s14] =	ssyncadd.s32 $0xFFFFF800  }
0x100: {  	_ =	swait.ge [sflag:s25], $0x1000  }
0x101: {  	[sflag:s25] =	ssyncset.done $0x0  }
0x102: {  	s2 =	sadd.s32 $0x2B80, s2;
	[sflag:s25] =	ssyncadd.s32 $0xFFFFF000  }
0x103: {  	[spmem:s3] =	stream.indirect.scatter.add.f32 [tilespmem:s23], [sflag:$0x2], $0x20, s2, s20, $0xb8;
	[tilespmem:$0x14E80] =	vst v63  }
0x104: {  	_ =	swait.ge [sflag:s14], $0x1000  }
0x105: {  	[sflag:s14] =	ssyncset.done $0x0  }
0x106: {  	s5 =	simm.s32 @!p1 $0xC000;
	[sflag:s14] =	ssyncadd.s32 $0xFFFFF000  }
0x107: {  	[tilespmem:s5], [sflag:$0x1] =	stream.indirect.gather @!p1 [hbm4b:s1+s15], $0x20, s6, s15, $0xb8;
	[tilespmem:$0x14E80] =	vst v63  }
.Ltmp0:
0x108: {  	_ = 	snop;
	(pc) =	sbr.rel @p0 .LBB2_2-.Ltmp0, $4  }
0x109: {  	_ = 	snop  }
0x10a: {  	[spmem:s4] =	stream.indirect.scatter.add.f32 [tilespmem:s19], [sflag:$0x2], $0x10, s2, s20, $0xb8;
	[tilespmem:$0x14E80] =	vst v63  }
0x10b: {  	_ =	swait.ge [sflag:s14], $0x800  }
0x10c: {  	[sflag:s14] =	ssyncset.done $0x0  }
0x10d: {  	[sflag:s14] =	ssyncadd.s32 $0xFFFFF800  }
0x10e: {  	[bflag:$0x0] =	sbarrier.arrive $0xFFFF  }
0x10f: {  	s2 =	rddreg [dreg:$0xa]  }
0x110: {  	[hbm:s2], [sflag:s16] =	dma.local [spmem:s17], $0x9E0  }
0x111: {  	_ =	swait.ge [sflag:s14], $0x9E0  }
0x112: {  	[sflag:s14] =	ssyncset.done $0x0  }
0x113: {  	s15 =	rddreg [dreg:$0xb];
	[sflag:s14] =	ssyncadd.s32 $0xFFFFF620  }
0x114: {  	[hbm:s15], [sflag:s16] =	dma.local [spmem:s18], $0x4F0  }
0x115: {  	_ =	swait.ge [sflag:s14], $0x4F0  }
0x116: {  	s28 =	sadd.s32 $0x1, s28;
	s30 =	rddreg [dreg:$0xc]  }
0x117: {  	p0 =	sne.s32 s28, s30  }
.Ltmp1:
0x118: {  	_ = 	snop;
	(pc) =	sbr.rel @p0 .LBB2_1-.Ltmp1, $3  }
0x119: {  	_ =	sdelay $0x1  }
0x11a: {  	[sflag:s14] =	ssyncset.done $0x0  }
0x11b: {  	[sflag:s14] =	ssyncadd.s32 $0xFFFFFB10  }
0x11c: {  	_ =	sfence.sel $0x180000  }
0x11d: {  	[bflag:$0x0] =	sbarrier.arrive $0xFFFF  }
0x11e: {  	_ =	strace $0x90000047  }
0x11f: {  	s0 =	stileid.u32;
	[bflag:$0x2] =	sbarrier.arrive $0xFFFF  }
0x120: {  	p0 =	sne.s32 s0, $0x0;
	s0 =	rddreg [dreg:$0x4]  }
0x121: {  	s0 =	sadd.s32 @!p0 $0x100000, s0  }
0x122: {  	[sflag:s0] =	ssyncadd.tile.s32 @!p0 $0x1;
	_ =	shalt  }
.Lfunc_end2:
_tile_overlayer_lowered:
.L_overlay_start_2:
0x123: {  	(tag) =	ssettag $0x2  }
0x124: {  	s0 =	rddreg [dreg:$0x0];
	s2 =	stileid.u32  }
0x125: {  	s1 =	rddreg [dreg:$0x1];
	p0 =	sne.s32 s2, $0x0  }
0x126: {  	s3 =	rddreg [dreg:$0x2];
	[bflag:$0x3] =	sbarrier.arrive $0xFFFF;
	s2 =	simm.s32 @!p0 $0x1C02  }
0x127: {  	[timem:s3], [sflag:s2] =	dma.local @!p0 [hbm:s0], s1  }
0x128: {  	s0 =	simm.s32 @!p0 $0x2  }
0x129: {  	_ =	swait.ge @!p0 [sflag:s0], s1  }
0x12a: {  	s1 =	ssub.s32 @!p0 $0x0, s1;
	[sflag:s0] =	ssyncset.done @!p0 $0x0  }
0x12b: {  	[sflag:s0] =	ssyncadd.s32 @!p0 s1  }
0x12c: {  	[bflag:$0x3] =	sbarrier.arrive $0xFFFF  }
0x12d: {  	_ =	shalt  }

// kernel: kernel.14.cloned.1.call-start
scs
__scs_entry_jumppad:
0x0: {  	(pc) =	sbr.rel $0x88, $3  }
0x1: {  	(tag) =	ssettag $0x0;
	lr =	simm.s32 $0x1  }
0x2: {  	[smem:$0x3F93] =	sst lr;
	_ =	strace $0xD0000000  }
0x3: {  	_ = 	snop  }
0x4: {  	_ = 	snop  }
0x5: {  	_ = 	snop  }
0x6: {  	_ = 	snop  }
0x7: {  	_ = 	snop  }
__scs_overlays_trampoline_lowered:
0x8: {  	[smem:$0x3FA2] =	sst s0  }
0x9: {  	[smem:$0x3FA3] =	sst s1  }
0xa: {  	[smem:$0x3FA4] =	sst s2  }
0xb: {  	[smem:$0x3FA5] =	sst s3  }
0xc: {  	[smem:$0x3FA6] =	sst s4  }
0xd: {  	[smem:$0x3FA7] =	sst s5  }
0xe: {  	[smem:$0x3FA8] =	sst s6  }
0xf: {  	[smem:$0x3FA9] =	sst s7  }
0x10: {  	[smem:$0x3FAA] =	sst s8  }
0x11: {  	[smem:$0x3FAB] =	sst s9;
	s0 =	simm.s32 @!p0 $0x0  }
0x12: {  	s1 =	sld [smem:$0x3F91];
	s0 =	simm.s32 @p0 $0x1  }
0x13: {  	[smem:$0x3FAC] =	sst s0;
	s0 =	simm.s32 @!p1 $0x0  }
0x14: {  	s2 =	sld [smem:$0x3F90];
	s0 =	simm.s32 @p1 $0x1  }
0x15: {  	[smem:$0x3FAD] =	sst s0;
	s0 =	simm.s32 @!p2 $0x0  }
0x16: {  	s3 =	sld [smem:$0x3FDB];
	s0 =	simm.s32 @p2 $0x1  }
0x17: {  	s4 =	simm.s32 $0x1BF5;
	[smem:$0x3FAF] =	sst s0  }
0x18: {  	s0 =	sld [smem:$0x3F92];
	_ =	swait.ge [sflag:s4], $0x0  }
0x19: {  	s7 =	sld [smem:$0x3F93]  }
0x1a: {  	s8 =	sadd.s32 $0xFFFFE003, lr  }
0x1b: {  	s9 =	sadd.s32 $0xFFFFFEF7, lr;
	s5 =	simm.s32 $0xFFFFFFFF;
	p2 =	slt.u32 s8, $0xFFFFF086  }
0x1c: {  	p1 =	slt.u32 s9, $0xF7A;
	s5 =	simm.s32 @!p2 $0x0  }
0x1d: {  	s5 =	simm.s32 @p1 $0x1;
	p0 =	seq.s32 s7, s2  }
0x1e: {  	s7 =	smul.u32 @!p0 $0xF7A, s2;
	p2 =	seq.s32 @!p0 s5, $0x0  }
0x1f: {  	s9 =	smul.u32 $0xF7A, s1;
	s8 =	simm.s32 @!p0 $0x1BF5;
	p2 =	por !p2, p0  }
0x20: {  	[sflag:s8] =	ssyncset.s32 @!p0 $0xFFFFF086;
	s6 =	sadd.s32 @!p0 s3, s7;
	s7 =	simm.s32 @!p0 $0x108  }
0x21: {  	s3 =	sadd.s32 s3, s9;
	s6 =	sadd.s32 @!p0 $0x88, s6;
	s7 =	simm.s32 @p2 $0x1082  }
0x22: {  	[simem:s7], [sflag:s8] =	dma.local @!p0 [hbm:s6], $0xF7A  }
0x23: {  	s9 =	sor.u32 $0xD0000000, s2;
	s6 =	simm.s32 $0x108;
	_ =	swait.ge @!p0 [sflag:s8], $0x0  }
0x24: {  	s3 =	sadd.s32 $0x88, s3;
	s6 =	simm.s32 @!p1 $0x1082;
	[sflag:s4] =	ssyncset.s32 $0xFFFFF086  }
0x25: {  	[simem:s6], [sflag:s4] =	dma.local [hbm:s3], $0xF7A  }
0x26: {  	[smem:$0x3F93] =	sst s1;
	(tag) =	ssettag s2;
	_ =	strace s9  }
0x27: {  	s1 =	sld [smem:$0x3FA3]  }
0x28: {  	s2 =	sld [smem:$0x3FA4]  }
0x29: {  	s4 =	sld [smem:$0x3FA6]  }
0x2a: {  	p0 =	seq.s32 s5, $0x0;
	s5 =	sld [smem:$0x3FA7]  }
0x2b: {  	s6 =	sld [smem:$0x3FA8]  }
0x2c: {  	s7 =	sld [smem:$0x3FA9]  }
0x2d: {  	s3 =	simm.s32 $0x108;
	s8 =	sld [smem:$0x3FAA]  }
0x2e: {  	s3 =	simm.s32 @!p0 $0x1082;
	s9 =	sld [smem:$0x3FAB]  }
0x2f: {  	lr =	sadd.s32 s0, s3;
	s0 =	sld [smem:$0x3FA2]  }
0x30: {  	s3 =	sld [smem:$0x3FA5]  }
0x31: {  	[smem:$0x3FAE] =	sst s10  }
0x32: {  	s10 =	sld [smem:$0x3FAC];
	_ =	sdelay $0x3  }
0x33: {  	p0 =	seq.s32 s10, $0x1;
	s10 =	sld [smem:$0x3FAE];
	_ =	sdelay $0x3  }
0x34: {  	[smem:$0x3FAE] =	sst s10  }
0x35: {  	s10 =	sld [smem:$0x3FAD];
	_ =	sdelay $0x3  }
0x36: {  	p1 =	seq.s32 s10, $0x1;
	s10 =	sld [smem:$0x3FAE];
	_ =	sdelay $0x3  }
0x37: {  	[smem:$0x3FAE] =	sst s10  }
0x38: {  	s10 =	sld [smem:$0x3FAF]  }
0x39: {  	_ = 	snop;
	(pc) =	sbr.ind lr, $3  }
0x3a: {  	_ = 	snop  }
0x3b: {  	_ = 	snop  }
0x3c: {  	p2 =	seq.s32 s10, $0x1;
	s10 =	sld [smem:$0x3FAE]  }
0x3d: {  	_ =	shalt  }
0x3e: {  	_ =	shalt  }
0x3f: {  	_ =	shalt  }
0x40: {  	_ =	shalt  }
0x41: {  	_ =	shalt  }
0x42: {  	_ =	shalt  }
0x43: {  	_ =	shalt  }
0x44: {  	_ =	shalt  }
0x45: {  	_ =	shalt  }
0x46: {  	_ =	shalt  }
0x47: {  	_ =	shalt  }
0x48: {  	_ =	shalt  }
0x49: {  	_ =	shalt  }
0x4a: {  	_ =	shalt  }
0x4b: {  	_ =	shalt  }
0x4c: {  	_ =	shalt  }
0x4d: {  	_ =	shalt  }
0x4e: {  	_ =	shalt  }
0x4f: {  	_ =	shalt  }
0x50: {  	_ =	shalt  }
0x51: {  	_ =	shalt  }
0x52: {  	_ =	shalt  }
0x53: {  	_ =	shalt  }
0x54: {  	_ =	shalt  }
0x55: {  	_ =	shalt  }
0x56: {  	_ =	shalt  }
0x57: {  	_ =	shalt  }
0x58: {  	_ =	shalt  }
0x59: {  	_ =	shalt  }
0x5a: {  	_ =	shalt  }
0x5b: {  	_ =	shalt  }
0x5c: {  	_ =	shalt  }
0x5d: {  	_ =	shalt  }
0x5e: {  	_ =	shalt  }
0x5f: {  	_ =	shalt  }
0x60: {  	_ =	shalt  }
0x61: {  	_ =	shalt  }
0x62: {  	_ =	shalt  }
0x63: {  	_ =	shalt  }
0x64: {  	_ =	shalt  }
0x65: {  	_ =	shalt  }
0x66: {  	_ =	shalt  }
0x67: {  	_ =	shalt  }
0x68: {  	_ =	shalt  }
0x69: {  	_ =	shalt  }
0x6a: {  	_ =	shalt  }
0x6b: {  	_ =	shalt  }
0x6c: {  	_ =	shalt  }
0x6d: {  	_ =	shalt  }
0x6e: {  	_ =	shalt  }
0x6f: {  	_ =	shalt  }
0x70: {  	_ =	shalt  }
0x71: {  	_ =	shalt  }
0x72: {  	_ =	shalt  }
0x73: {  	_ =	shalt  }
0x74: {  	_ =	shalt  }
0x75: {  	_ =	shalt  }
0x76: {  	_ =	shalt  }
0x77: {  	_ =	shalt  }
0x78: {  	_ =	shalt  }
0x79: {  	_ =	shalt  }
0x7a: {  	_ =	shalt  }
0x7b: {  	_ =	shalt  }
0x7c: {  	_ =	shalt  }
0x7d: {  	_ =	shalt  }
0x7e: {  	_ =	shalt  }
0x7f: {  	_ =	shalt  }
0x80: {  	_ =	shalt  }
0x81: {  	_ =	shalt  }
0x82: {  	_ =	shalt  }
0x83: {  	_ =	shalt  }
0x84: {  	_ =	shalt  }
0x85: {  	_ =	shalt  }
0x86: {  	_ =	shalt  }
0x87: {  	_ =	shalt  }
.Lfunc_end0:
.L_simem_size_0:
called_computation.1_lowered:
.L_overlay_start_0:
0x88: {  	s2 =	sld [smem:$0x3FD9]  }
0x89: {  	s3 =	sld [smem:$0x3FFE];
	_ =	sdelay $0x1  }
0x8a: {  	s1 =	srdreg.scid  }
0x8b: {  	s0 =	sand.u32 $0x1, s1  }
0x8c: {  	s17 =	sshll.u32 s0, $0xA;
	s2 =	sadd.s32 s3, s2  }
0x8d: {  	s2 =	sadd.s32 s2, s17  }
0x8e: {  	[smem:$0x3FBA] =	sst s2  }
0x8f: {  	_ = 	snop  }
0x90: {  	s2 =	sld [smem:$0x3FD0];
	(tm) =	ssettm $0x1  }
0x91: {  	s18 =	sld [smem:$0x3FFB];
	_ =	sdelay $0x3  }
0x92: {  	_ =	strace s18  }
0x93: {  	s3 =	sld [smem:$0x3FFC];
	_ =	sdelay $0x3  }
0x94: {  	_ =	strace s3  }
0x95: {  	s3 =	sld [smem:$0x3FFD];
	_ =	sdelay $0x3  }
0x96: {  	_ =	strace s3  }
0x97: {  	_ =	strace $0x8FFFFFFF  }
0x98: {  	s19 =	sld [smem:$0x3FDB];
	_ =	sdelay $0x1  }
0x99: {  	s4 =	simm.s32 $_scs_section_size  }
0x9a: {  	s5 =	simm.s32 $_size__tile_overlayer_lowered;
	s6 =	simm.s32 $_tile_overlayer_lowered  }
0x9b: {  	s22 =	simm.s32 $0x1BFF;
	s21 =	sshll.u32 s6, $0x1;
	s3 =	sadd.s32 s4, s19  }
0x9c: {  	s7 =	simm.s32 $0x0;
	s20 =	sshll.u32 s5, $0x1;
	s5 =	sadd.s32 s21, s3  }
0x9d: {  	[timem:s7], [sflag:s22] =	dma.local [hbm:s5], s20  }
0x9e: {  	_ =	swait.ge [sflag:s22], s20  }
0x9f: {  	s4 =	ssub.s32 $0x0, s20;
	[sflag:s22] =	ssyncset.done $0x0  }
0xa0: {  	[sflag:s22] =	ssyncadd.s32 s4;
	_ =	sdelay $0x1  }
0xa1: {  	s23 =	simm.s32 $0x1B8B  }
0xa2: {  	_ =	swait.ge [sflag:s23], $0x1  }
0xa3: {  	[sflag:s23] =	ssyncset.done $0x0  }
0xa4: {  	s25 =	simm.s32 $0x1B8E;
	s24 =	sld [smem:$0x3FFE];
	[sflag:s23] =	ssyncadd.s32 $0xFFFFFFFF  }
0xa5: {  	s26 =	simm.s32 $execute0_lowered;
	[smem:$0x3FD2] =	sst s25  }
0xa6: {  	s5 =	sshll.u32 s26, $0x1;
	_ =	strace $0x80000049;
	[dreg:$0x1] =	wrdreg $0xFFFFFFFF  }
0xa7: {  	s28 =	simm.s32 $_size_execute0_lowered;
	s3 =	sadd.s32 s3, s5;
	[dreg:$0x0] =	wrdreg $0x0  }
0xa8: {  	s5 =	sshll.u32 s28, $0x1;
	[dreg:$0x2] =	wrdreg s3  }
0xa9: {  	[dreg:$0x3] =	wrdreg s5  }
0xaa: {  	[dreg:$0x4] =	wrdreg $0xC0  }
0xab: {  	_ =	task [dreg:s7], $0x5FFFF  }
0xac: {  	[dreg:$0x1] =	wrdreg $0xFFFFFFFF  }
0xad: {  	[dreg:$0x0] =	wrdreg $0x60  }
0xae: {  	[dreg:$0x2] =	wrdreg s2  }
0xaf: {  	[dreg:$0x3] =	wrdreg s24  }
0xb0: {  	[dreg:$0x4] =	wrdreg $0xD0000  }
0xb1: {  	[dreg:$0x5] =	wrdreg $0x9  }
0xb2: {  	_ =	task.clear_ibuf [dreg:s7], $0x6FFFF;
	_ =	strace $0x90000049  }
0xb3: {  	s29 =	simm.s32 $0x9;
	_ =	strace $0x8000004B  }
0xb4: {  	_ =	swait.ge [sflag:s29], $0x1  }
0xb5: {  	[sflag:s29] =	ssyncadd.s32 $0xFFFFFFFF  }
0xb6: {  	_ =	strace $0x9000004B  }
0xb7: {  	_ =	sfence  }
0xb8: {  	s30 =	sld [smem:$0x0];
	_ =	sdelay $0x2  }
0xb9: {  	s31 =	sshll.u32 s1, $0xD;
	s1 =	sshrl.u32 s1, $0x2  }
0xba: {  	s3 =	sand.u32 $0x4000, s31;
	s1 =	sadd.s32 s1, s30  }
0xbb: {  	s0 =	sor.u32 s3, s0;
	s1 =	sshll.u32 s1, $0x11  }
0xbc: {  	s0 =	sor.u32 s1, s0  }
0xbd: {  	s0 =	sadd.s32 $0x8F2B, s0  }
0xbe: {  	[sflag:s0] =	ssyncadd.remote.s32 $0x1  }
0xbf: {  	_ =	sfence.sel $0xFFFF  }
0xc0: {  	[dreg:$0x0] =	wrdreg $0xFFFFFFFF;
	(pc) =	sbr.abs _section_cstart, $3  }
0xc1: {  	[dreg:$0x1] =	wrdreg $0xFFFFFFFF  }
0xc2: {  	_ =	task.clear_ibuf [dreg:s7], $0x2FFFF;
	_ =	strace $0x9FFFFFFF  }
0xc3: {  	(tm) =	ssettm $0x7FFFFFFF  }
tec
execute0_lowered:
.L_overlay_start_1:
0x0: {  	(tag) =	ssettag $0x1  }
0x1: {  	s1 =	rddreg [dreg:$0x0]  }
0x2: {  	s0 =	srdreg.scid;
	s2 =	rddreg [dreg:$0x1]  }
0x3: {  	s10 =	stileid.u32;
	s3 =	rddreg [dreg:$0x2]  }
0x4: {  	s14 =	simm.s32 $0x80;
	s15 =	simm.s32 $0x5000;
	s18 =	simm.s32 $0x7000  }
0x5: {  	s22 =	simm.s32 $0x9000;
	s29 =	simm.s32 $0xC000;
	s30 =	simm.s32 $0x1  }
0x6: {  	s31 =	simm.s32 $0x0;
	s0 =	sand.u32 $0x1, s0;
	s6 =	smul.u32 $0x9E0, s10  }
0x7: {  	s4 =	sshll.u32 s10, $0x1;
	s9 =	smul.u32 $0x13C00, s10;
	s28 =	sshll.u32 s10, $0x6  }
0x8: {  	s10 =	simm.s32 $0x2;
	s5 =	sor.u32 s0, s4;
	s4 =	simm.s32 $0x0  }
0x9: {  	s7 =	smul.u32 $0x9E00, s0;
	s0 =	ssub.s32 $0x2, s0;
	s12 =	sor.u32 $0x1C02, s28  }
0xa: {  	s5 =	smul.u32 $0x500, s5;
	[smem:$0x7FF] =	sst s4;
	s26 =	sshrl.u32 s0, $0x1  }
.Ltmp0:
0xb: {  	s9 =	sshrl.u32 s9, $0x2;
	_ =	strace $0x8000004A;
	(pc) =	sbr.rel .LBB2_1-.Ltmp0, $4  }
0xc: {  	s6 =	sadd.s32 s6, s7;
	s0 =	ssub.s32 s0, s26;
	s11 =	sadd.s32 s9, s3  }
0xd: {  	s26 =	simm.s32 $0xB000;
	s8 =	sadd.s32 s5, s2;
	s5 =	sadd.s32 $0x17400, s2  }
0xe: {  	s2 =	sadd.s32 s6, s2;
	s9 =	smax.u32 s0, $0x1;
	s13 =	sshrl.u32 s11, $0x3  }
0xf: {  	s6 =	sadd.s32 $0xD400, s8;
	s7 =	sadd.s32 $0x3400, s8;
	s8 =	sadd.s32 $0x3F000, s2  }
.LBB2_4:
0x10: {  	_ =	swait.ge [sflag:s30], $0x1000  }
0x11: {  	[sflag:s30] =	ssyncset.done $0x0  }
0x12: {  	[sflag:s30] =	ssyncadd.s32 $0xFFFFF000  }
0x13: {  	[spmem:s3] =	stream.indirect.scatter.add.f32 [tilespmem:s29], [sflag:$0x2], $0x20, s11, s14, $0xb8;
	[tilespmem:$0x11F00] =	vst v63  }
0x14: {  	_ =	swait.ge [sflag:s10], $0x1000  }
0x15: {  	s31 =	sadd.s32 $0x1, s31;
	[sflag:s10] =	ssyncset.done $0x0  }
0x16: {  	p0 =	sne.s32 s31, s9;
	[sflag:s10] =	ssyncadd.s32 $0xFFFFF000  }
.Ltmp1:
0x17: {  	[bflag:$0x0] =	sbarrier.arrive $0xFFFF;
	(pc) =	sbr.rel @!p0 .LBB2_5-.Ltmp1, $4  }
0x18: {  	[hbm:s8], [sflag:s12] =	dma.local [spmem:s13], $0x9E0  }
0x19: {  	_ =	swait.ge [sflag:s10], $0x9E0  }
0x1a: {  	[sflag:s10] =	ssyncset.done $0x0  }
0x1b: {  	[sflag:s10] =	ssyncadd.s32 $0xFFFFF620  }
.LBB2_1:
0x1c: {  	[tilespmem:s4], [sflag:$0x2] =	stream.linear.gather [hbm4b:s6+s4], $0x2800, $0x38;
	[tilespmem:$0x11F00] =	vst v63  }
0x1d: {  	_ =	swait.ge [sflag:s10], $0x2800  }
0x1e: {  	[sflag:s10] =	ssyncset.done $0x0  }
0x1f: {  	s0 =	simm.s32 $0x2800;
	[sflag:s10] =	ssyncadd.s32 $0xFFFFD800  }
0x20: {  	[tilespmem:s0], [sflag:$0x2] =	stream.linear.gather [hbm4b:s7+s4], $0x2800, $0x38;
	[tilespmem:$0x11F00] =	vst v63  }
0x21: {  	_ =	swait.ge [sflag:s10], $0x2800  }
0x22: {  	[sflag:s10] =	ssyncset.done $0x0  }
0x23: {  	[sflag:s10] =	ssyncadd.s32 $0xFFFFD800  }
0x24: {  	[spmem:s13], [sflag:s12] =	dma.local [hbm:s5], $0x9E0  }
0x25: {  	_ =	swait.ge [sflag:s10], $0x9E0  }
0x26: {  	[sflag:s10] =	ssyncset.done $0x0  }
0x27: {  	[sflag:s10] =	ssyncadd.s32 $0xFFFFF620  }
0x28: {  	[bflag:$0x0] =	sbarrier.arrive $0xFFFF  }
0x29: {  	[tilespmem:s15], [sflag:$0x1] =	stream.indirect.gather [hbm4b:s1+s14], $0x20, s4, s14, $0xb8;
	[tilespmem:$0x11F00] =	vst v63  }
0x2a: {  	s17 =	simm.s32 $0x6000  }
0x2b: {  	[tilespmem:s17], [sflag:$0x1] =	stream.indirect.gather [hbm4b:s1+s14], $0x20, s14, s14, $0xb8;
	[tilespmem:$0x11F00] =	vst v63  }
0x2c: {  	s19 =	simm.s32 $0x100  }
0x2d: {  	[tilespmem:s18], [sflag:$0x1] =	stream.indirect.gather [hbm4b:s1+s14], $0x20, s19, s14, $0xb8;
	[tilespmem:$0x11F00] =	vst v63  }
0x2e: {  	s20 =	simm.s32 $0x180;
	s2 =	simm.s32 $0x8000  }
0x2f: {  	[tilespmem:s2], [sflag:$0x1] =	stream.indirect.gather [hbm4b:s1+s14], $0x20, s20, s14, $0xb8;
	[tilespmem:$0x11F00] =	vst v63  }
0x30: {  	s21 =	simm.s32 $0x200  }
0x31: {  	[tilespmem:s22], [sflag:$0x1] =	stream.indirect.gather [hbm4b:s1+s14], $0x20, s21, s14, $0xb8;
	[tilespmem:$0x11F00] =	vst v63  }
0x32: {  	s23 =	simm.s32 $0x280;
	s24 =	simm.s32 $0xA000  }
0x33: {  	[tilespmem:s24], [sflag:$0x1] =	stream.indirect.gather [hbm4b:s1+s14], $0x20, s23, s14, $0xb8;
	[tilespmem:$0x11F00] =	vst v63  }
0x34: {  	s25 =	simm.s32 $0x300  }
0x35: {  	[tilespmem:s26], [sflag:$0x1] =	stream.indirect.gather [hbm4b:s1+s14], $0x20, s25, s14, $0xb8;
	[tilespmem:$0x11F00] =	vst v63  }
0x36: {  	s28 =	simm.s32 $0x380;
	s2 =	simm.s32 $0x0  }
0x37: {  	[tilespmem:s29], [sflag:$0x1] =	stream.indirect.gather [hbm4b:s1+s14], $0x20, s28, s14, $0xb8;
	[tilespmem:$0x11F00] =	vst v63  }
.LBB2_2:
0x38: {  	_ =	swait.ge [sflag:s30], $0x1000  }
0x39: {  	s0 =	sshra.s32 s2, $0x2;
	[sflag:s30] =	ssyncset.done $0x0  }
0x3a: {  	s11 =	sadd.s32 $0x2800, s0;
	[sflag:s30] =	ssyncadd.s32 $0xFFFFF000  }
0x3b: {  	[spmem:s3] =	stream.indirect.scatter.add.f32 [tilespmem:s15], [sflag:$0x2], $0x20, s11, s14, $0xb8;
	[tilespmem:$0x11F00] =	vst v63  }
0x3c: {  	_ =	swait.ge [sflag:s10], $0x1000  }
0x3d: {  	p0 =	seq.s32 s2, $0x9000;
	[sflag:s10] =	ssyncset.done $0x0  }
0x3e: {  	s17 =	simm.s32 @p0 $0x1;
	[sflag:s10] =	ssyncadd.s32 $0xFFFFF000  }
0x3f: {  	s19 =	sshra.s32 @p0 s2, $0x2;
	_ =	swait.ge @p0 [sflag:s17], $0x1000  }
0x40: {  	s20 =	simm.s32 @p0 $0x80;
	s16 =	simm.s32 @p0 $0x6000;
	[sflag:s17] =	ssyncset.done @p0 $0x0  }
0x41: {  	s21 =	simm.s32 @p0 $0x2;
	s11 =	sadd.s32 @p0 $0x2880, s19;
	[sflag:s17] =	ssyncadd.s32 @p0 $0xFFFFF000  }
0x42: {  	[spmem:s3] =	stream.indirect.scatter.add.f32 @p0 [tilespmem:s16], [sflag:$0x2], $0x20, s11, s20, $0xb8;
	[tilespmem:$0x11F00] =	vst v63  }
0x43: {  	_ =	swait.ge @p0 [sflag:s21], $0x1000  }
0x44: {  	s24 =	simm.s32 @!p0 $0x5000;
	s11 =	sshra.s32 @!p0 s2, $0x2;
	[sflag:s21] =	ssyncset.done @p0 $0x0  }
0x45: {  	s16 =	simm.s32 @!p0 $0x80;
	s23 =	sadd.s32 @!p0 $0x400, s11;
	[sflag:s21] =	ssyncadd.s32 @p0 $0xFFFFF000  }
0x46: {  	[tilespmem:s24], [sflag:$0x1] =	stream.indirect.gather @!p0 [hbm4b:s1+s16], $0x20, s23, s16, $0xb8;
	[tilespmem:$0x11F00] =	vst v63  }
0x47: {  	s23 =	simm.s32 @!p0 $0x1  }
0x48: {  	_ =	swait.ge @!p0 [sflag:s23], $0x1000  }
0x49: {  	[sflag:s23] =	ssyncset.done @!p0 $0x0  }
0x4a: {  	s25 =	simm.s32 @!p0 $0x6000;
	s24 =	sadd.s32 @!p0 $0x2880, s11;
	[sflag:s23] =	ssyncadd.s32 @!p0 $0xFFFFF000  }
0x4b: {  	[spmem:s3] =	stream.indirect.scatter.add.f32 @!p0 [tilespmem:s25], [sflag:$0x2], $0x20, s24, s16, $0xb8;
	[tilespmem:$0x11F00] =	vst v63  }
0x4c: {  	s24 =	simm.s32 @!p0 $0x2  }
0x4d: {  	_ =	swait.ge @!p0 [sflag:s24], $0x1000  }
0x4e: {  	[sflag:s24] =	ssyncset.done @!p0 $0x0  }
0x4f: {  	s28 =	sadd.s32 @!p0 $0x480, s11;
	[sflag:s24] =	ssyncadd.s32 @!p0 $0xFFFFF000  }
0x50: {  	[tilespmem:s25], [sflag:$0x1] =	stream.indirect.gather @!p0 [hbm4b:s1+s16], $0x20, s28, s16, $0xb8;
	[tilespmem:$0x11F00] =	vst v63  }
0x51: {  	_ =	swait.ge [sflag:s30], $0x1000  }
0x52: {  	[sflag:s30] =	ssyncset.done $0x0  }
0x53: {  	s28 =	sadd.s32 $0x2900, s0;
	[sflag:s30] =	ssyncadd.s32 $0xFFFFF000  }
0x54: {  	[spmem:s3] =	stream.indirect.scatter.add.f32 [tilespmem:s18], [sflag:$0x2], $0x20, s28, s14, $0xb8;
	[tilespmem:$0x11F00] =	vst v63  }
0x55: {  	_ =	swait.ge [sflag:s10], $0x1000  }
0x56: {  	[sflag:s10] =	ssyncset.done $0x0  }
0x57: {  	[sflag:s10] =	ssyncadd.s32 $0xFFFFF000  }
0x58: {  	_ =	swait.ge @p0 [sflag:s17], $0x1000  }
0x59: {  	[sflag:s17] =	ssyncset.done @p0 $0x0  }
0x5a: {  	s25 =	sadd.s32 @p0 $0x2980, s19;
	s28 =	simm.s32 @p0 $0x8000;
	[sflag:s17] =	ssyncadd.s32 @p0 $0xFFFFF000  }
0x5b: {  	[spmem:s3] =	stream.indirect.scatter.add.f32 @p0 [tilespmem:s28], [sflag:$0x2], $0x20, s25, s20, $0xb8;
	[tilespmem:$0x11F00] =	vst v63  }
0x5c: {  	_ =	swait.ge @p0 [sflag:s21], $0x1000  }
0x5d: {  	[sflag:s21] =	ssyncset.done @p0 $0x0  }
0x5e: {  	s25 =	sadd.s32 @!p0 $0x500, s11;
	s28 =	simm.s32 @!p0 $0x7000;
	[sflag:s21] =	ssyncadd.s32 @p0 $0xFFFFF000  }
0x5f: {  	[tilespmem:s28], [sflag:$0x1] =	stream.indirect.gather @!p0 [hbm4b:s1+s16], $0x20, s25, s16, $0xb8;
	[tilespmem:$0x11F00] =	vst v63  }
0x60: {  	_ =	swait.ge @!p0 [sflag:s23], $0x1000  }
0x61: {  	[sflag:s23] =	ssyncset.done @!p0 $0x0  }
0x62: {  	s25 =	sadd.s32 @!p0 $0x2980, s11;
	s28 =	simm.s32 @!p0 $0x8000;
	[sflag:s23] =	ssyncadd.s32 @!p0 $0xFFFFF000  }
0x63: {  	[spmem:s3] =	stream.indirect.scatter.add.f32 @!p0 [tilespmem:s28], [sflag:$0x2], $0x20, s25, s16, $0xb8;
	[tilespmem:$0x11F00] =	vst v63  }
0x64: {  	_ =	swait.ge @!p0 [sflag:s24], $0x1000  }
0x65: {  	[sflag:s24] =	ssyncset.done @!p0 $0x0  }
0x66: {  	s25 =	sadd.s32 @!p0 $0x580, s11;
	[sflag:s24] =	ssyncadd.s32 @!p0 $0xFFFFF000  }
0x67: {  	[tilespmem:s28], [sflag:$0x1] =	stream.indirect.gather @!p0 [hbm4b:s1+s16], $0x20, s25, s16, $0xb8;
	[tilespmem:$0x11F00] =	vst v63  }
0x68: {  	_ =	swait.ge [sflag:s30], $0x1000  }
0x69: {  	[sflag:s30] =	ssyncset.done $0x0  }
0x6a: {  	s28 =	sadd.s32 $0x2A00, s0;
	[sflag:s30] =	ssyncadd.s32 $0xFFFFF000  }
0x6b: {  	[spmem:s3] =	stream.indirect.scatter.add.f32 [tilespmem:s22], [sflag:$0x2], $0x20, s28, s14, $0xb8;
	[tilespmem:$0x11F00] =	vst v63  }
0x6c: {  	_ =	swait.ge [sflag:s10], $0x1000  }
0x6d: {  	[sflag:s10] =	ssyncset.done $0x0  }
0x6e: {  	[sflag:s10] =	ssyncadd.s32 $0xFFFFF000  }
0x6f: {  	_ =	swait.ge @p0 [sflag:s17], $0x1000  }
0x70: {  	[sflag:s17] =	ssyncset.done @p0 $0x0  }
0x71: {  	[sflag:s17] =	ssyncadd.s32 @p0 $0xFFFFF000;
	s17 =	sadd.s32 @p0 $0x2A80, s19;
	s19 =	simm.s32 @p0 $0xA000  }
0x72: {  	[spmem:s3] =	stream.indirect.scatter.add.f32 @p0 [tilespmem:s19], [sflag:$0x2], $0x20, s17, s20, $0xb8;
	[tilespmem:$0x11F00] =	vst v63  }
0x73: {  	_ =	swait.ge @p0 [sflag:s21], $0x1000  }
0x74: {  	[sflag:s21] =	ssyncset.done @p0 $0x0  }
0x75: {  	s17 =	sadd.s32 @!p0 $0x600, s11;
	s19 =	simm.s32 @!p0 $0x9000;
	[sflag:s21] =	ssyncadd.s32 @p0 $0xFFFFF000  }
0x76: {  	[tilespmem:s19], [sflag:$0x1] =	stream.indirect.gather @!p0 [hbm4b:s1+s16], $0x20, s17, s16, $0xb8;
	[tilespmem:$0x11F00] =	vst v63  }
0x77: {  	_ =	swait.ge @!p0 [sflag:s23], $0x1000  }
0x78: {  	[sflag:s23] =	ssyncset.done @!p0 $0x0  }
0x79: {  	s17 =	sadd.s32 @!p0 $0x2A80, s11;
	s19 =	simm.s32 @!p0 $0xA000;
	[sflag:s23] =	ssyncadd.s32 @!p0 $0xFFFFF000  }
0x7a: {  	[spmem:s3] =	stream.indirect.scatter.add.f32 @!p0 [tilespmem:s19], [sflag:$0x2], $0x20, s17, s16, $0xb8;
	[tilespmem:$0x11F00] =	vst v63  }
0x7b: {  	_ =	swait.ge @!p0 [sflag:s24], $0x1000  }
0x7c: {  	[sflag:s24] =	ssyncset.done @!p0 $0x0  }
0x7d: {  	s11 =	sadd.s32 @!p0 $0x680, s11;
	[sflag:s24] =	ssyncadd.s32 @!p0 $0xFFFFF000  }
0x7e: {  	[tilespmem:s19], [sflag:$0x1] =	stream.indirect.gather @!p0 [hbm4b:s1+s16], $0x20, s11, s16, $0xb8;
	[tilespmem:$0x11F00] =	vst v63  }
0x7f: {  	_ =	swait.ge [sflag:s30], $0x1000  }
0x80: {  	[sflag:s30] =	ssyncset.done $0x0  }
.Ltmp2:
0x81: {  	s28 =	sadd.s32 $0x2B00, s0;
	[sflag:s30] =	ssyncadd.s32 $0xFFFFF000;
	(pc) =	sbr.rel @p0 .LBB2_4-.Ltmp2, $4  }
0x82: {  	[spmem:s3] =	stream.indirect.scatter.add.f32 [tilespmem:s26], [sflag:$0x2], $0x20, s28, s14, $0xb8;
	[tilespmem:$0x11F00] =	vst v63  }
0x83: {  	_ =	swait.ge [sflag:s10], $0x1000  }
0x84: {  	[sflag:s10] =	ssyncset.done $0x0  }
0x85: {  	s11 =	sadd.s32 $0x2B80, s0;
	[sflag:s10] =	ssyncadd.s32 $0xFFFFF000  }
0x86: {  	s16 =	sadd.s32 $0x700, s0  }
0x87: {  	[tilespmem:s26], [sflag:$0x1] =	stream.indirect.gather [hbm4b:s1+s14], $0x20, s16, s14, $0xb8;
	[tilespmem:$0x11F00] =	vst v63  }
0x88: {  	_ =	swait.ge [sflag:s30], $0x1000  }
0x89: {  	[sflag:s30] =	ssyncset.done $0x0  }
0x8a: {  	[sflag:s30] =	ssyncadd.s32 $0xFFFFF000  }
0x8b: {  	[spmem:s3] =	stream.indirect.scatter.add.f32 [tilespmem:s29], [sflag:$0x2], $0x20, s11, s14, $0xb8;
	[tilespmem:$0x11F00] =	vst v63  }
.Ltmp3:
0x8c: {  	_ = 	snop;
	(pc) =	sbr.rel .LBB2_2-.Ltmp3, $4  }
0x8d: {  	_ =	swait.ge [sflag:s10], $0x1000  }
0x8e: {  	[sflag:s10] =	ssyncset.done $0x0  }
0x8f: {  	s28 =	sadd.s32 $0x780, s0;
	s2 =	sadd.s32 $0x1000, s2;
	[sflag:s10] =	ssyncadd.s32 $0xFFFFF000  }
0x90: {  	[tilespmem:s29], [sflag:$0x1] =	stream.indirect.gather [hbm4b:s1+s14], $0x20, s28, s14, $0xb8;
	[tilespmem:$0x11F00] =	vst v63  }
.LBB2_5:
0x91: {  	_ =	sfence.sel $0x180000  }
0x92: {  	[bflag:$0x0] =	sbarrier.arrive $0xFFFF  }
0x93: {  	_ =	strace $0x9000004A  }
0x94: {  	s0 =	stileid.u32;
	[bflag:$0x2] =	sbarrier.arrive $0xFFFF  }
0x95: {  	p0 =	sne.s32 s0, $0x0;
	s0 =	rddreg [dreg:$0x3]  }
0x96: {  	s0 =	sadd.s32 @!p0 $0x100000, s0  }
0x97: {  	[sflag:s0] =	ssyncadd.tile.s32 @!p0 $0x1;
	_ =	shalt  }
.Lfunc_end2:
_tile_overlayer_lowered:
.L_overlay_start_2:
0x98: {  	(tag) =	ssettag $0x2  }
0x99: {  	s0 =	rddreg [dreg:$0x0];
	s2 =	stileid.u32  }
0x9a: {  	s1 =	rddreg [dreg:$0x1];
	p0 =	sne.s32 s2, $0x0  }
0x9b: {  	s3 =	rddreg [dreg:$0x2];
	[bflag:$0x3] =	sbarrier.arrive $0xFFFF;
	s2 =	simm.s32 @!p0 $0x1C02  }
0x9c: {  	[timem:s3], [sflag:s2] =	dma.local @!p0 [hbm:s0], s1  }
0x9d: {  	s0 =	simm.s32 @!p0 $0x2  }
0x9e: {  	_ =	swait.ge @!p0 [sflag:s0], s1  }
0x9f: {  	s1 =	ssub.s32 @!p0 $0x0, s1;
	[sflag:s0] =	ssyncset.done @!p0 $0x0  }
0xa0: {  	[sflag:s0] =	ssyncadd.s32 @!p0 s1  }
0xa1: {  	[bflag:$0x3] =	sbarrier.arrive $0xFFFF  }
0xa2: {  	_ =	shalt  }

// kernel: kernel.17.cloned.1.call-start
scs
__scs_entry_jumppad:
0x0: {  	(pc) =	sbr.rel $0x88, $3  }
0x1: {  	(tag) =	ssettag $0x0;
	lr =	simm.s32 $0x1  }
0x2: {  	[smem:$0x3F93] =	sst lr;
	_ =	strace $0xD0000000  }
0x3: {  	_ = 	snop  }
0x4: {  	_ = 	snop  }
0x5: {  	_ = 	snop  }
0x6: {  	_ = 	snop  }
0x7: {  	_ = 	snop  }
__scs_overlays_trampoline_lowered:
0x8: {  	[smem:$0x3FA2] =	sst s0  }
0x9: {  	[smem:$0x3FA3] =	sst s1  }
0xa: {  	[smem:$0x3FA4] =	sst s2  }
0xb: {  	[smem:$0x3FA5] =	sst s3  }
0xc: {  	[smem:$0x3FA6] =	sst s4  }
0xd: {  	[smem:$0x3FA7] =	sst s5  }
0xe: {  	[smem:$0x3FA8] =	sst s6  }
0xf: {  	[smem:$0x3FA9] =	sst s7  }
0x10: {  	[smem:$0x3FAA] =	sst s8  }
0x11: {  	[smem:$0x3FAB] =	sst s9;
	s0 =	simm.s32 @!p0 $0x0  }
0x12: {  	s1 =	sld [smem:$0x3F91];
	s0 =	simm.s32 @p0 $0x1  }
0x13: {  	[smem:$0x3FAC] =	sst s0;
	s0 =	simm.s32 @!p1 $0x0  }
0x14: {  	s2 =	sld [smem:$0x3F90];
	s0 =	simm.s32 @p1 $0x1  }
0x15: {  	[smem:$0x3FAD] =	sst s0;
	s0 =	simm.s32 @!p2 $0x0  }
0x16: {  	s3 =	sld [smem:$0x3FDB];
	s0 =	simm.s32 @p2 $0x1  }
0x17: {  	s4 =	simm.s32 $0x1BF5;
	[smem:$0x3FAF] =	sst s0  }
0x18: {  	s0 =	sld [smem:$0x3F92];
	_ =	swait.ge [sflag:s4], $0x0  }
0x19: {  	s7 =	sld [smem:$0x3F93]  }
0x1a: {  	s8 =	sadd.s32 $0xFFFFE003, lr  }
0x1b: {  	s9 =	sadd.s32 $0xFFFFFEF7, lr;
	s5 =	simm.s32 $0xFFFFFFFF;
	p2 =	slt.u32 s8, $0xFFFFF086  }
0x1c: {  	p1 =	slt.u32 s9, $0xF7A;
	s5 =	simm.s32 @!p2 $0x0  }
0x1d: {  	s5 =	simm.s32 @p1 $0x1;
	p0 =	seq.s32 s7, s2  }
0x1e: {  	s7 =	smul.u32 @!p0 $0xF7A, s2;
	p2 =	seq.s32 @!p0 s5, $0x0  }
0x1f: {  	s9 =	smul.u32 $0xF7A, s1;
	s8 =	simm.s32 @!p0 $0x1BF5;
	p2 =	por !p2, p0  }
0x20: {  	[sflag:s8] =	ssyncset.s32 @!p0 $0xFFFFF086;
	s6 =	sadd.s32 @!p0 s3, s7;
	s7 =	simm.s32 @!p0 $0x108  }
0x21: {  	s3 =	sadd.s32 s3, s9;
	s6 =	sadd.s32 @!p0 $0x88, s6;
	s7 =	simm.s32 @p2 $0x1082  }
0x22: {  	[simem:s7], [sflag:s8] =	dma.local @!p0 [hbm:s6], $0xF7A  }
0x23: {  	s9 =	sor.u32 $0xD0000000, s2;
	s6 =	simm.s32 $0x108;
	_ =	swait.ge @!p0 [sflag:s8], $0x0  }
0x24: {  	s3 =	sadd.s32 $0x88, s3;
	s6 =	simm.s32 @!p1 $0x1082;
	[sflag:s4] =	ssyncset.s32 $0xFFFFF086  }
0x25: {  	[simem:s6], [sflag:s4] =	dma.local [hbm:s3], $0xF7A  }
0x26: {  	[smem:$0x3F93] =	sst s1;
	(tag) =	ssettag s2;
	_ =	strace s9  }
0x27: {  	s1 =	sld [smem:$0x3FA3]  }
0x28: {  	s2 =	sld [smem:$0x3FA4]  }
0x29: {  	s4 =	sld [smem:$0x3FA6]  }
0x2a: {  	p0 =	seq.s32 s5, $0x0;
	s5 =	sld [smem:$0x3FA7]  }
0x2b: {  	s6 =	sld [smem:$0x3FA8]  }
0x2c: {  	s7 =	sld [smem:$0x3FA9]  }
0x2d: {  	s3 =	simm.s32 $0x108;
	s8 =	sld [smem:$0x3FAA]  }
0x2e: {  	s3 =	simm.s32 @!p0 $0x1082;
	s9 =	sld [smem:$0x3FAB]  }
0x2f: {  	lr =	sadd.s32 s0, s3;
	s0 =	sld [smem:$0x3FA2]  }
0x30: {  	s3 =	sld [smem:$0x3FA5]  }
0x31: {  	[smem:$0x3FAE] =	sst s10  }
0x32: {  	s10 =	sld [smem:$0x3FAC];
	_ =	sdelay $0x3  }
0x33: {  	p0 =	seq.s32 s10, $0x1;
	s10 =	sld [smem:$0x3FAE];
	_ =	sdelay $0x3  }
0x34: {  	[smem:$0x3FAE] =	sst s10  }
0x35: {  	s10 =	sld [smem:$0x3FAD];
	_ =	sdelay $0x3  }
0x36: {  	p1 =	seq.s32 s10, $0x1;
	s10 =	sld [smem:$0x3FAE];
	_ =	sdelay $0x3  }
0x37: {  	[smem:$0x3FAE] =	sst s10  }
0x38: {  	s10 =	sld [smem:$0x3FAF]  }
0x39: {  	_ = 	snop;
	(pc) =	sbr.ind lr, $3  }
0x3a: {  	_ = 	snop  }
0x3b: {  	_ = 	snop  }
0x3c: {  	p2 =	seq.s32 s10, $0x1;
	s10 =	sld [smem:$0x3FAE]  }
0x3d: {  	_ =	shalt  }
0x3e: {  	_ =	shalt  }
0x3f: {  	_ =	shalt  }
0x40: {  	_ =	shalt  }
0x41: {  	_ =	shalt  }
0x42: {  	_ =	shalt  }
0x43: {  	_ =	shalt  }
0x44: {  	_ =	shalt  }
0x45: {  	_ =	shalt  }
0x46: {  	_ =	shalt  }
0x47: {  	_ =	shalt  }
0x48: {  	_ =	shalt  }
0x49: {  	_ =	shalt  }
0x4a: {  	_ =	shalt  }
0x4b: {  	_ =	shalt  }
0x4c: {  	_ =	shalt  }
0x4d: {  	_ =	shalt  }
0x4e: {  	_ =	shalt  }
0x4f: {  	_ =	shalt  }
0x50: {  	_ =	shalt  }
0x51: {  	_ =	shalt  }
0x52: {  	_ =	shalt  }
0x53: {  	_ =	shalt  }
0x54: {  	_ =	shalt  }
0x55: {  	_ =	shalt  }
0x56: {  	_ =	shalt  }
0x57: {  	_ =	shalt  }
0x58: {  	_ =	shalt  }
0x59: {  	_ =	shalt  }
0x5a: {  	_ =	shalt  }
0x5b: {  	_ =	shalt  }
0x5c: {  	_ =	shalt  }
0x5d: {  	_ =	shalt  }
0x5e: {  	_ =	shalt  }
0x5f: {  	_ =	shalt  }
0x60: {  	_ =	shalt  }
0x61: {  	_ =	shalt  }
0x62: {  	_ =	shalt  }
0x63: {  	_ =	shalt  }
0x64: {  	_ =	shalt  }
0x65: {  	_ =	shalt  }
0x66: {  	_ =	shalt  }
0x67: {  	_ =	shalt  }
0x68: {  	_ =	shalt  }
0x69: {  	_ =	shalt  }
0x6a: {  	_ =	shalt  }
0x6b: {  	_ =	shalt  }
0x6c: {  	_ =	shalt  }
0x6d: {  	_ =	shalt  }
0x6e: {  	_ =	shalt  }
0x6f: {  	_ =	shalt  }
0x70: {  	_ =	shalt  }
0x71: {  	_ =	shalt  }
0x72: {  	_ =	shalt  }
0x73: {  	_ =	shalt  }
0x74: {  	_ =	shalt  }
0x75: {  	_ =	shalt  }
0x76: {  	_ =	shalt  }
0x77: {  	_ =	shalt  }
0x78: {  	_ =	shalt  }
0x79: {  	_ =	shalt  }
0x7a: {  	_ =	shalt  }
0x7b: {  	_ =	shalt  }
0x7c: {  	_ =	shalt  }
0x7d: {  	_ =	shalt  }
0x7e: {  	_ =	shalt  }
0x7f: {  	_ =	shalt  }
0x80: {  	_ =	shalt  }
0x81: {  	_ =	shalt  }
0x82: {  	_ =	shalt  }
0x83: {  	_ =	shalt  }
0x84: {  	_ =	shalt  }
0x85: {  	_ =	shalt  }
0x86: {  	_ =	shalt  }
0x87: {  	_ =	shalt  }
.Lfunc_end0:
.L_simem_size_0:
called_computation.2_lowered:
.L_overlay_start_0:
0x88: {  	s2 =	sld [smem:$0x3FD9]  }
0x89: {  	s3 =	sld [smem:$0x3FFE];
	_ =	sdelay $0x1  }
0x8a: {  	s1 =	srdreg.scid  }
0x8b: {  	s0 =	sand.u32 $0x1, s1  }
0x8c: {  	s17 =	sshll.u32 s0, $0xA;
	s2 =	sadd.s32 s3, s2  }
0x8d: {  	s2 =	sadd.s32 s2, s17  }
0x8e: {  	[smem:$0x3FBA] =	sst s2  }
0x8f: {  	_ = 	snop  }
0x90: {  	s2 =	sld [smem:$0x3FD0];
	(tm) =	ssettm $0x1  }
0x91: {  	s18 =	sld [smem:$0x3FFB];
	_ =	sdelay $0x3  }
0x92: {  	_ =	strace s18  }
0x93: {  	s3 =	sld [smem:$0x3FFC];
	_ =	sdelay $0x3  }
0x94: {  	_ =	strace s3  }
0x95: {  	s3 =	sld [smem:$0x3FFD];
	_ =	sdelay $0x3  }
0x96: {  	_ =	strace s3  }
0x97: {  	_ =	strace $0x8FFFFFFF  }
0x98: {  	s19 =	sld [smem:$0x3FDB];
	_ =	sdelay $0x1  }
0x99: {  	s4 =	simm.s32 $_scs_section_size  }
0x9a: {  	s5 =	simm.s32 $_size__tile_overlayer_lowered;
	s6 =	simm.s32 $_tile_overlayer_lowered  }
0x9b: {  	s22 =	simm.s32 $0x1BFF;
	s21 =	sshll.u32 s6, $0x1;
	s3 =	sadd.s32 s4, s19  }
0x9c: {  	s7 =	simm.s32 $0x0;
	s20 =	sshll.u32 s5, $0x1;
	s5 =	sadd.s32 s21, s3  }
0x9d: {  	[timem:s7], [sflag:s22] =	dma.local [hbm:s5], s20  }
0x9e: {  	_ =	swait.ge [sflag:s22], s20  }
0x9f: {  	s4 =	ssub.s32 $0x0, s20;
	[sflag:s22] =	ssyncset.done $0x0  }
0xa0: {  	[sflag:s22] =	ssyncadd.s32 s4;
	_ =	sdelay $0x1  }
0xa1: {  	s23 =	simm.s32 $0x1B8B  }
0xa2: {  	_ =	swait.ge [sflag:s23], $0x1  }
0xa3: {  	[sflag:s23] =	ssyncset.done $0x0  }
0xa4: {  	s25 =	simm.s32 $0x1B8E;
	s24 =	sld [smem:$0x3FFE];
	[sflag:s23] =	ssyncadd.s32 $0xFFFFFFFF  }
0xa5: {  	s26 =	simm.s32 $execute0_lowered;
	[smem:$0x3FD2] =	sst s25  }
0xa6: {  	s5 =	sshll.u32 s26, $0x1;
	_ =	strace $0x8000004C;
	[dreg:$0x1] =	wrdreg $0xFFFFFFFF  }
0xa7: {  	s28 =	simm.s32 $_size_execute0_lowered;
	s3 =	sadd.s32 s3, s5;
	[dreg:$0x0] =	wrdreg $0x0  }
0xa8: {  	s5 =	sshll.u32 s28, $0x1;
	[dreg:$0x2] =	wrdreg s3  }
0xa9: {  	[dreg:$0x3] =	wrdreg s5  }
0xaa: {  	[dreg:$0x4] =	wrdreg $0xC0  }
0xab: {  	_ =	task [dreg:s7], $0x5FFFF  }
0xac: {  	[dreg:$0x1] =	wrdreg $0xFFFFFFFF  }
0xad: {  	[dreg:$0x0] =	wrdreg $0x60  }
0xae: {  	[dreg:$0x2] =	wrdreg s2  }
0xaf: {  	[dreg:$0x3] =	wrdreg s24  }
0xb0: {  	[dreg:$0x4] =	wrdreg $0xD0000  }
0xb1: {  	[dreg:$0x5] =	wrdreg $0x9  }
0xb2: {  	_ =	task.clear_ibuf [dreg:s7], $0x6FFFF;
	_ =	strace $0x9000004C  }
0xb3: {  	s29 =	simm.s32 $0x9;
	_ =	strace $0x8000004E  }
0xb4: {  	_ =	swait.ge [sflag:s29], $0x1  }
0xb5: {  	[sflag:s29] =	ssyncadd.s32 $0xFFFFFFFF  }
0xb6: {  	_ =	strace $0x9000004E  }
0xb7: {  	_ =	sfence  }
0xb8: {  	s30 =	sld [smem:$0x0];
	_ =	sdelay $0x2  }
0xb9: {  	s31 =	sshll.u32 s1, $0xD;
	s1 =	sshrl.u32 s1, $0x2  }
0xba: {  	s3 =	sand.u32 $0x4000, s31;
	s1 =	sadd.s32 s1, s30  }
0xbb: {  	s0 =	sor.u32 s3, s0;
	s1 =	sshll.u32 s1, $0x11  }
0xbc: {  	s0 =	sor.u32 s1, s0  }
0xbd: {  	s0 =	sadd.s32 $0x8F2B, s0  }
0xbe: {  	[sflag:s0] =	ssyncadd.remote.s32 $0x1  }
0xbf: {  	_ =	sfence.sel $0xFFFF  }
0xc0: {  	[dreg:$0x0] =	wrdreg $0xFFFFFFFF;
	(pc) =	sbr.abs _section_cstart, $3  }
0xc1: {  	[dreg:$0x1] =	wrdreg $0xFFFFFFFF  }
0xc2: {  	_ =	task.clear_ibuf [dreg:s7], $0x2FFFF;
	_ =	strace $0x9FFFFFFF  }
0xc3: {  	(tm) =	ssettm $0x7FFFFFFF  }
tec
execute0_lowered:
.L_overlay_start_1:
0x0: {  	(tag) =	ssettag $0x1  }
0x1: {  	s1 =	rddreg [dreg:$0x0]  }
0x2: {  	s0 =	srdreg.scid;
	s2 =	rddreg [dreg:$0x1]  }
0x3: {  	s10 =	stileid.u32;
	s3 =	rddreg [dreg:$0x2]  }
0x4: {  	s14 =	simm.s32 $0x80;
	s15 =	simm.s32 $0x5000;
	s18 =	simm.s32 $0x7000  }
0x5: {  	s22 =	simm.s32 $0x9000;
	s29 =	simm.s32 $0xC000;
	s30 =	simm.s32 $0x1  }
0x6: {  	s31 =	simm.s32 $0x0;
	s0 =	sand.u32 $0x1, s0;
	s6 =	smul.u32 $0x9E0, s10  }
0x7: {  	s4 =	sshll.u32 s10, $0x1;
	s9 =	smul.u32 $0x13C00, s10;
	s28 =	sshll.u32 s10, $0x6  }
0x8: {  	s10 =	simm.s32 $0x2;
	s5 =	sor.u32 s0, s4;
	s4 =	simm.s32 $0x0  }
0x9: {  	s7 =	smul.u32 $0x9E00, s0;
	s0 =	ssub.s32 $0x2, s0;
	s12 =	sor.u32 $0x1C02, s28  }
0xa: {  	s5 =	smul.u32 $0x500, s5;
	[smem:$0x7FF] =	sst s4;
	s26 =	sshrl.u32 s0, $0x1  }
.Ltmp0:
0xb: {  	s9 =	sshrl.u32 s9, $0x2;
	_ =	strace $0x8000004D;
	(pc) =	sbr.rel .LBB2_1-.Ltmp0, $4  }
0xc: {  	s6 =	sadd.s32 s6, s7;
	s0 =	ssub.s32 s0, s26;
	s11 =	sadd.s32 s9, s3  }
0xd: {  	s26 =	simm.s32 $0xB000;
	s8 =	sadd.s32 s5, s2;
	s5 =	sadd.s32 $0x17400, s2  }
0xe: {  	s2 =	sadd.s32 s6, s2;
	s9 =	smax.u32 s0, $0x1;
	s13 =	sshrl.u32 s11, $0x3  }
0xf: {  	s6 =	sadd.s32 $0xD400, s8;
	s7 =	sadd.s32 $0x3400, s8;
	s8 =	sadd.s32 $0x3F000, s2  }
.LBB2_4:
0x10: {  	_ =	swait.ge [sflag:s30], $0x1000  }
0x11: {  	[sflag:s30] =	ssyncset.done $0x0  }
0x12: {  	[sflag:s30] =	ssyncadd.s32 $0xFFFFF000  }
0x13: {  	[spmem:s3] =	stream.indirect.scatter.add.f32 [tilespmem:s29], [sflag:$0x2], $0x20, s11, s14, $0xb8;
	[tilespmem:$0x11F00] =	vst v63  }
0x14: {  	_ =	swait.ge [sflag:s10], $0x1000  }
0x15: {  	s31 =	sadd.s32 $0x1, s31;
	[sflag:s10] =	ssyncset.done $0x0  }
0x16: {  	p0 =	sne.s32 s31, s9;
	[sflag:s10] =	ssyncadd.s32 $0xFFFFF000  }
.Ltmp1:
0x17: {  	[bflag:$0x0] =	sbarrier.arrive $0xFFFF;
	(pc) =	sbr.rel @!p0 .LBB2_5-.Ltmp1, $4  }
0x18: {  	[hbm:s8], [sflag:s12] =	dma.local [spmem:s13], $0x9E0  }
0x19: {  	_ =	swait.ge [sflag:s10], $0x9E0  }
0x1a: {  	[sflag:s10] =	ssyncset.done $0x0  }
0x1b: {  	[sflag:s10] =	ssyncadd.s32 $0xFFFFF620  }
.LBB2_1:
0x1c: {  	[tilespmem:s4], [sflag:$0x2] =	stream.linear.gather [hbm4b:s6+s4], $0x2800, $0x38;
	[tilespmem:$0x11F00] =	vst v63  }
0x1d: {  	_ =	swait.ge [sflag:s10], $0x2800  }
0x1e: {  	[sflag:s10] =	ssyncset.done $0x0  }
0x1f: {  	s0 =	simm.s32 $0x2800;
	[sflag:s10] =	ssyncadd.s32 $0xFFFFD800  }
0x20: {  	[tilespmem:s0], [sflag:$0x2] =	stream.linear.gather [hbm4b:s7+s4], $0x2800, $0x38;
	[tilespmem:$0x11F00] =	vst v63  }
0x21: {  	_ =	swait.ge [sflag:s10], $0x2800  }
0x22: {  	[sflag:s10] =	ssyncset.done $0x0  }
0x23: {  	[sflag:s10] =	ssyncadd.s32 $0xFFFFD800  }
0x24: {  	[spmem:s13], [sflag:s12] =	dma.local [hbm:s5], $0x9E0  }
0x25: {  	_ =	swait.ge [sflag:s10], $0x9E0  }
0x26: {  	[sflag:s10] =	ssyncset.done $0x0  }
0x27: {  	[sflag:s10] =	ssyncadd.s32 $0xFFFFF620  }
0x28: {  	[bflag:$0x0] =	sbarrier.arrive $0xFFFF  }
0x29: {  	[tilespmem:s15], [sflag:$0x1] =	stream.indirect.gather [hbm4b:s1+s14], $0x20, s4, s14, $0xb8;
	[tilespmem:$0x11F00] =	vst v63  }
0x2a: {  	s17 =	simm.s32 $0x6000  }
0x2b: {  	[tilespmem:s17], [sflag:$0x1] =	stream.indirect.gather [hbm4b:s1+s14], $0x20, s14, s14, $0xb8;
	[tilespmem:$0x11F00] =	vst v63  }
0x2c: {  	s19 =	simm.s32 $0x100  }
0x2d: {  	[tilespmem:s18], [sflag:$0x1] =	stream.indirect.gather [hbm4b:s1+s14], $0x20, s19, s14, $0xb8;
	[tilespmem:$0x11F00] =	vst v63  }
0x2e: {  	s20 =	simm.s32 $0x180;
	s2 =	simm.s32 $0x8000  }
0x2f: {  	[tilespmem:s2], [sflag:$0x1] =	stream.indirect.gather [hbm4b:s1+s14], $0x20, s20, s14, $0xb8;
	[tilespmem:$0x11F00] =	vst v63  }
0x30: {  	s21 =	simm.s32 $0x200  }
0x31: {  	[tilespmem:s22], [sflag:$0x1] =	stream.indirect.gather [hbm4b:s1+s14], $0x20, s21, s14, $0xb8;
	[tilespmem:$0x11F00] =	vst v63  }
0x32: {  	s23 =	simm.s32 $0x280;
	s24 =	simm.s32 $0xA000  }
0x33: {  	[tilespmem:s24], [sflag:$0x1] =	stream.indirect.gather [hbm4b:s1+s14], $0x20, s23, s14, $0xb8;
	[tilespmem:$0x11F00] =	vst v63  }
0x34: {  	s25 =	simm.s32 $0x300  }
0x35: {  	[tilespmem:s26], [sflag:$0x1] =	stream.indirect.gather [hbm4b:s1+s14], $0x20, s25, s14, $0xb8;
	[tilespmem:$0x11F00] =	vst v63  }
0x36: {  	s28 =	simm.s32 $0x380;
	s2 =	simm.s32 $0x0  }
0x37: {  	[tilespmem:s29], [sflag:$0x1] =	stream.indirect.gather [hbm4b:s1+s14], $0x20, s28, s14, $0xb8;
	[tilespmem:$0x11F00] =	vst v63  }
.LBB2_2:
0x38: {  	_ =	swait.ge [sflag:s30], $0x1000  }
0x39: {  	s0 =	sshra.s32 s2, $0x2;
	[sflag:s30] =	ssyncset.done $0x0  }
0x3a: {  	s11 =	sadd.s32 $0x2800, s0;
	[sflag:s30] =	ssyncadd.s32 $0xFFFFF000  }
0x3b: {  	[spmem:s3] =	stream.indirect.scatter.add.f32 [tilespmem:s15], [sflag:$0x2], $0x20, s11, s14, $0xb8;
	[tilespmem:$0x11F00] =	vst v63  }
0x3c: {  	_ =	swait.ge [sflag:s10], $0x1000  }
0x3d: {  	p0 =	seq.s32 s2, $0x9000;
	[sflag:s10] =	ssyncset.done $0x0  }
0x3e: {  	s17 =	simm.s32 @p0 $0x1;
	[sflag:s10] =	ssyncadd.s32 $0xFFFFF000  }
0x3f: {  	s19 =	sshra.s32 @p0 s2, $0x2;
	_ =	swait.ge @p0 [sflag:s17], $0x1000  }
0x40: {  	s20 =	simm.s32 @p0 $0x80;
	s16 =	simm.s32 @p0 $0x6000;
	[sflag:s17] =	ssyncset.done @p0 $0x0  }
0x41: {  	s21 =	simm.s32 @p0 $0x2;
	s11 =	sadd.s32 @p0 $0x2880, s19;
	[sflag:s17] =	ssyncadd.s32 @p0 $0xFFFFF000  }
0x42: {  	[spmem:s3] =	stream.indirect.scatter.add.f32 @p0 [tilespmem:s16], [sflag:$0x2], $0x20, s11, s20, $0xb8;
	[tilespmem:$0x11F00] =	vst v63  }
0x43: {  	_ =	swait.ge @p0 [sflag:s21], $0x1000  }
0x44: {  	s24 =	simm.s32 @!p0 $0x5000;
	s11 =	sshra.s32 @!p0 s2, $0x2;
	[sflag:s21] =	ssyncset.done @p0 $0x0  }
0x45: {  	s16 =	simm.s32 @!p0 $0x80;
	s23 =	sadd.s32 @!p0 $0x400, s11;
	[sflag:s21] =	ssyncadd.s32 @p0 $0xFFFFF000  }
0x46: {  	[tilespmem:s24], [sflag:$0x1] =	stream.indirect.gather @!p0 [hbm4b:s1+s16], $0x20, s23, s16, $0xb8;
	[tilespmem:$0x11F00] =	vst v63  }
0x47: {  	s23 =	simm.s32 @!p0 $0x1  }
0x48: {  	_ =	swait.ge @!p0 [sflag:s23], $0x1000  }
0x49: {  	[sflag:s23] =	ssyncset.done @!p0 $0x0  }
0x4a: {  	s25 =	simm.s32 @!p0 $0x6000;
	s24 =	sadd.s32 @!p0 $0x2880, s11;
	[sflag:s23] =	ssyncadd.s32 @!p0 $0xFFFFF000  }
0x4b: {  	[spmem:s3] =	stream.indirect.scatter.add.f32 @!p0 [tilespmem:s25], [sflag:$0x2], $0x20, s24, s16, $0xb8;
	[tilespmem:$0x11F00] =	vst v63  }
0x4c: {  	s24 =	simm.s32 @!p0 $0x2  }
0x4d: {  	_ =	swait.ge @!p0 [sflag:s24], $0x1000  }
0x4e: {  	[sflag:s24] =	ssyncset.done @!p0 $0x0  }
0x4f: {  	s28 =	sadd.s32 @!p0 $0x480, s11;
	[sflag:s24] =	ssyncadd.s32 @!p0 $0xFFFFF000  }
0x50: {  	[tilespmem:s25], [sflag:$0x1] =	stream.indirect.gather @!p0 [hbm4b:s1+s16], $0x20, s28, s16, $0xb8;
	[tilespmem:$0x11F00] =	vst v63  }
0x51: {  	_ =	swait.ge [sflag:s30], $0x1000  }
0x52: {  	[sflag:s30] =	ssyncset.done $0x0  }
0x53: {  	s28 =	sadd.s32 $0x2900, s0;
	[sflag:s30] =	ssyncadd.s32 $0xFFFFF000  }
0x54: {  	[spmem:s3] =	stream.indirect.scatter.add.f32 [tilespmem:s18], [sflag:$0x2], $0x20, s28, s14, $0xb8;
	[tilespmem:$0x11F00] =	vst v63  }
0x55: {  	_ =	swait.ge [sflag:s10], $0x1000  }
0x56: {  	[sflag:s10] =	ssyncset.done $0x0  }
0x57: {  	[sflag:s10] =	ssyncadd.s32 $0xFFFFF000  }
0x58: {  	_ =	swait.ge @p0 [sflag:s17], $0x1000  }
0x59: {  	[sflag:s17] =	ssyncset.done @p0 $0x0  }
0x5a: {  	s25 =	sadd.s32 @p0 $0x2980, s19;
	s28 =	simm.s32 @p0 $0x8000;
	[sflag:s17] =	ssyncadd.s32 @p0 $0xFFFFF000  }
0x5b: {  	[spmem:s3] =	stream.indirect.scatter.add.f32 @p0 [tilespmem:s28], [sflag:$0x2], $0x20, s25, s20, $0xb8;
	[tilespmem:$0x11F00] =	vst v63  }
0x5c: {  	_ =	swait.ge @p0 [sflag:s21], $0x1000  }
0x5d: {  	[sflag:s21] =	ssyncset.done @p0 $0x0  }
0x5e: {  	s25 =	sadd.s32 @!p0 $0x500, s11;
	s28 =	simm.s32 @!p0 $0x7000;
	[sflag:s21] =	ssyncadd.s32 @p0 $0xFFFFF000  }
0x5f: {  	[tilespmem:s28], [sflag:$0x1] =	stream.indirect.gather @!p0 [hbm4b:s1+s16], $0x20, s25, s16, $0xb8;
	[tilespmem:$0x11F00] =	vst v63  }
0x60: {  	_ =	swait.ge @!p0 [sflag:s23], $0x1000  }
0x61: {  	[sflag:s23] =	ssyncset.done @!p0 $0x0  }
0x62: {  	s25 =	sadd.s32 @!p0 $0x2980, s11;
	s28 =	simm.s32 @!p0 $0x8000;
	[sflag:s23] =	ssyncadd.s32 @!p0 $0xFFFFF000  }
0x63: {  	[spmem:s3] =	stream.indirect.scatter.add.f32 @!p0 [tilespmem:s28], [sflag:$0x2], $0x20, s25, s16, $0xb8;
	[tilespmem:$0x11F00] =	vst v63  }
0x64: {  	_ =	swait.ge @!p0 [sflag:s24], $0x1000  }
0x65: {  	[sflag:s24] =	ssyncset.done @!p0 $0x0  }
0x66: {  	s25 =	sadd.s32 @!p0 $0x580, s11;
	[sflag:s24] =	ssyncadd.s32 @!p0 $0xFFFFF000  }
0x67: {  	[tilespmem:s28], [sflag:$0x1] =	stream.indirect.gather @!p0 [hbm4b:s1+s16], $0x20, s25, s16, $0xb8;
	[tilespmem:$0x11F00] =	vst v63  }
0x68: {  	_ =	swait.ge [sflag:s30], $0x1000  }
0x69: {  	[sflag:s30] =	ssyncset.done $0x0  }
0x6a: {  	s28 =	sadd.s32 $0x2A00, s0;
	[sflag:s30] =	ssyncadd.s32 $0xFFFFF000  }
0x6b: {  	[spmem:s3] =	stream.indirect.scatter.add.f32 [tilespmem:s22], [sflag:$0x2], $0x20, s28, s14, $0xb8;
	[tilespmem:$0x11F00] =	vst v63  }
0x6c: {  	_ =	swait.ge [sflag:s10], $0x1000  }
0x6d: {  	[sflag:s10] =	ssyncset.done $0x0  }
0x6e: {  	[sflag:s10] =	ssyncadd.s32 $0xFFFFF000  }
0x6f: {  	_ =	swait.ge @p0 [sflag:s17], $0x1000  }
0x70: {  	[sflag:s17] =	ssyncset.done @p0 $0x0  }
0x71: {  	[sflag:s17] =	ssyncadd.s32 @p0 $0xFFFFF000;
	s17 =	sadd.s32 @p0 $0x2A80, s19;
	s19 =	simm.s32 @p0 $0xA000  }
0x72: {  	[spmem:s3] =	stream.indirect.scatter.add.f32 @p0 [tilespmem:s19], [sflag:$0x2], $0x20, s17, s20, $0xb8;
	[tilespmem:$0x11F00] =	vst v63  }
0x73: {  	_ =	swait.ge @p0 [sflag:s21], $0x1000  }
0x74: {  	[sflag:s21] =	ssyncset.done @p0 $0x0  }
0x75: {  	s17 =	sadd.s32 @!p0 $0x600, s11;
	s19 =	simm.s32 @!p0 $0x9000;
	[sflag:s21] =	ssyncadd.s32 @p0 $0xFFFFF000  }
0x76: {  	[tilespmem:s19], [sflag:$0x1] =	stream.indirect.gather @!p0 [hbm4b:s1+s16], $0x20, s17, s16, $0xb8;
	[tilespmem:$0x11F00] =	vst v63  }
0x77: {  	_ =	swait.ge @!p0 [sflag:s23], $0x1000  }
0x78: {  	[sflag:s23] =	ssyncset.done @!p0 $0x0  }
0x79: {  	s17 =	sadd.s32 @!p0 $0x2A80, s11;
	s19 =	simm.s32 @!p0 $0xA000;
	[sflag:s23] =	ssyncadd.s32 @!p0 $0xFFFFF000  }
0x7a: {  	[spmem:s3] =	stream.indirect.scatter.add.f32 @!p0 [tilespmem:s19], [sflag:$0x2], $0x20, s17, s16, $0xb8;
	[tilespmem:$0x11F00] =	vst v63  }
0x7b: {  	_ =	swait.ge @!p0 [sflag:s24], $0x1000  }
0x7c: {  	[sflag:s24] =	ssyncset.done @!p0 $0x0  }
0x7d: {  	s11 =	sadd.s32 @!p0 $0x680, s11;
	[sflag:s24] =	ssyncadd.s32 @!p0 $0xFFFFF000  }
0x7e: {  	[tilespmem:s19], [sflag:$0x1] =	stream.indirect.gather @!p0 [hbm4b:s1+s16], $0x20, s11, s16, $0xb8;
	[tilespmem:$0x11F00] =	vst v63  }
0x7f: {  	_ =	swait.ge [sflag:s30], $0x1000  }
0x80: {  	[sflag:s30] =	ssyncset.done $0x0  }
.Ltmp2:
0x81: {  	s28 =	sadd.s32 $0x2B00, s0;
	[sflag:s30] =	ssyncadd.s32 $0xFFFFF000;
	(pc) =	sbr.rel @p0 .LBB2_4-.Ltmp2, $4  }
0x82: {  	[spmem:s3] =	stream.indirect.scatter.add.f32 [tilespmem:s26], [sflag:$0x2], $0x20, s28, s14, $0xb8;
	[tilespmem:$0x11F00] =	vst v63  }
0x83: {  	_ =	swait.ge [sflag:s10], $0x1000  }
0x84: {  	[sflag:s10] =	ssyncset.done $0x0  }
0x85: {  	s11 =	sadd.s32 $0x2B80, s0;
	[sflag:s10] =	ssyncadd.s32 $0xFFFFF000  }
0x86: {  	s16 =	sadd.s32 $0x700, s0  }
0x87: {  	[tilespmem:s26], [sflag:$0x1] =	stream.indirect.gather [hbm4b:s1+s14], $0x20, s16, s14, $0xb8;
	[tilespmem:$0x11F00] =	vst v63  }
0x88: {  	_ =	swait.ge [sflag:s30], $0x1000  }
0x89: {  	[sflag:s30] =	ssyncset.done $0x0  }
0x8a: {  	[sflag:s30] =	ssyncadd.s32 $0xFFFFF000  }
0x8b: {  	[spmem:s3] =	stream.indirect.scatter.add.f32 [tilespmem:s29], [sflag:$0x2], $0x20, s11, s14, $0xb8;
	[tilespmem:$0x11F00] =	vst v63  }
.Ltmp3:
0x8c: {  	_ = 	snop;
	(pc) =	sbr.rel .LBB2_2-.Ltmp3, $4  }
0x8d: {  	_ =	swait.ge [sflag:s10], $0x1000  }
0x8e: {  	[sflag:s10] =	ssyncset.done $0x0  }
0x8f: {  	s28 =	sadd.s32 $0x780, s0;
	s2 =	sadd.s32 $0x1000, s2;
	[sflag:s10] =	ssyncadd.s32 $0xFFFFF000  }
0x90: {  	[tilespmem:s29], [sflag:$0x1] =	stream.indirect.gather [hbm4b:s1+s14], $0x20, s28, s14, $0xb8;
	[tilespmem:$0x11F00] =	vst v63  }
.LBB2_5:
0x91: {  	_ =	sfence.sel $0x180000  }
0x92: {  	[bflag:$0x0] =	sbarrier.arrive $0xFFFF  }
0x93: {  	_ =	strace $0x9000004D  }
0x94: {  	s0 =	stileid.u32;
	[bflag:$0x2] =	sbarrier.arrive $0xFFFF  }
0x95: {  	p0 =	sne.s32 s0, $0x0;
	s0 =	rddreg [dreg:$0x3]  }
0x96: {  	s0 =	sadd.s32 @!p0 $0x100000, s0  }
0x97: {  	[sflag:s0] =	ssyncadd.tile.s32 @!p0 $0x1;
	_ =	shalt  }
.Lfunc_end2:
_tile_overlayer_lowered:
.L_overlay_start_2:
0x98: {  	(tag) =	ssettag $0x2  }
0x99: {  	s0 =	rddreg [dreg:$0x0];
	s2 =	stileid.u32  }
0x9a: {  	s1 =	rddreg [dreg:$0x1];
	p0 =	sne.s32 s2, $0x0  }
0x9b: {  	s3 =	rddreg [dreg:$0x2];
	[bflag:$0x3] =	sbarrier.arrive $0xFFFF;
	s2 =	simm.s32 @!p0 $0x1C02  }
0x9c: {  	[timem:s3], [sflag:s2] =	dma.local @!p0 [hbm:s0], s1  }
0x9d: {  	s0 =	simm.s32 @!p0 $0x2  }
0x9e: {  	_ =	swait.ge @!p0 [sflag:s0], s1  }
0x9f: {  	s1 =	ssub.s32 @!p0 $0x0, s1;
	[sflag:s0] =	ssyncset.done @!p0 $0x0  }
0xa0: {  	[sflag:s0] =	ssyncadd.s32 @!p0 s1  }
0xa1: {  	[bflag:$0x3] =	sbarrier.arrive $0xFFFF  }
0xa2: {  	_ =	shalt  }

// kernel: kernel.20.cloned.1.call-start
scs
__scs_entry_jumppad:
0x0: {  	(pc) =	sbr.rel $0x88, $3  }
0x1: {  	(tag) =	ssettag $0x0;
	lr =	simm.s32 $0x1  }
0x2: {  	[smem:$0x3F93] =	sst lr;
	_ =	strace $0xD0000000  }
0x3: {  	_ = 	snop  }
0x4: {  	_ = 	snop  }
0x5: {  	_ = 	snop  }
0x6: {  	_ = 	snop  }
0x7: {  	_ = 	snop  }
__scs_overlays_trampoline_lowered:
0x8: {  	[smem:$0x3FA2] =	sst s0  }
0x9: {  	[smem:$0x3FA3] =	sst s1  }
0xa: {  	[smem:$0x3FA4] =	sst s2  }
0xb: {  	[smem:$0x3FA5] =	sst s3  }
0xc: {  	[smem:$0x3FA6] =	sst s4  }
0xd: {  	[smem:$0x3FA7] =	sst s5  }
0xe: {  	[smem:$0x3FA8] =	sst s6  }
0xf: {  	[smem:$0x3FA9] =	sst s7  }
0x10: {  	[smem:$0x3FAA] =	sst s8  }
0x11: {  	[smem:$0x3FAB] =	sst s9;
	s0 =	simm.s32 @!p0 $0x0  }
0x12: {  	s1 =	sld [smem:$0x3F91];
	s0 =	simm.s32 @p0 $0x1  }
0x13: {  	[smem:$0x3FAC] =	sst s0;
	s0 =	simm.s32 @!p1 $0x0  }
0x14: {  	s2 =	sld [smem:$0x3F90];
	s0 =	simm.s32 @p1 $0x1  }
0x15: {  	[smem:$0x3FAD] =	sst s0;
	s0 =	simm.s32 @!p2 $0x0  }
0x16: {  	s3 =	sld [smem:$0x3FDB];
	s0 =	simm.s32 @p2 $0x1  }
0x17: {  	s4 =	simm.s32 $0x1BF5;
	[smem:$0x3FAF] =	sst s0  }
0x18: {  	s0 =	sld [smem:$0x3F92];
	_ =	swait.ge [sflag:s4], $0x0  }
0x19: {  	s7 =	sld [smem:$0x3F93]  }
0x1a: {  	s8 =	sadd.s32 $0xFFFFE003, lr  }
0x1b: {  	s9 =	sadd.s32 $0xFFFFFEF7, lr;
	s5 =	simm.s32 $0xFFFFFFFF;
	p2 =	slt.u32 s8, $0xFFFFF086  }
0x1c: {  	p1 =	slt.u32 s9, $0xF7A;
	s5 =	simm.s32 @!p2 $0x0  }
0x1d: {  	s5 =	simm.s32 @p1 $0x1;
	p0 =	seq.s32 s7, s2  }
0x1e: {  	s7 =	smul.u32 @!p0 $0xF7A, s2;
	p2 =	seq.s32 @!p0 s5, $0x0  }
0x1f: {  	s9 =	smul.u32 $0xF7A, s1;
	s8 =	simm.s32 @!p0 $0x1BF5;
	p2 =	por !p2, p0  }
0x20: {  	[sflag:s8] =	ssyncset.s32 @!p0 $0xFFFFF086;
	s6 =	sadd.s32 @!p0 s3, s7;
	s7 =	simm.s32 @!p0 $0x108  }
0x21: {  	s3 =	sadd.s32 s3, s9;
	s6 =	sadd.s32 @!p0 $0x88, s6;
	s7 =	simm.s32 @p2 $0x1082  }
0x22: {  	[simem:s7], [sflag:s8] =	dma.local @!p0 [hbm:s6], $0xF7A  }
0x23: {  	s9 =	sor.u32 $0xD0000000, s2;
	s6 =	simm.s32 $0x108;
	_ =	swait.ge @!p0 [sflag:s8], $0x0  }
0x24: {  	s3 =	sadd.s32 $0x88, s3;
	s6 =	simm.s32 @!p1 $0x1082;
	[sflag:s4] =	ssyncset.s32 $0xFFFFF086  }
0x25: {  	[simem:s6], [sflag:s4] =	dma.local [hbm:s3], $0xF7A  }
0x26: {  	[smem:$0x3F93] =	sst s1;
	(tag) =	ssettag s2;
	_ =	strace s9  }
0x27: {  	s1 =	sld [smem:$0x3FA3]  }
0x28: {  	s2 =	sld [smem:$0x3FA4]  }
0x29: {  	s4 =	sld [smem:$0x3FA6]  }
0x2a: {  	p0 =	seq.s32 s5, $0x0;
	s5 =	sld [smem:$0x3FA7]  }
0x2b: {  	s6 =	sld [smem:$0x3FA8]  }
0x2c: {  	s7 =	sld [smem:$0x3FA9]  }
0x2d: {  	s3 =	simm.s32 $0x108;
	s8 =	sld [smem:$0x3FAA]  }
0x2e: {  	s3 =	simm.s32 @!p0 $0x1082;
	s9 =	sld [smem:$0x3FAB]  }
0x2f: {  	lr =	sadd.s32 s0, s3;
	s0 =	sld [smem:$0x3FA2]  }
0x30: {  	s3 =	sld [smem:$0x3FA5]  }
0x31: {  	[smem:$0x3FAE] =	sst s10  }
0x32: {  	s10 =	sld [smem:$0x3FAC];
	_ =	sdelay $0x3  }
0x33: {  	p0 =	seq.s32 s10, $0x1;
	s10 =	sld [smem:$0x3FAE];
	_ =	sdelay $0x3  }
0x34: {  	[smem:$0x3FAE] =	sst s10  }
0x35: {  	s10 =	sld [smem:$0x3FAD];
	_ =	sdelay $0x3  }
0x36: {  	p1 =	seq.s32 s10, $0x1;
	s10 =	sld [smem:$0x3FAE];
	_ =	sdelay $0x3  }
0x37: {  	[smem:$0x3FAE] =	sst s10  }
0x38: {  	s10 =	sld [smem:$0x3FAF]  }
0x39: {  	_ = 	snop;
	(pc) =	sbr.ind lr, $3  }
0x3a: {  	_ = 	snop  }
0x3b: {  	_ = 	snop  }
0x3c: {  	p2 =	seq.s32 s10, $0x1;
	s10 =	sld [smem:$0x3FAE]  }
0x3d: {  	_ =	shalt  }
0x3e: {  	_ =	shalt  }
0x3f: {  	_ =	shalt  }
0x40: {  	_ =	shalt  }
0x41: {  	_ =	shalt  }
0x42: {  	_ =	shalt  }
0x43: {  	_ =	shalt  }
0x44: {  	_ =	shalt  }
0x45: {  	_ =	shalt  }
0x46: {  	_ =	shalt  }
0x47: {  	_ =	shalt  }
0x48: {  	_ =	shalt  }
0x49: {  	_ =	shalt  }
0x4a: {  	_ =	shalt  }
0x4b: {  	_ =	shalt  }
0x4c: {  	_ =	shalt  }
0x4d: {  	_ =	shalt  }
0x4e: {  	_ =	shalt  }
0x4f: {  	_ =	shalt  }
0x50: {  	_ =	shalt  }
0x51: {  	_ =	shalt  }
0x52: {  	_ =	shalt  }
0x53: {  	_ =	shalt  }
0x54: {  	_ =	shalt  }
0x55: {  	_ =	shalt  }
0x56: {  	_ =	shalt  }
0x57: {  	_ =	shalt  }
0x58: {  	_ =	shalt  }
0x59: {  	_ =	shalt  }
0x5a: {  	_ =	shalt  }
0x5b: {  	_ =	shalt  }
0x5c: {  	_ =	shalt  }
0x5d: {  	_ =	shalt  }
0x5e: {  	_ =	shalt  }
0x5f: {  	_ =	shalt  }
0x60: {  	_ =	shalt  }
0x61: {  	_ =	shalt  }
0x62: {  	_ =	shalt  }
0x63: {  	_ =	shalt  }
0x64: {  	_ =	shalt  }
0x65: {  	_ =	shalt  }
0x66: {  	_ =	shalt  }
0x67: {  	_ =	shalt  }
0x68: {  	_ =	shalt  }
0x69: {  	_ =	shalt  }
0x6a: {  	_ =	shalt  }
0x6b: {  	_ =	shalt  }
0x6c: {  	_ =	shalt  }
0x6d: {  	_ =	shalt  }
0x6e: {  	_ =	shalt  }
0x6f: {  	_ =	shalt  }
0x70: {  	_ =	shalt  }
0x71: {  	_ =	shalt  }
0x72: {  	_ =	shalt  }
0x73: {  	_ =	shalt  }
0x74: {  	_ =	shalt  }
0x75: {  	_ =	shalt  }
0x76: {  	_ =	shalt  }
0x77: {  	_ =	shalt  }
0x78: {  	_ =	shalt  }
0x79: {  	_ =	shalt  }
0x7a: {  	_ =	shalt  }
0x7b: {  	_ =	shalt  }
0x7c: {  	_ =	shalt  }
0x7d: {  	_ =	shalt  }
0x7e: {  	_ =	shalt  }
0x7f: {  	_ =	shalt  }
0x80: {  	_ =	shalt  }
0x81: {  	_ =	shalt  }
0x82: {  	_ =	shalt  }
0x83: {  	_ =	shalt  }
0x84: {  	_ =	shalt  }
0x85: {  	_ =	shalt  }
0x86: {  	_ =	shalt  }
0x87: {  	_ =	shalt  }
.Lfunc_end0:
.L_simem_size_0:
called_computation.3_lowered:
.L_overlay_start_0:
0x88: {  	s2 =	sld [smem:$0x3FD9]  }
0x89: {  	s3 =	sld [smem:$0x3FFE];
	_ =	sdelay $0x1  }
0x8a: {  	s1 =	srdreg.scid  }
0x8b: {  	s0 =	sand.u32 $0x1, s1  }
0x8c: {  	s17 =	sshll.u32 s0, $0xA;
	s2 =	sadd.s32 s3, s2  }
0x8d: {  	s2 =	sadd.s32 s2, s17  }
0x8e: {  	[smem:$0x3FBA] =	sst s2  }
0x8f: {  	_ = 	snop  }
0x90: {  	s2 =	sld [smem:$0x3FD0];
	(tm) =	ssettm $0x1  }
0x91: {  	s18 =	sld [smem:$0x3FFB];
	_ =	sdelay $0x3  }
0x92: {  	_ =	strace s18  }
0x93: {  	s3 =	sld [smem:$0x3FFC];
	_ =	sdelay $0x3  }
0x94: {  	_ =	strace s3  }
0x95: {  	s3 =	sld [smem:$0x3FFD];
	_ =	sdelay $0x3  }
0x96: {  	_ =	strace s3  }
0x97: {  	_ =	strace $0x8FFFFFFF  }
0x98: {  	s19 =	sld [smem:$0x3FDB];
	_ =	sdelay $0x1  }
0x99: {  	s4 =	simm.s32 $_scs_section_size  }
0x9a: {  	s5 =	simm.s32 $_size__tile_overlayer_lowered;
	s6 =	simm.s32 $_tile_overlayer_lowered  }
0x9b: {  	s22 =	simm.s32 $0x1BFF;
	s21 =	sshll.u32 s6, $0x1;
	s3 =	sadd.s32 s4, s19  }
0x9c: {  	s7 =	simm.s32 $0x0;
	s20 =	sshll.u32 s5, $0x1;
	s5 =	sadd.s32 s21, s3  }
0x9d: {  	[timem:s7], [sflag:s22] =	dma.local [hbm:s5], s20  }
0x9e: {  	_ =	swait.ge [sflag:s22], s20  }
0x9f: {  	s4 =	ssub.s32 $0x0, s20;
	[sflag:s22] =	ssyncset.done $0x0  }
0xa0: {  	[sflag:s22] =	ssyncadd.s32 s4;
	_ =	sdelay $0x1  }
0xa1: {  	s23 =	simm.s32 $0x1B8B  }
0xa2: {  	_ =	swait.ge [sflag:s23], $0x1  }
0xa3: {  	[sflag:s23] =	ssyncset.done $0x0  }
0xa4: {  	s25 =	simm.s32 $0x1B8E;
	s24 =	sld [smem:$0x3FFE];
	[sflag:s23] =	ssyncadd.s32 $0xFFFFFFFF  }
0xa5: {  	s26 =	simm.s32 $execute0_lowered;
	[smem:$0x3FD2] =	sst s25  }
0xa6: {  	s5 =	sshll.u32 s26, $0x1;
	_ =	strace $0x8000004F;
	[dreg:$0x1] =	wrdreg $0xFFFFFFFF  }
0xa7: {  	s28 =	simm.s32 $_size_execute0_lowered;
	s3 =	sadd.s32 s3, s5;
	[dreg:$0x0] =	wrdreg $0x0  }
0xa8: {  	s5 =	sshll.u32 s28, $0x1;
	[dreg:$0x2] =	wrdreg s3  }
0xa9: {  	[dreg:$0x3] =	wrdreg s5  }
0xaa: {  	[dreg:$0x4] =	wrdreg $0xC0  }
0xab: {  	_ =	task [dreg:s7], $0x5FFFF  }
0xac: {  	[dreg:$0x1] =	wrdreg $0xFFFFFFFF  }
0xad: {  	[dreg:$0x0] =	wrdreg $0x60  }
0xae: {  	[dreg:$0x2] =	wrdreg s2  }
0xaf: {  	[dreg:$0x3] =	wrdreg s24  }
0xb0: {  	[dreg:$0x4] =	wrdreg $0xD0000  }
0xb1: {  	[dreg:$0x5] =	wrdreg $0x9  }
0xb2: {  	_ =	task.clear_ibuf [dreg:s7], $0x6FFFF;
	_ =	strace $0x9000004F  }
0xb3: {  	s29 =	simm.s32 $0x9;
	_ =	strace $0x80000051  }
0xb4: {  	_ =	swait.ge [sflag:s29], $0x1  }
0xb5: {  	[sflag:s29] =	ssyncadd.s32 $0xFFFFFFFF  }
0xb6: {  	_ =	strace $0x90000051  }
0xb7: {  	_ =	sfence  }
0xb8: {  	s30 =	sld [smem:$0x0];
	_ =	sdelay $0x2  }
0xb9: {  	s31 =	sshll.u32 s1, $0xD;
	s1 =	sshrl.u32 s1, $0x2  }
0xba: {  	s3 =	sand.u32 $0x4000, s31;
	s1 =	sadd.s32 s1, s30  }
0xbb: {  	s0 =	sor.u32 s3, s0;
	s1 =	sshll.u32 s1, $0x11  }
0xbc: {  	s0 =	sor.u32 s1, s0  }
0xbd: {  	s0 =	sadd.s32 $0x8F2B, s0  }
0xbe: {  	[sflag:s0] =	ssyncadd.remote.s32 $0x1  }
0xbf: {  	_ =	sfence.sel $0xFFFF  }
0xc0: {  	[dreg:$0x0] =	wrdreg $0xFFFFFFFF;
	(pc) =	sbr.abs _section_cstart, $3  }
0xc1: {  	[dreg:$0x1] =	wrdreg $0xFFFFFFFF  }
0xc2: {  	_ =	task.clear_ibuf [dreg:s7], $0x2FFFF;
	_ =	strace $0x9FFFFFFF  }
0xc3: {  	(tm) =	ssettm $0x7FFFFFFF  }
tec
execute0_lowered:
.L_overlay_start_1:
0x0: {  	(tag) =	ssettag $0x1  }
0x1: {  	s1 =	rddreg [dreg:$0x0]  }
0x2: {  	s0 =	srdreg.scid;
	s2 =	rddreg [dreg:$0x1]  }
0x3: {  	s10 =	stileid.u32;
	s3 =	rddreg [dreg:$0x2]  }
0x4: {  	s14 =	simm.s32 $0x80;
	s15 =	simm.s32 $0x5000;
	s18 =	simm.s32 $0x7000  }
0x5: {  	s22 =	simm.s32 $0x9000;
	s29 =	simm.s32 $0xC000;
	s30 =	simm.s32 $0x1  }
0x6: {  	s31 =	simm.s32 $0x0;
	s0 =	sand.u32 $0x1, s0;
	s6 =	smul.u32 $0x9E0, s10  }
0x7: {  	s4 =	sshll.u32 s10, $0x1;
	s9 =	smul.u32 $0x13C00, s10;
	s28 =	sshll.u32 s10, $0x6  }
0x8: {  	s10 =	simm.s32 $0x2;
	s5 =	sor.u32 s0, s4;
	s4 =	simm.s32 $0x0  }
0x9: {  	s7 =	smul.u32 $0x9E00, s0;
	s0 =	ssub.s32 $0x2, s0;
	s12 =	sor.u32 $0x1C02, s28  }
0xa: {  	s5 =	smul.u32 $0x500, s5;
	[smem:$0x7FF] =	sst s4;
	s26 =	sshrl.u32 s0, $0x1  }
.Ltmp0:
0xb: {  	s9 =	sshrl.u32 s9, $0x2;
	_ =	strace $0x80000050;
	(pc) =	sbr.rel .LBB2_1-.Ltmp0, $4  }
0xc: {  	s6 =	sadd.s32 s6, s7;
	s0 =	ssub.s32 s0, s26;
	s11 =	sadd.s32 s9, s3  }
0xd: {  	s26 =	simm.s32 $0xB000;
	s8 =	sadd.s32 s5, s2;
	s5 =	sadd.s32 $0x17400, s2  }
0xe: {  	s2 =	sadd.s32 s6, s2;
	s9 =	smax.u32 s0, $0x1;
	s13 =	sshrl.u32 s11, $0x3  }
0xf: {  	s6 =	sadd.s32 $0xD400, s8;
	s7 =	sadd.s32 $0x3400, s8;
	s8 =	sadd.s32 $0x17E00, s2  }
.LBB2_4:
0x10: {  	_ =	swait.ge [sflag:s30], $0x1000  }
0x11: {  	[sflag:s30] =	ssyncset.done $0x0  }
0x12: {  	[sflag:s30] =	ssyncadd.s32 $0xFFFFF000  }
0x13: {  	[spmem:s3] =	stream.indirect.scatter.add.f32 [tilespmem:s29], [sflag:$0x2], $0x20, s11, s14, $0xb8;
	[tilespmem:$0x11F00] =	vst v63  }
0x14: {  	_ =	swait.ge [sflag:s10], $0x1000  }
0x15: {  	s31 =	sadd.s32 $0x1, s31;
	[sflag:s10] =	ssyncset.done $0x0  }
0x16: {  	p0 =	sne.s32 s31, s9;
	[sflag:s10] =	ssyncadd.s32 $0xFFFFF000  }
.Ltmp1:
0x17: {  	[bflag:$0x0] =	sbarrier.arrive $0xFFFF;
	(pc) =	sbr.rel @!p0 .LBB2_5-.Ltmp1, $4  }
0x18: {  	[hbm:s8], [sflag:s12] =	dma.local [spmem:s13], $0x9E0  }
0x19: {  	_ =	swait.ge [sflag:s10], $0x9E0  }
0x1a: {  	[sflag:s10] =	ssyncset.done $0x0  }
0x1b: {  	[sflag:s10] =	ssyncadd.s32 $0xFFFFF620  }
.LBB2_1:
0x1c: {  	[tilespmem:s4], [sflag:$0x2] =	stream.linear.gather [hbm4b:s6+s4], $0x2800, $0x38;
	[tilespmem:$0x11F00] =	vst v63  }
0x1d: {  	_ =	swait.ge [sflag:s10], $0x2800  }
0x1e: {  	[sflag:s10] =	ssyncset.done $0x0  }
0x1f: {  	s0 =	simm.s32 $0x2800;
	[sflag:s10] =	ssyncadd.s32 $0xFFFFD800  }
0x20: {  	[tilespmem:s0], [sflag:$0x2] =	stream.linear.gather [hbm4b:s7+s4], $0x2800, $0x38;
	[tilespmem:$0x11F00] =	vst v63  }
0x21: {  	_ =	swait.ge [sflag:s10], $0x2800  }
0x22: {  	[sflag:s10] =	ssyncset.done $0x0  }
0x23: {  	[sflag:s10] =	ssyncadd.s32 $0xFFFFD800  }
0x24: {  	[spmem:s13], [sflag:s12] =	dma.local [hbm:s5], $0x9E0  }
0x25: {  	_ =	swait.ge [sflag:s10], $0x9E0  }
0x26: {  	[sflag:s10] =	ssyncset.done $0x0  }
0x27: {  	[sflag:s10] =	ssyncadd.s32 $0xFFFFF620  }
0x28: {  	[bflag:$0x0] =	sbarrier.arrive $0xFFFF  }
0x29: {  	[tilespmem:s15], [sflag:$0x1] =	stream.indirect.gather [hbm4b:s1+s14], $0x20, s4, s14, $0xb8;
	[tilespmem:$0x11F00] =	vst v63  }
0x2a: {  	s17 =	simm.s32 $0x6000  }
0x2b: {  	[tilespmem:s17], [sflag:$0x1] =	stream.indirect.gather [hbm4b:s1+s14], $0x20, s14, s14, $0xb8;
	[tilespmem:$0x11F00] =	vst v63  }
0x2c: {  	s19 =	simm.s32 $0x100  }
0x2d: {  	[tilespmem:s18], [sflag:$0x1] =	stream.indirect.gather [hbm4b:s1+s14], $0x20, s19, s14, $0xb8;
	[tilespmem:$0x11F00] =	vst v63  }
0x2e: {  	s20 =	simm.s32 $0x180;
	s2 =	simm.s32 $0x8000  }
0x2f: {  	[tilespmem:s2], [sflag:$0x1] =	stream.indirect.gather [hbm4b:s1+s14], $0x20, s20, s14, $0xb8;
	[tilespmem:$0x11F00] =	vst v63  }
0x30: {  	s21 =	simm.s32 $0x200  }
0x31: {  	[tilespmem:s22], [sflag:$0x1] =	stream.indirect.gather [hbm4b:s1+s14], $0x20, s21, s14, $0xb8;
	[tilespmem:$0x11F00] =	vst v63  }
0x32: {  	s23 =	simm.s32 $0x280;
	s24 =	simm.s32 $0xA000  }
0x33: {  	[tilespmem:s24], [sflag:$0x1] =	stream.indirect.gather [hbm4b:s1+s14], $0x20, s23, s14, $0xb8;
	[tilespmem:$0x11F00] =	vst v63  }
0x34: {  	s25 =	simm.s32 $0x300  }
0x35: {  	[tilespmem:s26], [sflag:$0x1] =	stream.indirect.gather [hbm4b:s1+s14], $0x20, s25, s14, $0xb8;
	[tilespmem:$0x11F00] =	vst v63  }
0x36: {  	s28 =	simm.s32 $0x380;
	s2 =	simm.s32 $0x0  }
0x37: {  	[tilespmem:s29], [sflag:$0x1] =	stream.indirect.gather [hbm4b:s1+s14], $0x20, s28, s14, $0xb8;
	[tilespmem:$0x11F00] =	vst v63  }
.LBB2_2:
0x38: {  	_ =	swait.ge [sflag:s30], $0x1000  }
0x39: {  	s0 =	sshra.s32 s2, $0x2;
	[sflag:s30] =	ssyncset.done $0x0  }
0x3a: {  	s11 =	sadd.s32 $0x2800, s0;
	[sflag:s30] =	ssyncadd.s32 $0xFFFFF000  }
0x3b: {  	[spmem:s3] =	stream.indirect.scatter.add.f32 [tilespmem:s15], [sflag:$0x2], $0x20, s11, s14, $0xb8;
	[tilespmem:$0x11F00] =	vst v63  }
0x3c: {  	_ =	swait.ge [sflag:s10], $0x1000  }
0x3d: {  	p0 =	seq.s32 s2, $0x9000;
	[sflag:s10] =	ssyncset.done $0x0  }
0x3e: {  	s17 =	simm.s32 @p0 $0x1;
	[sflag:s10] =	ssyncadd.s32 $0xFFFFF000  }
0x3f: {  	s19 =	sshra.s32 @p0 s2, $0x2;
	_ =	swait.ge @p0 [sflag:s17], $0x1000  }
0x40: {  	s20 =	simm.s32 @p0 $0x80;
	s16 =	simm.s32 @p0 $0x6000;
	[sflag:s17] =	ssyncset.done @p0 $0x0  }
0x41: {  	s21 =	simm.s32 @p0 $0x2;
	s11 =	sadd.s32 @p0 $0x2880, s19;
	[sflag:s17] =	ssyncadd.s32 @p0 $0xFFFFF000  }
0x42: {  	[spmem:s3] =	stream.indirect.scatter.add.f32 @p0 [tilespmem:s16], [sflag:$0x2], $0x20, s11, s20, $0xb8;
	[tilespmem:$0x11F00] =	vst v63  }
0x43: {  	_ =	swait.ge @p0 [sflag:s21], $0x1000  }
0x44: {  	s24 =	simm.s32 @!p0 $0x5000;
	s11 =	sshra.s32 @!p0 s2, $0x2;
	[sflag:s21] =	ssyncset.done @p0 $0x0  }
0x45: {  	s16 =	simm.s32 @!p0 $0x80;
	s23 =	sadd.s32 @!p0 $0x400, s11;
	[sflag:s21] =	ssyncadd.s32 @p0 $0xFFFFF000  }
0x46: {  	[tilespmem:s24], [sflag:$0x1] =	stream.indirect.gather @!p0 [hbm4b:s1+s16], $0x20, s23, s16, $0xb8;
	[tilespmem:$0x11F00] =	vst v63  }
0x47: {  	s23 =	simm.s32 @!p0 $0x1  }
0x48: {  	_ =	swait.ge @!p0 [sflag:s23], $0x1000  }
0x49: {  	[sflag:s23] =	ssyncset.done @!p0 $0x0  }
0x4a: {  	s25 =	simm.s32 @!p0 $0x6000;
	s24 =	sadd.s32 @!p0 $0x2880, s11;
	[sflag:s23] =	ssyncadd.s32 @!p0 $0xFFFFF000  }
0x4b: {  	[spmem:s3] =	stream.indirect.scatter.add.f32 @!p0 [tilespmem:s25], [sflag:$0x2], $0x20, s24, s16, $0xb8;
	[tilespmem:$0x11F00] =	vst v63  }
0x4c: {  	s24 =	simm.s32 @!p0 $0x2  }
0x4d: {  	_ =	swait.ge @!p0 [sflag:s24], $0x1000  }
0x4e: {  	[sflag:s24] =	ssyncset.done @!p0 $0x0  }
0x4f: {  	s28 =	sadd.s32 @!p0 $0x480, s11;
	[sflag:s24] =	ssyncadd.s32 @!p0 $0xFFFFF000  }
0x50: {  	[tilespmem:s25], [sflag:$0x1] =	stream.indirect.gather @!p0 [hbm4b:s1+s16], $0x20, s28, s16, $0xb8;
	[tilespmem:$0x11F00] =	vst v63  }
0x51: {  	_ =	swait.ge [sflag:s30], $0x1000  }
0x52: {  	[sflag:s30] =	ssyncset.done $0x0  }
0x53: {  	s28 =	sadd.s32 $0x2900, s0;
	[sflag:s30] =	ssyncadd.s32 $0xFFFFF000  }
0x54: {  	[spmem:s3] =	stream.indirect.scatter.add.f32 [tilespmem:s18], [sflag:$0x2], $0x20, s28, s14, $0xb8;
	[tilespmem:$0x11F00] =	vst v63  }
0x55: {  	_ =	swait.ge [sflag:s10], $0x1000  }
0x56: {  	[sflag:s10] =	ssyncset.done $0x0  }
0x57: {  	[sflag:s10] =	ssyncadd.s32 $0xFFFFF000  }
0x58: {  	_ =	swait.ge @p0 [sflag:s17], $0x1000  }
0x59: {  	[sflag:s17] =	ssyncset.done @p0 $0x0  }
0x5a: {  	s25 =	sadd.s32 @p0 $0x2980, s19;
	s28 =	simm.s32 @p0 $0x8000;
	[sflag:s17] =	ssyncadd.s32 @p0 $0xFFFFF000  }
0x5b: {  	[spmem:s3] =	stream.indirect.scatter.add.f32 @p0 [tilespmem:s28], [sflag:$0x2], $0x20, s25, s20, $0xb8;
	[tilespmem:$0x11F00] =	vst v63  }
0x5c: {  	_ =	swait.ge @p0 [sflag:s21], $0x1000  }
0x5d: {  	[sflag:s21] =	ssyncset.done @p0 $0x0  }
0x5e: {  	s25 =	sadd.s32 @!p0 $0x500, s11;
	s28 =	simm.s32 @!p0 $0x7000;
	[sflag:s21] =	ssyncadd.s32 @p0 $0xFFFFF000  }
0x5f: {  	[tilespmem:s28], [sflag:$0x1] =	stream.indirect.gather @!p0 [hbm4b:s1+s16], $0x20, s25, s16, $0xb8;
	[tilespmem:$0x11F00] =	vst v63  }
0x60: {  	_ =	swait.ge @!p0 [sflag:s23], $0x1000  }
0x61: {  	[sflag:s23] =	ssyncset.done @!p0 $0x0  }
0x62: {  	s25 =	sadd.s32 @!p0 $0x2980, s11;
	s28 =	simm.s32 @!p0 $0x8000;
	[sflag:s23] =	ssyncadd.s32 @!p0 $0xFFFFF000  }
0x63: {  	[spmem:s3] =	stream.indirect.scatter.add.f32 @!p0 [tilespmem:s28], [sflag:$0x2], $0x20, s25, s16, $0xb8;
	[tilespmem:$0x11F00] =	vst v63  }
0x64: {  	_ =	swait.ge @!p0 [sflag:s24], $0x1000  }
0x65: {  	[sflag:s24] =	ssyncset.done @!p0 $0x0  }
0x66: {  	s25 =	sadd.s32 @!p0 $0x580, s11;
	[sflag:s24] =	ssyncadd.s32 @!p0 $0xFFFFF000  }
0x67: {  	[tilespmem:s28], [sflag:$0x1] =	stream.indirect.gather @!p0 [hbm4b:s1+s16], $0x20, s25, s16, $0xb8;
	[tilespmem:$0x11F00] =	vst v63  }
0x68: {  	_ =	swait.ge [sflag:s30], $0x1000  }
0x69: {  	[sflag:s30] =	ssyncset.done $0x0  }
0x6a: {  	s28 =	sadd.s32 $0x2A00, s0;
	[sflag:s30] =	ssyncadd.s32 $0xFFFFF000  }
0x6b: {  	[spmem:s3] =	stream.indirect.scatter.add.f32 [tilespmem:s22], [sflag:$0x2], $0x20, s28, s14, $0xb8;
	[tilespmem:$0x11F00] =	vst v63  }
0x6c: {  	_ =	swait.ge [sflag:s10], $0x1000  }
0x6d: {  	[sflag:s10] =	ssyncset.done $0x0  }
0x6e: {  	[sflag:s10] =	ssyncadd.s32 $0xFFFFF000  }
0x6f: {  	_ =	swait.ge @p0 [sflag:s17], $0x1000  }
0x70: {  	[sflag:s17] =	ssyncset.done @p0 $0x0  }
0x71: {  	[sflag:s17] =	ssyncadd.s32 @p0 $0xFFFFF000;
	s17 =	sadd.s32 @p0 $0x2A80, s19;
	s19 =	simm.s32 @p0 $0xA000  }
0x72: {  	[spmem:s3] =	stream.indirect.scatter.add.f32 @p0 [tilespmem:s19], [sflag:$0x2], $0x20, s17, s20, $0xb8;
	[tilespmem:$0x11F00] =	vst v63  }
0x73: {  	_ =	swait.ge @p0 [sflag:s21], $0x1000  }
0x74: {  	[sflag:s21] =	ssyncset.done @p0 $0x0  }
0x75: {  	s17 =	sadd.s32 @!p0 $0x600, s11;
	s19 =	simm.s32 @!p0 $0x9000;
	[sflag:s21] =	ssyncadd.s32 @p0 $0xFFFFF000  }
0x76: {  	[tilespmem:s19], [sflag:$0x1] =	stream.indirect.gather @!p0 [hbm4b:s1+s16], $0x20, s17, s16, $0xb8;
	[tilespmem:$0x11F00] =	vst v63  }
0x77: {  	_ =	swait.ge @!p0 [sflag:s23], $0x1000  }
0x78: {  	[sflag:s23] =	ssyncset.done @!p0 $0x0  }
0x79: {  	s17 =	sadd.s32 @!p0 $0x2A80, s11;
	s19 =	simm.s32 @!p0 $0xA000;
	[sflag:s23] =	ssyncadd.s32 @!p0 $0xFFFFF000  }
0x7a: {  	[spmem:s3] =	stream.indirect.scatter.add.f32 @!p0 [tilespmem:s19], [sflag:$0x2], $0x20, s17, s16, $0xb8;
	[tilespmem:$0x11F00] =	vst v63  }
0x7b: {  	_ =	swait.ge @!p0 [sflag:s24], $0x1000  }
0x7c: {  	[sflag:s24] =	ssyncset.done @!p0 $0x0  }
0x7d: {  	s11 =	sadd.s32 @!p0 $0x680, s11;
	[sflag:s24] =	ssyncadd.s32 @!p0 $0xFFFFF000  }
0x7e: {  	[tilespmem:s19], [sflag:$0x1] =	stream.indirect.gather @!p0 [hbm4b:s1+s16], $0x20, s11, s16, $0xb8;
	[tilespmem:$0x11F00] =	vst v63  }
0x7f: {  	_ =	swait.ge [sflag:s30], $0x1000  }
0x80: {  	[sflag:s30] =	ssyncset.done $0x0  }
.Ltmp2:
0x81: {  	s28 =	sadd.s32 $0x2B00, s0;
	[sflag:s30] =	ssyncadd.s32 $0xFFFFF000;
	(pc) =	sbr.rel @p0 .LBB2_4-.Ltmp2, $4  }
0x82: {  	[spmem:s3] =	stream.indirect.scatter.add.f32 [tilespmem:s26], [sflag:$0x2], $0x20, s28, s14, $0xb8;
	[tilespmem:$0x11F00] =	vst v63  }
0x83: {  	_ =	swait.ge [sflag:s10], $0x1000  }
0x84: {  	[sflag:s10] =	ssyncset.done $0x0  }
0x85: {  	s11 =	sadd.s32 $0x2B80, s0;
	[sflag:s10] =	ssyncadd.s32 $0xFFFFF000  }
0x86: {  	s16 =	sadd.s32 $0x700, s0  }
0x87: {  	[tilespmem:s26], [sflag:$0x1] =	stream.indirect.gather [hbm4b:s1+s14], $0x20, s16, s14, $0xb8;
	[tilespmem:$0x11F00] =	vst v63  }
0x88: {  	_ =	swait.ge [sflag:s30], $0x1000  }
0x89: {  	[sflag:s30] =	ssyncset.done $0x0  }
0x8a: {  	[sflag:s30] =	ssyncadd.s32 $0xFFFFF000  }
0x8b: {  	[spmem:s3] =	stream.indirect.scatter.add.f32 [tilespmem:s29], [sflag:$0x2], $0x20, s11, s14, $0xb8;
	[tilespmem:$0x11F00] =	vst v63  }
.Ltmp3:
0x8c: {  	_ = 	snop;
	(pc) =	sbr.rel .LBB2_2-.Ltmp3, $4  }
0x8d: {  	_ =	swait.ge [sflag:s10], $0x1000  }
0x8e: {  	[sflag:s10] =	ssyncset.done $0x0  }
0x8f: {  	s28 =	sadd.s32 $0x780, s0;
	s2 =	sadd.s32 $0x1000, s2;
	[sflag:s10] =	ssyncadd.s32 $0xFFFFF000  }
0x90: {  	[tilespmem:s29], [sflag:$0x1] =	stream.indirect.gather [hbm4b:s1+s14], $0x20, s28, s14, $0xb8;
	[tilespmem:$0x11F00] =	vst v63  }
.LBB2_5:
0x91: {  	_ =	sfence.sel $0x180000  }
0x92: {  	[bflag:$0x0] =	sbarrier.arrive $0xFFFF  }
0x93: {  	_ =	strace $0x90000050  }
0x94: {  	s0 =	stileid.u32;
	[bflag:$0x2] =	sbarrier.arrive $0xFFFF  }
0x95: {  	p0 =	sne.s32 s0, $0x0;
	s0 =	rddreg [dreg:$0x3]  }
0x96: {  	s0 =	sadd.s32 @!p0 $0x100000, s0  }
0x97: {  	[sflag:s0] =	ssyncadd.tile.s32 @!p0 $0x1;
	_ =	shalt  }
.Lfunc_end2:
_tile_overlayer_lowered:
.L_overlay_start_2:
0x98: {  	(tag) =	ssettag $0x2  }
0x99: {  	s0 =	rddreg [dreg:$0x0];
	s2 =	stileid.u32  }
0x9a: {  	s1 =	rddreg [dreg:$0x1];
	p0 =	sne.s32 s2, $0x0  }
0x9b: {  	s3 =	rddreg [dreg:$0x2];
	[bflag:$0x3] =	sbarrier.arrive $0xFFFF;
	s2 =	simm.s32 @!p0 $0x1C02  }
0x9c: {  	[timem:s3], [sflag:s2] =	dma.local @!p0 [hbm:s0], s1  }
0x9d: {  	s0 =	simm.s32 @!p0 $0x2  }
0x9e: {  	_ =	swait.ge @!p0 [sflag:s0], s1  }
0x9f: {  	s1 =	ssub.s32 @!p0 $0x0, s1;
	[sflag:s0] =	ssyncset.done @!p0 $0x0  }
0xa0: {  	[sflag:s0] =	ssyncadd.s32 @!p0 s1  }
0xa1: {  	[bflag:$0x3] =	sbarrier.arrive $0xFFFF  }
0xa2: {  	_ =	shalt  }

</sc_bundles>
